<compile_context>
chip_gen: v7x
topology: tpu7x:2x2x1
jax: 0.10.2.dev20260603
libtpu: 0.0.44.dev20260713+nightly
codegen_flags: <defaults>
</compile_context>

<pallas_src>
import functools

import jax
import jax.numpy as jnp
from jax import lax
from jax.experimental import pallas as pl
from jax.experimental.pallas import tpu as pltpu
from jax.experimental.pallas import tpu_sc as plsc

_NW = 32
_CHUNK = 128
_D = 32
_G = 8
_H = 50
_B = 16384


@functools.partial(jax.jit, static_argnums=(4,))
def _run(idx1, idx2, w1, w2, n_chunks_per_w):
    mesh = plsc.VectorSubcoreMesh(core_axis_name="c", subcore_axis_name="s")

    @functools.partial(
        pl.kernel,
        mesh=mesh,
        out_type=jax.ShapeDtypeStruct((_H, _D // 8, _B // 128, 8, 128), jnp.float32),
        compiler_params=pltpu.CompilerParams(use_tc_tiling_on_sc=False, needs_layout_passes=False),
        scratch_types=[
            pltpu.VMEM((n_chunks_per_w, _CHUNK), jnp.int32),
            pltpu.VMEM((n_chunks_per_w, _CHUNK), jnp.int32),
            pltpu.VMEM((_G, _CHUNK, _D), jnp.float32),
            pltpu.VMEM((_G, _D // 8, 8, _CHUNK), jnp.float32),
            pltpu.SemaphoreType.DMA((_G,)),
        ],
    )
    def k(idx1_hbm, idx2_hbm, w1_hbm, w2_hbm, out_hbm,
          i1_v, i2_v, buf, tbuf, sems):
        cid = lax.axis_index("c")
        sid = lax.axis_index("s")
        wid = sid * 2 + cid
        base = wid * n_chunks_per_w
        pltpu.sync_copy(idx1_hbm.at[wid], i1_v)
        pltpu.sync_copy(idx2_hbm.at[wid], i2_v)

        lanes = lax.iota(jnp.int32, 16)

        def transpose_chunk(j):
            def body(t, carry):
                td = t // 8
                dr = t - td * 8
                for brblk in range(_CHUNK // 16):
                    rows = lanes + (brblk * 16)
                    vals = plsc.load_gather(
                        buf.at[j], [rows, jnp.full((16,), 0, jnp.int32) + t])
                    tbuf[j, td, dr, pl.ds(brblk * 16, 16)] = vals
                return carry
            lax.fori_loop(0, _D, body, 0)

        def fire_stores(j, h, tb):
            for td in range(_D // 8):
                pltpu.async_copy(
                    tbuf.at[j, td], out_hbm.at[h, td, tb], sems.at[j])

        def wait_stores(j, h, tb):
            for td in range(_D // 8):
                pltpu.make_async_copy(
                    tbuf.at[j, td], out_hbm.at[h, td, tb], sems.at[j]).wait()

        for j in range(_G):
            pltpu.async_copy(w1_hbm.at[i1_v.at[j]], buf.at[j], sems.at[j])

        def group_body(g, carry):
            for j in range(_G):
                c = g * _G + j
                pltpu.make_async_copy(
                    w1_hbm.at[i1_v.at[c]], buf.at[j], sems.at[j]).wait()
                pltpu.async_copy(
                    w2_hbm.at[i2_v.at[c]], buf.at[j], sems.at[j], add=True)
            for j in range(_G):
                c = g * _G + j
                gc = base + c
                h = gc // (_B // _CHUNK)
                tb = gc - h * (_B // _CHUNK)
                pltpu.make_async_copy(
                    w2_hbm.at[i2_v.at[c]], buf.at[j], sems.at[j]).wait()
                transpose_chunk(j)
                fire_stores(j, h, tb)
            for j in range(_G):
                c = g * _G + j
                gc = base + c
                h = gc // (_B // _CHUNK)
                tb = gc - h * (_B // _CHUNK)
                wait_stores(j, h, tb)

                @pl.when(g + 1 < n_chunks_per_w // _G)
                def _():
                    c2 = (g + 1) * _G + j
                    pltpu.async_copy(
                        w1_hbm.at[i1_v.at[c2]], buf.at[j], sems.at[j])
            return carry

        lax.fori_loop(0, n_chunks_per_w // _G, group_body, 0)

    return k(idx1, idx2, w1, w2)


def kernel(input, another_input, W1, W2):
    B, H = input.shape
    total = B * H
    n_chunks_per_w = total // (_NW * _CHUNK)
    idx1 = input.T.reshape(_NW, n_chunks_per_w, _CHUNK).astype(jnp.int32)
    idx2 = another_input.T.reshape(_NW, n_chunks_per_w, _CHUNK).astype(jnp.int32)
    out_p = _run(idx1, idx2, W1, W2, n_chunks_per_w)
    return out_p.transpose(2, 4, 0, 1, 3).reshape(B, H, _D)

# --- scband reference (transcript-rebuilt; emitter-appended) ---
"""Pipeline reference for scband-text-module-32779190403156 (READ-ONLY COPY).

The authoritative reference and input builder live on the scoring server;
editing this copy changes nothing except your own understanding.
"""

import jax, jax.numpy as jnp
import numpy as np

NUM_EMBEDDINGS = 1000000
EMBEDDING_DIM = 32
BATCH = 16384
HIST = 50

def setup_inputs(seed: int = 0) -> dict:
    key = jax.random.key(seed)
    k1, k2, k3, k4 = jax.random.split(key, 4)
    inp = jax.random.randint(k1, (BATCH, HIST), 0, NUM_EMBEDDINGS, dtype=jnp.int64 if jax.config.jax_enable_x64 else jnp.int32)
    another = jax.random.randint(k2, (BATCH, HIST), 0, NUM_EMBEDDINGS, dtype=jnp.int64 if jax.config.jax_enable_x64 else jnp.int32)
    W1 = jax.random.normal(k3, (NUM_EMBEDDINGS, EMBEDDING_DIM), dtype=jnp.float32)
    W2 = jax.random.normal(k4, (NUM_EMBEDDINGS, EMBEDDING_DIM), dtype=jnp.float32)
    return {"input": inp, "another_input": another, "W1": W1, "W2": W2}

def reference(input, another_input, W1, W2):
    # embedding = self.inner_embedding(input)
    embedding = jnp.take(W1, input, axis=0)
    # second_embedding=True and another_input is not None
    another_embedding = jnp.take(W2, another_input, axis=0)
    return embedding + another_embedding

if __name__ == "__main__":
    import jax
    _d = setup_inputs()
    print(jax.jit(kernel)(*tuple(_d.values())))

</pallas_src>

<mosaic_0001>
#map = affine_map<(d0, d1) -> (0, 0, 0)>
#map1 = affine_map<(d0, d1) -> (0, 0)>
#map2 = affine_map<(d0, d1) -> (0, 0, 0, 0, 0)>
module attributes {stable_mosaic.version = 14 : i64} {
  func.func @k(%arg0: i32, %arg1: i32, %arg2: memref<32x200x128xi32, #tpu.memory_space<hbm>>, %arg3: memref<32x200x128xi32, #tpu.memory_space<hbm>>, %arg4: memref<1000000x32xf32, #tpu.memory_space<hbm>>, %arg5: memref<1000000x32xf32, #tpu.memory_space<hbm>>, %arg6: memref<50x4x128x8x128xf32, #tpu.memory_space<hbm>>, %arg7: memref<200x128xi32, #tpu.memory_space<vmem>>, %arg8: memref<200x128xi32, #tpu.memory_space<vmem>>, %arg9: memref<8x128x32xf32, #tpu.memory_space<vmem>>, %arg10: memref<8x4x8x128xf32, #tpu.memory_space<vmem>>, %arg11: memref<8x!tpu.dma_semaphore, #tpu.memory_space<semaphore_mem>>) attributes {dimension_semantics = [#tpu.dimension_semantics<core_parallel>, #tpu.dimension_semantics<subcore_parallel>], iteration_bounds = array<i64: 2, 16>, scalar_prefetch = 0 : i64, scratch_operands = 5 : i64, tpu.core_type = #tpu.core_type<sc_vector_subcore>, window_params = [{transform_indices = #map}, {transform_indices = #map}, {transform_indices = #map1}, {transform_indices = #map1}, {transform_indices = #map2}]} {
    %mul3A = arith.constant 2 : i32
    %mul3A_0 = arith.muli %arg1, %mul3A : i32
    %add3A = arith.addi %mul3A_0, %arg0 : i32
    %mul3A_1 = arith.constant 200 : i32
    %mul3A_2 = arith.muli %add3A, %mul3A_1 : i32
    "tpu.region"() ({
      %run_scoped3A = tpu.sem_alloc : memref<!tpu.dma_semaphore, #tpu.memory_space<semaphore_mem>>
      %dma_start3A_127 = arith.constant 0 : i32
      %dma_start3A_128 = arith.constant 0 : i32
      %dma_start3A_129 = tpu.memref_slice %arg2[%add3A, %dma_start3A_127, %dma_start3A_128] : memref<32x200x128xi32, #tpu.memory_space<hbm>> -> memref<1x200x128xi32, #tpu.memory_space<hbm>>
      %dma_start3A_130 = tpu.memref_squeeze %dma_start3A_129 : memref<1x200x128xi32, #tpu.memory_space<hbm>> -> memref<200x128xi32, #tpu.memory_space<hbm>>
      %dma_start3A_131 = arith.constant 0 : i32
      %dma_start3A_132 = arith.constant 0 : i32
      %dma_start3A_133 = tpu.memref_slice %arg2[%add3A, %dma_start3A_131, %dma_start3A_132] : memref<32x200x128xi32, #tpu.memory_space<hbm>> -> memref<1x200x128xi32, #tpu.memory_space<hbm>>
      %dma_start3A_134 = tpu.memref_squeeze %dma_start3A_133 : memref<1x200x128xi32, #tpu.memory_space<hbm>> -> memref<200x128xi32, #tpu.memory_space<hbm>>
      tpu.enqueue_dma source(%dma_start3A_134 : memref<200x128xi32, #tpu.memory_space<hbm>>) target(%arg7 : memref<200x128xi32, #tpu.memory_space<vmem>>) target_semaphore(%run_scoped3A : memref<!tpu.dma_semaphore, #tpu.memory_space<semaphore_mem>>)
      %dma_wait3A = arith.constant 0 : i32
      %dma_wait3A_135 = arith.constant 0 : i32
      %dma_wait3A_136 = tpu.memref_slice %arg2[%add3A, %dma_wait3A, %dma_wait3A_135] : memref<32x200x128xi32, #tpu.memory_space<hbm>> -> memref<1x200x128xi32, #tpu.memory_space<hbm>>
      %dma_wait3A_137 = tpu.memref_squeeze %dma_wait3A_136 : memref<1x200x128xi32, #tpu.memory_space<hbm>> -> memref<200x128xi32, #tpu.memory_space<hbm>>
      %dma_wait3A_138 = arith.constant 0 : i32
      %dma_wait3A_139 = arith.constant 0 : i32
      %dma_wait3A_140 = tpu.memref_slice %arg2[%add3A, %dma_wait3A_138, %dma_wait3A_139] : memref<32x200x128xi32, #tpu.memory_space<hbm>> -> memref<1x200x128xi32, #tpu.memory_space<hbm>>
      %dma_wait3A_141 = tpu.memref_squeeze %dma_wait3A_140 : memref<1x200x128xi32, #tpu.memory_space<hbm>> -> memref<200x128xi32, #tpu.memory_space<hbm>>
      tpu.wait_dma2 semaphore(%run_scoped3A : memref<!tpu.dma_semaphore, #tpu.memory_space<semaphore_mem>>) src(%dma_wait3A_141 : memref<200x128xi32, #tpu.memory_space<hbm>>) dst(%arg7 : memref<200x128xi32, #tpu.memory_space<vmem>>)
      tpu.yield
    }) : () -> ()
    "tpu.region"() ({
      %run_scoped3A = tpu.sem_alloc : memref<!tpu.dma_semaphore, #tpu.memory_space<semaphore_mem>>
      %dma_start3A_127 = arith.constant 0 : i32
      %dma_start3A_128 = arith.constant 0 : i32
      %dma_start3A_129 = tpu.memref_slice %arg3[%add3A, %dma_start3A_127, %dma_start3A_128] : memref<32x200x128xi32, #tpu.memory_space<hbm>> -> memref<1x200x128xi32, #tpu.memory_space<hbm>>
      %dma_start3A_130 = tpu.memref_squeeze %dma_start3A_129 : memref<1x200x128xi32, #tpu.memory_space<hbm>> -> memref<200x128xi32, #tpu.memory_space<hbm>>
      %dma_start3A_131 = arith.constant 0 : i32
      %dma_start3A_132 = arith.constant 0 : i32
      %dma_start3A_133 = tpu.memref_slice %arg3[%add3A, %dma_start3A_131, %dma_start3A_132] : memref<32x200x128xi32, #tpu.memory_space<hbm>> -> memref<1x200x128xi32, #tpu.memory_space<hbm>>
      %dma_start3A_134 = tpu.memref_squeeze %dma_start3A_133 : memref<1x200x128xi32, #tpu.memory_space<hbm>> -> memref<200x128xi32, #tpu.memory_space<hbm>>
      tpu.enqueue_dma source(%dma_start3A_134 : memref<200x128xi32, #tpu.memory_space<hbm>>) target(%arg8 : memref<200x128xi32, #tpu.memory_space<vmem>>) target_semaphore(%run_scoped3A : memref<!tpu.dma_semaphore, #tpu.memory_space<semaphore_mem>>)
      %dma_wait3A = arith.constant 0 : i32
      %dma_wait3A_135 = arith.constant 0 : i32
      %dma_wait3A_136 = tpu.memref_slice %arg3[%add3A, %dma_wait3A, %dma_wait3A_135] : memref<32x200x128xi32, #tpu.memory_space<hbm>> -> memref<1x200x128xi32, #tpu.memory_space<hbm>>
      %dma_wait3A_137 = tpu.memref_squeeze %dma_wait3A_136 : memref<1x200x128xi32, #tpu.memory_space<hbm>> -> memref<200x128xi32, #tpu.memory_space<hbm>>
      %dma_wait3A_138 = arith.constant 0 : i32
      %dma_wait3A_139 = arith.constant 0 : i32
      %dma_wait3A_140 = tpu.memref_slice %arg3[%add3A, %dma_wait3A_138, %dma_wait3A_139] : memref<32x200x128xi32, #tpu.memory_space<hbm>> -> memref<1x200x128xi32, #tpu.memory_space<hbm>>
      %dma_wait3A_141 = tpu.memref_squeeze %dma_wait3A_140 : memref<1x200x128xi32, #tpu.memory_space<hbm>> -> memref<200x128xi32, #tpu.memory_space<hbm>>
      tpu.wait_dma2 semaphore(%run_scoped3A : memref<!tpu.dma_semaphore, #tpu.memory_space<semaphore_mem>>) src(%dma_wait3A_141 : memref<200x128xi32, #tpu.memory_space<hbm>>) dst(%arg8 : memref<200x128xi32, #tpu.memory_space<vmem>>)
      tpu.yield
    }) : () -> ()
    %iota3A = tpu.iota {dimensions = array<i32: 0>} : vector<16xi32>
    %dma_start3A = arith.constant 0 : i32
    %dma_start3A_3 = arith.constant 0 : i32
    %dma_start3A_4 = arith.constant 0 : i32
    %dma_start3A_5 = arith.constant 0 : i32
    %dma_start3A_6 = arith.constant 0 : i32
    %dma_start3A_7 = tpu.memref_slice %arg9[%dma_start3A_3, %dma_start3A_5, %dma_start3A_6] : memref<8x128x32xf32, #tpu.memory_space<vmem>> -> memref<1x128x32xf32, #tpu.memory_space<vmem>>
    %dma_start3A_8 = tpu.memref_squeeze %dma_start3A_7 : memref<1x128x32xf32, #tpu.memory_space<vmem>> -> memref<128x32xf32, #tpu.memory_space<vmem>>
    %dma_start3A_9 = arith.constant 0 : i32
    %dma_start3A_10 = tpu.memref_slice %arg7[%dma_start3A, %dma_start3A_9] : memref<200x128xi32, #tpu.memory_space<vmem>> -> memref<1x128xi32, #tpu.memory_space<vmem>>
    %dma_start3A_11 = tpu.memref_squeeze %dma_start3A_10 : memref<1x128xi32, #tpu.memory_space<vmem>> -> memref<128xi32, #tpu.memory_space<vmem>>
    %dma_start3A_12 = arith.constant 0 : i32
    %dma_start3A_13 = arith.constant 0 : i32
    %dma_start3A_14 = tpu.memref_slice %arg4[%dma_start3A_12, %dma_start3A_13] : memref<1000000x32xf32, #tpu.memory_space<hbm>> -> memref<1000000x32xf32, #tpu.memory_space<hbm>>
    %dma_start3A_15 = tpu.memref_slice %arg11[%dma_start3A_4] : memref<8x!tpu.dma_semaphore, #tpu.memory_space<semaphore_mem>> -> memref<1x!tpu.dma_semaphore, #tpu.memory_space<semaphore_mem>>
    %dma_start3A_16 = tpu.memref_squeeze %dma_start3A_15 : memref<1x!tpu.dma_semaphore, #tpu.memory_space<semaphore_mem>> -> memref<!tpu.dma_semaphore, #tpu.memory_space<semaphore_mem>>
    tpu.enqueue_indirect_dma source(%dma_start3A_14 : memref<1000000x32xf32, #tpu.memory_space<hbm>>) target(%dma_start3A_8 : memref<128x32xf32, #tpu.memory_space<vmem>>) offsets(%dma_start3A_11 : memref<128xi32, #tpu.memory_space<vmem>>) semaphore(%dma_start3A_16 : memref<!tpu.dma_semaphore, #tpu.memory_space<semaphore_mem>>)
    %dma_start3A_17 = arith.constant 1 : i32
    %dma_start3A_18 = arith.constant 1 : i32
    %dma_start3A_19 = arith.constant 1 : i32
    %dma_start3A_20 = arith.constant 0 : i32
    %dma_start3A_21 = arith.constant 0 : i32
    %dma_start3A_22 = tpu.memref_slice %arg9[%dma_start3A_18, %dma_start3A_20, %dma_start3A_21] : memref<8x128x32xf32, #tpu.memory_space<vmem>> -> memref<1x128x32xf32, #tpu.memory_space<vmem>>
    %dma_start3A_23 = tpu.memref_squeeze %dma_start3A_22 : memref<1x128x32xf32, #tpu.memory_space<vmem>> -> memref<128x32xf32, #tpu.memory_space<vmem>>
    %dma_start3A_24 = arith.constant 0 : i32
    %dma_start3A_25 = tpu.memref_slice %arg7[%dma_start3A_17, %dma_start3A_24] : memref<200x128xi32, #tpu.memory_space<vmem>> -> memref<1x128xi32, #tpu.memory_space<vmem>>
    %dma_start3A_26 = tpu.memref_squeeze %dma_start3A_25 : memref<1x128xi32, #tpu.memory_space<vmem>> -> memref<128xi32, #tpu.memory_space<vmem>>
    %dma_start3A_27 = arith.constant 0 : i32
    %dma_start3A_28 = arith.constant 0 : i32
    %dma_start3A_29 = tpu.memref_slice %arg4[%dma_start3A_27, %dma_start3A_28] : memref<1000000x32xf32, #tpu.memory_space<hbm>> -> memref<1000000x32xf32, #tpu.memory_space<hbm>>
    %dma_start3A_30 = tpu.memref_slice %arg11[%dma_start3A_19] : memref<8x!tpu.dma_semaphore, #tpu.memory_space<semaphore_mem>> -> memref<1x!tpu.dma_semaphore, #tpu.memory_space<semaphore_mem>>
    %dma_start3A_31 = tpu.memref_squeeze %dma_start3A_30 : memref<1x!tpu.dma_semaphore, #tpu.memory_space<semaphore_mem>> -> memref<!tpu.dma_semaphore, #tpu.memory_space<semaphore_mem>>
    tpu.enqueue_indirect_dma source(%dma_start3A_29 : memref<1000000x32xf32, #tpu.memory_space<hbm>>) target(%dma_start3A_23 : memref<128x32xf32, #tpu.memory_space<vmem>>) offsets(%dma_start3A_26 : memref<128xi32, #tpu.memory_space<vmem>>) semaphore(%dma_start3A_31 : memref<!tpu.dma_semaphore, #tpu.memory_space<semaphore_mem>>)
    %dma_start3A_32 = arith.constant 2 : i32
    %dma_start3A_33 = arith.constant 2 : i32
    %dma_start3A_34 = arith.constant 2 : i32
    %dma_start3A_35 = arith.constant 0 : i32
    %dma_start3A_36 = arith.constant 0 : i32
    %dma_start3A_37 = tpu.memref_slice %arg9[%dma_start3A_33, %dma_start3A_35, %dma_start3A_36] : memref<8x128x32xf32, #tpu.memory_space<vmem>> -> memref<1x128x32xf32, #tpu.memory_space<vmem>>
    %dma_start3A_38 = tpu.memref_squeeze %dma_start3A_37 : memref<1x128x32xf32, #tpu.memory_space<vmem>> -> memref<128x32xf32, #tpu.memory_space<vmem>>
    %dma_start3A_39 = arith.constant 0 : i32
    %dma_start3A_40 = tpu.memref_slice %arg7[%dma_start3A_32, %dma_start3A_39] : memref<200x128xi32, #tpu.memory_space<vmem>> -> memref<1x128xi32, #tpu.memory_space<vmem>>
    %dma_start3A_41 = tpu.memref_squeeze %dma_start3A_40 : memref<1x128xi32, #tpu.memory_space<vmem>> -> memref<128xi32, #tpu.memory_space<vmem>>
    %dma_start3A_42 = arith.constant 0 : i32
    %dma_start3A_43 = arith.constant 0 : i32
    %dma_start3A_44 = tpu.memref_slice %arg4[%dma_start3A_42, %dma_start3A_43] : memref<1000000x32xf32, #tpu.memory_space<hbm>> -> memref<1000000x32xf32, #tpu.memory_space<hbm>>
    %dma_start3A_45 = tpu.memref_slice %arg11[%dma_start3A_34] : memref<8x!tpu.dma_semaphore, #tpu.memory_space<semaphore_mem>> -> memref<1x!tpu.dma_semaphore, #tpu.memory_space<semaphore_mem>>
    %dma_start3A_46 = tpu.memref_squeeze %dma_start3A_45 : memref<1x!tpu.dma_semaphore, #tpu.memory_space<semaphore_mem>> -> memref<!tpu.dma_semaphore, #tpu.memory_space<semaphore_mem>>
    tpu.enqueue_indirect_dma source(%dma_start3A_44 : memref<1000000x32xf32, #tpu.memory_space<hbm>>) target(%dma_start3A_38 : memref<128x32xf32, #tpu.memory_space<vmem>>) offsets(%dma_start3A_41 : memref<128xi32, #tpu.memory_space<vmem>>) semaphore(%dma_start3A_46 : memref<!tpu.dma_semaphore, #tpu.memory_space<semaphore_mem>>)
    %dma_start3A_47 = arith.constant 3 : i32
    %dma_start3A_48 = arith.constant 3 : i32
    %dma_start3A_49 = arith.constant 3 : i32
    %dma_start3A_50 = arith.constant 0 : i32
    %dma_start3A_51 = arith.constant 0 : i32
    %dma_start3A_52 = tpu.memref_slice %arg9[%dma_start3A_48, %dma_start3A_50, %dma_start3A_51] : memref<8x128x32xf32, #tpu.memory_space<vmem>> -> memref<1x128x32xf32, #tpu.memory_space<vmem>>
    %dma_start3A_53 = tpu.memref_squeeze %dma_start3A_52 : memref<1x128x32xf32, #tpu.memory_space<vmem>> -> memref<128x32xf32, #tpu.memory_space<vmem>>
    %dma_start3A_54 = arith.constant 0 : i32
    %dma_start3A_55 = tpu.memref_slice %arg7[%dma_start3A_47, %dma_start3A_54] : memref<200x128xi32, #tpu.memory_space<vmem>> -> memref<1x128xi32, #tpu.memory_space<vmem>>
    %dma_start3A_56 = tpu.memref_squeeze %dma_start3A_55 : memref<1x128xi32, #tpu.memory_space<vmem>> -> memref<128xi32, #tpu.memory_space<vmem>>
    %dma_start3A_57 = arith.constant 0 : i32
    %dma_start3A_58 = arith.constant 0 : i32
    %dma_start3A_59 = tpu.memref_slice %arg4[%dma_start3A_57, %dma_start3A_58] : memref<1000000x32xf32, #tpu.memory_space<hbm>> -> memref<1000000x32xf32, #tpu.memory_space<hbm>>
    %dma_start3A_60 = tpu.memref_slice %arg11[%dma_start3A_49] : memref<8x!tpu.dma_semaphore, #tpu.memory_space<semaphore_mem>> -> memref<1x!tpu.dma_semaphore, #tpu.memory_space<semaphore_mem>>
    %dma_start3A_61 = tpu.memref_squeeze %dma_start3A_60 : memref<1x!tpu.dma_semaphore, #tpu.memory_space<semaphore_mem>> -> memref<!tpu.dma_semaphore, #tpu.memory_space<semaphore_mem>>
    tpu.enqueue_indirect_dma source(%dma_start3A_59 : memref<1000000x32xf32, #tpu.memory_space<hbm>>) target(%dma_start3A_53 : memref<128x32xf32, #tpu.memory_space<vmem>>) offsets(%dma_start3A_56 : memref<128xi32, #tpu.memory_space<vmem>>) semaphore(%dma_start3A_61 : memref<!tpu.dma_semaphore, #tpu.memory_space<semaphore_mem>>)
    %dma_start3A_62 = arith.constant 4 : i32
    %dma_start3A_63 = arith.constant 4 : i32
    %dma_start3A_64 = arith.constant 4 : i32
    %dma_start3A_65 = arith.constant 0 : i32
    %dma_start3A_66 = arith.constant 0 : i32
    %dma_start3A_67 = tpu.memref_slice %arg9[%dma_start3A_63, %dma_start3A_65, %dma_start3A_66] : memref<8x128x32xf32, #tpu.memory_space<vmem>> -> memref<1x128x32xf32, #tpu.memory_space<vmem>>
    %dma_start3A_68 = tpu.memref_squeeze %dma_start3A_67 : memref<1x128x32xf32, #tpu.memory_space<vmem>> -> memref<128x32xf32, #tpu.memory_space<vmem>>
    %dma_start3A_69 = arith.constant 0 : i32
    %dma_start3A_70 = tpu.memref_slice %arg7[%dma_start3A_62, %dma_start3A_69] : memref<200x128xi32, #tpu.memory_space<vmem>> -> memref<1x128xi32, #tpu.memory_space<vmem>>
    %dma_start3A_71 = tpu.memref_squeeze %dma_start3A_70 : memref<1x128xi32, #tpu.memory_space<vmem>> -> memref<128xi32, #tpu.memory_space<vmem>>
    %dma_start3A_72 = arith.constant 0 : i32
    %dma_start3A_73 = arith.constant 0 : i32
    %dma_start3A_74 = tpu.memref_slice %arg4[%dma_start3A_72, %dma_start3A_73] : memref<1000000x32xf32, #tpu.memory_space<hbm>> -> memref<1000000x32xf32, #tpu.memory_space<hbm>>
    %dma_start3A_75 = tpu.memref_slice %arg11[%dma_start3A_64] : memref<8x!tpu.dma_semaphore, #tpu.memory_space<semaphore_mem>> -> memref<1x!tpu.dma_semaphore, #tpu.memory_space<semaphore_mem>>
    %dma_start3A_76 = tpu.memref_squeeze %dma_start3A_75 : memref<1x!tpu.dma_semaphore, #tpu.memory_space<semaphore_mem>> -> memref<!tpu.dma_semaphore, #tpu.memory_space<semaphore_mem>>
    tpu.enqueue_indirect_dma source(%dma_start3A_74 : memref<1000000x32xf32, #tpu.memory_space<hbm>>) target(%dma_start3A_68 : memref<128x32xf32, #tpu.memory_space<vmem>>) offsets(%dma_start3A_71 : memref<128xi32, #tpu.memory_space<vmem>>) semaphore(%dma_start3A_76 : memref<!tpu.dma_semaphore, #tpu.memory_space<semaphore_mem>>)
    %dma_start3A_77 = arith.constant 5 : i32
    %dma_start3A_78 = arith.constant 5 : i32
    %dma_start3A_79 = arith.constant 5 : i32
    %dma_start3A_80 = arith.constant 0 : i32
    %dma_start3A_81 = arith.constant 0 : i32
    %dma_start3A_82 = tpu.memref_slice %arg9[%dma_start3A_78, %dma_start3A_80, %dma_start3A_81] : memref<8x128x32xf32, #tpu.memory_space<vmem>> -> memref<1x128x32xf32, #tpu.memory_space<vmem>>
    %dma_start3A_83 = tpu.memref_squeeze %dma_start3A_82 : memref<1x128x32xf32, #tpu.memory_space<vmem>> -> memref<128x32xf32, #tpu.memory_space<vmem>>
    %dma_start3A_84 = arith.constant 0 : i32
    %dma_start3A_85 = tpu.memref_slice %arg7[%dma_start3A_77, %dma_start3A_84] : memref<200x128xi32, #tpu.memory_space<vmem>> -> memref<1x128xi32, #tpu.memory_space<vmem>>
    %dma_start3A_86 = tpu.memref_squeeze %dma_start3A_85 : memref<1x128xi32, #tpu.memory_space<vmem>> -> memref<128xi32, #tpu.memory_space<vmem>>
    %dma_start3A_87 = arith.constant 0 : i32
    %dma_start3A_88 = arith.constant 0 : i32
    %dma_start3A_89 = tpu.memref_slice %arg4[%dma_start3A_87, %dma_start3A_88] : memref<1000000x32xf32, #tpu.memory_space<hbm>> -> memref<1000000x32xf32, #tpu.memory_space<hbm>>
    %dma_start3A_90 = tpu.memref_slice %arg11[%dma_start3A_79] : memref<8x!tpu.dma_semaphore, #tpu.memory_space<semaphore_mem>> -> memref<1x!tpu.dma_semaphore, #tpu.memory_space<semaphore_mem>>
    %dma_start3A_91 = tpu.memref_squeeze %dma_start3A_90 : memref<1x!tpu.dma_semaphore, #tpu.memory_space<semaphore_mem>> -> memref<!tpu.dma_semaphore, #tpu.memory_space<semaphore_mem>>
    tpu.enqueue_indirect_dma source(%dma_start3A_89 : memref<1000000x32xf32, #tpu.memory_space<hbm>>) target(%dma_start3A_83 : memref<128x32xf32, #tpu.memory_space<vmem>>) offsets(%dma_start3A_86 : memref<128xi32, #tpu.memory_space<vmem>>) semaphore(%dma_start3A_91 : memref<!tpu.dma_semaphore, #tpu.memory_space<semaphore_mem>>)
    %dma_start3A_92 = arith.constant 6 : i32
    %dma_start3A_93 = arith.constant 6 : i32
    %dma_start3A_94 = arith.constant 6 : i32
    %dma_start3A_95 = arith.constant 0 : i32
    %dma_start3A_96 = arith.constant 0 : i32
    %dma_start3A_97 = tpu.memref_slice %arg9[%dma_start3A_93, %dma_start3A_95, %dma_start3A_96] : memref<8x128x32xf32, #tpu.memory_space<vmem>> -> memref<1x128x32xf32, #tpu.memory_space<vmem>>
    %dma_start3A_98 = tpu.memref_squeeze %dma_start3A_97 : memref<1x128x32xf32, #tpu.memory_space<vmem>> -> memref<128x32xf32, #tpu.memory_space<vmem>>
    %dma_start3A_99 = arith.constant 0 : i32
    %dma_start3A_100 = tpu.memref_slice %arg7[%dma_start3A_92, %dma_start3A_99] : memref<200x128xi32, #tpu.memory_space<vmem>> -> memref<1x128xi32, #tpu.memory_space<vmem>>
    %dma_start3A_101 = tpu.memref_squeeze %dma_start3A_100 : memref<1x128xi32, #tpu.memory_space<vmem>> -> memref<128xi32, #tpu.memory_space<vmem>>
    %dma_start3A_102 = arith.constant 0 : i32
    %dma_start3A_103 = arith.constant 0 : i32
    %dma_start3A_104 = tpu.memref_slice %arg4[%dma_start3A_102, %dma_start3A_103] : memref<1000000x32xf32, #tpu.memory_space<hbm>> -> memref<1000000x32xf32, #tpu.memory_space<hbm>>
    %dma_start3A_105 = tpu.memref_slice %arg11[%dma_start3A_94] : memref<8x!tpu.dma_semaphore, #tpu.memory_space<semaphore_mem>> -> memref<1x!tpu.dma_semaphore, #tpu.memory_space<semaphore_mem>>
    %dma_start3A_106 = tpu.memref_squeeze %dma_start3A_105 : memref<1x!tpu.dma_semaphore, #tpu.memory_space<semaphore_mem>> -> memref<!tpu.dma_semaphore, #tpu.memory_space<semaphore_mem>>
    tpu.enqueue_indirect_dma source(%dma_start3A_104 : memref<1000000x32xf32, #tpu.memory_space<hbm>>) target(%dma_start3A_98 : memref<128x32xf32, #tpu.memory_space<vmem>>) offsets(%dma_start3A_101 : memref<128xi32, #tpu.memory_space<vmem>>) semaphore(%dma_start3A_106 : memref<!tpu.dma_semaphore, #tpu.memory_space<semaphore_mem>>)
    %dma_start3A_107 = arith.constant 7 : i32
    %dma_start3A_108 = arith.constant 7 : i32
    %dma_start3A_109 = arith.constant 7 : i32
    %dma_start3A_110 = arith.constant 0 : i32
    %dma_start3A_111 = arith.constant 0 : i32
    %dma_start3A_112 = tpu.memref_slice %arg9[%dma_start3A_108, %dma_start3A_110, %dma_start3A_111] : memref<8x128x32xf32, #tpu.memory_space<vmem>> -> memref<1x128x32xf32, #tpu.memory_space<vmem>>
    %dma_start3A_113 = tpu.memref_squeeze %dma_start3A_112 : memref<1x128x32xf32, #tpu.memory_space<vmem>> -> memref<128x32xf32, #tpu.memory_space<vmem>>
    %dma_start3A_114 = arith.constant 0 : i32
    %dma_start3A_115 = tpu.memref_slice %arg7[%dma_start3A_107, %dma_start3A_114] : memref<200x128xi32, #tpu.memory_space<vmem>> -> memref<1x128xi32, #tpu.memory_space<vmem>>
    %dma_start3A_116 = tpu.memref_squeeze %dma_start3A_115 : memref<1x128xi32, #tpu.memory_space<vmem>> -> memref<128xi32, #tpu.memory_space<vmem>>
    %dma_start3A_117 = arith.constant 0 : i32
    %dma_start3A_118 = arith.constant 0 : i32
    %dma_start3A_119 = tpu.memref_slice %arg4[%dma_start3A_117, %dma_start3A_118] : memref<1000000x32xf32, #tpu.memory_space<hbm>> -> memref<1000000x32xf32, #tpu.memory_space<hbm>>
    %dma_start3A_120 = tpu.memref_slice %arg11[%dma_start3A_109] : memref<8x!tpu.dma_semaphore, #tpu.memory_space<semaphore_mem>> -> memref<1x!tpu.dma_semaphore, #tpu.memory_space<semaphore_mem>>
    %dma_start3A_121 = tpu.memref_squeeze %dma_start3A_120 : memref<1x!tpu.dma_semaphore, #tpu.memory_space<semaphore_mem>> -> memref<!tpu.dma_semaphore, #tpu.memory_space<semaphore_mem>>
    tpu.enqueue_indirect_dma source(%dma_start3A_119 : memref<1000000x32xf32, #tpu.memory_space<hbm>>) target(%dma_start3A_113 : memref<128x32xf32, #tpu.memory_space<vmem>>) offsets(%dma_start3A_116 : memref<128xi32, #tpu.memory_space<vmem>>) semaphore(%dma_start3A_121 : memref<!tpu.dma_semaphore, #tpu.memory_space<semaphore_mem>>)
    %scan3A = arith.constant 0 : i32
    %scan3A_122 = arith.constant 0 : i32
    %scan3A_123 = arith.constant 25 : i32
    %scan3A_124 = arith.addi %scan3A_122, %scan3A_123 : i32
    %scan3A_125 = arith.constant 1 : i32
    scf.for %scan3A_127 = %scan3A_122 to %scan3A_124 step %scan3A_125  : i32 {
      %mul3A_128 = arith.constant 8 : i32
      %mul3A_129 = arith.muli %scan3A_127, %mul3A_128 : i32
      %add3A_130 = arith.constant 0 : i32
      %add3A_131 = arith.addi %mul3A_129, %add3A_130 : i32
      %dma_wait3A = arith.constant 0 : i32
      %dma_wait3A_132 = arith.constant 0 : i32
      %dma_wait3A_133 = arith.constant 0 : i32
      %dma_wait3A_134 = arith.constant 0 : i32
      %dma_wait3A_135 = tpu.memref_slice %arg9[%dma_wait3A, %dma_wait3A_133, %dma_wait3A_134] : memref<8x128x32xf32, #tpu.memory_space<vmem>> -> memref<1x128x32xf32, #tpu.memory_space<vmem>>
      %dma_wait3A_136 = tpu.memref_squeeze %dma_wait3A_135 : memref<1x128x32xf32, #tpu.memory_space<vmem>> -> memref<128x32xf32, #tpu.memory_space<vmem>>
      %dma_wait3A_137 = arith.constant 0 : i32
      %dma_wait3A_138 = tpu.memref_slice %arg7[%add3A_131, %dma_wait3A_137] : memref<200x128xi32, #tpu.memory_space<vmem>> -> memref<1x128xi32, #tpu.memory_space<vmem>>
      %dma_wait3A_139 = tpu.memref_squeeze %dma_wait3A_138 : memref<1x128xi32, #tpu.memory_space<vmem>> -> memref<128xi32, #tpu.memory_space<vmem>>
      %dma_wait3A_140 = arith.constant 0 : i32
      %dma_wait3A_141 = arith.constant 0 : i32
      %dma_wait3A_142 = tpu.memref_slice %arg4[%dma_wait3A_140, %dma_wait3A_141] : memref<1000000x32xf32, #tpu.memory_space<hbm>> -> memref<1000000x32xf32, #tpu.memory_space<hbm>>
      %dma_wait3A_143 = tpu.memref_slice %arg11[%dma_wait3A_132] : memref<8x!tpu.dma_semaphore, #tpu.memory_space<semaphore_mem>> -> memref<1x!tpu.dma_semaphore, #tpu.memory_space<semaphore_mem>>
      %dma_wait3A_144 = tpu.memref_squeeze %dma_wait3A_143 : memref<1x!tpu.dma_semaphore, #tpu.memory_space<semaphore_mem>> -> memref<!tpu.dma_semaphore, #tpu.memory_space<semaphore_mem>>
      tpu.wait_indirect_dma semaphore(%dma_wait3A_144 : memref<!tpu.dma_semaphore, #tpu.memory_space<semaphore_mem>>) src(%dma_wait3A_142 : memref<1000000x32xf32, #tpu.memory_space<hbm>>) dst(%dma_wait3A_136 : memref<128x32xf32, #tpu.memory_space<vmem>>)
      %dma_start3A_145 = arith.constant 0 : i32
      %dma_start3A_146 = arith.constant 0 : i32
      %dma_start3A_147 = arith.constant 0 : i32
      %dma_start3A_148 = arith.constant 0 : i32
      %dma_start3A_149 = tpu.memref_slice %arg9[%dma_start3A_145, %dma_start3A_147, %dma_start3A_148] : memref<8x128x32xf32, #tpu.memory_space<vmem>> -> memref<1x128x32xf32, #tpu.memory_space<vmem>>
      %dma_start3A_150 = tpu.memref_squeeze %dma_start3A_149 : memref<1x128x32xf32, #tpu.memory_space<vmem>> -> memref<128x32xf32, #tpu.memory_space<vmem>>
      %dma_start3A_151 = arith.constant 0 : i32
      %dma_start3A_152 = tpu.memref_slice %arg8[%add3A_131, %dma_start3A_151] : memref<200x128xi32, #tpu.memory_space<vmem>> -> memref<1x128xi32, #tpu.memory_space<vmem>>
      %dma_start3A_153 = tpu.memref_squeeze %dma_start3A_152 : memref<1x128xi32, #tpu.memory_space<vmem>> -> memref<128xi32, #tpu.memory_space<vmem>>
      %dma_start3A_154 = arith.constant 0 : i32
      %dma_start3A_155 = arith.constant 0 : i32
      %dma_start3A_156 = tpu.memref_slice %arg5[%dma_start3A_154, %dma_start3A_155] : memref<1000000x32xf32, #tpu.memory_space<hbm>> -> memref<1000000x32xf32, #tpu.memory_space<hbm>>
      %dma_start3A_157 = tpu.memref_slice %arg11[%dma_start3A_146] : memref<8x!tpu.dma_semaphore, #tpu.memory_space<semaphore_mem>> -> memref<1x!tpu.dma_semaphore, #tpu.memory_space<semaphore_mem>>
      %dma_start3A_158 = tpu.memref_squeeze %dma_start3A_157 : memref<1x!tpu.dma_semaphore, #tpu.memory_space<semaphore_mem>> -> memref<!tpu.dma_semaphore, #tpu.memory_space<semaphore_mem>>
      tpu.enqueue_indirect_dma source(%dma_start3A_156 : memref<1000000x32xf32, #tpu.memory_space<hbm>>) target(%dma_start3A_150 : memref<128x32xf32, #tpu.memory_space<vmem>>) offsets(%dma_start3A_153 : memref<128xi32, #tpu.memory_space<vmem>>) semaphore(%dma_start3A_158 : memref<!tpu.dma_semaphore, #tpu.memory_space<semaphore_mem>>) {add = true}
      %mul3A_159 = arith.constant 8 : i32
      %mul3A_160 = arith.muli %scan3A_127, %mul3A_159 : i32
      %add3A_161 = arith.constant 1 : i32
      %add3A_162 = arith.addi %mul3A_160, %add3A_161 : i32
      %dma_wait3A_163 = arith.constant 1 : i32
      %dma_wait3A_164 = arith.constant 1 : i32
      %dma_wait3A_165 = arith.constant 0 : i32
      %dma_wait3A_166 = arith.constant 0 : i32
      %dma_wait3A_167 = tpu.memref_slice %arg9[%dma_wait3A_163, %dma_wait3A_165, %dma_wait3A_166] : memref<8x128x32xf32, #tpu.memory_space<vmem>> -> memref<1x128x32xf32, #tpu.memory_space<vmem>>
      %dma_wait3A_168 = tpu.memref_squeeze %dma_wait3A_167 : memref<1x128x32xf32, #tpu.memory_space<vmem>> -> memref<128x32xf32, #tpu.memory_space<vmem>>
      %dma_wait3A_169 = arith.constant 0 : i32
      %dma_wait3A_170 = tpu.memref_slice %arg7[%add3A_162, %dma_wait3A_169] : memref<200x128xi32, #tpu.memory_space<vmem>> -> memref<1x128xi32, #tpu.memory_space<vmem>>
      %dma_wait3A_171 = tpu.memref_squeeze %dma_wait3A_170 : memref<1x128xi32, #tpu.memory_space<vmem>> -> memref<128xi32, #tpu.memory_space<vmem>>
      %dma_wait3A_172 = arith.constant 0 : i32
      %dma_wait3A_173 = arith.constant 0 : i32
      %dma_wait3A_174 = tpu.memref_slice %arg4[%dma_wait3A_172, %dma_wait3A_173] : memref<1000000x32xf32, #tpu.memory_space<hbm>> -> memref<1000000x32xf32, #tpu.memory_space<hbm>>
      %dma_wait3A_175 = tpu.memref_slice %arg11[%dma_wait3A_164] : memref<8x!tpu.dma_semaphore, #tpu.memory_space<semaphore_mem>> -> memref<1x!tpu.dma_semaphore, #tpu.memory_space<semaphore_mem>>
      %dma_wait3A_176 = tpu.memref_squeeze %dma_wait3A_175 : memref<1x!tpu.dma_semaphore, #tpu.memory_space<semaphore_mem>> -> memref<!tpu.dma_semaphore, #tpu.memory_space<semaphore_mem>>
      tpu.wait_indirect_dma semaphore(%dma_wait3A_176 : memref<!tpu.dma_semaphore, #tpu.memory_space<semaphore_mem>>) src(%dma_wait3A_174 : memref<1000000x32xf32, #tpu.memory_space<hbm>>) dst(%dma_wait3A_168 : memref<128x32xf32, #tpu.memory_space<vmem>>)
      %dma_start3A_177 = arith.constant 1 : i32
      %dma_start3A_178 = arith.constant 1 : i32
      %dma_start3A_179 = arith.constant 0 : i32
      %dma_start3A_180 = arith.constant 0 : i32
      %dma_start3A_181 = tpu.memref_slice %arg9[%dma_start3A_177, %dma_start3A_179, %dma_start3A_180] : memref<8x128x32xf32, #tpu.memory_space<vmem>> -> memref<1x128x32xf32, #tpu.memory_space<vmem>>
      %dma_start3A_182 = tpu.memref_squeeze %dma_start3A_181 : memref<1x128x32xf32, #tpu.memory_space<vmem>> -> memref<128x32xf32, #tpu.memory_space<vmem>>
      %dma_start3A_183 = arith.constant 0 : i32
      %dma_start3A_184 = tpu.memref_slice %arg8[%add3A_162, %dma_start3A_183] : memref<200x128xi32, #tpu.memory_space<vmem>> -> memref<1x128xi32, #tpu.memory_space<vmem>>
      %dma_start3A_185 = tpu.memref_squeeze %dma_start3A_184 : memref<1x128xi32, #tpu.memory_space<vmem>> -> memref<128xi32, #tpu.memory_space<vmem>>
      %dma_start3A_186 = arith.constant 0 : i32
      %dma_start3A_187 = arith.constant 0 : i32
      %dma_start3A_188 = tpu.memref_slice %arg5[%dma_start3A_186, %dma_start3A_187] : memref<1000000x32xf32, #tpu.memory_space<hbm>> -> memref<1000000x32xf32, #tpu.memory_space<hbm>>
      %dma_start3A_189 = tpu.memref_slice %arg11[%dma_start3A_178] : memref<8x!tpu.dma_semaphore, #tpu.memory_space<semaphore_mem>> -> memref<1x!tpu.dma_semaphore, #tpu.memory_space<semaphore_mem>>
      %dma_start3A_190 = tpu.memref_squeeze %dma_start3A_189 : memref<1x!tpu.dma_semaphore, #tpu.memory_space<semaphore_mem>> -> memref<!tpu.dma_semaphore, #tpu.memory_space<semaphore_mem>>
      tpu.enqueue_indirect_dma source(%dma_start3A_188 : memref<1000000x32xf32, #tpu.memory_space<hbm>>) target(%dma_start3A_182 : memref<128x32xf32, #tpu.memory_space<vmem>>) offsets(%dma_start3A_185 : memref<128xi32, #tpu.memory_space<vmem>>) semaphore(%dma_start3A_190 : memref<!tpu.dma_semaphore, #tpu.memory_space<semaphore_mem>>) {add = true}
      %mul3A_191 = arith.constant 8 : i32
      %mul3A_192 = arith.muli %scan3A_127, %mul3A_191 : i32
      %add3A_193 = arith.constant 2 : i32
      %add3A_194 = arith.addi %mul3A_192, %add3A_193 : i32
      %dma_wait3A_195 = arith.constant 2 : i32
      %dma_wait3A_196 = arith.constant 2 : i32
      %dma_wait3A_197 = arith.constant 0 : i32
      %dma_wait3A_198 = arith.constant 0 : i32
      %dma_wait3A_199 = tpu.memref_slice %arg9[%dma_wait3A_195, %dma_wait3A_197, %dma_wait3A_198] : memref<8x128x32xf32, #tpu.memory_space<vmem>> -> memref<1x128x32xf32, #tpu.memory_space<vmem>>
      %dma_wait3A_200 = tpu.memref_squeeze %dma_wait3A_199 : memref<1x128x32xf32, #tpu.memory_space<vmem>> -> memref<128x32xf32, #tpu.memory_space<vmem>>
      %dma_wait3A_201 = arith.constant 0 : i32
      %dma_wait3A_202 = tpu.memref_slice %arg7[%add3A_194, %dma_wait3A_201] : memref<200x128xi32, #tpu.memory_space<vmem>> -> memref<1x128xi32, #tpu.memory_space<vmem>>
      %dma_wait3A_203 = tpu.memref_squeeze %dma_wait3A_202 : memref<1x128xi32, #tpu.memory_space<vmem>> -> memref<128xi32, #tpu.memory_space<vmem>>
      %dma_wait3A_204 = arith.constant 0 : i32
      %dma_wait3A_205 = arith.constant 0 : i32
      %dma_wait3A_206 = tpu.memref_slice %arg4[%dma_wait3A_204, %dma_wait3A_205] : memref<1000000x32xf32, #tpu.memory_space<hbm>> -> memref<1000000x32xf32, #tpu.memory_space<hbm>>
      %dma_wait3A_207 = tpu.memref_slice %arg11[%dma_wait3A_196] : memref<8x!tpu.dma_semaphore, #tpu.memory_space<semaphore_mem>> -> memref<1x!tpu.dma_semaphore, #tpu.memory_space<semaphore_mem>>
      %dma_wait3A_208 = tpu.memref_squeeze %dma_wait3A_207 : memref<1x!tpu.dma_semaphore, #tpu.memory_space<semaphore_mem>> -> memref<!tpu.dma_semaphore, #tpu.memory_space<semaphore_mem>>
      tpu.wait_indirect_dma semaphore(%dma_wait3A_208 : memref<!tpu.dma_semaphore, #tpu.memory_space<semaphore_mem>>) src(%dma_wait3A_206 : memref<1000000x32xf32, #tpu.memory_space<hbm>>) dst(%dma_wait3A_200 : memref<128x32xf32, #tpu.memory_space<vmem>>)
      %dma_start3A_209 = arith.constant 2 : i32
      %dma_start3A_210 = arith.constant 2 : i32
      %dma_start3A_211 = arith.constant 0 : i32
      %dma_start3A_212 = arith.constant 0 : i32
      %dma_start3A_213 = tpu.memref_slice %arg9[%dma_start3A_209, %dma_start3A_211, %dma_start3A_212] : memref<8x128x32xf32, #tpu.memory_space<vmem>> -> memref<1x128x32xf32, #tpu.memory_space<vmem>>
      %dma_start3A_214 = tpu.memref_squeeze %dma_start3A_213 : memref<1x128x32xf32, #tpu.memory_space<vmem>> -> memref<128x32xf32, #tpu.memory_space<vmem>>
      %dma_start3A_215 = arith.constant 0 : i32
      %dma_start3A_216 = tpu.memref_slice %arg8[%add3A_194, %dma_start3A_215] : memref<200x128xi32, #tpu.memory_space<vmem>> -> memref<1x128xi32, #tpu.memory_space<vmem>>
      %dma_start3A_217 = tpu.memref_squeeze %dma_start3A_216 : memref<1x128xi32, #tpu.memory_space<vmem>> -> memref<128xi32, #tpu.memory_space<vmem>>
      %dma_start3A_218 = arith.constant 0 : i32
      %dma_start3A_219 = arith.constant 0 : i32
      %dma_start3A_220 = tpu.memref_slice %arg5[%dma_start3A_218, %dma_start3A_219] : memref<1000000x32xf32, #tpu.memory_space<hbm>> -> memref<1000000x32xf32, #tpu.memory_space<hbm>>
      %dma_start3A_221 = tpu.memref_slice %arg11[%dma_start3A_210] : memref<8x!tpu.dma_semaphore, #tpu.memory_space<semaphore_mem>> -> memref<1x!tpu.dma_semaphore, #tpu.memory_space<semaphore_mem>>
      %dma_start3A_222 = tpu.memref_squeeze %dma_start3A_221 : memref<1x!tpu.dma_semaphore, #tpu.memory_space<semaphore_mem>> -> memref<!tpu.dma_semaphore, #tpu.memory_space<semaphore_mem>>
      tpu.enqueue_indirect_dma source(%dma_start3A_220 : memref<1000000x32xf32, #tpu.memory_space<hbm>>) target(%dma_start3A_214 : memref<128x32xf32, #tpu.memory_space<vmem>>) offsets(%dma_start3A_217 : memref<128xi32, #tpu.memory_space<vmem>>) semaphore(%dma_start3A_222 : memref<!tpu.dma_semaphore, #tpu.memory_space<semaphore_mem>>) {add = true}
      %mul3A_223 = arith.constant 8 : i32
      %mul3A_224 = arith.muli %scan3A_127, %mul3A_223 : i32
      %add3A_225 = arith.constant 3 : i32
      %add3A_226 = arith.addi %mul3A_224, %add3A_225 : i32
      %dma_wait3A_227 = arith.constant 3 : i32
      %dma_wait3A_228 = arith.constant 3 : i32
      %dma_wait3A_229 = arith.constant 0 : i32
      %dma_wait3A_230 = arith.constant 0 : i32
      %dma_wait3A_231 = tpu.memref_slice %arg9[%dma_wait3A_227, %dma_wait3A_229, %dma_wait3A_230] : memref<8x128x32xf32, #tpu.memory_space<vmem>> -> memref<1x128x32xf32, #tpu.memory_space<vmem>>
      %dma_wait3A_232 = tpu.memref_squeeze %dma_wait3A_231 : memref<1x128x32xf32, #tpu.memory_space<vmem>> -> memref<128x32xf32, #tpu.memory_space<vmem>>
      %dma_wait3A_233 = arith.constant 0 : i32
      %dma_wait3A_234 = tpu.memref_slice %arg7[%add3A_226, %dma_wait3A_233] : memref<200x128xi32, #tpu.memory_space<vmem>> -> memref<1x128xi32, #tpu.memory_space<vmem>>
      %dma_wait3A_235 = tpu.memref_squeeze %dma_wait3A_234 : memref<1x128xi32, #tpu.memory_space<vmem>> -> memref<128xi32, #tpu.memory_space<vmem>>
      %dma_wait3A_236 = arith.constant 0 : i32
      %dma_wait3A_237 = arith.constant 0 : i32
      %dma_wait3A_238 = tpu.memref_slice %arg4[%dma_wait3A_236, %dma_wait3A_237] : memref<1000000x32xf32, #tpu.memory_space<hbm>> -> memref<1000000x32xf32, #tpu.memory_space<hbm>>
      %dma_wait3A_239 = tpu.memref_slice %arg11[%dma_wait3A_228] : memref<8x!tpu.dma_semaphore, #tpu.memory_space<semaphore_mem>> -> memref<1x!tpu.dma_semaphore, #tpu.memory_space<semaphore_mem>>
      %dma_wait3A_240 = tpu.memref_squeeze %dma_wait3A_239 : memref<1x!tpu.dma_semaphore, #tpu.memory_space<semaphore_mem>> -> memref<!tpu.dma_semaphore, #tpu.memory_space<semaphore_mem>>
      tpu.wait_indirect_dma semaphore(%dma_wait3A_240 : memref<!tpu.dma_semaphore, #tpu.memory_space<semaphore_mem>>) src(%dma_wait3A_238 : memref<1000000x32xf32, #tpu.memory_space<hbm>>) dst(%dma_wait3A_232 : memref<128x32xf32, #tpu.memory_space<vmem>>)
      %dma_start3A_241 = arith.constant 3 : i32
      %dma_start3A_242 = arith.constant 3 : i32
      %dma_start3A_243 = arith.constant 0 : i32
      %dma_start3A_244 = arith.constant 0 : i32
      %dma_start3A_245 = tpu.memref_slice %arg9[%dma_start3A_241, %dma_start3A_243, %dma_start3A_244] : memref<8x128x32xf32, #tpu.memory_space<vmem>> -> memref<1x128x32xf32, #tpu.memory_space<vmem>>
      %dma_start3A_246 = tpu.memref_squeeze %dma_start3A_245 : memref<1x128x32xf32, #tpu.memory_space<vmem>> -> memref<128x32xf32, #tpu.memory_space<vmem>>
      %dma_start3A_247 = arith.constant 0 : i32
      %dma_start3A_248 = tpu.memref_slice %arg8[%add3A_226, %dma_start3A_247] : memref<200x128xi32, #tpu.memory_space<vmem>> -> memref<1x128xi32, #tpu.memory_space<vmem>>
      %dma_start3A_249 = tpu.memref_squeeze %dma_start3A_248 : memref<1x128xi32, #tpu.memory_space<vmem>> -> memref<128xi32, #tpu.memory_space<vmem>>
      %dma_start3A_250 = arith.constant 0 : i32
      %dma_start3A_251 = arith.constant 0 : i32
      %dma_start3A_252 = tpu.memref_slice %arg5[%dma_start3A_250, %dma_start3A_251] : memref<1000000x32xf32, #tpu.memory_space<hbm>> -> memref<1000000x32xf32, #tpu.memory_space<hbm>>
      %dma_start3A_253 = tpu.memref_slice %arg11[%dma_start3A_242] : memref<8x!tpu.dma_semaphore, #tpu.memory_space<semaphore_mem>> -> memref<1x!tpu.dma_semaphore, #tpu.memory_space<semaphore_mem>>
      %dma_start3A_254 = tpu.memref_squeeze %dma_start3A_253 : memref<1x!tpu.dma_semaphore, #tpu.memory_space<semaphore_mem>> -> memref<!tpu.dma_semaphore, #tpu.memory_space<semaphore_mem>>
      tpu.enqueue_indirect_dma source(%dma_start3A_252 : memref<1000000x32xf32, #tpu.memory_space<hbm>>) target(%dma_start3A_246 : memref<128x32xf32, #tpu.memory_space<vmem>>) offsets(%dma_start3A_249 : memref<128xi32, #tpu.memory_space<vmem>>) semaphore(%dma_start3A_254 : memref<!tpu.dma_semaphore, #tpu.memory_space<semaphore_mem>>) {add = true}
      %mul3A_255 = arith.constant 8 : i32
      %mul3A_256 = arith.muli %scan3A_127, %mul3A_255 : i32
      %add3A_257 = arith.constant 4 : i32
      %add3A_258 = arith.addi %mul3A_256, %add3A_257 : i32
      %dma_wait3A_259 = arith.constant 4 : i32
      %dma_wait3A_260 = arith.constant 4 : i32
      %dma_wait3A_261 = arith.constant 0 : i32
      %dma_wait3A_262 = arith.constant 0 : i32
      %dma_wait3A_263 = tpu.memref_slice %arg9[%dma_wait3A_259, %dma_wait3A_261, %dma_wait3A_262] : memref<8x128x32xf32, #tpu.memory_space<vmem>> -> memref<1x128x32xf32, #tpu.memory_space<vmem>>
      %dma_wait3A_264 = tpu.memref_squeeze %dma_wait3A_263 : memref<1x128x32xf32, #tpu.memory_space<vmem>> -> memref<128x32xf32, #tpu.memory_space<vmem>>
      %dma_wait3A_265 = arith.constant 0 : i32
      %dma_wait3A_266 = tpu.memref_slice %arg7[%add3A_258, %dma_wait3A_265] : memref<200x128xi32, #tpu.memory_space<vmem>> -> memref<1x128xi32, #tpu.memory_space<vmem>>
      %dma_wait3A_267 = tpu.memref_squeeze %dma_wait3A_266 : memref<1x128xi32, #tpu.memory_space<vmem>> -> memref<128xi32, #tpu.memory_space<vmem>>
      %dma_wait3A_268 = arith.constant 0 : i32
      %dma_wait3A_269 = arith.constant 0 : i32
      %dma_wait3A_270 = tpu.memref_slice %arg4[%dma_wait3A_268, %dma_wait3A_269] : memref<1000000x32xf32, #tpu.memory_space<hbm>> -> memref<1000000x32xf32, #tpu.memory_space<hbm>>
      %dma_wait3A_271 = tpu.memref_slice %arg11[%dma_wait3A_260] : memref<8x!tpu.dma_semaphore, #tpu.memory_space<semaphore_mem>> -> memref<1x!tpu.dma_semaphore, #tpu.memory_space<semaphore_mem>>
      %dma_wait3A_272 = tpu.memref_squeeze %dma_wait3A_271 : memref<1x!tpu.dma_semaphore, #tpu.memory_space<semaphore_mem>> -> memref<!tpu.dma_semaphore, #tpu.memory_space<semaphore_mem>>
      tpu.wait_indirect_dma semaphore(%dma_wait3A_272 : memref<!tpu.dma_semaphore, #tpu.memory_space<semaphore_mem>>) src(%dma_wait3A_270 : memref<1000000x32xf32, #tpu.memory_space<hbm>>) dst(%dma_wait3A_264 : memref<128x32xf32, #tpu.memory_space<vmem>>)
      %dma_start3A_273 = arith.constant 4 : i32
      %dma_start3A_274 = arith.constant 4 : i32
      %dma_start3A_275 = arith.constant 0 : i32
      %dma_start3A_276 = arith.constant 0 : i32
      %dma_start3A_277 = tpu.memref_slice %arg9[%dma_start3A_273, %dma_start3A_275, %dma_start3A_276] : memref<8x128x32xf32, #tpu.memory_space<vmem>> -> memref<1x128x32xf32, #tpu.memory_space<vmem>>
      %dma_start3A_278 = tpu.memref_squeeze %dma_start3A_277 : memref<1x128x32xf32, #tpu.memory_space<vmem>> -> memref<128x32xf32, #tpu.memory_space<vmem>>
      %dma_start3A_279 = arith.constant 0 : i32
      %dma_start3A_280 = tpu.memref_slice %arg8[%add3A_258, %dma_start3A_279] : memref<200x128xi32, #tpu.memory_space<vmem>> -> memref<1x128xi32, #tpu.memory_space<vmem>>
      %dma_start3A_281 = tpu.memref_squeeze %dma_start3A_280 : memref<1x128xi32, #tpu.memory_space<vmem>> -> memref<128xi32, #tpu.memory_space<vmem>>
      %dma_start3A_282 = arith.constant 0 : i32
      %dma_start3A_283 = arith.constant 0 : i32
      %dma_start3A_284 = tpu.memref_slice %arg5[%dma_start3A_282, %dma_start3A_283] : memref<1000000x32xf32, #tpu.memory_space<hbm>> -> memref<1000000x32xf32, #tpu.memory_space<hbm>>
      %dma_start3A_285 = tpu.memref_slice %arg11[%dma_start3A_274] : memref<8x!tpu.dma_semaphore, #tpu.memory_space<semaphore_mem>> -> memref<1x!tpu.dma_semaphore, #tpu.memory_space<semaphore_mem>>
      %dma_start3A_286 = tpu.memref_squeeze %dma_start3A_285 : memref<1x!tpu.dma_semaphore, #tpu.memory_space<semaphore_mem>> -> memref<!tpu.dma_semaphore, #tpu.memory_space<semaphore_mem>>
      tpu.enqueue_indirect_dma source(%dma_start3A_284 : memref<1000000x32xf32, #tpu.memory_space<hbm>>) target(%dma_start3A_278 : memref<128x32xf32, #tpu.memory_space<vmem>>) offsets(%dma_start3A_281 : memref<128xi32, #tpu.memory_space<vmem>>) semaphore(%dma_start3A_286 : memref<!tpu.dma_semaphore, #tpu.memory_space<semaphore_mem>>) {add = true}
      %mul3A_287 = arith.constant 8 : i32
      %mul3A_288 = arith.muli %scan3A_127, %mul3A_287 : i32
      %add3A_289 = arith.constant 5 : i32
      %add3A_290 = arith.addi %mul3A_288, %add3A_289 : i32
      %dma_wait3A_291 = arith.constant 5 : i32
      %dma_wait3A_292 = arith.constant 5 : i32
      %dma_wait3A_293 = arith.constant 0 : i32
      %dma_wait3A_294 = arith.constant 0 : i32
      %dma_wait3A_295 = tpu.memref_slice %arg9[%dma_wait3A_291, %dma_wait3A_293, %dma_wait3A_294] : memref<8x128x32xf32, #tpu.memory_space<vmem>> -> memref<1x128x32xf32, #tpu.memory_space<vmem>>
      %dma_wait3A_296 = tpu.memref_squeeze %dma_wait3A_295 : memref<1x128x32xf32, #tpu.memory_space<vmem>> -> memref<128x32xf32, #tpu.memory_space<vmem>>
      %dma_wait3A_297 = arith.constant 0 : i32
      %dma_wait3A_298 = tpu.memref_slice %arg7[%add3A_290, %dma_wait3A_297] : memref<200x128xi32, #tpu.memory_space<vmem>> -> memref<1x128xi32, #tpu.memory_space<vmem>>
      %dma_wait3A_299 = tpu.memref_squeeze %dma_wait3A_298 : memref<1x128xi32, #tpu.memory_space<vmem>> -> memref<128xi32, #tpu.memory_space<vmem>>
      %dma_wait3A_300 = arith.constant 0 : i32
      %dma_wait3A_301 = arith.constant 0 : i32
      %dma_wait3A_302 = tpu.memref_slice %arg4[%dma_wait3A_300, %dma_wait3A_301] : memref<1000000x32xf32, #tpu.memory_space<hbm>> -> memref<1000000x32xf32, #tpu.memory_space<hbm>>
      %dma_wait3A_303 = tpu.memref_slice %arg11[%dma_wait3A_292] : memref<8x!tpu.dma_semaphore, #tpu.memory_space<semaphore_mem>> -> memref<1x!tpu.dma_semaphore, #tpu.memory_space<semaphore_mem>>
      %dma_wait3A_304 = tpu.memref_squeeze %dma_wait3A_303 : memref<1x!tpu.dma_semaphore, #tpu.memory_space<semaphore_mem>> -> memref<!tpu.dma_semaphore, #tpu.memory_space<semaphore_mem>>
      tpu.wait_indirect_dma semaphore(%dma_wait3A_304 : memref<!tpu.dma_semaphore, #tpu.memory_space<semaphore_mem>>) src(%dma_wait3A_302 : memref<1000000x32xf32, #tpu.memory_space<hbm>>) dst(%dma_wait3A_296 : memref<128x32xf32, #tpu.memory_space<vmem>>)
      %dma_start3A_305 = arith.constant 5 : i32
      %dma_start3A_306 = arith.constant 5 : i32
      %dma_start3A_307 = arith.constant 0 : i32
      %dma_start3A_308 = arith.constant 0 : i32
      %dma_start3A_309 = tpu.memref_slice %arg9[%dma_start3A_305, %dma_start3A_307, %dma_start3A_308] : memref<8x128x32xf32, #tpu.memory_space<vmem>> -> memref<1x128x32xf32, #tpu.memory_space<vmem>>
      %dma_start3A_310 = tpu.memref_squeeze %dma_start3A_309 : memref<1x128x32xf32, #tpu.memory_space<vmem>> -> memref<128x32xf32, #tpu.memory_space<vmem>>
      %dma_start3A_311 = arith.constant 0 : i32
      %dma_start3A_312 = tpu.memref_slice %arg8[%add3A_290, %dma_start3A_311] : memref<200x128xi32, #tpu.memory_space<vmem>> -> memref<1x128xi32, #tpu.memory_space<vmem>>
      %dma_start3A_313 = tpu.memref_squeeze %dma_start3A_312 : memref<1x128xi32, #tpu.memory_space<vmem>> -> memref<128xi32, #tpu.memory_space<vmem>>
      %dma_start3A_314 = arith.constant 0 : i32
      %dma_start3A_315 = arith.constant 0 : i32
      %dma_start3A_316 = tpu.memref_slice %arg5[%dma_start3A_314, %dma_start3A_315] : memref<1000000x32xf32, #tpu.memory_space<hbm>> -> memref<1000000x32xf32, #tpu.memory_space<hbm>>
      %dma_start3A_317 = tpu.memref_slice %arg11[%dma_start3A_306] : memref<8x!tpu.dma_semaphore, #tpu.memory_space<semaphore_mem>> -> memref<1x!tpu.dma_semaphore, #tpu.memory_space<semaphore_mem>>
      %dma_start3A_318 = tpu.memref_squeeze %dma_start3A_317 : memref<1x!tpu.dma_semaphore, #tpu.memory_space<semaphore_mem>> -> memref<!tpu.dma_semaphore, #tpu.memory_space<semaphore_mem>>
      tpu.enqueue_indirect_dma source(%dma_start3A_316 : memref<1000000x32xf32, #tpu.memory_space<hbm>>) target(%dma_start3A_310 : memref<128x32xf32, #tpu.memory_space<vmem>>) offsets(%dma_start3A_313 : memref<128xi32, #tpu.memory_space<vmem>>) semaphore(%dma_start3A_318 : memref<!tpu.dma_semaphore, #tpu.memory_space<semaphore_mem>>) {add = true}
      %mul3A_319 = arith.constant 8 : i32
      %mul3A_320 = arith.muli %scan3A_127, %mul3A_319 : i32
      %add3A_321 = arith.constant 6 : i32
      %add3A_322 = arith.addi %mul3A_320, %add3A_321 : i32
      %dma_wait3A_323 = arith.constant 6 : i32
      %dma_wait3A_324 = arith.constant 6 : i32
      %dma_wait3A_325 = arith.constant 0 : i32
      %dma_wait3A_326 = arith.constant 0 : i32
      %dma_wait3A_327 = tpu.memref_slice %arg9[%dma_wait3A_323, %dma_wait3A_325, %dma_wait3A_326] : memref<8x128x32xf32, #tpu.memory_space<vmem>> -> memref<1x128x32xf32, #tpu.memory_space<vmem>>
      %dma_wait3A_328 = tpu.memref_squeeze %dma_wait3A_327 : memref<1x128x32xf32, #tpu.memory_space<vmem>> -> memref<128x32xf32, #tpu.memory_space<vmem>>
      %dma_wait3A_329 = arith.constant 0 : i32
      %dma_wait3A_330 = tpu.memref_slice %arg7[%add3A_322, %dma_wait3A_329] : memref<200x128xi32, #tpu.memory_space<vmem>> -> memref<1x128xi32, #tpu.memory_space<vmem>>
      %dma_wait3A_331 = tpu.memref_squeeze %dma_wait3A_330 : memref<1x128xi32, #tpu.memory_space<vmem>> -> memref<128xi32, #tpu.memory_space<vmem>>
      %dma_wait3A_332 = arith.constant 0 : i32
      %dma_wait3A_333 = arith.constant 0 : i32
      %dma_wait3A_334 = tpu.memref_slice %arg4[%dma_wait3A_332, %dma_wait3A_333] : memref<1000000x32xf32, #tpu.memory_space<hbm>> -> memref<1000000x32xf32, #tpu.memory_space<hbm>>
      %dma_wait3A_335 = tpu.memref_slice %arg11[%dma_wait3A_324] : memref<8x!tpu.dma_semaphore, #tpu.memory_space<semaphore_mem>> -> memref<1x!tpu.dma_semaphore, #tpu.memory_space<semaphore_mem>>
      %dma_wait3A_336 = tpu.memref_squeeze %dma_wait3A_335 : memref<1x!tpu.dma_semaphore, #tpu.memory_space<semaphore_mem>> -> memref<!tpu.dma_semaphore, #tpu.memory_space<semaphore_mem>>
      tpu.wait_indirect_dma semaphore(%dma_wait3A_336 : memref<!tpu.dma_semaphore, #tpu.memory_space<semaphore_mem>>) src(%dma_wait3A_334 : memref<1000000x32xf32, #tpu.memory_space<hbm>>) dst(%dma_wait3A_328 : memref<128x32xf32, #tpu.memory_space<vmem>>)
      %dma_start3A_337 = arith.constant 6 : i32
      %dma_start3A_338 = arith.constant 6 : i32
      %dma_start3A_339 = arith.constant 0 : i32
      %dma_start3A_340 = arith.constant 0 : i32
      %dma_start3A_341 = tpu.memref_slice %arg9[%dma_start3A_337, %dma_start3A_339, %dma_start3A_340] : memref<8x128x32xf32, #tpu.memory_space<vmem>> -> memref<1x128x32xf32, #tpu.memory_space<vmem>>
      %dma_start3A_342 = tpu.memref_squeeze %dma_start3A_341 : memref<1x128x32xf32, #tpu.memory_space<vmem>> -> memref<128x32xf32, #tpu.memory_space<vmem>>
      %dma_start3A_343 = arith.constant 0 : i32
      %dma_start3A_344 = tpu.memref_slice %arg8[%add3A_322, %dma_start3A_343] : memref<200x128xi32, #tpu.memory_space<vmem>> -> memref<1x128xi32, #tpu.memory_space<vmem>>
      %dma_start3A_345 = tpu.memref_squeeze %dma_start3A_344 : memref<1x128xi32, #tpu.memory_space<vmem>> -> memref<128xi32, #tpu.memory_space<vmem>>
      %dma_start3A_346 = arith.constant 0 : i32
      %dma_start3A_347 = arith.constant 0 : i32
      %dma_start3A_348 = tpu.memref_slice %arg5[%dma_start3A_346, %dma_start3A_347] : memref<1000000x32xf32, #tpu.memory_space<hbm>> -> memref<1000000x32xf32, #tpu.memory_space<hbm>>
      %dma_start3A_349 = tpu.memref_slice %arg11[%dma_start3A_338] : memref<8x!tpu.dma_semaphore, #tpu.memory_space<semaphore_mem>> -> memref<1x!tpu.dma_semaphore, #tpu.memory_space<semaphore_mem>>
      %dma_start3A_350 = tpu.memref_squeeze %dma_start3A_349 : memref<1x!tpu.dma_semaphore, #tpu.memory_space<semaphore_mem>> -> memref<!tpu.dma_semaphore, #tpu.memory_space<semaphore_mem>>
      tpu.enqueue_indirect_dma source(%dma_start3A_348 : memref<1000000x32xf32, #tpu.memory_space<hbm>>) target(%dma_start3A_342 : memref<128x32xf32, #tpu.memory_space<vmem>>) offsets(%dma_start3A_345 : memref<128xi32, #tpu.memory_space<vmem>>) semaphore(%dma_start3A_350 : memref<!tpu.dma_semaphore, #tpu.memory_space<semaphore_mem>>) {add = true}
      %mul3A_351 = arith.constant 8 : i32
      %mul3A_352 = arith.muli %scan3A_127, %mul3A_351 : i32
      %add3A_353 = arith.constant 7 : i32
      %add3A_354 = arith.addi %mul3A_352, %add3A_353 : i32
      %dma_wait3A_355 = arith.constant 7 : i32
      %dma_wait3A_356 = arith.constant 7 : i32
      %dma_wait3A_357 = arith.constant 0 : i32
      %dma_wait3A_358 = arith.constant 0 : i32
      %dma_wait3A_359 = tpu.memref_slice %arg9[%dma_wait3A_355, %dma_wait3A_357, %dma_wait3A_358] : memref<8x128x32xf32, #tpu.memory_space<vmem>> -> memref<1x128x32xf32, #tpu.memory_space<vmem>>
      %dma_wait3A_360 = tpu.memref_squeeze %dma_wait3A_359 : memref<1x128x32xf32, #tpu.memory_space<vmem>> -> memref<128x32xf32, #tpu.memory_space<vmem>>
      %dma_wait3A_361 = arith.constant 0 : i32
      %dma_wait3A_362 = tpu.memref_slice %arg7[%add3A_354, %dma_wait3A_361] : memref<200x128xi32, #tpu.memory_space<vmem>> -> memref<1x128xi32, #tpu.memory_space<vmem>>
      %dma_wait3A_363 = tpu.memref_squeeze %dma_wait3A_362 : memref<1x128xi32, #tpu.memory_space<vmem>> -> memref<128xi32, #tpu.memory_space<vmem>>
      %dma_wait3A_364 = arith.constant 0 : i32
      %dma_wait3A_365 = arith.constant 0 : i32
      %dma_wait3A_366 = tpu.memref_slice %arg4[%dma_wait3A_364, %dma_wait3A_365] : memref<1000000x32xf32, #tpu.memory_space<hbm>> -> memref<1000000x32xf32, #tpu.memory_space<hbm>>
      %dma_wait3A_367 = tpu.memref_slice %arg11[%dma_wait3A_356] : memref<8x!tpu.dma_semaphore, #tpu.memory_space<semaphore_mem>> -> memref<1x!tpu.dma_semaphore, #tpu.memory_space<semaphore_mem>>
      %dma_wait3A_368 = tpu.memref_squeeze %dma_wait3A_367 : memref<1x!tpu.dma_semaphore, #tpu.memory_space<semaphore_mem>> -> memref<!tpu.dma_semaphore, #tpu.memory_space<semaphore_mem>>
      tpu.wait_indirect_dma semaphore(%dma_wait3A_368 : memref<!tpu.dma_semaphore, #tpu.memory_space<semaphore_mem>>) src(%dma_wait3A_366 : memref<1000000x32xf32, #tpu.memory_space<hbm>>) dst(%dma_wait3A_360 : memref<128x32xf32, #tpu.memory_space<vmem>>)
      %dma_start3A_369 = arith.constant 7 : i32
      %dma_start3A_370 = arith.constant 7 : i32
      %dma_start3A_371 = arith.constant 0 : i32
      %dma_start3A_372 = arith.constant 0 : i32
      %dma_start3A_373 = tpu.memref_slice %arg9[%dma_start3A_369, %dma_start3A_371, %dma_start3A_372] : memref<8x128x32xf32, #tpu.memory_space<vmem>> -> memref<1x128x32xf32, #tpu.memory_space<vmem>>
      %dma_start3A_374 = tpu.memref_squeeze %dma_start3A_373 : memref<1x128x32xf32, #tpu.memory_space<vmem>> -> memref<128x32xf32, #tpu.memory_space<vmem>>
      %dma_start3A_375 = arith.constant 0 : i32
      %dma_start3A_376 = tpu.memref_slice %arg8[%add3A_354, %dma_start3A_375] : memref<200x128xi32, #tpu.memory_space<vmem>> -> memref<1x128xi32, #tpu.memory_space<vmem>>
      %dma_start3A_377 = tpu.memref_squeeze %dma_start3A_376 : memref<1x128xi32, #tpu.memory_space<vmem>> -> memref<128xi32, #tpu.memory_space<vmem>>
      %dma_start3A_378 = arith.constant 0 : i32
      %dma_start3A_379 = arith.constant 0 : i32
      %dma_start3A_380 = tpu.memref_slice %arg5[%dma_start3A_378, %dma_start3A_379] : memref<1000000x32xf32, #tpu.memory_space<hbm>> -> memref<1000000x32xf32, #tpu.memory_space<hbm>>
      %dma_start3A_381 = tpu.memref_slice %arg11[%dma_start3A_370] : memref<8x!tpu.dma_semaphore, #tpu.memory_space<semaphore_mem>> -> memref<1x!tpu.dma_semaphore, #tpu.memory_space<semaphore_mem>>
      %dma_start3A_382 = tpu.memref_squeeze %dma_start3A_381 : memref<1x!tpu.dma_semaphore, #tpu.memory_space<semaphore_mem>> -> memref<!tpu.dma_semaphore, #tpu.memory_space<semaphore_mem>>
      tpu.enqueue_indirect_dma source(%dma_start3A_380 : memref<1000000x32xf32, #tpu.memory_space<hbm>>) target(%dma_start3A_374 : memref<128x32xf32, #tpu.memory_space<vmem>>) offsets(%dma_start3A_377 : memref<128xi32, #tpu.memory_space<vmem>>) semaphore(%dma_start3A_382 : memref<!tpu.dma_semaphore, #tpu.memory_space<semaphore_mem>>) {add = true}
      %mul3A_383 = arith.constant 8 : i32
      %mul3A_384 = arith.muli %scan3A_127, %mul3A_383 : i32
      %add3A_385 = arith.constant 0 : i32
      %add3A_386 = arith.addi %mul3A_384, %add3A_385 : i32
      %add3A_387 = arith.addi %mul3A_2, %add3A_386 : i32
      %jit3A = arith.constant 128 : i32
      %div3A = arith.divsi %add3A_387, %jit3A : i32
      %sign3A = arith.constant 0 : i32
      %sign3A_388 = arith.cmpi sgt, %add3A_387, %sign3A : i32
      %sign3A_389 = arith.extui %sign3A_388 : i1 to i32
      %sign3A_390 = arith.constant 0 : i32
      %sign3A_391 = arith.cmpi slt, %add3A_387, %sign3A_390 : i32
      %sign3A_392 = arith.extui %sign3A_391 : i1 to i32
      %sign3A_393 = arith.subi %sign3A_389, %sign3A_392 : i32
      %sign3A_394 = arith.constant 0 : i32
      %sign3A_395 = arith.cmpi sgt, %jit3A, %sign3A_394 : i32
      %sign3A_396 = arith.extui %sign3A_395 : i1 to i32
      %sign3A_397 = arith.constant 0 : i32
      %sign3A_398 = arith.cmpi slt, %jit3A, %sign3A_397 : i32
      %sign3A_399 = arith.extui %sign3A_398 : i1 to i32
      %sign3A_400 = arith.subi %sign3A_396, %sign3A_399 : i32
      %ne3A = arith.cmpi ne, %sign3A_393, %sign3A_400 : i32
      %rem3A = arith.remsi %add3A_387, %jit3A : i32
      %ne3A_401 = arith.constant 0 : i32
      %ne3A_402 = arith.cmpi ne, %rem3A, %ne3A_401 : i32
      %and3A = arith.andi %ne3A, %ne3A_402 : i1
      %sub3A = arith.constant 1 : i32
      %sub3A_403 = arith.subi %div3A, %sub3A : i32
      %select_n3A = arith.select %and3A, %sub3A_403, %div3A : i32
      %mul3A_404 = arith.constant 128 : i32
      %mul3A_405 = arith.muli %select_n3A, %mul3A_404 : i32
      %sub3A_406 = arith.subi %add3A_387, %mul3A_405 : i32
      %dma_wait3A_407 = arith.constant 0 : i32
      %dma_wait3A_408 = arith.constant 0 : i32
      %dma_wait3A_409 = arith.constant 0 : i32
      %dma_wait3A_410 = arith.constant 0 : i32
      %dma_wait3A_411 = tpu.memref_slice %arg9[%dma_wait3A_407, %dma_wait3A_409, %dma_wait3A_410] : memref<8x128x32xf32, #tpu.memory_space<vmem>> -> memref<1x128x32xf32, #tpu.memory_space<vmem>>
      %dma_wait3A_412 = tpu.memref_squeeze %dma_wait3A_411 : memref<1x128x32xf32, #tpu.memory_space<vmem>> -> memref<128x32xf32, #tpu.memory_space<vmem>>
      %dma_wait3A_413 = arith.constant 0 : i32
      %dma_wait3A_414 = tpu.memref_slice %arg8[%add3A_386, %dma_wait3A_413] : memref<200x128xi32, #tpu.memory_space<vmem>> -> memref<1x128xi32, #tpu.memory_space<vmem>>
      %dma_wait3A_415 = tpu.memref_squeeze %dma_wait3A_414 : memref<1x128xi32, #tpu.memory_space<vmem>> -> memref<128xi32, #tpu.memory_space<vmem>>
      %dma_wait3A_416 = arith.constant 0 : i32
      %dma_wait3A_417 = arith.constant 0 : i32
      %dma_wait3A_418 = tpu.memref_slice %arg5[%dma_wait3A_416, %dma_wait3A_417] : memref<1000000x32xf32, #tpu.memory_space<hbm>> -> memref<1000000x32xf32, #tpu.memory_space<hbm>>
      %dma_wait3A_419 = tpu.memref_slice %arg11[%dma_wait3A_408] : memref<8x!tpu.dma_semaphore, #tpu.memory_space<semaphore_mem>> -> memref<1x!tpu.dma_semaphore, #tpu.memory_space<semaphore_mem>>
      %dma_wait3A_420 = tpu.memref_squeeze %dma_wait3A_419 : memref<1x!tpu.dma_semaphore, #tpu.memory_space<semaphore_mem>> -> memref<!tpu.dma_semaphore, #tpu.memory_space<semaphore_mem>>
      tpu.wait_indirect_dma semaphore(%dma_wait3A_420 : memref<!tpu.dma_semaphore, #tpu.memory_space<semaphore_mem>>) src(%dma_wait3A_418 : memref<1000000x32xf32, #tpu.memory_space<hbm>>) dst(%dma_wait3A_412 : memref<128x32xf32, #tpu.memory_space<vmem>>)
      %scan3A_421 = arith.constant 0 : i32
      %scan3A_422 = arith.constant 0 : i32
      %scan3A_423 = arith.constant 32 : i32
      %scan3A_424 = arith.addi %scan3A_422, %scan3A_423 : i32
      %scan3A_425 = arith.constant 1 : i32
      scf.for %scan3A_2508 = %scan3A_422 to %scan3A_424 step %scan3A_425  : i32 {
        %jit3A_2509 = arith.constant 8 : i32
        %div3A_2510 = arith.divsi %scan3A_2508, %jit3A_2509 : i32
        %sign3A_2511 = arith.constant 0 : i32
        %sign3A_2512 = arith.cmpi sgt, %scan3A_2508, %sign3A_2511 : i32
        %sign3A_2513 = arith.extui %sign3A_2512 : i1 to i32
        %sign3A_2514 = arith.constant 0 : i32
        %sign3A_2515 = arith.cmpi slt, %scan3A_2508, %sign3A_2514 : i32
        %sign3A_2516 = arith.extui %sign3A_2515 : i1 to i32
        %sign3A_2517 = arith.subi %sign3A_2513, %sign3A_2516 : i32
        %sign3A_2518 = arith.constant 0 : i32
        %sign3A_2519 = arith.cmpi sgt, %jit3A_2509, %sign3A_2518 : i32
        %sign3A_2520 = arith.extui %sign3A_2519 : i1 to i32
        %sign3A_2521 = arith.constant 0 : i32
        %sign3A_2522 = arith.cmpi slt, %jit3A_2509, %sign3A_2521 : i32
        %sign3A_2523 = arith.extui %sign3A_2522 : i1 to i32
        %sign3A_2524 = arith.subi %sign3A_2520, %sign3A_2523 : i32
        %ne3A_2525 = arith.cmpi ne, %sign3A_2517, %sign3A_2524 : i32
        %rem3A_2526 = arith.remsi %scan3A_2508, %jit3A_2509 : i32
        %ne3A_2527 = arith.constant 0 : i32
        %ne3A_2528 = arith.cmpi ne, %rem3A_2526, %ne3A_2527 : i32
        %and3A_2529 = arith.andi %ne3A_2525, %ne3A_2528 : i1
        %sub3A_2530 = arith.constant 1 : i32
        %sub3A_2531 = arith.subi %div3A_2510, %sub3A_2530 : i32
        %select_n3A_2532 = arith.select %and3A_2529, %sub3A_2531, %div3A_2510 : i32
        %mul3A_2533 = arith.constant 8 : i32
        %mul3A_2534 = arith.muli %select_n3A_2532, %mul3A_2533 : i32
        %sub3A_2535 = arith.subi %scan3A_2508, %mul3A_2534 : i32
        %add3A_2536 = arith.constant 0 : i32
        %add3A_2537 = vector.broadcast %add3A_2536 : i32 to vector<16xi32>
        %add3A_2538 = arith.addi %iota3A, %add3A_2537 : vector<16xi32>
        %broadcast_in_dim3A = arith.constant 0 : i32
        %broadcast_in_dim3A_2539 = vector.broadcast %broadcast_in_dim3A : i32 to vector<16xi32>
        %add3A_2540 = vector.broadcast %scan3A_2508 : i32 to vector<16xi32>
        %add3A_2541 = arith.addi %broadcast_in_dim3A_2539, %add3A_2540 : vector<16xi32>
        %gather3A = arith.constant 0 : i32
        %gather3A_2542 = arith.constant 0 : i32
        %gather3A_2543 = arith.constant 0 : i32
        %gather3A_2544 = tpu.memref_slice %arg9[%gather3A, %gather3A_2542, %gather3A_2543] : memref<8x128x32xf32, #tpu.memory_space<vmem>> -> memref<1x128x32xf32, #tpu.memory_space<vmem>>
        %gather3A_2545 = tpu.memref_squeeze %gather3A_2544 : memref<1x128x32xf32, #tpu.memory_space<vmem>> -> memref<128x32xf32, #tpu.memory_space<vmem>>
        %gather3A_2546 = tpu.vector_load_idx %gather3A_2545[%add3A_2538, %add3A_2541] : memref<128x32xf32, #tpu.memory_space<vmem>>[vector<16xi32>, vector<16xi32>], vector<16xf32>,
        %swap3A = arith.constant 0 : i32
        %swap3A_2547 = arith.index_cast %swap3A : i32 to index
        %swap3A_2548 = arith.index_cast %select_n3A_2532 : i32 to index
        %swap3A_2549 = arith.index_cast %sub3A_2535 : i32 to index
        %swap3A_2550 = arith.constant 0 : index
        %swap3A_2551 = tpu.vector_load %arg10[%swap3A_2547, %swap3A_2548, %swap3A_2549, %swap3A_2550] {strides = array<i32>} : memref<8x4x8x128xf32, #tpu.memory_space<vmem>>, vector<16xf32>,
        tpu.vector_store %arg10[%swap3A_2547, %swap3A_2548, %swap3A_2549, %swap3A_2550], %gather3A_2546 {strides = array<i32>} : memref<8x4x8x128xf32, #tpu.memory_space<vmem>>, vector<16xf32>,
        %add3A_2552 = arith.constant 16 : i32
        %add3A_2553 = vector.broadcast %add3A_2552 : i32 to vector<16xi32>
        %add3A_2554 = arith.addi %iota3A, %add3A_2553 : vector<16xi32>
        %broadcast_in_dim3A_2555 = arith.constant 0 : i32
        %broadcast_in_dim3A_2556 = vector.broadcast %broadcast_in_dim3A_2555 : i32 to vector<16xi32>
        %add3A_2557 = vector.broadcast %scan3A_2508 : i32 to vector<16xi32>
        %add3A_2558 = arith.addi %broadcast_in_dim3A_2556, %add3A_2557 : vector<16xi32>
        %gather3A_2559 = arith.constant 0 : i32
        %gather3A_2560 = arith.constant 0 : i32
        %gather3A_2561 = arith.constant 0 : i32
        %gather3A_2562 = tpu.memref_slice %arg9[%gather3A_2559, %gather3A_2560, %gather3A_2561] : memref<8x128x32xf32, #tpu.memory_space<vmem>> -> memref<1x128x32xf32, #tpu.memory_space<vmem>>
        %gather3A_2563 = tpu.memref_squeeze %gather3A_2562 : memref<1x128x32xf32, #tpu.memory_space<vmem>> -> memref<128x32xf32, #tpu.memory_space<vmem>>
        %gather3A_2564 = tpu.vector_load_idx %gather3A_2563[%add3A_2554, %add3A_2558] : memref<128x32xf32, #tpu.memory_space<vmem>>[vector<16xi32>, vector<16xi32>], vector<16xf32>,
        %swap3A_2565 = arith.constant 0 : i32
        %swap3A_2566 = arith.index_cast %swap3A_2565 : i32 to index
        %swap3A_2567 = arith.index_cast %select_n3A_2532 : i32 to index
        %swap3A_2568 = arith.index_cast %sub3A_2535 : i32 to index
        %swap3A_2569 = arith.constant 16 : index
        %swap3A_2570 = tpu.vector_load %arg10[%swap3A_2566, %swap3A_2567, %swap3A_2568, %swap3A_2569] {strides = array<i32>} : memref<8x4x8x128xf32, #tpu.memory_space<vmem>>, vector<16xf32>,
        tpu.vector_store %arg10[%swap3A_2566, %swap3A_2567, %swap3A_2568, %swap3A_2569], %gather3A_2564 {strides = array<i32>} : memref<8x4x8x128xf32, #tpu.memory_space<vmem>>, vector<16xf32>,
        %add3A_2571 = arith.constant 32 : i32
        %add3A_2572 = vector.broadcast %add3A_2571 : i32 to vector<16xi32>
        %add3A_2573 = arith.addi %iota3A, %add3A_2572 : vector<16xi32>
        %broadcast_in_dim3A_2574 = arith.constant 0 : i32
        %broadcast_in_dim3A_2575 = vector.broadcast %broadcast_in_dim3A_2574 : i32 to vector<16xi32>
        %add3A_2576 = vector.broadcast %scan3A_2508 : i32 to vector<16xi32>
        %add3A_2577 = arith.addi %broadcast_in_dim3A_2575, %add3A_2576 : vector<16xi32>
        %gather3A_2578 = arith.constant 0 : i32
        %gather3A_2579 = arith.constant 0 : i32
        %gather3A_2580 = arith.constant 0 : i32
        %gather3A_2581 = tpu.memref_slice %arg9[%gather3A_2578, %gather3A_2579, %gather3A_2580] : memref<8x128x32xf32, #tpu.memory_space<vmem>> -> memref<1x128x32xf32, #tpu.memory_space<vmem>>
        %gather3A_2582 = tpu.memref_squeeze %gather3A_2581 : memref<1x128x32xf32, #tpu.memory_space<vmem>> -> memref<128x32xf32, #tpu.memory_space<vmem>>
        %gather3A_2583 = tpu.vector_load_idx %gather3A_2582[%add3A_2573, %add3A_2577] : memref<128x32xf32, #tpu.memory_space<vmem>>[vector<16xi32>, vector<16xi32>], vector<16xf32>,
        %swap3A_2584 = arith.constant 0 : i32
        %swap3A_2585 = arith.index_cast %swap3A_2584 : i32 to index
        %swap3A_2586 = arith.index_cast %select_n3A_2532 : i32 to index
        %swap3A_2587 = arith.index_cast %sub3A_2535 : i32 to index
        %swap3A_2588 = arith.constant 32 : index
        %swap3A_2589 = tpu.vector_load %arg10[%swap3A_2585, %swap3A_2586, %swap3A_2587, %swap3A_2588] {strides = array<i32>} : memref<8x4x8x128xf32, #tpu.memory_space<vmem>>, vector<16xf32>,
        tpu.vector_store %arg10[%swap3A_2585, %swap3A_2586, %swap3A_2587, %swap3A_2588], %gather3A_2583 {strides = array<i32>} : memref<8x4x8x128xf32, #tpu.memory_space<vmem>>, vector<16xf32>,
        %add3A_2590 = arith.constant 48 : i32
        %add3A_2591 = vector.broadcast %add3A_2590 : i32 to vector<16xi32>
        %add3A_2592 = arith.addi %iota3A, %add3A_2591 : vector<16xi32>
        %broadcast_in_dim3A_2593 = arith.constant 0 : i32
        %broadcast_in_dim3A_2594 = vector.broadcast %broadcast_in_dim3A_2593 : i32 to vector<16xi32>
        %add3A_2595 = vector.broadcast %scan3A_2508 : i32 to vector<16xi32>
        %add3A_2596 = arith.addi %broadcast_in_dim3A_2594, %add3A_2595 : vector<16xi32>
        %gather3A_2597 = arith.constant 0 : i32
        %gather3A_2598 = arith.constant 0 : i32
        %gather3A_2599 = arith.constant 0 : i32
        %gather3A_2600 = tpu.memref_slice %arg9[%gather3A_2597, %gather3A_2598, %gather3A_2599] : memref<8x128x32xf32, #tpu.memory_space<vmem>> -> memref<1x128x32xf32, #tpu.memory_space<vmem>>
        %gather3A_2601 = tpu.memref_squeeze %gather3A_2600 : memref<1x128x32xf32, #tpu.memory_space<vmem>> -> memref<128x32xf32, #tpu.memory_space<vmem>>
        %gather3A_2602 = tpu.vector_load_idx %gather3A_2601[%add3A_2592, %add3A_2596] : memref<128x32xf32, #tpu.memory_space<vmem>>[vector<16xi32>, vector<16xi32>], vector<16xf32>,
        %swap3A_2603 = arith.constant 0 : i32
        %swap3A_2604 = arith.index_cast %swap3A_2603 : i32 to index
        %swap3A_2605 = arith.index_cast %select_n3A_2532 : i32 to index
        %swap3A_2606 = arith.index_cast %sub3A_2535 : i32 to index
        %swap3A_2607 = arith.constant 48 : index
        %swap3A_2608 = tpu.vector_load %arg10[%swap3A_2604, %swap3A_2605, %swap3A_2606, %swap3A_2607] {strides = array<i32>} : memref<8x4x8x128xf32, #tpu.memory_space<vmem>>, vector<16xf32>,
        tpu.vector_store %arg10[%swap3A_2604, %swap3A_2605, %swap3A_2606, %swap3A_2607], %gather3A_2602 {strides = array<i32>} : memref<8x4x8x128xf32, #tpu.memory_space<vmem>>, vector<16xf32>,
        %add3A_2609 = arith.constant 64 : i32
        %add3A_2610 = vector.broadcast %add3A_2609 : i32 to vector<16xi32>
        %add3A_2611 = arith.addi %iota3A, %add3A_2610 : vector<16xi32>
        %broadcast_in_dim3A_2612 = arith.constant 0 : i32
        %broadcast_in_dim3A_2613 = vector.broadcast %broadcast_in_dim3A_2612 : i32 to vector<16xi32>
        %add3A_2614 = vector.broadcast %scan3A_2508 : i32 to vector<16xi32>
        %add3A_2615 = arith.addi %broadcast_in_dim3A_2613, %add3A_2614 : vector<16xi32>
        %gather3A_2616 = arith.constant 0 : i32
        %gather3A_2617 = arith.constant 0 : i32
        %gather3A_2618 = arith.constant 0 : i32
        %gather3A_2619 = tpu.memref_slice %arg9[%gather3A_2616, %gather3A_2617, %gather3A_2618] : memref<8x128x32xf32, #tpu.memory_space<vmem>> -> memref<1x128x32xf32, #tpu.memory_space<vmem>>
        %gather3A_2620 = tpu.memref_squeeze %gather3A_2619 : memref<1x128x32xf32, #tpu.memory_space<vmem>> -> memref<128x32xf32, #tpu.memory_space<vmem>>
        %gather3A_2621 = tpu.vector_load_idx %gather3A_2620[%add3A_2611, %add3A_2615] : memref<128x32xf32, #tpu.memory_space<vmem>>[vector<16xi32>, vector<16xi32>], vector<16xf32>,
        %swap3A_2622 = arith.constant 0 : i32
        %swap3A_2623 = arith.index_cast %swap3A_2622 : i32 to index
        %swap3A_2624 = arith.index_cast %select_n3A_2532 : i32 to index
        %swap3A_2625 = arith.index_cast %sub3A_2535 : i32 to index
        %swap3A_2626 = arith.constant 64 : index
        %swap3A_2627 = tpu.vector_load %arg10[%swap3A_2623, %swap3A_2624, %swap3A_2625, %swap3A_2626] {strides = array<i32>} : memref<8x4x8x128xf32, #tpu.memory_space<vmem>>, vector<16xf32>,
        tpu.vector_store %arg10[%swap3A_2623, %swap3A_2624, %swap3A_2625, %swap3A_2626], %gather3A_2621 {strides = array<i32>} : memref<8x4x8x128xf32, #tpu.memory_space<vmem>>, vector<16xf32>,
        %add3A_2628 = arith.constant 80 : i32
        %add3A_2629 = vector.broadcast %add3A_2628 : i32 to vector<16xi32>
        %add3A_2630 = arith.addi %iota3A, %add3A_2629 : vector<16xi32>
        %broadcast_in_dim3A_2631 = arith.constant 0 : i32
        %broadcast_in_dim3A_2632 = vector.broadcast %broadcast_in_dim3A_2631 : i32 to vector<16xi32>
        %add3A_2633 = vector.broadcast %scan3A_2508 : i32 to vector<16xi32>
        %add3A_2634 = arith.addi %broadcast_in_dim3A_2632, %add3A_2633 : vector<16xi32>
        %gather3A_2635 = arith.constant 0 : i32
        %gather3A_2636 = arith.constant 0 : i32
        %gather3A_2637 = arith.constant 0 : i32
        %gather3A_2638 = tpu.memref_slice %arg9[%gather3A_2635, %gather3A_2636, %gather3A_2637] : memref<8x128x32xf32, #tpu.memory_space<vmem>> -> memref<1x128x32xf32, #tpu.memory_space<vmem>>
        %gather3A_2639 = tpu.memref_squeeze %gather3A_2638 : memref<1x128x32xf32, #tpu.memory_space<vmem>> -> memref<128x32xf32, #tpu.memory_space<vmem>>
        %gather3A_2640 = tpu.vector_load_idx %gather3A_2639[%add3A_2630, %add3A_2634] : memref<128x32xf32, #tpu.memory_space<vmem>>[vector<16xi32>, vector<16xi32>], vector<16xf32>,
        %swap3A_2641 = arith.constant 0 : i32
        %swap3A_2642 = arith.index_cast %swap3A_2641 : i32 to index
        %swap3A_2643 = arith.index_cast %select_n3A_2532 : i32 to index
        %swap3A_2644 = arith.index_cast %sub3A_2535 : i32 to index
        %swap3A_2645 = arith.constant 80 : index
        %swap3A_2646 = tpu.vector_load %arg10[%swap3A_2642, %swap3A_2643, %swap3A_2644, %swap3A_2645] {strides = array<i32>} : memref<8x4x8x128xf32, #tpu.memory_space<vmem>>, vector<16xf32>,
        tpu.vector_store %arg10[%swap3A_2642, %swap3A_2643, %swap3A_2644, %swap3A_2645], %gather3A_2640 {strides = array<i32>} : memref<8x4x8x128xf32, #tpu.memory_space<vmem>>, vector<16xf32>,
        %add3A_2647 = arith.constant 96 : i32
        %add3A_2648 = vector.broadcast %add3A_2647 : i32 to vector<16xi32>
        %add3A_2649 = arith.addi %iota3A, %add3A_2648 : vector<16xi32>
        %broadcast_in_dim3A_2650 = arith.constant 0 : i32
        %broadcast_in_dim3A_2651 = vector.broadcast %broadcast_in_dim3A_2650 : i32 to vector<16xi32>
        %add3A_2652 = vector.broadcast %scan3A_2508 : i32 to vector<16xi32>
        %add3A_2653 = arith.addi %broadcast_in_dim3A_2651, %add3A_2652 : vector<16xi32>
        %gather3A_2654 = arith.constant 0 : i32
        %gather3A_2655 = arith.constant 0 : i32
        %gather3A_2656 = arith.constant 0 : i32
        %gather3A_2657 = tpu.memref_slice %arg9[%gather3A_2654, %gather3A_2655, %gather3A_2656] : memref<8x128x32xf32, #tpu.memory_space<vmem>> -> memref<1x128x32xf32, #tpu.memory_space<vmem>>
        %gather3A_2658 = tpu.memref_squeeze %gather3A_2657 : memref<1x128x32xf32, #tpu.memory_space<vmem>> -> memref<128x32xf32, #tpu.memory_space<vmem>>
        %gather3A_2659 = tpu.vector_load_idx %gather3A_2658[%add3A_2649, %add3A_2653] : memref<128x32xf32, #tpu.memory_space<vmem>>[vector<16xi32>, vector<16xi32>], vector<16xf32>,
        %swap3A_2660 = arith.constant 0 : i32
        %swap3A_2661 = arith.index_cast %swap3A_2660 : i32 to index
        %swap3A_2662 = arith.index_cast %select_n3A_2532 : i32 to index
        %swap3A_2663 = arith.index_cast %sub3A_2535 : i32 to index
        %swap3A_2664 = arith.constant 96 : index
        %swap3A_2665 = tpu.vector_load %arg10[%swap3A_2661, %swap3A_2662, %swap3A_2663, %swap3A_2664] {strides = array<i32>} : memref<8x4x8x128xf32, #tpu.memory_space<vmem>>, vector<16xf32>,
        tpu.vector_store %arg10[%swap3A_2661, %swap3A_2662, %swap3A_2663, %swap3A_2664], %gather3A_2659 {strides = array<i32>} : memref<8x4x8x128xf32, #tpu.memory_space<vmem>>, vector<16xf32>,
        %add3A_2666 = arith.constant 112 : i32
        %add3A_2667 = vector.broadcast %add3A_2666 : i32 to vector<16xi32>
        %add3A_2668 = arith.addi %iota3A, %add3A_2667 : vector<16xi32>
        %broadcast_in_dim3A_2669 = arith.constant 0 : i32
        %broadcast_in_dim3A_2670 = vector.broadcast %broadcast_in_dim3A_2669 : i32 to vector<16xi32>
        %add3A_2671 = vector.broadcast %scan3A_2508 : i32 to vector<16xi32>
        %add3A_2672 = arith.addi %broadcast_in_dim3A_2670, %add3A_2671 : vector<16xi32>
        %gather3A_2673 = arith.constant 0 : i32
        %gather3A_2674 = arith.constant 0 : i32
        %gather3A_2675 = arith.constant 0 : i32
        %gather3A_2676 = tpu.memref_slice %arg9[%gather3A_2673, %gather3A_2674, %gather3A_2675] : memref<8x128x32xf32, #tpu.memory_space<vmem>> -> memref<1x128x32xf32, #tpu.memory_space<vmem>>
        %gather3A_2677 = tpu.memref_squeeze %gather3A_2676 : memref<1x128x32xf32, #tpu.memory_space<vmem>> -> memref<128x32xf32, #tpu.memory_space<vmem>>
        %gather3A_2678 = tpu.vector_load_idx %gather3A_2677[%add3A_2668, %add3A_2672] : memref<128x32xf32, #tpu.memory_space<vmem>>[vector<16xi32>, vector<16xi32>], vector<16xf32>,
        %swap3A_2679 = arith.constant 0 : i32
        %swap3A_2680 = arith.index_cast %swap3A_2679 : i32 to index
        %swap3A_2681 = arith.index_cast %select_n3A_2532 : i32 to index
        %swap3A_2682 = arith.index_cast %sub3A_2535 : i32 to index
        %swap3A_2683 = arith.constant 112 : index
        %swap3A_2684 = tpu.vector_load %arg10[%swap3A_2680, %swap3A_2681, %swap3A_2682, %swap3A_2683] {strides = array<i32>} : memref<8x4x8x128xf32, #tpu.memory_space<vmem>>, vector<16xf32>,
        tpu.vector_store %arg10[%swap3A_2680, %swap3A_2681, %swap3A_2682, %swap3A_2683], %gather3A_2678 {strides = array<i32>} : memref<8x4x8x128xf32, #tpu.memory_space<vmem>>, vector<16xf32>,
      }
      %scan3A_426 = arith.constant 32 : i32
      %dma_start3A_427 = arith.constant 0 : i32
      %dma_start3A_428 = arith.constant 0 : i32
      %dma_start3A_429 = arith.constant 0 : i32
      %dma_start3A_430 = arith.constant 0 : i32
      %dma_start3A_431 = arith.constant 0 : i32
      %dma_start3A_432 = arith.constant 0 : i32
      %dma_start3A_433 = tpu.memref_slice %arg10[%dma_start3A_427, %dma_start3A_428, %dma_start3A_431, %dma_start3A_432] : memref<8x4x8x128xf32, #tpu.memory_space<vmem>> -> memref<1x1x8x128xf32, #tpu.memory_space<vmem>>
      %dma_start3A_434 = tpu.memref_squeeze %dma_start3A_433 : memref<1x1x8x128xf32, #tpu.memory_space<vmem>> -> memref<8x128xf32, #tpu.memory_space<vmem>>
      %dma_start3A_435 = arith.constant 0 : i32
      %dma_start3A_436 = arith.constant 0 : i32
      %dma_start3A_437 = tpu.memref_slice %arg6[%select_n3A, %dma_start3A_429, %sub3A_406, %dma_start3A_435, %dma_start3A_436] : memref<50x4x128x8x128xf32, #tpu.memory_space<hbm>> -> memref<1x1x1x8x128xf32, #tpu.memory_space<hbm>>
      %dma_start3A_438 = tpu.memref_squeeze %dma_start3A_437 : memref<1x1x1x8x128xf32, #tpu.memory_space<hbm>> -> memref<8x128xf32, #tpu.memory_space<hbm>>
      %dma_start3A_439 = tpu.memref_slice %arg11[%dma_start3A_430] : memref<8x!tpu.dma_semaphore, #tpu.memory_space<semaphore_mem>> -> memref<1x!tpu.dma_semaphore, #tpu.memory_space<semaphore_mem>>
      %dma_start3A_440 = tpu.memref_squeeze %dma_start3A_439 : memref<1x!tpu.dma_semaphore, #tpu.memory_space<semaphore_mem>> -> memref<!tpu.dma_semaphore, #tpu.memory_space<semaphore_mem>>
      %dma_start3A_441 = arith.constant 0 : i32
      %dma_start3A_442 = arith.constant 0 : i32
      %dma_start3A_443 = tpu.memref_slice %arg6[%select_n3A, %dma_start3A_429, %sub3A_406, %dma_start3A_441, %dma_start3A_442] : memref<50x4x128x8x128xf32, #tpu.memory_space<hbm>> -> memref<1x1x1x8x128xf32, #tpu.memory_space<hbm>>
      %dma_start3A_444 = tpu.memref_squeeze %dma_start3A_443 : memref<1x1x1x8x128xf32, #tpu.memory_space<hbm>> -> memref<8x128xf32, #tpu.memory_space<hbm>>
      %dma_start3A_445 = arith.constant 0 : i32
      %dma_start3A_446 = arith.constant 0 : i32
      %dma_start3A_447 = tpu.memref_slice %arg10[%dma_start3A_427, %dma_start3A_428, %dma_start3A_445, %dma_start3A_446] : memref<8x4x8x128xf32, #tpu.memory_space<vmem>> -> memref<1x1x8x128xf32, #tpu.memory_space<vmem>>
      %dma_start3A_448 = tpu.memref_squeeze %dma_start3A_447 : memref<1x1x8x128xf32, #tpu.memory_space<vmem>> -> memref<8x128xf32, #tpu.memory_space<vmem>>
      tpu.enqueue_dma source(%dma_start3A_448 : memref<8x128xf32, #tpu.memory_space<vmem>>) target(%dma_start3A_444 : memref<8x128xf32, #tpu.memory_space<hbm>>) target_semaphore(%dma_start3A_440 : memref<!tpu.dma_semaphore, #tpu.memory_space<semaphore_mem>>)
      %dma_start3A_449 = arith.constant 0 : i32
      %dma_start3A_450 = arith.constant 1 : i32
      %dma_start3A_451 = arith.constant 1 : i32
      %dma_start3A_452 = arith.constant 0 : i32
      %dma_start3A_453 = arith.constant 0 : i32
      %dma_start3A_454 = arith.constant 0 : i32
      %dma_start3A_455 = tpu.memref_slice %arg10[%dma_start3A_449, %dma_start3A_450, %dma_start3A_453, %dma_start3A_454] : memref<8x4x8x128xf32, #tpu.memory_space<vmem>> -> memref<1x1x8x128xf32, #tpu.memory_space<vmem>>
      %dma_start3A_456 = tpu.memref_squeeze %dma_start3A_455 : memref<1x1x8x128xf32, #tpu.memory_space<vmem>> -> memref<8x128xf32, #tpu.memory_space<vmem>>
      %dma_start3A_457 = arith.constant 0 : i32
      %dma_start3A_458 = arith.constant 0 : i32
      %dma_start3A_459 = tpu.memref_slice %arg6[%select_n3A, %dma_start3A_451, %sub3A_406, %dma_start3A_457, %dma_start3A_458] : memref<50x4x128x8x128xf32, #tpu.memory_space<hbm>> -> memref<1x1x1x8x128xf32, #tpu.memory_space<hbm>>
      %dma_start3A_460 = tpu.memref_squeeze %dma_start3A_459 : memref<1x1x1x8x128xf32, #tpu.memory_space<hbm>> -> memref<8x128xf32, #tpu.memory_space<hbm>>
      %dma_start3A_461 = tpu.memref_slice %arg11[%dma_start3A_452] : memref<8x!tpu.dma_semaphore, #tpu.memory_space<semaphore_mem>> -> memref<1x!tpu.dma_semaphore, #tpu.memory_space<semaphore_mem>>
      %dma_start3A_462 = tpu.memref_squeeze %dma_start3A_461 : memref<1x!tpu.dma_semaphore, #tpu.memory_space<semaphore_mem>> -> memref<!tpu.dma_semaphore, #tpu.memory_space<semaphore_mem>>
      %dma_start3A_463 = arith.constant 0 : i32
      %dma_start3A_464 = arith.constant 0 : i32
      %dma_start3A_465 = tpu.memref_slice %arg6[%select_n3A, %dma_start3A_451, %sub3A_406, %dma_start3A_463, %dma_start3A_464] : memref<50x4x128x8x128xf32, #tpu.memory_space<hbm>> -> memref<1x1x1x8x128xf32, #tpu.memory_space<hbm>>
      %dma_start3A_466 = tpu.memref_squeeze %dma_start3A_465 : memref<1x1x1x8x128xf32, #tpu.memory_space<hbm>> -> memref<8x128xf32, #tpu.memory_space<hbm>>
      %dma_start3A_467 = arith.constant 0 : i32
      %dma_start3A_468 = arith.constant 0 : i32
      %dma_start3A_469 = tpu.memref_slice %arg10[%dma_start3A_449, %dma_start3A_450, %dma_start3A_467, %dma_start3A_468] : memref<8x4x8x128xf32, #tpu.memory_space<vmem>> -> memref<1x1x8x128xf32, #tpu.memory_space<vmem>>
      %dma_start3A_470 = tpu.memref_squeeze %dma_start3A_469 : memref<1x1x8x128xf32, #tpu.memory_space<vmem>> -> memref<8x128xf32, #tpu.memory_space<vmem>>
      tpu.enqueue_dma source(%dma_start3A_470 : memref<8x128xf32, #tpu.memory_space<vmem>>) target(%dma_start3A_466 : memref<8x128xf32, #tpu.memory_space<hbm>>) target_semaphore(%dma_start3A_462 : memref<!tpu.dma_semaphore, #tpu.memory_space<semaphore_mem>>)
      %dma_start3A_471 = arith.constant 0 : i32
      %dma_start3A_472 = arith.constant 2 : i32
      %dma_start3A_473 = arith.constant 2 : i32
      %dma_start3A_474 = arith.constant 0 : i32
      %dma_start3A_475 = arith.constant 0 : i32
      %dma_start3A_476 = arith.constant 0 : i32
      %dma_start3A_477 = tpu.memref_slice %arg10[%dma_start3A_471, %dma_start3A_472, %dma_start3A_475, %dma_start3A_476] : memref<8x4x8x128xf32, #tpu.memory_space<vmem>> -> memref<1x1x8x128xf32, #tpu.memory_space<vmem>>
      %dma_start3A_478 = tpu.memref_squeeze %dma_start3A_477 : memref<1x1x8x128xf32, #tpu.memory_space<vmem>> -> memref<8x128xf32, #tpu.memory_space<vmem>>
      %dma_start3A_479 = arith.constant 0 : i32
      %dma_start3A_480 = arith.constant 0 : i32
      %dma_start3A_481 = tpu.memref_slice %arg6[%select_n3A, %dma_start3A_473, %sub3A_406, %dma_start3A_479, %dma_start3A_480] : memref<50x4x128x8x128xf32, #tpu.memory_space<hbm>> -> memref<1x1x1x8x128xf32, #tpu.memory_space<hbm>>
      %dma_start3A_482 = tpu.memref_squeeze %dma_start3A_481 : memref<1x1x1x8x128xf32, #tpu.memory_space<hbm>> -> memref<8x128xf32, #tpu.memory_space<hbm>>
      %dma_start3A_483 = tpu.memref_slice %arg11[%dma_start3A_474] : memref<8x!tpu.dma_semaphore, #tpu.memory_space<semaphore_mem>> -> memref<1x!tpu.dma_semaphore, #tpu.memory_space<semaphore_mem>>
      %dma_start3A_484 = tpu.memref_squeeze %dma_start3A_483 : memref<1x!tpu.dma_semaphore, #tpu.memory_space<semaphore_mem>> -> memref<!tpu.dma_semaphore, #tpu.memory_space<semaphore_mem>>
      %dma_start3A_485 = arith.constant 0 : i32
      %dma_start3A_486 = arith.constant 0 : i32
      %dma_start3A_487 = tpu.memref_slice %arg6[%select_n3A, %dma_start3A_473, %sub3A_406, %dma_start3A_485, %dma_start3A_486] : memref<50x4x128x8x128xf32, #tpu.memory_space<hbm>> -> memref<1x1x1x8x128xf32, #tpu.memory_space<hbm>>
      %dma_start3A_488 = tpu.memref_squeeze %dma_start3A_487 : memref<1x1x1x8x128xf32, #tpu.memory_space<hbm>> -> memref<8x128xf32, #tpu.memory_space<hbm>>
      %dma_start3A_489 = arith.constant 0 : i32
      %dma_start3A_490 = arith.constant 0 : i32
      %dma_start3A_491 = tpu.memref_slice %arg10[%dma_start3A_471, %dma_start3A_472, %dma_start3A_489, %dma_start3A_490] : memref<8x4x8x128xf32, #tpu.memory_space<vmem>> -> memref<1x1x8x128xf32, #tpu.memory_space<vmem>>
      %dma_start3A_492 = tpu.memref_squeeze %dma_start3A_491 : memref<1x1x8x128xf32, #tpu.memory_space<vmem>> -> memref<8x128xf32, #tpu.memory_space<vmem>>
      tpu.enqueue_dma source(%dma_start3A_492 : memref<8x128xf32, #tpu.memory_space<vmem>>) target(%dma_start3A_488 : memref<8x128xf32, #tpu.memory_space<hbm>>) target_semaphore(%dma_start3A_484 : memref<!tpu.dma_semaphore, #tpu.memory_space<semaphore_mem>>)
      %dma_start3A_493 = arith.constant 0 : i32
      %dma_start3A_494 = arith.constant 3 : i32
      %dma_start3A_495 = arith.constant 3 : i32
      %dma_start3A_496 = arith.constant 0 : i32
      %dma_start3A_497 = arith.constant 0 : i32
      %dma_start3A_498 = arith.constant 0 : i32
      %dma_start3A_499 = tpu.memref_slice %arg10[%dma_start3A_493, %dma_start3A_494, %dma_start3A_497, %dma_start3A_498] : memref<8x4x8x128xf32, #tpu.memory_space<vmem>> -> memref<1x1x8x128xf32, #tpu.memory_space<vmem>>
      %dma_start3A_500 = tpu.memref_squeeze %dma_start3A_499 : memref<1x1x8x128xf32, #tpu.memory_space<vmem>> -> memref<8x128xf32, #tpu.memory_space<vmem>>
      %dma_start3A_501 = arith.constant 0 : i32
      %dma_start3A_502 = arith.constant 0 : i32
      %dma_start3A_503 = tpu.memref_slice %arg6[%select_n3A, %dma_start3A_495, %sub3A_406, %dma_start3A_501, %dma_start3A_502] : memref<50x4x128x8x128xf32, #tpu.memory_space<hbm>> -> memref<1x1x1x8x128xf32, #tpu.memory_space<hbm>>
      %dma_start3A_504 = tpu.memref_squeeze %dma_start3A_503 : memref<1x1x1x8x128xf32, #tpu.memory_space<hbm>> -> memref<8x128xf32, #tpu.memory_space<hbm>>
      %dma_start3A_505 = tpu.memref_slice %arg11[%dma_start3A_496] : memref<8x!tpu.dma_semaphore, #tpu.memory_space<semaphore_mem>> -> memref<1x!tpu.dma_semaphore, #tpu.memory_space<semaphore_mem>>
      %dma_start3A_506 = tpu.memref_squeeze %dma_start3A_505 : memref<1x!tpu.dma_semaphore, #tpu.memory_space<semaphore_mem>> -> memref<!tpu.dma_semaphore, #tpu.memory_space<semaphore_mem>>
      %dma_start3A_507 = arith.constant 0 : i32
      %dma_start3A_508 = arith.constant 0 : i32
      %dma_start3A_509 = tpu.memref_slice %arg6[%select_n3A, %dma_start3A_495, %sub3A_406, %dma_start3A_507, %dma_start3A_508] : memref<50x4x128x8x128xf32, #tpu.memory_space<hbm>> -> memref<1x1x1x8x128xf32, #tpu.memory_space<hbm>>
      %dma_start3A_510 = tpu.memref_squeeze %dma_start3A_509 : memref<1x1x1x8x128xf32, #tpu.memory_space<hbm>> -> memref<8x128xf32, #tpu.memory_space<hbm>>
      %dma_start3A_511 = arith.constant 0 : i32
      %dma_start3A_512 = arith.constant 0 : i32
      %dma_start3A_513 = tpu.memref_slice %arg10[%dma_start3A_493, %dma_start3A_494, %dma_start3A_511, %dma_start3A_512] : memref<8x4x8x128xf32, #tpu.memory_space<vmem>> -> memref<1x1x8x128xf32, #tpu.memory_space<vmem>>
      %dma_start3A_514 = tpu.memref_squeeze %dma_start3A_513 : memref<1x1x8x128xf32, #tpu.memory_space<vmem>> -> memref<8x128xf32, #tpu.memory_space<vmem>>
      tpu.enqueue_dma source(%dma_start3A_514 : memref<8x128xf32, #tpu.memory_space<vmem>>) target(%dma_start3A_510 : memref<8x128xf32, #tpu.memory_space<hbm>>) target_semaphore(%dma_start3A_506 : memref<!tpu.dma_semaphore, #tpu.memory_space<semaphore_mem>>)
      %mul3A_515 = arith.constant 8 : i32
      %mul3A_516 = arith.muli %scan3A_127, %mul3A_515 : i32
      %add3A_517 = arith.constant 1 : i32
      %add3A_518 = arith.addi %mul3A_516, %add3A_517 : i32
      %add3A_519 = arith.addi %mul3A_2, %add3A_518 : i32
      %jit3A_520 = arith.constant 128 : i32
      %div3A_521 = arith.divsi %add3A_519, %jit3A_520 : i32
      %sign3A_522 = arith.constant 0 : i32
      %sign3A_523 = arith.cmpi sgt, %add3A_519, %sign3A_522 : i32
      %sign3A_524 = arith.extui %sign3A_523 : i1 to i32
      %sign3A_525 = arith.constant 0 : i32
      %sign3A_526 = arith.cmpi slt, %add3A_519, %sign3A_525 : i32
      %sign3A_527 = arith.extui %sign3A_526 : i1 to i32
      %sign3A_528 = arith.subi %sign3A_524, %sign3A_527 : i32
      %sign3A_529 = arith.constant 0 : i32
      %sign3A_530 = arith.cmpi sgt, %jit3A_520, %sign3A_529 : i32
      %sign3A_531 = arith.extui %sign3A_530 : i1 to i32
      %sign3A_532 = arith.constant 0 : i32
      %sign3A_533 = arith.cmpi slt, %jit3A_520, %sign3A_532 : i32
      %sign3A_534 = arith.extui %sign3A_533 : i1 to i32
      %sign3A_535 = arith.subi %sign3A_531, %sign3A_534 : i32
      %ne3A_536 = arith.cmpi ne, %sign3A_528, %sign3A_535 : i32
      %rem3A_537 = arith.remsi %add3A_519, %jit3A_520 : i32
      %ne3A_538 = arith.constant 0 : i32
      %ne3A_539 = arith.cmpi ne, %rem3A_537, %ne3A_538 : i32
      %and3A_540 = arith.andi %ne3A_536, %ne3A_539 : i1
      %sub3A_541 = arith.constant 1 : i32
      %sub3A_542 = arith.subi %div3A_521, %sub3A_541 : i32
      %select_n3A_543 = arith.select %and3A_540, %sub3A_542, %div3A_521 : i32
      %mul3A_544 = arith.constant 128 : i32
      %mul3A_545 = arith.muli %select_n3A_543, %mul3A_544 : i32
      %sub3A_546 = arith.subi %add3A_519, %mul3A_545 : i32
      %dma_wait3A_547 = arith.constant 1 : i32
      %dma_wait3A_548 = arith.constant 1 : i32
      %dma_wait3A_549 = arith.constant 0 : i32
      %dma_wait3A_550 = arith.constant 0 : i32
      %dma_wait3A_551 = tpu.memref_slice %arg9[%dma_wait3A_547, %dma_wait3A_549, %dma_wait3A_550] : memref<8x128x32xf32, #tpu.memory_space<vmem>> -> memref<1x128x32xf32, #tpu.memory_space<vmem>>
      %dma_wait3A_552 = tpu.memref_squeeze %dma_wait3A_551 : memref<1x128x32xf32, #tpu.memory_space<vmem>> -> memref<128x32xf32, #tpu.memory_space<vmem>>
      %dma_wait3A_553 = arith.constant 0 : i32
      %dma_wait3A_554 = tpu.memref_slice %arg8[%add3A_518, %dma_wait3A_553] : memref<200x128xi32, #tpu.memory_space<vmem>> -> memref<1x128xi32, #tpu.memory_space<vmem>>
      %dma_wait3A_555 = tpu.memref_squeeze %dma_wait3A_554 : memref<1x128xi32, #tpu.memory_space<vmem>> -> memref<128xi32, #tpu.memory_space<vmem>>
      %dma_wait3A_556 = arith.constant 0 : i32
      %dma_wait3A_557 = arith.constant 0 : i32
      %dma_wait3A_558 = tpu.memref_slice %arg5[%dma_wait3A_556, %dma_wait3A_557] : memref<1000000x32xf32, #tpu.memory_space<hbm>> -> memref<1000000x32xf32, #tpu.memory_space<hbm>>
      %dma_wait3A_559 = tpu.memref_slice %arg11[%dma_wait3A_548] : memref<8x!tpu.dma_semaphore, #tpu.memory_space<semaphore_mem>> -> memref<1x!tpu.dma_semaphore, #tpu.memory_space<semaphore_mem>>
      %dma_wait3A_560 = tpu.memref_squeeze %dma_wait3A_559 : memref<1x!tpu.dma_semaphore, #tpu.memory_space<semaphore_mem>> -> memref<!tpu.dma_semaphore, #tpu.memory_space<semaphore_mem>>
      tpu.wait_indirect_dma semaphore(%dma_wait3A_560 : memref<!tpu.dma_semaphore, #tpu.memory_space<semaphore_mem>>) src(%dma_wait3A_558 : memref<1000000x32xf32, #tpu.memory_space<hbm>>) dst(%dma_wait3A_552 : memref<128x32xf32, #tpu.memory_space<vmem>>)
      %scan3A_561 = arith.constant 0 : i32
      %scan3A_562 = arith.constant 0 : i32
      %scan3A_563 = arith.constant 32 : i32
      %scan3A_564 = arith.addi %scan3A_562, %scan3A_563 : i32
      %scan3A_565 = arith.constant 1 : i32
      scf.for %scan3A_2508 = %scan3A_562 to %scan3A_564 step %scan3A_565  : i32 {
        %jit3A_2509 = arith.constant 8 : i32
        %div3A_2510 = arith.divsi %scan3A_2508, %jit3A_2509 : i32
        %sign3A_2511 = arith.constant 0 : i32
        %sign3A_2512 = arith.cmpi sgt, %scan3A_2508, %sign3A_2511 : i32
        %sign3A_2513 = arith.extui %sign3A_2512 : i1 to i32
        %sign3A_2514 = arith.constant 0 : i32
        %sign3A_2515 = arith.cmpi slt, %scan3A_2508, %sign3A_2514 : i32
        %sign3A_2516 = arith.extui %sign3A_2515 : i1 to i32
        %sign3A_2517 = arith.subi %sign3A_2513, %sign3A_2516 : i32
        %sign3A_2518 = arith.constant 0 : i32
        %sign3A_2519 = arith.cmpi sgt, %jit3A_2509, %sign3A_2518 : i32
        %sign3A_2520 = arith.extui %sign3A_2519 : i1 to i32
        %sign3A_2521 = arith.constant 0 : i32
        %sign3A_2522 = arith.cmpi slt, %jit3A_2509, %sign3A_2521 : i32
        %sign3A_2523 = arith.extui %sign3A_2522 : i1 to i32
        %sign3A_2524 = arith.subi %sign3A_2520, %sign3A_2523 : i32
        %ne3A_2525 = arith.cmpi ne, %sign3A_2517, %sign3A_2524 : i32
        %rem3A_2526 = arith.remsi %scan3A_2508, %jit3A_2509 : i32
        %ne3A_2527 = arith.constant 0 : i32
        %ne3A_2528 = arith.cmpi ne, %rem3A_2526, %ne3A_2527 : i32
        %and3A_2529 = arith.andi %ne3A_2525, %ne3A_2528 : i1
        %sub3A_2530 = arith.constant 1 : i32
        %sub3A_2531 = arith.subi %div3A_2510, %sub3A_2530 : i32
        %select_n3A_2532 = arith.select %and3A_2529, %sub3A_2531, %div3A_2510 : i32
        %mul3A_2533 = arith.constant 8 : i32
        %mul3A_2534 = arith.muli %select_n3A_2532, %mul3A_2533 : i32
        %sub3A_2535 = arith.subi %scan3A_2508, %mul3A_2534 : i32
        %add3A_2536 = arith.constant 0 : i32
        %add3A_2537 = vector.broadcast %add3A_2536 : i32 to vector<16xi32>
        %add3A_2538 = arith.addi %iota3A, %add3A_2537 : vector<16xi32>
        %broadcast_in_dim3A = arith.constant 0 : i32
        %broadcast_in_dim3A_2539 = vector.broadcast %broadcast_in_dim3A : i32 to vector<16xi32>
        %add3A_2540 = vector.broadcast %scan3A_2508 : i32 to vector<16xi32>
        %add3A_2541 = arith.addi %broadcast_in_dim3A_2539, %add3A_2540 : vector<16xi32>
        %gather3A = arith.constant 1 : i32
        %gather3A_2542 = arith.constant 0 : i32
        %gather3A_2543 = arith.constant 0 : i32
        %gather3A_2544 = tpu.memref_slice %arg9[%gather3A, %gather3A_2542, %gather3A_2543] : memref<8x128x32xf32, #tpu.memory_space<vmem>> -> memref<1x128x32xf32, #tpu.memory_space<vmem>>
        %gather3A_2545 = tpu.memref_squeeze %gather3A_2544 : memref<1x128x32xf32, #tpu.memory_space<vmem>> -> memref<128x32xf32, #tpu.memory_space<vmem>>
        %gather3A_2546 = tpu.vector_load_idx %gather3A_2545[%add3A_2538, %add3A_2541] : memref<128x32xf32, #tpu.memory_space<vmem>>[vector<16xi32>, vector<16xi32>], vector<16xf32>,
        %swap3A = arith.constant 1 : i32
        %swap3A_2547 = arith.index_cast %swap3A : i32 to index
        %swap3A_2548 = arith.index_cast %select_n3A_2532 : i32 to index
        %swap3A_2549 = arith.index_cast %sub3A_2535 : i32 to index
        %swap3A_2550 = arith.constant 0 : index
        %swap3A_2551 = tpu.vector_load %arg10[%swap3A_2547, %swap3A_2548, %swap3A_2549, %swap3A_2550] {strides = array<i32>} : memref<8x4x8x128xf32, #tpu.memory_space<vmem>>, vector<16xf32>,
        tpu.vector_store %arg10[%swap3A_2547, %swap3A_2548, %swap3A_2549, %swap3A_2550], %gather3A_2546 {strides = array<i32>} : memref<8x4x8x128xf32, #tpu.memory_space<vmem>>, vector<16xf32>,
        %add3A_2552 = arith.constant 16 : i32
        %add3A_2553 = vector.broadcast %add3A_2552 : i32 to vector<16xi32>
        %add3A_2554 = arith.addi %iota3A, %add3A_2553 : vector<16xi32>
        %broadcast_in_dim3A_2555 = arith.constant 0 : i32
        %broadcast_in_dim3A_2556 = vector.broadcast %broadcast_in_dim3A_2555 : i32 to vector<16xi32>
        %add3A_2557 = vector.broadcast %scan3A_2508 : i32 to vector<16xi32>
        %add3A_2558 = arith.addi %broadcast_in_dim3A_2556, %add3A_2557 : vector<16xi32>
        %gather3A_2559 = arith.constant 1 : i32
        %gather3A_2560 = arith.constant 0 : i32
        %gather3A_2561 = arith.constant 0 : i32
        %gather3A_2562 = tpu.memref_slice %arg9[%gather3A_2559, %gather3A_2560, %gather3A_2561] : memref<8x128x32xf32, #tpu.memory_space<vmem>> -> memref<1x128x32xf32, #tpu.memory_space<vmem>>
        %gather3A_2563 = tpu.memref_squeeze %gather3A_2562 : memref<1x128x32xf32, #tpu.memory_space<vmem>> -> memref<128x32xf32, #tpu.memory_space<vmem>>
        %gather3A_2564 = tpu.vector_load_idx %gather3A_2563[%add3A_2554, %add3A_2558] : memref<128x32xf32, #tpu.memory_space<vmem>>[vector<16xi32>, vector<16xi32>], vector<16xf32>,
        %swap3A_2565 = arith.constant 1 : i32
        %swap3A_2566 = arith.index_cast %swap3A_2565 : i32 to index
        %swap3A_2567 = arith.index_cast %select_n3A_2532 : i32 to index
        %swap3A_2568 = arith.index_cast %sub3A_2535 : i32 to index
        %swap3A_2569 = arith.constant 16 : index
        %swap3A_2570 = tpu.vector_load %arg10[%swap3A_2566, %swap3A_2567, %swap3A_2568, %swap3A_2569] {strides = array<i32>} : memref<8x4x8x128xf32, #tpu.memory_space<vmem>>, vector<16xf32>,
        tpu.vector_store %arg10[%swap3A_2566, %swap3A_2567, %swap3A_2568, %swap3A_2569], %gather3A_2564 {strides = array<i32>} : memref<8x4x8x128xf32, #tpu.memory_space<vmem>>, vector<16xf32>,
        %add3A_2571 = arith.constant 32 : i32
        %add3A_2572 = vector.broadcast %add3A_2571 : i32 to vector<16xi32>
        %add3A_2573 = arith.addi %iota3A, %add3A_2572 : vector<16xi32>
        %broadcast_in_dim3A_2574 = arith.constant 0 : i32
        %broadcast_in_dim3A_2575 = vector.broadcast %broadcast_in_dim3A_2574 : i32 to vector<16xi32>
        %add3A_2576 = vector.broadcast %scan3A_2508 : i32 to vector<16xi32>
        %add3A_2577 = arith.addi %broadcast_in_dim3A_2575, %add3A_2576 : vector<16xi32>
        %gather3A_2578 = arith.constant 1 : i32
        %gather3A_2579 = arith.constant 0 : i32
        %gather3A_2580 = arith.constant 0 : i32
        %gather3A_2581 = tpu.memref_slice %arg9[%gather3A_2578, %gather3A_2579, %gather3A_2580] : memref<8x128x32xf32, #tpu.memory_space<vmem>> -> memref<1x128x32xf32, #tpu.memory_space<vmem>>
        %gather3A_2582 = tpu.memref_squeeze %gather3A_2581 : memref<1x128x32xf32, #tpu.memory_space<vmem>> -> memref<128x32xf32, #tpu.memory_space<vmem>>
        %gather3A_2583 = tpu.vector_load_idx %gather3A_2582[%add3A_2573, %add3A_2577] : memref<128x32xf32, #tpu.memory_space<vmem>>[vector<16xi32>, vector<16xi32>], vector<16xf32>,
        %swap3A_2584 = arith.constant 1 : i32
        %swap3A_2585 = arith.index_cast %swap3A_2584 : i32 to index
        %swap3A_2586 = arith.index_cast %select_n3A_2532 : i32 to index
        %swap3A_2587 = arith.index_cast %sub3A_2535 : i32 to index
        %swap3A_2588 = arith.constant 32 : index
        %swap3A_2589 = tpu.vector_load %arg10[%swap3A_2585, %swap3A_2586, %swap3A_2587, %swap3A_2588] {strides = array<i32>} : memref<8x4x8x128xf32, #tpu.memory_space<vmem>>, vector<16xf32>,
        tpu.vector_store %arg10[%swap3A_2585, %swap3A_2586, %swap3A_2587, %swap3A_2588], %gather3A_2583 {strides = array<i32>} : memref<8x4x8x128xf32, #tpu.memory_space<vmem>>, vector<16xf32>,
        %add3A_2590 = arith.constant 48 : i32
        %add3A_2591 = vector.broadcast %add3A_2590 : i32 to vector<16xi32>
        %add3A_2592 = arith.addi %iota3A, %add3A_2591 : vector<16xi32>
        %broadcast_in_dim3A_2593 = arith.constant 0 : i32
        %broadcast_in_dim3A_2594 = vector.broadcast %broadcast_in_dim3A_2593 : i32 to vector<16xi32>
        %add3A_2595 = vector.broadcast %scan3A_2508 : i32 to vector<16xi32>
        %add3A_2596 = arith.addi %broadcast_in_dim3A_2594, %add3A_2595 : vector<16xi32>
        %gather3A_2597 = arith.constant 1 : i32
        %gather3A_2598 = arith.constant 0 : i32
        %gather3A_2599 = arith.constant 0 : i32
        %gather3A_2600 = tpu.memref_slice %arg9[%gather3A_2597, %gather3A_2598, %gather3A_2599] : memref<8x128x32xf32, #tpu.memory_space<vmem>> -> memref<1x128x32xf32, #tpu.memory_space<vmem>>
        %gather3A_2601 = tpu.memref_squeeze %gather3A_2600 : memref<1x128x32xf32, #tpu.memory_space<vmem>> -> memref<128x32xf32, #tpu.memory_space<vmem>>
        %gather3A_2602 = tpu.vector_load_idx %gather3A_2601[%add3A_2592, %add3A_2596] : memref<128x32xf32, #tpu.memory_space<vmem>>[vector<16xi32>, vector<16xi32>], vector<16xf32>,
        %swap3A_2603 = arith.constant 1 : i32
        %swap3A_2604 = arith.index_cast %swap3A_2603 : i32 to index
        %swap3A_2605 = arith.index_cast %select_n3A_2532 : i32 to index
        %swap3A_2606 = arith.index_cast %sub3A_2535 : i32 to index
        %swap3A_2607 = arith.constant 48 : index
        %swap3A_2608 = tpu.vector_load %arg10[%swap3A_2604, %swap3A_2605, %swap3A_2606, %swap3A_2607] {strides = array<i32>} : memref<8x4x8x128xf32, #tpu.memory_space<vmem>>, vector<16xf32>,
        tpu.vector_store %arg10[%swap3A_2604, %swap3A_2605, %swap3A_2606, %swap3A_2607], %gather3A_2602 {strides = array<i32>} : memref<8x4x8x128xf32, #tpu.memory_space<vmem>>, vector<16xf32>,
        %add3A_2609 = arith.constant 64 : i32
        %add3A_2610 = vector.broadcast %add3A_2609 : i32 to vector<16xi32>
        %add3A_2611 = arith.addi %iota3A, %add3A_2610 : vector<16xi32>
        %broadcast_in_dim3A_2612 = arith.constant 0 : i32
        %broadcast_in_dim3A_2613 = vector.broadcast %broadcast_in_dim3A_2612 : i32 to vector<16xi32>
        %add3A_2614 = vector.broadcast %scan3A_2508 : i32 to vector<16xi32>
        %add3A_2615 = arith.addi %broadcast_in_dim3A_2613, %add3A_2614 : vector<16xi32>
        %gather3A_2616 = arith.constant 1 : i32
        %gather3A_2617 = arith.constant 0 : i32
        %gather3A_2618 = arith.constant 0 : i32
        %gather3A_2619 = tpu.memref_slice %arg9[%gather3A_2616, %gather3A_2617, %gather3A_2618] : memref<8x128x32xf32, #tpu.memory_space<vmem>> -> memref<1x128x32xf32, #tpu.memory_space<vmem>>
        %gather3A_2620 = tpu.memref_squeeze %gather3A_2619 : memref<1x128x32xf32, #tpu.memory_space<vmem>> -> memref<128x32xf32, #tpu.memory_space<vmem>>
        %gather3A_2621 = tpu.vector_load_idx %gather3A_2620[%add3A_2611, %add3A_2615] : memref<128x32xf32, #tpu.memory_space<vmem>>[vector<16xi32>, vector<16xi32>], vector<16xf32>,
        %swap3A_2622 = arith.constant 1 : i32
        %swap3A_2623 = arith.index_cast %swap3A_2622 : i32 to index
        %swap3A_2624 = arith.index_cast %select_n3A_2532 : i32 to index
        %swap3A_2625 = arith.index_cast %sub3A_2535 : i32 to index
        %swap3A_2626 = arith.constant 64 : index
        %swap3A_2627 = tpu.vector_load %arg10[%swap3A_2623, %swap3A_2624, %swap3A_2625, %swap3A_2626] {strides = array<i32>} : memref<8x4x8x128xf32, #tpu.memory_space<vmem>>, vector<16xf32>,
        tpu.vector_store %arg10[%swap3A_2623, %swap3A_2624, %swap3A_2625, %swap3A_2626], %gather3A_2621 {strides = array<i32>} : memref<8x4x8x128xf32, #tpu.memory_space<vmem>>, vector<16xf32>,
        %add3A_2628 = arith.constant 80 : i32
        %add3A_2629 = vector.broadcast %add3A_2628 : i32 to vector<16xi32>
        %add3A_2630 = arith.addi %iota3A, %add3A_2629 : vector<16xi32>
        %broadcast_in_dim3A_2631 = arith.constant 0 : i32
        %broadcast_in_dim3A_2632 = vector.broadcast %broadcast_in_dim3A_2631 : i32 to vector<16xi32>
        %add3A_2633 = vector.broadcast %scan3A_2508 : i32 to vector<16xi32>
        %add3A_2634 = arith.addi %broadcast_in_dim3A_2632, %add3A_2633 : vector<16xi32>
        %gather3A_2635 = arith.constant 1 : i32
        %gather3A_2636 = arith.constant 0 : i32
        %gather3A_2637 = arith.constant 0 : i32
        %gather3A_2638 = tpu.memref_slice %arg9[%gather3A_2635, %gather3A_2636, %gather3A_2637] : memref<8x128x32xf32, #tpu.memory_space<vmem>> -> memref<1x128x32xf32, #tpu.memory_space<vmem>>
        %gather3A_2639 = tpu.memref_squeeze %gather3A_2638 : memref<1x128x32xf32, #tpu.memory_space<vmem>> -> memref<128x32xf32, #tpu.memory_space<vmem>>
        %gather3A_2640 = tpu.vector_load_idx %gather3A_2639[%add3A_2630, %add3A_2634] : memref<128x32xf32, #tpu.memory_space<vmem>>[vector<16xi32>, vector<16xi32>], vector<16xf32>,
        %swap3A_2641 = arith.constant 1 : i32
        %swap3A_2642 = arith.index_cast %swap3A_2641 : i32 to index
        %swap3A_2643 = arith.index_cast %select_n3A_2532 : i32 to index
        %swap3A_2644 = arith.index_cast %sub3A_2535 : i32 to index
        %swap3A_2645 = arith.constant 80 : index
        %swap3A_2646 = tpu.vector_load %arg10[%swap3A_2642, %swap3A_2643, %swap3A_2644, %swap3A_2645] {strides = array<i32>} : memref<8x4x8x128xf32, #tpu.memory_space<vmem>>, vector<16xf32>,
        tpu.vector_store %arg10[%swap3A_2642, %swap3A_2643, %swap3A_2644, %swap3A_2645], %gather3A_2640 {strides = array<i32>} : memref<8x4x8x128xf32, #tpu.memory_space<vmem>>, vector<16xf32>,
        %add3A_2647 = arith.constant 96 : i32
        %add3A_2648 = vector.broadcast %add3A_2647 : i32 to vector<16xi32>
        %add3A_2649 = arith.addi %iota3A, %add3A_2648 : vector<16xi32>
        %broadcast_in_dim3A_2650 = arith.constant 0 : i32
        %broadcast_in_dim3A_2651 = vector.broadcast %broadcast_in_dim3A_2650 : i32 to vector<16xi32>
        %add3A_2652 = vector.broadcast %scan3A_2508 : i32 to vector<16xi32>
        %add3A_2653 = arith.addi %broadcast_in_dim3A_2651, %add3A_2652 : vector<16xi32>
        %gather3A_2654 = arith.constant 1 : i32
        %gather3A_2655 = arith.constant 0 : i32
        %gather3A_2656 = arith.constant 0 : i32
        %gather3A_2657 = tpu.memref_slice %arg9[%gather3A_2654, %gather3A_2655, %gather3A_2656] : memref<8x128x32xf32, #tpu.memory_space<vmem>> -> memref<1x128x32xf32, #tpu.memory_space<vmem>>
        %gather3A_2658 = tpu.memref_squeeze %gather3A_2657 : memref<1x128x32xf32, #tpu.memory_space<vmem>> -> memref<128x32xf32, #tpu.memory_space<vmem>>
        %gather3A_2659 = tpu.vector_load_idx %gather3A_2658[%add3A_2649, %add3A_2653] : memref<128x32xf32, #tpu.memory_space<vmem>>[vector<16xi32>, vector<16xi32>], vector<16xf32>,
        %swap3A_2660 = arith.constant 1 : i32
        %swap3A_2661 = arith.index_cast %swap3A_2660 : i32 to index
        %swap3A_2662 = arith.index_cast %select_n3A_2532 : i32 to index
        %swap3A_2663 = arith.index_cast %sub3A_2535 : i32 to index
        %swap3A_2664 = arith.constant 96 : index
        %swap3A_2665 = tpu.vector_load %arg10[%swap3A_2661, %swap3A_2662, %swap3A_2663, %swap3A_2664] {strides = array<i32>} : memref<8x4x8x128xf32, #tpu.memory_space<vmem>>, vector<16xf32>,
        tpu.vector_store %arg10[%swap3A_2661, %swap3A_2662, %swap3A_2663, %swap3A_2664], %gather3A_2659 {strides = array<i32>} : memref<8x4x8x128xf32, #tpu.memory_space<vmem>>, vector<16xf32>,
        %add3A_2666 = arith.constant 112 : i32
        %add3A_2667 = vector.broadcast %add3A_2666 : i32 to vector<16xi32>
        %add3A_2668 = arith.addi %iota3A, %add3A_2667 : vector<16xi32>
        %broadcast_in_dim3A_2669 = arith.constant 0 : i32
        %broadcast_in_dim3A_2670 = vector.broadcast %broadcast_in_dim3A_2669 : i32 to vector<16xi32>
        %add3A_2671 = vector.broadcast %scan3A_2508 : i32 to vector<16xi32>
        %add3A_2672 = arith.addi %broadcast_in_dim3A_2670, %add3A_2671 : vector<16xi32>
        %gather3A_2673 = arith.constant 1 : i32
        %gather3A_2674 = arith.constant 0 : i32
        %gather3A_2675 = arith.constant 0 : i32
        %gather3A_2676 = tpu.memref_slice %arg9[%gather3A_2673, %gather3A_2674, %gather3A_2675] : memref<8x128x32xf32, #tpu.memory_space<vmem>> -> memref<1x128x32xf32, #tpu.memory_space<vmem>>
        %gather3A_2677 = tpu.memref_squeeze %gather3A_2676 : memref<1x128x32xf32, #tpu.memory_space<vmem>> -> memref<128x32xf32, #tpu.memory_space<vmem>>
        %gather3A_2678 = tpu.vector_load_idx %gather3A_2677[%add3A_2668, %add3A_2672] : memref<128x32xf32, #tpu.memory_space<vmem>>[vector<16xi32>, vector<16xi32>], vector<16xf32>,
        %swap3A_2679 = arith.constant 1 : i32
        %swap3A_2680 = arith.index_cast %swap3A_2679 : i32 to index
        %swap3A_2681 = arith.index_cast %select_n3A_2532 : i32 to index
        %swap3A_2682 = arith.index_cast %sub3A_2535 : i32 to index
        %swap3A_2683 = arith.constant 112 : index
        %swap3A_2684 = tpu.vector_load %arg10[%swap3A_2680, %swap3A_2681, %swap3A_2682, %swap3A_2683] {strides = array<i32>} : memref<8x4x8x128xf32, #tpu.memory_space<vmem>>, vector<16xf32>,
        tpu.vector_store %arg10[%swap3A_2680, %swap3A_2681, %swap3A_2682, %swap3A_2683], %gather3A_2678 {strides = array<i32>} : memref<8x4x8x128xf32, #tpu.memory_space<vmem>>, vector<16xf32>,
      }
      %scan3A_566 = arith.constant 32 : i32
      %dma_start3A_567 = arith.constant 1 : i32
      %dma_start3A_568 = arith.constant 0 : i32
      %dma_start3A_569 = arith.constant 0 : i32
      %dma_start3A_570 = arith.constant 1 : i32
      %dma_start3A_571 = arith.constant 0 : i32
      %dma_start3A_572 = arith.constant 0 : i32
      %dma_start3A_573 = tpu.memref_slice %arg10[%dma_start3A_567, %dma_start3A_568, %dma_start3A_571, %dma_start3A_572] : memref<8x4x8x128xf32, #tpu.memory_space<vmem>> -> memref<1x1x8x128xf32, #tpu.memory_space<vmem>>
      %dma_start3A_574 = tpu.memref_squeeze %dma_start3A_573 : memref<1x1x8x128xf32, #tpu.memory_space<vmem>> -> memref<8x128xf32, #tpu.memory_space<vmem>>
      %dma_start3A_575 = arith.constant 0 : i32
      %dma_start3A_576 = arith.constant 0 : i32
      %dma_start3A_577 = tpu.memref_slice %arg6[%select_n3A_543, %dma_start3A_569, %sub3A_546, %dma_start3A_575, %dma_start3A_576] : memref<50x4x128x8x128xf32, #tpu.memory_space<hbm>> -> memref<1x1x1x8x128xf32, #tpu.memory_space<hbm>>
      %dma_start3A_578 = tpu.memref_squeeze %dma_start3A_577 : memref<1x1x1x8x128xf32, #tpu.memory_space<hbm>> -> memref<8x128xf32, #tpu.memory_space<hbm>>
      %dma_start3A_579 = tpu.memref_slice %arg11[%dma_start3A_570] : memref<8x!tpu.dma_semaphore, #tpu.memory_space<semaphore_mem>> -> memref<1x!tpu.dma_semaphore, #tpu.memory_space<semaphore_mem>>
      %dma_start3A_580 = tpu.memref_squeeze %dma_start3A_579 : memref<1x!tpu.dma_semaphore, #tpu.memory_space<semaphore_mem>> -> memref<!tpu.dma_semaphore, #tpu.memory_space<semaphore_mem>>
      %dma_start3A_581 = arith.constant 0 : i32
      %dma_start3A_582 = arith.constant 0 : i32
      %dma_start3A_583 = tpu.memref_slice %arg6[%select_n3A_543, %dma_start3A_569, %sub3A_546, %dma_start3A_581, %dma_start3A_582] : memref<50x4x128x8x128xf32, #tpu.memory_space<hbm>> -> memref<1x1x1x8x128xf32, #tpu.memory_space<hbm>>
      %dma_start3A_584 = tpu.memref_squeeze %dma_start3A_583 : memref<1x1x1x8x128xf32, #tpu.memory_space<hbm>> -> memref<8x128xf32, #tpu.memory_space<hbm>>
      %dma_start3A_585 = arith.constant 0 : i32
      %dma_start3A_586 = arith.constant 0 : i32
      %dma_start3A_587 = tpu.memref_slice %arg10[%dma_start3A_567, %dma_start3A_568, %dma_start3A_585, %dma_start3A_586] : memref<8x4x8x128xf32, #tpu.memory_space<vmem>> -> memref<1x1x8x128xf32, #tpu.memory_space<vmem>>
      %dma_start3A_588 = tpu.memref_squeeze %dma_start3A_587 : memref<1x1x8x128xf32, #tpu.memory_space<vmem>> -> memref<8x128xf32, #tpu.memory_space<vmem>>
      tpu.enqueue_dma source(%dma_start3A_588 : memref<8x128xf32, #tpu.memory_space<vmem>>) target(%dma_start3A_584 : memref<8x128xf32, #tpu.memory_space<hbm>>) target_semaphore(%dma_start3A_580 : memref<!tpu.dma_semaphore, #tpu.memory_space<semaphore_mem>>)
      %dma_start3A_589 = arith.constant 1 : i32
      %dma_start3A_590 = arith.constant 1 : i32
      %dma_start3A_591 = arith.constant 1 : i32
      %dma_start3A_592 = arith.constant 1 : i32
      %dma_start3A_593 = arith.constant 0 : i32
      %dma_start3A_594 = arith.constant 0 : i32
      %dma_start3A_595 = tpu.memref_slice %arg10[%dma_start3A_589, %dma_start3A_590, %dma_start3A_593, %dma_start3A_594] : memref<8x4x8x128xf32, #tpu.memory_space<vmem>> -> memref<1x1x8x128xf32, #tpu.memory_space<vmem>>
      %dma_start3A_596 = tpu.memref_squeeze %dma_start3A_595 : memref<1x1x8x128xf32, #tpu.memory_space<vmem>> -> memref<8x128xf32, #tpu.memory_space<vmem>>
      %dma_start3A_597 = arith.constant 0 : i32
      %dma_start3A_598 = arith.constant 0 : i32
      %dma_start3A_599 = tpu.memref_slice %arg6[%select_n3A_543, %dma_start3A_591, %sub3A_546, %dma_start3A_597, %dma_start3A_598] : memref<50x4x128x8x128xf32, #tpu.memory_space<hbm>> -> memref<1x1x1x8x128xf32, #tpu.memory_space<hbm>>
      %dma_start3A_600 = tpu.memref_squeeze %dma_start3A_599 : memref<1x1x1x8x128xf32, #tpu.memory_space<hbm>> -> memref<8x128xf32, #tpu.memory_space<hbm>>
      %dma_start3A_601 = tpu.memref_slice %arg11[%dma_start3A_592] : memref<8x!tpu.dma_semaphore, #tpu.memory_space<semaphore_mem>> -> memref<1x!tpu.dma_semaphore, #tpu.memory_space<semaphore_mem>>
      %dma_start3A_602 = tpu.memref_squeeze %dma_start3A_601 : memref<1x!tpu.dma_semaphore, #tpu.memory_space<semaphore_mem>> -> memref<!tpu.dma_semaphore, #tpu.memory_space<semaphore_mem>>
      %dma_start3A_603 = arith.constant 0 : i32
      %dma_start3A_604 = arith.constant 0 : i32
      %dma_start3A_605 = tpu.memref_slice %arg6[%select_n3A_543, %dma_start3A_591, %sub3A_546, %dma_start3A_603, %dma_start3A_604] : memref<50x4x128x8x128xf32, #tpu.memory_space<hbm>> -> memref<1x1x1x8x128xf32, #tpu.memory_space<hbm>>
      %dma_start3A_606 = tpu.memref_squeeze %dma_start3A_605 : memref<1x1x1x8x128xf32, #tpu.memory_space<hbm>> -> memref<8x128xf32, #tpu.memory_space<hbm>>
      %dma_start3A_607 = arith.constant 0 : i32
      %dma_start3A_608 = arith.constant 0 : i32
      %dma_start3A_609 = tpu.memref_slice %arg10[%dma_start3A_589, %dma_start3A_590, %dma_start3A_607, %dma_start3A_608] : memref<8x4x8x128xf32, #tpu.memory_space<vmem>> -> memref<1x1x8x128xf32, #tpu.memory_space<vmem>>
      %dma_start3A_610 = tpu.memref_squeeze %dma_start3A_609 : memref<1x1x8x128xf32, #tpu.memory_space<vmem>> -> memref<8x128xf32, #tpu.memory_space<vmem>>
      tpu.enqueue_dma source(%dma_start3A_610 : memref<8x128xf32, #tpu.memory_space<vmem>>) target(%dma_start3A_606 : memref<8x128xf32, #tpu.memory_space<hbm>>) target_semaphore(%dma_start3A_602 : memref<!tpu.dma_semaphore, #tpu.memory_space<semaphore_mem>>)
      %dma_start3A_611 = arith.constant 1 : i32
      %dma_start3A_612 = arith.constant 2 : i32
      %dma_start3A_613 = arith.constant 2 : i32
      %dma_start3A_614 = arith.constant 1 : i32
      %dma_start3A_615 = arith.constant 0 : i32
      %dma_start3A_616 = arith.constant 0 : i32
      %dma_start3A_617 = tpu.memref_slice %arg10[%dma_start3A_611, %dma_start3A_612, %dma_start3A_615, %dma_start3A_616] : memref<8x4x8x128xf32, #tpu.memory_space<vmem>> -> memref<1x1x8x128xf32, #tpu.memory_space<vmem>>
      %dma_start3A_618 = tpu.memref_squeeze %dma_start3A_617 : memref<1x1x8x128xf32, #tpu.memory_space<vmem>> -> memref<8x128xf32, #tpu.memory_space<vmem>>
      %dma_start3A_619 = arith.constant 0 : i32
      %dma_start3A_620 = arith.constant 0 : i32
      %dma_start3A_621 = tpu.memref_slice %arg6[%select_n3A_543, %dma_start3A_613, %sub3A_546, %dma_start3A_619, %dma_start3A_620] : memref<50x4x128x8x128xf32, #tpu.memory_space<hbm>> -> memref<1x1x1x8x128xf32, #tpu.memory_space<hbm>>
      %dma_start3A_622 = tpu.memref_squeeze %dma_start3A_621 : memref<1x1x1x8x128xf32, #tpu.memory_space<hbm>> -> memref<8x128xf32, #tpu.memory_space<hbm>>
      %dma_start3A_623 = tpu.memref_slice %arg11[%dma_start3A_614] : memref<8x!tpu.dma_semaphore, #tpu.memory_space<semaphore_mem>> -> memref<1x!tpu.dma_semaphore, #tpu.memory_space<semaphore_mem>>
      %dma_start3A_624 = tpu.memref_squeeze %dma_start3A_623 : memref<1x!tpu.dma_semaphore, #tpu.memory_space<semaphore_mem>> -> memref<!tpu.dma_semaphore, #tpu.memory_space<semaphore_mem>>
      %dma_start3A_625 = arith.constant 0 : i32
      %dma_start3A_626 = arith.constant 0 : i32
      %dma_start3A_627 = tpu.memref_slice %arg6[%select_n3A_543, %dma_start3A_613, %sub3A_546, %dma_start3A_625, %dma_start3A_626] : memref<50x4x128x8x128xf32, #tpu.memory_space<hbm>> -> memref<1x1x1x8x128xf32, #tpu.memory_space<hbm>>
      %dma_start3A_628 = tpu.memref_squeeze %dma_start3A_627 : memref<1x1x1x8x128xf32, #tpu.memory_space<hbm>> -> memref<8x128xf32, #tpu.memory_space<hbm>>
      %dma_start3A_629 = arith.constant 0 : i32
      %dma_start3A_630 = arith.constant 0 : i32
      %dma_start3A_631 = tpu.memref_slice %arg10[%dma_start3A_611, %dma_start3A_612, %dma_start3A_629, %dma_start3A_630] : memref<8x4x8x128xf32, #tpu.memory_space<vmem>> -> memref<1x1x8x128xf32, #tpu.memory_space<vmem>>
      %dma_start3A_632 = tpu.memref_squeeze %dma_start3A_631 : memref<1x1x8x128xf32, #tpu.memory_space<vmem>> -> memref<8x128xf32, #tpu.memory_space<vmem>>
      tpu.enqueue_dma source(%dma_start3A_632 : memref<8x128xf32, #tpu.memory_space<vmem>>) target(%dma_start3A_628 : memref<8x128xf32, #tpu.memory_space<hbm>>) target_semaphore(%dma_start3A_624 : memref<!tpu.dma_semaphore, #tpu.memory_space<semaphore_mem>>)
      %dma_start3A_633 = arith.constant 1 : i32
      %dma_start3A_634 = arith.constant 3 : i32
      %dma_start3A_635 = arith.constant 3 : i32
      %dma_start3A_636 = arith.constant 1 : i32
      %dma_start3A_637 = arith.constant 0 : i32
      %dma_start3A_638 = arith.constant 0 : i32
      %dma_start3A_639 = tpu.memref_slice %arg10[%dma_start3A_633, %dma_start3A_634, %dma_start3A_637, %dma_start3A_638] : memref<8x4x8x128xf32, #tpu.memory_space<vmem>> -> memref<1x1x8x128xf32, #tpu.memory_space<vmem>>
      %dma_start3A_640 = tpu.memref_squeeze %dma_start3A_639 : memref<1x1x8x128xf32, #tpu.memory_space<vmem>> -> memref<8x128xf32, #tpu.memory_space<vmem>>
      %dma_start3A_641 = arith.constant 0 : i32
      %dma_start3A_642 = arith.constant 0 : i32
      %dma_start3A_643 = tpu.memref_slice %arg6[%select_n3A_543, %dma_start3A_635, %sub3A_546, %dma_start3A_641, %dma_start3A_642] : memref<50x4x128x8x128xf32, #tpu.memory_space<hbm>> -> memref<1x1x1x8x128xf32, #tpu.memory_space<hbm>>
      %dma_start3A_644 = tpu.memref_squeeze %dma_start3A_643 : memref<1x1x1x8x128xf32, #tpu.memory_space<hbm>> -> memref<8x128xf32, #tpu.memory_space<hbm>>
      %dma_start3A_645 = tpu.memref_slice %arg11[%dma_start3A_636] : memref<8x!tpu.dma_semaphore, #tpu.memory_space<semaphore_mem>> -> memref<1x!tpu.dma_semaphore, #tpu.memory_space<semaphore_mem>>
      %dma_start3A_646 = tpu.memref_squeeze %dma_start3A_645 : memref<1x!tpu.dma_semaphore, #tpu.memory_space<semaphore_mem>> -> memref<!tpu.dma_semaphore, #tpu.memory_space<semaphore_mem>>
      %dma_start3A_647 = arith.constant 0 : i32
      %dma_start3A_648 = arith.constant 0 : i32
      %dma_start3A_649 = tpu.memref_slice %arg6[%select_n3A_543, %dma_start3A_635, %sub3A_546, %dma_start3A_647, %dma_start3A_648] : memref<50x4x128x8x128xf32, #tpu.memory_space<hbm>> -> memref<1x1x1x8x128xf32, #tpu.memory_space<hbm>>
      %dma_start3A_650 = tpu.memref_squeeze %dma_start3A_649 : memref<1x1x1x8x128xf32, #tpu.memory_space<hbm>> -> memref<8x128xf32, #tpu.memory_space<hbm>>
      %dma_start3A_651 = arith.constant 0 : i32
      %dma_start3A_652 = arith.constant 0 : i32
      %dma_start3A_653 = tpu.memref_slice %arg10[%dma_start3A_633, %dma_start3A_634, %dma_start3A_651, %dma_start3A_652] : memref<8x4x8x128xf32, #tpu.memory_space<vmem>> -> memref<1x1x8x128xf32, #tpu.memory_space<vmem>>
      %dma_start3A_654 = tpu.memref_squeeze %dma_start3A_653 : memref<1x1x8x128xf32, #tpu.memory_space<vmem>> -> memref<8x128xf32, #tpu.memory_space<vmem>>
      tpu.enqueue_dma source(%dma_start3A_654 : memref<8x128xf32, #tpu.memory_space<vmem>>) target(%dma_start3A_650 : memref<8x128xf32, #tpu.memory_space<hbm>>) target_semaphore(%dma_start3A_646 : memref<!tpu.dma_semaphore, #tpu.memory_space<semaphore_mem>>)
      %mul3A_655 = arith.constant 8 : i32
      %mul3A_656 = arith.muli %scan3A_127, %mul3A_655 : i32
      %add3A_657 = arith.constant 2 : i32
      %add3A_658 = arith.addi %mul3A_656, %add3A_657 : i32
      %add3A_659 = arith.addi %mul3A_2, %add3A_658 : i32
      %jit3A_660 = arith.constant 128 : i32
      %div3A_661 = arith.divsi %add3A_659, %jit3A_660 : i32
      %sign3A_662 = arith.constant 0 : i32
      %sign3A_663 = arith.cmpi sgt, %add3A_659, %sign3A_662 : i32
      %sign3A_664 = arith.extui %sign3A_663 : i1 to i32
      %sign3A_665 = arith.constant 0 : i32
      %sign3A_666 = arith.cmpi slt, %add3A_659, %sign3A_665 : i32
      %sign3A_667 = arith.extui %sign3A_666 : i1 to i32
      %sign3A_668 = arith.subi %sign3A_664, %sign3A_667 : i32
      %sign3A_669 = arith.constant 0 : i32
      %sign3A_670 = arith.cmpi sgt, %jit3A_660, %sign3A_669 : i32
      %sign3A_671 = arith.extui %sign3A_670 : i1 to i32
      %sign3A_672 = arith.constant 0 : i32
      %sign3A_673 = arith.cmpi slt, %jit3A_660, %sign3A_672 : i32
      %sign3A_674 = arith.extui %sign3A_673 : i1 to i32
      %sign3A_675 = arith.subi %sign3A_671, %sign3A_674 : i32
      %ne3A_676 = arith.cmpi ne, %sign3A_668, %sign3A_675 : i32
      %rem3A_677 = arith.remsi %add3A_659, %jit3A_660 : i32
      %ne3A_678 = arith.constant 0 : i32
      %ne3A_679 = arith.cmpi ne, %rem3A_677, %ne3A_678 : i32
      %and3A_680 = arith.andi %ne3A_676, %ne3A_679 : i1
      %sub3A_681 = arith.constant 1 : i32
      %sub3A_682 = arith.subi %div3A_661, %sub3A_681 : i32
      %select_n3A_683 = arith.select %and3A_680, %sub3A_682, %div3A_661 : i32
      %mul3A_684 = arith.constant 128 : i32
      %mul3A_685 = arith.muli %select_n3A_683, %mul3A_684 : i32
      %sub3A_686 = arith.subi %add3A_659, %mul3A_685 : i32
      %dma_wait3A_687 = arith.constant 2 : i32
      %dma_wait3A_688 = arith.constant 2 : i32
      %dma_wait3A_689 = arith.constant 0 : i32
      %dma_wait3A_690 = arith.constant 0 : i32
      %dma_wait3A_691 = tpu.memref_slice %arg9[%dma_wait3A_687, %dma_wait3A_689, %dma_wait3A_690] : memref<8x128x32xf32, #tpu.memory_space<vmem>> -> memref<1x128x32xf32, #tpu.memory_space<vmem>>
      %dma_wait3A_692 = tpu.memref_squeeze %dma_wait3A_691 : memref<1x128x32xf32, #tpu.memory_space<vmem>> -> memref<128x32xf32, #tpu.memory_space<vmem>>
      %dma_wait3A_693 = arith.constant 0 : i32
      %dma_wait3A_694 = tpu.memref_slice %arg8[%add3A_658, %dma_wait3A_693] : memref<200x128xi32, #tpu.memory_space<vmem>> -> memref<1x128xi32, #tpu.memory_space<vmem>>
      %dma_wait3A_695 = tpu.memref_squeeze %dma_wait3A_694 : memref<1x128xi32, #tpu.memory_space<vmem>> -> memref<128xi32, #tpu.memory_space<vmem>>
      %dma_wait3A_696 = arith.constant 0 : i32
      %dma_wait3A_697 = arith.constant 0 : i32
      %dma_wait3A_698 = tpu.memref_slice %arg5[%dma_wait3A_696, %dma_wait3A_697] : memref<1000000x32xf32, #tpu.memory_space<hbm>> -> memref<1000000x32xf32, #tpu.memory_space<hbm>>
      %dma_wait3A_699 = tpu.memref_slice %arg11[%dma_wait3A_688] : memref<8x!tpu.dma_semaphore, #tpu.memory_space<semaphore_mem>> -> memref<1x!tpu.dma_semaphore, #tpu.memory_space<semaphore_mem>>
      %dma_wait3A_700 = tpu.memref_squeeze %dma_wait3A_699 : memref<1x!tpu.dma_semaphore, #tpu.memory_space<semaphore_mem>> -> memref<!tpu.dma_semaphore, #tpu.memory_space<semaphore_mem>>
      tpu.wait_indirect_dma semaphore(%dma_wait3A_700 : memref<!tpu.dma_semaphore, #tpu.memory_space<semaphore_mem>>) src(%dma_wait3A_698 : memref<1000000x32xf32, #tpu.memory_space<hbm>>) dst(%dma_wait3A_692 : memref<128x32xf32, #tpu.memory_space<vmem>>)
      %scan3A_701 = arith.constant 0 : i32
      %scan3A_702 = arith.constant 0 : i32
      %scan3A_703 = arith.constant 32 : i32
      %scan3A_704 = arith.addi %scan3A_702, %scan3A_703 : i32
      %scan3A_705 = arith.constant 1 : i32
      scf.for %scan3A_2508 = %scan3A_702 to %scan3A_704 step %scan3A_705  : i32 {
        %jit3A_2509 = arith.constant 8 : i32
        %div3A_2510 = arith.divsi %scan3A_2508, %jit3A_2509 : i32
        %sign3A_2511 = arith.constant 0 : i32
        %sign3A_2512 = arith.cmpi sgt, %scan3A_2508, %sign3A_2511 : i32
        %sign3A_2513 = arith.extui %sign3A_2512 : i1 to i32
        %sign3A_2514 = arith.constant 0 : i32
        %sign3A_2515 = arith.cmpi slt, %scan3A_2508, %sign3A_2514 : i32
        %sign3A_2516 = arith.extui %sign3A_2515 : i1 to i32
        %sign3A_2517 = arith.subi %sign3A_2513, %sign3A_2516 : i32
        %sign3A_2518 = arith.constant 0 : i32
        %sign3A_2519 = arith.cmpi sgt, %jit3A_2509, %sign3A_2518 : i32
        %sign3A_2520 = arith.extui %sign3A_2519 : i1 to i32
        %sign3A_2521 = arith.constant 0 : i32
        %sign3A_2522 = arith.cmpi slt, %jit3A_2509, %sign3A_2521 : i32
        %sign3A_2523 = arith.extui %sign3A_2522 : i1 to i32
        %sign3A_2524 = arith.subi %sign3A_2520, %sign3A_2523 : i32
        %ne3A_2525 = arith.cmpi ne, %sign3A_2517, %sign3A_2524 : i32
        %rem3A_2526 = arith.remsi %scan3A_2508, %jit3A_2509 : i32
        %ne3A_2527 = arith.constant 0 : i32
        %ne3A_2528 = arith.cmpi ne, %rem3A_2526, %ne3A_2527 : i32
        %and3A_2529 = arith.andi %ne3A_2525, %ne3A_2528 : i1
        %sub3A_2530 = arith.constant 1 : i32
        %sub3A_2531 = arith.subi %div3A_2510, %sub3A_2530 : i32
        %select_n3A_2532 = arith.select %and3A_2529, %sub3A_2531, %div3A_2510 : i32
        %mul3A_2533 = arith.constant 8 : i32
        %mul3A_2534 = arith.muli %select_n3A_2532, %mul3A_2533 : i32
        %sub3A_2535 = arith.subi %scan3A_2508, %mul3A_2534 : i32
        %add3A_2536 = arith.constant 0 : i32
        %add3A_2537 = vector.broadcast %add3A_2536 : i32 to vector<16xi32>
        %add3A_2538 = arith.addi %iota3A, %add3A_2537 : vector<16xi32>
        %broadcast_in_dim3A = arith.constant 0 : i32
        %broadcast_in_dim3A_2539 = vector.broadcast %broadcast_in_dim3A : i32 to vector<16xi32>
        %add3A_2540 = vector.broadcast %scan3A_2508 : i32 to vector<16xi32>
        %add3A_2541 = arith.addi %broadcast_in_dim3A_2539, %add3A_2540 : vector<16xi32>
        %gather3A = arith.constant 2 : i32
        %gather3A_2542 = arith.constant 0 : i32
        %gather3A_2543 = arith.constant 0 : i32
        %gather3A_2544 = tpu.memref_slice %arg9[%gather3A, %gather3A_2542, %gather3A_2543] : memref<8x128x32xf32, #tpu.memory_space<vmem>> -> memref<1x128x32xf32, #tpu.memory_space<vmem>>
        %gather3A_2545 = tpu.memref_squeeze %gather3A_2544 : memref<1x128x32xf32, #tpu.memory_space<vmem>> -> memref<128x32xf32, #tpu.memory_space<vmem>>
        %gather3A_2546 = tpu.vector_load_idx %gather3A_2545[%add3A_2538, %add3A_2541] : memref<128x32xf32, #tpu.memory_space<vmem>>[vector<16xi32>, vector<16xi32>], vector<16xf32>,
        %swap3A = arith.constant 2 : i32
        %swap3A_2547 = arith.index_cast %swap3A : i32 to index
        %swap3A_2548 = arith.index_cast %select_n3A_2532 : i32 to index
        %swap3A_2549 = arith.index_cast %sub3A_2535 : i32 to index
        %swap3A_2550 = arith.constant 0 : index
        %swap3A_2551 = tpu.vector_load %arg10[%swap3A_2547, %swap3A_2548, %swap3A_2549, %swap3A_2550] {strides = array<i32>} : memref<8x4x8x128xf32, #tpu.memory_space<vmem>>, vector<16xf32>,
        tpu.vector_store %arg10[%swap3A_2547, %swap3A_2548, %swap3A_2549, %swap3A_2550], %gather3A_2546 {strides = array<i32>} : memref<8x4x8x128xf32, #tpu.memory_space<vmem>>, vector<16xf32>,
        %add3A_2552 = arith.constant 16 : i32
        %add3A_2553 = vector.broadcast %add3A_2552 : i32 to vector<16xi32>
        %add3A_2554 = arith.addi %iota3A, %add3A_2553 : vector<16xi32>
        %broadcast_in_dim3A_2555 = arith.constant 0 : i32
        %broadcast_in_dim3A_2556 = vector.broadcast %broadcast_in_dim3A_2555 : i32 to vector<16xi32>
        %add3A_2557 = vector.broadcast %scan3A_2508 : i32 to vector<16xi32>
        %add3A_2558 = arith.addi %broadcast_in_dim3A_2556, %add3A_2557 : vector<16xi32>
        %gather3A_2559 = arith.constant 2 : i32
        %gather3A_2560 = arith.constant 0 : i32
        %gather3A_2561 = arith.constant 0 : i32
        %gather3A_2562 = tpu.memref_slice %arg9[%gather3A_2559, %gather3A_2560, %gather3A_2561] : memref<8x128x32xf32, #tpu.memory_space<vmem>> -> memref<1x128x32xf32, #tpu.memory_space<vmem>>
        %gather3A_2563 = tpu.memref_squeeze %gather3A_2562 : memref<1x128x32xf32, #tpu.memory_space<vmem>> -> memref<128x32xf32, #tpu.memory_space<vmem>>
        %gather3A_2564 = tpu.vector_load_idx %gather3A_2563[%add3A_2554, %add3A_2558] : memref<128x32xf32, #tpu.memory_space<vmem>>[vector<16xi32>, vector<16xi32>], vector<16xf32>,
        %swap3A_2565 = arith.constant 2 : i32
        %swap3A_2566 = arith.index_cast %swap3A_2565 : i32 to index
        %swap3A_2567 = arith.index_cast %select_n3A_2532 : i32 to index
        %swap3A_2568 = arith.index_cast %sub3A_2535 : i32 to index
        %swap3A_2569 = arith.constant 16 : index
        %swap3A_2570 = tpu.vector_load %arg10[%swap3A_2566, %swap3A_2567, %swap3A_2568, %swap3A_2569] {strides = array<i32>} : memref<8x4x8x128xf32, #tpu.memory_space<vmem>>, vector<16xf32>,
        tpu.vector_store %arg10[%swap3A_2566, %swap3A_2567, %swap3A_2568, %swap3A_2569], %gather3A_2564 {strides = array<i32>} : memref<8x4x8x128xf32, #tpu.memory_space<vmem>>, vector<16xf32>,
        %add3A_2571 = arith.constant 32 : i32
        %add3A_2572 = vector.broadcast %add3A_2571 : i32 to vector<16xi32>
        %add3A_2573 = arith.addi %iota3A, %add3A_2572 : vector<16xi32>
        %broadcast_in_dim3A_2574 = arith.constant 0 : i32
        %broadcast_in_dim3A_2575 = vector.broadcast %broadcast_in_dim3A_2574 : i32 to vector<16xi32>
        %add3A_2576 = vector.broadcast %scan3A_2508 : i32 to vector<16xi32>
        %add3A_2577 = arith.addi %broadcast_in_dim3A_2575, %add3A_2576 : vector<16xi32>
        %gather3A_2578 = arith.constant 2 : i32
        %gather3A_2579 = arith.constant 0 : i32
        %gather3A_2580 = arith.constant 0 : i32
        %gather3A_2581 = tpu.memref_slice %arg9[%gather3A_2578, %gather3A_2579, %gather3A_2580] : memref<8x128x32xf32, #tpu.memory_space<vmem>> -> memref<1x128x32xf32, #tpu.memory_space<vmem>>
        %gather3A_2582 = tpu.memref_squeeze %gather3A_2581 : memref<1x128x32xf32, #tpu.memory_space<vmem>> -> memref<128x32xf32, #tpu.memory_space<vmem>>
        %gather3A_2583 = tpu.vector_load_idx %gather3A_2582[%add3A_2573, %add3A_2577] : memref<128x32xf32, #tpu.memory_space<vmem>>[vector<16xi32>, vector<16xi32>], vector<16xf32>,
        %swap3A_2584 = arith.constant 2 : i32
        %swap3A_2585 = arith.index_cast %swap3A_2584 : i32 to index
        %swap3A_2586 = arith.index_cast %select_n3A_2532 : i32 to index
        %swap3A_2587 = arith.index_cast %sub3A_2535 : i32 to index
        %swap3A_2588 = arith.constant 32 : index
        %swap3A_2589 = tpu.vector_load %arg10[%swap3A_2585, %swap3A_2586, %swap3A_2587, %swap3A_2588] {strides = array<i32>} : memref<8x4x8x128xf32, #tpu.memory_space<vmem>>, vector<16xf32>,
        tpu.vector_store %arg10[%swap3A_2585, %swap3A_2586, %swap3A_2587, %swap3A_2588], %gather3A_2583 {strides = array<i32>} : memref<8x4x8x128xf32, #tpu.memory_space<vmem>>, vector<16xf32>,
        %add3A_2590 = arith.constant 48 : i32
        %add3A_2591 = vector.broadcast %add3A_2590 : i32 to vector<16xi32>
        %add3A_2592 = arith.addi %iota3A, %add3A_2591 : vector<16xi32>
        %broadcast_in_dim3A_2593 = arith.constant 0 : i32
        %broadcast_in_dim3A_2594 = vector.broadcast %broadcast_in_dim3A_2593 : i32 to vector<16xi32>
        %add3A_2595 = vector.broadcast %scan3A_2508 : i32 to vector<16xi32>
        %add3A_2596 = arith.addi %broadcast_in_dim3A_2594, %add3A_2595 : vector<16xi32>
        %gather3A_2597 = arith.constant 2 : i32
        %gather3A_2598 = arith.constant 0 : i32
        %gather3A_2599 = arith.constant 0 : i32
        %gather3A_2600 = tpu.memref_slice %arg9[%gather3A_2597, %gather3A_2598, %gather3A_2599] : memref<8x128x32xf32, #tpu.memory_space<vmem>> -> memref<1x128x32xf32, #tpu.memory_space<vmem>>
        %gather3A_2601 = tpu.memref_squeeze %gather3A_2600 : memref<1x128x32xf32, #tpu.memory_space<vmem>> -> memref<128x32xf32, #tpu.memory_space<vmem>>
        %gather3A_2602 = tpu.vector_load_idx %gather3A_2601[%add3A_2592, %add3A_2596] : memref<128x32xf32, #tpu.memory_space<vmem>>[vector<16xi32>, vector<16xi32>], vector<16xf32>,
        %swap3A_2603 = arith.constant 2 : i32
        %swap3A_2604 = arith.index_cast %swap3A_2603 : i32 to index
        %swap3A_2605 = arith.index_cast %select_n3A_2532 : i32 to index
        %swap3A_2606 = arith.index_cast %sub3A_2535 : i32 to index
        %swap3A_2607 = arith.constant 48 : index
        %swap3A_2608 = tpu.vector_load %arg10[%swap3A_2604, %swap3A_2605, %swap3A_2606, %swap3A_2607] {strides = array<i32>} : memref<8x4x8x128xf32, #tpu.memory_space<vmem>>, vector<16xf32>,
        tpu.vector_store %arg10[%swap3A_2604, %swap3A_2605, %swap3A_2606, %swap3A_2607], %gather3A_2602 {strides = array<i32>} : memref<8x4x8x128xf32, #tpu.memory_space<vmem>>, vector<16xf32>,
        %add3A_2609 = arith.constant 64 : i32
        %add3A_2610 = vector.broadcast %add3A_2609 : i32 to vector<16xi32>
        %add3A_2611 = arith.addi %iota3A, %add3A_2610 : vector<16xi32>
        %broadcast_in_dim3A_2612 = arith.constant 0 : i32
        %broadcast_in_dim3A_2613 = vector.broadcast %broadcast_in_dim3A_2612 : i32 to vector<16xi32>
        %add3A_2614 = vector.broadcast %scan3A_2508 : i32 to vector<16xi32>
        %add3A_2615 = arith.addi %broadcast_in_dim3A_2613, %add3A_2614 : vector<16xi32>
        %gather3A_2616 = arith.constant 2 : i32
        %gather3A_2617 = arith.constant 0 : i32
        %gather3A_2618 = arith.constant 0 : i32
        %gather3A_2619 = tpu.memref_slice %arg9[%gather3A_2616, %gather3A_2617, %gather3A_2618] : memref<8x128x32xf32, #tpu.memory_space<vmem>> -> memref<1x128x32xf32, #tpu.memory_space<vmem>>
        %gather3A_2620 = tpu.memref_squeeze %gather3A_2619 : memref<1x128x32xf32, #tpu.memory_space<vmem>> -> memref<128x32xf32, #tpu.memory_space<vmem>>
        %gather3A_2621 = tpu.vector_load_idx %gather3A_2620[%add3A_2611, %add3A_2615] : memref<128x32xf32, #tpu.memory_space<vmem>>[vector<16xi32>, vector<16xi32>], vector<16xf32>,
        %swap3A_2622 = arith.constant 2 : i32
        %swap3A_2623 = arith.index_cast %swap3A_2622 : i32 to index
        %swap3A_2624 = arith.index_cast %select_n3A_2532 : i32 to index
        %swap3A_2625 = arith.index_cast %sub3A_2535 : i32 to index
        %swap3A_2626 = arith.constant 64 : index
        %swap3A_2627 = tpu.vector_load %arg10[%swap3A_2623, %swap3A_2624, %swap3A_2625, %swap3A_2626] {strides = array<i32>} : memref<8x4x8x128xf32, #tpu.memory_space<vmem>>, vector<16xf32>,
        tpu.vector_store %arg10[%swap3A_2623, %swap3A_2624, %swap3A_2625, %swap3A_2626], %gather3A_2621 {strides = array<i32>} : memref<8x4x8x128xf32, #tpu.memory_space<vmem>>, vector<16xf32>,
        %add3A_2628 = arith.constant 80 : i32
        %add3A_2629 = vector.broadcast %add3A_2628 : i32 to vector<16xi32>
        %add3A_2630 = arith.addi %iota3A, %add3A_2629 : vector<16xi32>
        %broadcast_in_dim3A_2631 = arith.constant 0 : i32
        %broadcast_in_dim3A_2632 = vector.broadcast %broadcast_in_dim3A_2631 : i32 to vector<16xi32>
        %add3A_2633 = vector.broadcast %scan3A_2508 : i32 to vector<16xi32>
        %add3A_2634 = arith.addi %broadcast_in_dim3A_2632, %add3A_2633 : vector<16xi32>
        %gather3A_2635 = arith.constant 2 : i32
        %gather3A_2636 = arith.constant 0 : i32
        %gather3A_2637 = arith.constant 0 : i32
        %gather3A_2638 = tpu.memref_slice %arg9[%gather3A_2635, %gather3A_2636, %gather3A_2637] : memref<8x128x32xf32, #tpu.memory_space<vmem>> -> memref<1x128x32xf32, #tpu.memory_space<vmem>>
        %gather3A_2639 = tpu.memref_squeeze %gather3A_2638 : memref<1x128x32xf32, #tpu.memory_space<vmem>> -> memref<128x32xf32, #tpu.memory_space<vmem>>
        %gather3A_2640 = tpu.vector_load_idx %gather3A_2639[%add3A_2630, %add3A_2634] : memref<128x32xf32, #tpu.memory_space<vmem>>[vector<16xi32>, vector<16xi32>], vector<16xf32>,
        %swap3A_2641 = arith.constant 2 : i32
        %swap3A_2642 = arith.index_cast %swap3A_2641 : i32 to index
        %swap3A_2643 = arith.index_cast %select_n3A_2532 : i32 to index
        %swap3A_2644 = arith.index_cast %sub3A_2535 : i32 to index
        %swap3A_2645 = arith.constant 80 : index
        %swap3A_2646 = tpu.vector_load %arg10[%swap3A_2642, %swap3A_2643, %swap3A_2644, %swap3A_2645] {strides = array<i32>} : memref<8x4x8x128xf32, #tpu.memory_space<vmem>>, vector<16xf32>,
        tpu.vector_store %arg10[%swap3A_2642, %swap3A_2643, %swap3A_2644, %swap3A_2645], %gather3A_2640 {strides = array<i32>} : memref<8x4x8x128xf32, #tpu.memory_space<vmem>>, vector<16xf32>,
        %add3A_2647 = arith.constant 96 : i32
        %add3A_2648 = vector.broadcast %add3A_2647 : i32 to vector<16xi32>
        %add3A_2649 = arith.addi %iota3A, %add3A_2648 : vector<16xi32>
        %broadcast_in_dim3A_2650 = arith.constant 0 : i32
        %broadcast_in_dim3A_2651 = vector.broadcast %broadcast_in_dim3A_2650 : i32 to vector<16xi32>
        %add3A_2652 = vector.broadcast %scan3A_2508 : i32 to vector<16xi32>
        %add3A_2653 = arith.addi %broadcast_in_dim3A_2651, %add3A_2652 : vector<16xi32>
        %gather3A_2654 = arith.constant 2 : i32
        %gather3A_2655 = arith.constant 0 : i32
        %gather3A_2656 = arith.constant 0 : i32
        %gather3A_2657 = tpu.memref_slice %arg9[%gather3A_2654, %gather3A_2655, %gather3A_2656] : memref<8x128x32xf32, #tpu.memory_space<vmem>> -> memref<1x128x32xf32, #tpu.memory_space<vmem>>
        %gather3A_2658 = tpu.memref_squeeze %gather3A_2657 : memref<1x128x32xf32, #tpu.memory_space<vmem>> -> memref<128x32xf32, #tpu.memory_space<vmem>>
        %gather3A_2659 = tpu.vector_load_idx %gather3A_2658[%add3A_2649, %add3A_2653] : memref<128x32xf32, #tpu.memory_space<vmem>>[vector<16xi32>, vector<16xi32>], vector<16xf32>,
        %swap3A_2660 = arith.constant 2 : i32
        %swap3A_2661 = arith.index_cast %swap3A_2660 : i32 to index
        %swap3A_2662 = arith.index_cast %select_n3A_2532 : i32 to index
        %swap3A_2663 = arith.index_cast %sub3A_2535 : i32 to index
        %swap3A_2664 = arith.constant 96 : index
        %swap3A_2665 = tpu.vector_load %arg10[%swap3A_2661, %swap3A_2662, %swap3A_2663, %swap3A_2664] {strides = array<i32>} : memref<8x4x8x128xf32, #tpu.memory_space<vmem>>, vector<16xf32>,
        tpu.vector_store %arg10[%swap3A_2661, %swap3A_2662, %swap3A_2663, %swap3A_2664], %gather3A_2659 {strides = array<i32>} : memref<8x4x8x128xf32, #tpu.memory_space<vmem>>, vector<16xf32>,
        %add3A_2666 = arith.constant 112 : i32
        %add3A_2667 = vector.broadcast %add3A_2666 : i32 to vector<16xi32>
        %add3A_2668 = arith.addi %iota3A, %add3A_2667 : vector<16xi32>
        %broadcast_in_dim3A_2669 = arith.constant 0 : i32
        %broadcast_in_dim3A_2670 = vector.broadcast %broadcast_in_dim3A_2669 : i32 to vector<16xi32>
        %add3A_2671 = vector.broadcast %scan3A_2508 : i32 to vector<16xi32>
        %add3A_2672 = arith.addi %broadcast_in_dim3A_2670, %add3A_2671 : vector<16xi32>
        %gather3A_2673 = arith.constant 2 : i32
        %gather3A_2674 = arith.constant 0 : i32
        %gather3A_2675 = arith.constant 0 : i32
        %gather3A_2676 = tpu.memref_slice %arg9[%gather3A_2673, %gather3A_2674, %gather3A_2675] : memref<8x128x32xf32, #tpu.memory_space<vmem>> -> memref<1x128x32xf32, #tpu.memory_space<vmem>>
        %gather3A_2677 = tpu.memref_squeeze %gather3A_2676 : memref<1x128x32xf32, #tpu.memory_space<vmem>> -> memref<128x32xf32, #tpu.memory_space<vmem>>
        %gather3A_2678 = tpu.vector_load_idx %gather3A_2677[%add3A_2668, %add3A_2672] : memref<128x32xf32, #tpu.memory_space<vmem>>[vector<16xi32>, vector<16xi32>], vector<16xf32>,
        %swap3A_2679 = arith.constant 2 : i32
        %swap3A_2680 = arith.index_cast %swap3A_2679 : i32 to index
        %swap3A_2681 = arith.index_cast %select_n3A_2532 : i32 to index
        %swap3A_2682 = arith.index_cast %sub3A_2535 : i32 to index
        %swap3A_2683 = arith.constant 112 : index
        %swap3A_2684 = tpu.vector_load %arg10[%swap3A_2680, %swap3A_2681, %swap3A_2682, %swap3A_2683] {strides = array<i32>} : memref<8x4x8x128xf32, #tpu.memory_space<vmem>>, vector<16xf32>,
        tpu.vector_store %arg10[%swap3A_2680, %swap3A_2681, %swap3A_2682, %swap3A_2683], %gather3A_2678 {strides = array<i32>} : memref<8x4x8x128xf32, #tpu.memory_space<vmem>>, vector<16xf32>,
      }
      %scan3A_706 = arith.constant 32 : i32
      %dma_start3A_707 = arith.constant 2 : i32
      %dma_start3A_708 = arith.constant 0 : i32
      %dma_start3A_709 = arith.constant 0 : i32
      %dma_start3A_710 = arith.constant 2 : i32
      %dma_start3A_711 = arith.constant 0 : i32
      %dma_start3A_712 = arith.constant 0 : i32
      %dma_start3A_713 = tpu.memref_slice %arg10[%dma_start3A_707, %dma_start3A_708, %dma_start3A_711, %dma_start3A_712] : memref<8x4x8x128xf32, #tpu.memory_space<vmem>> -> memref<1x1x8x128xf32, #tpu.memory_space<vmem>>
      %dma_start3A_714 = tpu.memref_squeeze %dma_start3A_713 : memref<1x1x8x128xf32, #tpu.memory_space<vmem>> -> memref<8x128xf32, #tpu.memory_space<vmem>>
      %dma_start3A_715 = arith.constant 0 : i32
      %dma_start3A_716 = arith.constant 0 : i32
      %dma_start3A_717 = tpu.memref_slice %arg6[%select_n3A_683, %dma_start3A_709, %sub3A_686, %dma_start3A_715, %dma_start3A_716] : memref<50x4x128x8x128xf32, #tpu.memory_space<hbm>> -> memref<1x1x1x8x128xf32, #tpu.memory_space<hbm>>
      %dma_start3A_718 = tpu.memref_squeeze %dma_start3A_717 : memref<1x1x1x8x128xf32, #tpu.memory_space<hbm>> -> memref<8x128xf32, #tpu.memory_space<hbm>>
      %dma_start3A_719 = tpu.memref_slice %arg11[%dma_start3A_710] : memref<8x!tpu.dma_semaphore, #tpu.memory_space<semaphore_mem>> -> memref<1x!tpu.dma_semaphore, #tpu.memory_space<semaphore_mem>>
      %dma_start3A_720 = tpu.memref_squeeze %dma_start3A_719 : memref<1x!tpu.dma_semaphore, #tpu.memory_space<semaphore_mem>> -> memref<!tpu.dma_semaphore, #tpu.memory_space<semaphore_mem>>
      %dma_start3A_721 = arith.constant 0 : i32
      %dma_start3A_722 = arith.constant 0 : i32
      %dma_start3A_723 = tpu.memref_slice %arg6[%select_n3A_683, %dma_start3A_709, %sub3A_686, %dma_start3A_721, %dma_start3A_722] : memref<50x4x128x8x128xf32, #tpu.memory_space<hbm>> -> memref<1x1x1x8x128xf32, #tpu.memory_space<hbm>>
      %dma_start3A_724 = tpu.memref_squeeze %dma_start3A_723 : memref<1x1x1x8x128xf32, #tpu.memory_space<hbm>> -> memref<8x128xf32, #tpu.memory_space<hbm>>
      %dma_start3A_725 = arith.constant 0 : i32
      %dma_start3A_726 = arith.constant 0 : i32
      %dma_start3A_727 = tpu.memref_slice %arg10[%dma_start3A_707, %dma_start3A_708, %dma_start3A_725, %dma_start3A_726] : memref<8x4x8x128xf32, #tpu.memory_space<vmem>> -> memref<1x1x8x128xf32, #tpu.memory_space<vmem>>
      %dma_start3A_728 = tpu.memref_squeeze %dma_start3A_727 : memref<1x1x8x128xf32, #tpu.memory_space<vmem>> -> memref<8x128xf32, #tpu.memory_space<vmem>>
      tpu.enqueue_dma source(%dma_start3A_728 : memref<8x128xf32, #tpu.memory_space<vmem>>) target(%dma_start3A_724 : memref<8x128xf32, #tpu.memory_space<hbm>>) target_semaphore(%dma_start3A_720 : memref<!tpu.dma_semaphore, #tpu.memory_space<semaphore_mem>>)
      %dma_start3A_729 = arith.constant 2 : i32
      %dma_start3A_730 = arith.constant 1 : i32
      %dma_start3A_731 = arith.constant 1 : i32
      %dma_start3A_732 = arith.constant 2 : i32
      %dma_start3A_733 = arith.constant 0 : i32
      %dma_start3A_734 = arith.constant 0 : i32
      %dma_start3A_735 = tpu.memref_slice %arg10[%dma_start3A_729, %dma_start3A_730, %dma_start3A_733, %dma_start3A_734] : memref<8x4x8x128xf32, #tpu.memory_space<vmem>> -> memref<1x1x8x128xf32, #tpu.memory_space<vmem>>
      %dma_start3A_736 = tpu.memref_squeeze %dma_start3A_735 : memref<1x1x8x128xf32, #tpu.memory_space<vmem>> -> memref<8x128xf32, #tpu.memory_space<vmem>>
      %dma_start3A_737 = arith.constant 0 : i32
      %dma_start3A_738 = arith.constant 0 : i32
      %dma_start3A_739 = tpu.memref_slice %arg6[%select_n3A_683, %dma_start3A_731, %sub3A_686, %dma_start3A_737, %dma_start3A_738] : memref<50x4x128x8x128xf32, #tpu.memory_space<hbm>> -> memref<1x1x1x8x128xf32, #tpu.memory_space<hbm>>
      %dma_start3A_740 = tpu.memref_squeeze %dma_start3A_739 : memref<1x1x1x8x128xf32, #tpu.memory_space<hbm>> -> memref<8x128xf32, #tpu.memory_space<hbm>>
      %dma_start3A_741 = tpu.memref_slice %arg11[%dma_start3A_732] : memref<8x!tpu.dma_semaphore, #tpu.memory_space<semaphore_mem>> -> memref<1x!tpu.dma_semaphore, #tpu.memory_space<semaphore_mem>>
      %dma_start3A_742 = tpu.memref_squeeze %dma_start3A_741 : memref<1x!tpu.dma_semaphore, #tpu.memory_space<semaphore_mem>> -> memref<!tpu.dma_semaphore, #tpu.memory_space<semaphore_mem>>
      %dma_start3A_743 = arith.constant 0 : i32
      %dma_start3A_744 = arith.constant 0 : i32
      %dma_start3A_745 = tpu.memref_slice %arg6[%select_n3A_683, %dma_start3A_731, %sub3A_686, %dma_start3A_743, %dma_start3A_744] : memref<50x4x128x8x128xf32, #tpu.memory_space<hbm>> -> memref<1x1x1x8x128xf32, #tpu.memory_space<hbm>>
      %dma_start3A_746 = tpu.memref_squeeze %dma_start3A_745 : memref<1x1x1x8x128xf32, #tpu.memory_space<hbm>> -> memref<8x128xf32, #tpu.memory_space<hbm>>
      %dma_start3A_747 = arith.constant 0 : i32
      %dma_start3A_748 = arith.constant 0 : i32
      %dma_start3A_749 = tpu.memref_slice %arg10[%dma_start3A_729, %dma_start3A_730, %dma_start3A_747, %dma_start3A_748] : memref<8x4x8x128xf32, #tpu.memory_space<vmem>> -> memref<1x1x8x128xf32, #tpu.memory_space<vmem>>
      %dma_start3A_750 = tpu.memref_squeeze %dma_start3A_749 : memref<1x1x8x128xf32, #tpu.memory_space<vmem>> -> memref<8x128xf32, #tpu.memory_space<vmem>>
      tpu.enqueue_dma source(%dma_start3A_750 : memref<8x128xf32, #tpu.memory_space<vmem>>) target(%dma_start3A_746 : memref<8x128xf32, #tpu.memory_space<hbm>>) target_semaphore(%dma_start3A_742 : memref<!tpu.dma_semaphore, #tpu.memory_space<semaphore_mem>>)
      %dma_start3A_751 = arith.constant 2 : i32
      %dma_start3A_752 = arith.constant 2 : i32
      %dma_start3A_753 = arith.constant 2 : i32
      %dma_start3A_754 = arith.constant 2 : i32
      %dma_start3A_755 = arith.constant 0 : i32
      %dma_start3A_756 = arith.constant 0 : i32
      %dma_start3A_757 = tpu.memref_slice %arg10[%dma_start3A_751, %dma_start3A_752, %dma_start3A_755, %dma_start3A_756] : memref<8x4x8x128xf32, #tpu.memory_space<vmem>> -> memref<1x1x8x128xf32, #tpu.memory_space<vmem>>
      %dma_start3A_758 = tpu.memref_squeeze %dma_start3A_757 : memref<1x1x8x128xf32, #tpu.memory_space<vmem>> -> memref<8x128xf32, #tpu.memory_space<vmem>>
      %dma_start3A_759 = arith.constant 0 : i32
      %dma_start3A_760 = arith.constant 0 : i32
      %dma_start3A_761 = tpu.memref_slice %arg6[%select_n3A_683, %dma_start3A_753, %sub3A_686, %dma_start3A_759, %dma_start3A_760] : memref<50x4x128x8x128xf32, #tpu.memory_space<hbm>> -> memref<1x1x1x8x128xf32, #tpu.memory_space<hbm>>
      %dma_start3A_762 = tpu.memref_squeeze %dma_start3A_761 : memref<1x1x1x8x128xf32, #tpu.memory_space<hbm>> -> memref<8x128xf32, #tpu.memory_space<hbm>>
      %dma_start3A_763 = tpu.memref_slice %arg11[%dma_start3A_754] : memref<8x!tpu.dma_semaphore, #tpu.memory_space<semaphore_mem>> -> memref<1x!tpu.dma_semaphore, #tpu.memory_space<semaphore_mem>>
      %dma_start3A_764 = tpu.memref_squeeze %dma_start3A_763 : memref<1x!tpu.dma_semaphore, #tpu.memory_space<semaphore_mem>> -> memref<!tpu.dma_semaphore, #tpu.memory_space<semaphore_mem>>
      %dma_start3A_765 = arith.constant 0 : i32
      %dma_start3A_766 = arith.constant 0 : i32
      %dma_start3A_767 = tpu.memref_slice %arg6[%select_n3A_683, %dma_start3A_753, %sub3A_686, %dma_start3A_765, %dma_start3A_766] : memref<50x4x128x8x128xf32, #tpu.memory_space<hbm>> -> memref<1x1x1x8x128xf32, #tpu.memory_space<hbm>>
      %dma_start3A_768 = tpu.memref_squeeze %dma_start3A_767 : memref<1x1x1x8x128xf32, #tpu.memory_space<hbm>> -> memref<8x128xf32, #tpu.memory_space<hbm>>
      %dma_start3A_769 = arith.constant 0 : i32
      %dma_start3A_770 = arith.constant 0 : i32
      %dma_start3A_771 = tpu.memref_slice %arg10[%dma_start3A_751, %dma_start3A_752, %dma_start3A_769, %dma_start3A_770] : memref<8x4x8x128xf32, #tpu.memory_space<vmem>> -> memref<1x1x8x128xf32, #tpu.memory_space<vmem>>
      %dma_start3A_772 = tpu.memref_squeeze %dma_start3A_771 : memref<1x1x8x128xf32, #tpu.memory_space<vmem>> -> memref<8x128xf32, #tpu.memory_space<vmem>>
      tpu.enqueue_dma source(%dma_start3A_772 : memref<8x128xf32, #tpu.memory_space<vmem>>) target(%dma_start3A_768 : memref<8x128xf32, #tpu.memory_space<hbm>>) target_semaphore(%dma_start3A_764 : memref<!tpu.dma_semaphore, #tpu.memory_space<semaphore_mem>>)
      %dma_start3A_773 = arith.constant 2 : i32
      %dma_start3A_774 = arith.constant 3 : i32
      %dma_start3A_775 = arith.constant 3 : i32
      %dma_start3A_776 = arith.constant 2 : i32
      %dma_start3A_777 = arith.constant 0 : i32
      %dma_start3A_778 = arith.constant 0 : i32
      %dma_start3A_779 = tpu.memref_slice %arg10[%dma_start3A_773, %dma_start3A_774, %dma_start3A_777, %dma_start3A_778] : memref<8x4x8x128xf32, #tpu.memory_space<vmem>> -> memref<1x1x8x128xf32, #tpu.memory_space<vmem>>
      %dma_start3A_780 = tpu.memref_squeeze %dma_start3A_779 : memref<1x1x8x128xf32, #tpu.memory_space<vmem>> -> memref<8x128xf32, #tpu.memory_space<vmem>>
      %dma_start3A_781 = arith.constant 0 : i32
      %dma_start3A_782 = arith.constant 0 : i32
      %dma_start3A_783 = tpu.memref_slice %arg6[%select_n3A_683, %dma_start3A_775, %sub3A_686, %dma_start3A_781, %dma_start3A_782] : memref<50x4x128x8x128xf32, #tpu.memory_space<hbm>> -> memref<1x1x1x8x128xf32, #tpu.memory_space<hbm>>
      %dma_start3A_784 = tpu.memref_squeeze %dma_start3A_783 : memref<1x1x1x8x128xf32, #tpu.memory_space<hbm>> -> memref<8x128xf32, #tpu.memory_space<hbm>>
      %dma_start3A_785 = tpu.memref_slice %arg11[%dma_start3A_776] : memref<8x!tpu.dma_semaphore, #tpu.memory_space<semaphore_mem>> -> memref<1x!tpu.dma_semaphore, #tpu.memory_space<semaphore_mem>>
      %dma_start3A_786 = tpu.memref_squeeze %dma_start3A_785 : memref<1x!tpu.dma_semaphore, #tpu.memory_space<semaphore_mem>> -> memref<!tpu.dma_semaphore, #tpu.memory_space<semaphore_mem>>
      %dma_start3A_787 = arith.constant 0 : i32
      %dma_start3A_788 = arith.constant 0 : i32
      %dma_start3A_789 = tpu.memref_slice %arg6[%select_n3A_683, %dma_start3A_775, %sub3A_686, %dma_start3A_787, %dma_start3A_788] : memref<50x4x128x8x128xf32, #tpu.memory_space<hbm>> -> memref<1x1x1x8x128xf32, #tpu.memory_space<hbm>>
      %dma_start3A_790 = tpu.memref_squeeze %dma_start3A_789 : memref<1x1x1x8x128xf32, #tpu.memory_space<hbm>> -> memref<8x128xf32, #tpu.memory_space<hbm>>
      %dma_start3A_791 = arith.constant 0 : i32
      %dma_start3A_792 = arith.constant 0 : i32
      %dma_start3A_793 = tpu.memref_slice %arg10[%dma_start3A_773, %dma_start3A_774, %dma_start3A_791, %dma_start3A_792] : memref<8x4x8x128xf32, #tpu.memory_space<vmem>> -> memref<1x1x8x128xf32, #tpu.memory_space<vmem>>
      %dma_start3A_794 = tpu.memref_squeeze %dma_start3A_793 : memref<1x1x8x128xf32, #tpu.memory_space<vmem>> -> memref<8x128xf32, #tpu.memory_space<vmem>>
      tpu.enqueue_dma source(%dma_start3A_794 : memref<8x128xf32, #tpu.memory_space<vmem>>) target(%dma_start3A_790 : memref<8x128xf32, #tpu.memory_space<hbm>>) target_semaphore(%dma_start3A_786 : memref<!tpu.dma_semaphore, #tpu.memory_space<semaphore_mem>>)
      %mul3A_795 = arith.constant 8 : i32
      %mul3A_796 = arith.muli %scan3A_127, %mul3A_795 : i32
      %add3A_797 = arith.constant 3 : i32
      %add3A_798 = arith.addi %mul3A_796, %add3A_797 : i32
      %add3A_799 = arith.addi %mul3A_2, %add3A_798 : i32
      %jit3A_800 = arith.constant 128 : i32
      %div3A_801 = arith.divsi %add3A_799, %jit3A_800 : i32
      %sign3A_802 = arith.constant 0 : i32
      %sign3A_803 = arith.cmpi sgt, %add3A_799, %sign3A_802 : i32
      %sign3A_804 = arith.extui %sign3A_803 : i1 to i32
      %sign3A_805 = arith.constant 0 : i32
      %sign3A_806 = arith.cmpi slt, %add3A_799, %sign3A_805 : i32
      %sign3A_807 = arith.extui %sign3A_806 : i1 to i32
      %sign3A_808 = arith.subi %sign3A_804, %sign3A_807 : i32
      %sign3A_809 = arith.constant 0 : i32
      %sign3A_810 = arith.cmpi sgt, %jit3A_800, %sign3A_809 : i32
      %sign3A_811 = arith.extui %sign3A_810 : i1 to i32
      %sign3A_812 = arith.constant 0 : i32
      %sign3A_813 = arith.cmpi slt, %jit3A_800, %sign3A_812 : i32
      %sign3A_814 = arith.extui %sign3A_813 : i1 to i32
      %sign3A_815 = arith.subi %sign3A_811, %sign3A_814 : i32
      %ne3A_816 = arith.cmpi ne, %sign3A_808, %sign3A_815 : i32
      %rem3A_817 = arith.remsi %add3A_799, %jit3A_800 : i32
      %ne3A_818 = arith.constant 0 : i32
      %ne3A_819 = arith.cmpi ne, %rem3A_817, %ne3A_818 : i32
      %and3A_820 = arith.andi %ne3A_816, %ne3A_819 : i1
      %sub3A_821 = arith.constant 1 : i32
      %sub3A_822 = arith.subi %div3A_801, %sub3A_821 : i32
      %select_n3A_823 = arith.select %and3A_820, %sub3A_822, %div3A_801 : i32
      %mul3A_824 = arith.constant 128 : i32
      %mul3A_825 = arith.muli %select_n3A_823, %mul3A_824 : i32
      %sub3A_826 = arith.subi %add3A_799, %mul3A_825 : i32
      %dma_wait3A_827 = arith.constant 3 : i32
      %dma_wait3A_828 = arith.constant 3 : i32
      %dma_wait3A_829 = arith.constant 0 : i32
      %dma_wait3A_830 = arith.constant 0 : i32
      %dma_wait3A_831 = tpu.memref_slice %arg9[%dma_wait3A_827, %dma_wait3A_829, %dma_wait3A_830] : memref<8x128x32xf32, #tpu.memory_space<vmem>> -> memref<1x128x32xf32, #tpu.memory_space<vmem>>
      %dma_wait3A_832 = tpu.memref_squeeze %dma_wait3A_831 : memref<1x128x32xf32, #tpu.memory_space<vmem>> -> memref<128x32xf32, #tpu.memory_space<vmem>>
      %dma_wait3A_833 = arith.constant 0 : i32
      %dma_wait3A_834 = tpu.memref_slice %arg8[%add3A_798, %dma_wait3A_833] : memref<200x128xi32, #tpu.memory_space<vmem>> -> memref<1x128xi32, #tpu.memory_space<vmem>>
      %dma_wait3A_835 = tpu.memref_squeeze %dma_wait3A_834 : memref<1x128xi32, #tpu.memory_space<vmem>> -> memref<128xi32, #tpu.memory_space<vmem>>
      %dma_wait3A_836 = arith.constant 0 : i32
      %dma_wait3A_837 = arith.constant 0 : i32
      %dma_wait3A_838 = tpu.memref_slice %arg5[%dma_wait3A_836, %dma_wait3A_837] : memref<1000000x32xf32, #tpu.memory_space<hbm>> -> memref<1000000x32xf32, #tpu.memory_space<hbm>>
      %dma_wait3A_839 = tpu.memref_slice %arg11[%dma_wait3A_828] : memref<8x!tpu.dma_semaphore, #tpu.memory_space<semaphore_mem>> -> memref<1x!tpu.dma_semaphore, #tpu.memory_space<semaphore_mem>>
      %dma_wait3A_840 = tpu.memref_squeeze %dma_wait3A_839 : memref<1x!tpu.dma_semaphore, #tpu.memory_space<semaphore_mem>> -> memref<!tpu.dma_semaphore, #tpu.memory_space<semaphore_mem>>
      tpu.wait_indirect_dma semaphore(%dma_wait3A_840 : memref<!tpu.dma_semaphore, #tpu.memory_space<semaphore_mem>>) src(%dma_wait3A_838 : memref<1000000x32xf32, #tpu.memory_space<hbm>>) dst(%dma_wait3A_832 : memref<128x32xf32, #tpu.memory_space<vmem>>)
      %scan3A_841 = arith.constant 0 : i32
      %scan3A_842 = arith.constant 0 : i32
      %scan3A_843 = arith.constant 32 : i32
      %scan3A_844 = arith.addi %scan3A_842, %scan3A_843 : i32
      %scan3A_845 = arith.constant 1 : i32
      scf.for %scan3A_2508 = %scan3A_842 to %scan3A_844 step %scan3A_845  : i32 {
        %jit3A_2509 = arith.constant 8 : i32
        %div3A_2510 = arith.divsi %scan3A_2508, %jit3A_2509 : i32
        %sign3A_2511 = arith.constant 0 : i32
        %sign3A_2512 = arith.cmpi sgt, %scan3A_2508, %sign3A_2511 : i32
        %sign3A_2513 = arith.extui %sign3A_2512 : i1 to i32
        %sign3A_2514 = arith.constant 0 : i32
        %sign3A_2515 = arith.cmpi slt, %scan3A_2508, %sign3A_2514 : i32
        %sign3A_2516 = arith.extui %sign3A_2515 : i1 to i32
        %sign3A_2517 = arith.subi %sign3A_2513, %sign3A_2516 : i32
        %sign3A_2518 = arith.constant 0 : i32
        %sign3A_2519 = arith.cmpi sgt, %jit3A_2509, %sign3A_2518 : i32
        %sign3A_2520 = arith.extui %sign3A_2519 : i1 to i32
        %sign3A_2521 = arith.constant 0 : i32
        %sign3A_2522 = arith.cmpi slt, %jit3A_2509, %sign3A_2521 : i32
        %sign3A_2523 = arith.extui %sign3A_2522 : i1 to i32
        %sign3A_2524 = arith.subi %sign3A_2520, %sign3A_2523 : i32
        %ne3A_2525 = arith.cmpi ne, %sign3A_2517, %sign3A_2524 : i32
        %rem3A_2526 = arith.remsi %scan3A_2508, %jit3A_2509 : i32
        %ne3A_2527 = arith.constant 0 : i32
        %ne3A_2528 = arith.cmpi ne, %rem3A_2526, %ne3A_2527 : i32
        %and3A_2529 = arith.andi %ne3A_2525, %ne3A_2528 : i1
        %sub3A_2530 = arith.constant 1 : i32
        %sub3A_2531 = arith.subi %div3A_2510, %sub3A_2530 : i32
        %select_n3A_2532 = arith.select %and3A_2529, %sub3A_2531, %div3A_2510 : i32
        %mul3A_2533 = arith.constant 8 : i32
        %mul3A_2534 = arith.muli %select_n3A_2532, %mul3A_2533 : i32
        %sub3A_2535 = arith.subi %scan3A_2508, %mul3A_2534 : i32
        %add3A_2536 = arith.constant 0 : i32
        %add3A_2537 = vector.broadcast %add3A_2536 : i32 to vector<16xi32>
        %add3A_2538 = arith.addi %iota3A, %add3A_2537 : vector<16xi32>
        %broadcast_in_dim3A = arith.constant 0 : i32
        %broadcast_in_dim3A_2539 = vector.broadcast %broadcast_in_dim3A : i32 to vector<16xi32>
        %add3A_2540 = vector.broadcast %scan3A_2508 : i32 to vector<16xi32>
        %add3A_2541 = arith.addi %broadcast_in_dim3A_2539, %add3A_2540 : vector<16xi32>
        %gather3A = arith.constant 3 : i32
        %gather3A_2542 = arith.constant 0 : i32
        %gather3A_2543 = arith.constant 0 : i32
        %gather3A_2544 = tpu.memref_slice %arg9[%gather3A, %gather3A_2542, %gather3A_2543] : memref<8x128x32xf32, #tpu.memory_space<vmem>> -> memref<1x128x32xf32, #tpu.memory_space<vmem>>
        %gather3A_2545 = tpu.memref_squeeze %gather3A_2544 : memref<1x128x32xf32, #tpu.memory_space<vmem>> -> memref<128x32xf32, #tpu.memory_space<vmem>>
        %gather3A_2546 = tpu.vector_load_idx %gather3A_2545[%add3A_2538, %add3A_2541] : memref<128x32xf32, #tpu.memory_space<vmem>>[vector<16xi32>, vector<16xi32>], vector<16xf32>,
        %swap3A = arith.constant 3 : i32
        %swap3A_2547 = arith.index_cast %swap3A : i32 to index
        %swap3A_2548 = arith.index_cast %select_n3A_2532 : i32 to index
        %swap3A_2549 = arith.index_cast %sub3A_2535 : i32 to index
        %swap3A_2550 = arith.constant 0 : index
        %swap3A_2551 = tpu.vector_load %arg10[%swap3A_2547, %swap3A_2548, %swap3A_2549, %swap3A_2550] {strides = array<i32>} : memref<8x4x8x128xf32, #tpu.memory_space<vmem>>, vector<16xf32>,
        tpu.vector_store %arg10[%swap3A_2547, %swap3A_2548, %swap3A_2549, %swap3A_2550], %gather3A_2546 {strides = array<i32>} : memref<8x4x8x128xf32, #tpu.memory_space<vmem>>, vector<16xf32>,
        %add3A_2552 = arith.constant 16 : i32
        %add3A_2553 = vector.broadcast %add3A_2552 : i32 to vector<16xi32>
        %add3A_2554 = arith.addi %iota3A, %add3A_2553 : vector<16xi32>
        %broadcast_in_dim3A_2555 = arith.constant 0 : i32
        %broadcast_in_dim3A_2556 = vector.broadcast %broadcast_in_dim3A_2555 : i32 to vector<16xi32>
        %add3A_2557 = vector.broadcast %scan3A_2508 : i32 to vector<16xi32>
        %add3A_2558 = arith.addi %broadcast_in_dim3A_2556, %add3A_2557 : vector<16xi32>
        %gather3A_2559 = arith.constant 3 : i32
        %gather3A_2560 = arith.constant 0 : i32
        %gather3A_2561 = arith.constant 0 : i32
        %gather3A_2562 = tpu.memref_slice %arg9[%gather3A_2559, %gather3A_2560, %gather3A_2561] : memref<8x128x32xf32, #tpu.memory_space<vmem>> -> memref<1x128x32xf32, #tpu.memory_space<vmem>>
        %gather3A_2563 = tpu.memref_squeeze %gather3A_2562 : memref<1x128x32xf32, #tpu.memory_space<vmem>> -> memref<128x32xf32, #tpu.memory_space<vmem>>
        %gather3A_2564 = tpu.vector_load_idx %gather3A_2563[%add3A_2554, %add3A_2558] : memref<128x32xf32, #tpu.memory_space<vmem>>[vector<16xi32>, vector<16xi32>], vector<16xf32>,
        %swap3A_2565 = arith.constant 3 : i32
        %swap3A_2566 = arith.index_cast %swap3A_2565 : i32 to index
        %swap3A_2567 = arith.index_cast %select_n3A_2532 : i32 to index
        %swap3A_2568 = arith.index_cast %sub3A_2535 : i32 to index
        %swap3A_2569 = arith.constant 16 : index
        %swap3A_2570 = tpu.vector_load %arg10[%swap3A_2566, %swap3A_2567, %swap3A_2568, %swap3A_2569] {strides = array<i32>} : memref<8x4x8x128xf32, #tpu.memory_space<vmem>>, vector<16xf32>,
        tpu.vector_store %arg10[%swap3A_2566, %swap3A_2567, %swap3A_2568, %swap3A_2569], %gather3A_2564 {strides = array<i32>} : memref<8x4x8x128xf32, #tpu.memory_space<vmem>>, vector<16xf32>,
        %add3A_2571 = arith.constant 32 : i32
        %add3A_2572 = vector.broadcast %add3A_2571 : i32 to vector<16xi32>
        %add3A_2573 = arith.addi %iota3A, %add3A_2572 : vector<16xi32>
        %broadcast_in_dim3A_2574 = arith.constant 0 : i32
        %broadcast_in_dim3A_2575 = vector.broadcast %broadcast_in_dim3A_2574 : i32 to vector<16xi32>
        %add3A_2576 = vector.broadcast %scan3A_2508 : i32 to vector<16xi32>
        %add3A_2577 = arith.addi %broadcast_in_dim3A_2575, %add3A_2576 : vector<16xi32>
        %gather3A_2578 = arith.constant 3 : i32
        %gather3A_2579 = arith.constant 0 : i32
        %gather3A_2580 = arith.constant 0 : i32
        %gather3A_2581 = tpu.memref_slice %arg9[%gather3A_2578, %gather3A_2579, %gather3A_2580] : memref<8x128x32xf32, #tpu.memory_space<vmem>> -> memref<1x128x32xf32, #tpu.memory_space<vmem>>
        %gather3A_2582 = tpu.memref_squeeze %gather3A_2581 : memref<1x128x32xf32, #tpu.memory_space<vmem>> -> memref<128x32xf32, #tpu.memory_space<vmem>>
        %gather3A_2583 = tpu.vector_load_idx %gather3A_2582[%add3A_2573, %add3A_2577] : memref<128x32xf32, #tpu.memory_space<vmem>>[vector<16xi32>, vector<16xi32>], vector<16xf32>,
        %swap3A_2584 = arith.constant 3 : i32
        %swap3A_2585 = arith.index_cast %swap3A_2584 : i32 to index
        %swap3A_2586 = arith.index_cast %select_n3A_2532 : i32 to index
        %swap3A_2587 = arith.index_cast %sub3A_2535 : i32 to index
        %swap3A_2588 = arith.constant 32 : index
        %swap3A_2589 = tpu.vector_load %arg10[%swap3A_2585, %swap3A_2586, %swap3A_2587, %swap3A_2588] {strides = array<i32>} : memref<8x4x8x128xf32, #tpu.memory_space<vmem>>, vector<16xf32>,
        tpu.vector_store %arg10[%swap3A_2585, %swap3A_2586, %swap3A_2587, %swap3A_2588], %gather3A_2583 {strides = array<i32>} : memref<8x4x8x128xf32, #tpu.memory_space<vmem>>, vector<16xf32>,
        %add3A_2590 = arith.constant 48 : i32
        %add3A_2591 = vector.broadcast %add3A_2590 : i32 to vector<16xi32>
        %add3A_2592 = arith.addi %iota3A, %add3A_2591 : vector<16xi32>
        %broadcast_in_dim3A_2593 = arith.constant 0 : i32
        %broadcast_in_dim3A_2594 = vector.broadcast %broadcast_in_dim3A_2593 : i32 to vector<16xi32>
        %add3A_2595 = vector.broadcast %scan3A_2508 : i32 to vector<16xi32>
        %add3A_2596 = arith.addi %broadcast_in_dim3A_2594, %add3A_2595 : vector<16xi32>
        %gather3A_2597 = arith.constant 3 : i32
        %gather3A_2598 = arith.constant 0 : i32
        %gather3A_2599 = arith.constant 0 : i32
        %gather3A_2600 = tpu.memref_slice %arg9[%gather3A_2597, %gather3A_2598, %gather3A_2599] : memref<8x128x32xf32, #tpu.memory_space<vmem>> -> memref<1x128x32xf32, #tpu.memory_space<vmem>>
        %gather3A_2601 = tpu.memref_squeeze %gather3A_2600 : memref<1x128x32xf32, #tpu.memory_space<vmem>> -> memref<128x32xf32, #tpu.memory_space<vmem>>
        %gather3A_2602 = tpu.vector_load_idx %gather3A_2601[%add3A_2592, %add3A_2596] : memref<128x32xf32, #tpu.memory_space<vmem>>[vector<16xi32>, vector<16xi32>], vector<16xf32>,
        %swap3A_2603 = arith.constant 3 : i32
        %swap3A_2604 = arith.index_cast %swap3A_2603 : i32 to index
        %swap3A_2605 = arith.index_cast %select_n3A_2532 : i32 to index
        %swap3A_2606 = arith.index_cast %sub3A_2535 : i32 to index
        %swap3A_2607 = arith.constant 48 : index
        %swap3A_2608 = tpu.vector_load %arg10[%swap3A_2604, %swap3A_2605, %swap3A_2606, %swap3A_2607] {strides = array<i32>} : memref<8x4x8x128xf32, #tpu.memory_space<vmem>>, vector<16xf32>,
        tpu.vector_store %arg10[%swap3A_2604, %swap3A_2605, %swap3A_2606, %swap3A_2607], %gather3A_2602 {strides = array<i32>} : memref<8x4x8x128xf32, #tpu.memory_space<vmem>>, vector<16xf32>,
        %add3A_2609 = arith.constant 64 : i32
        %add3A_2610 = vector.broadcast %add3A_2609 : i32 to vector<16xi32>
        %add3A_2611 = arith.addi %iota3A, %add3A_2610 : vector<16xi32>
        %broadcast_in_dim3A_2612 = arith.constant 0 : i32
        %broadcast_in_dim3A_2613 = vector.broadcast %broadcast_in_dim3A_2612 : i32 to vector<16xi32>
        %add3A_2614 = vector.broadcast %scan3A_2508 : i32 to vector<16xi32>
        %add3A_2615 = arith.addi %broadcast_in_dim3A_2613, %add3A_2614 : vector<16xi32>
        %gather3A_2616 = arith.constant 3 : i32
        %gather3A_2617 = arith.constant 0 : i32
        %gather3A_2618 = arith.constant 0 : i32
        %gather3A_2619 = tpu.memref_slice %arg9[%gather3A_2616, %gather3A_2617, %gather3A_2618] : memref<8x128x32xf32, #tpu.memory_space<vmem>> -> memref<1x128x32xf32, #tpu.memory_space<vmem>>
        %gather3A_2620 = tpu.memref_squeeze %gather3A_2619 : memref<1x128x32xf32, #tpu.memory_space<vmem>> -> memref<128x32xf32, #tpu.memory_space<vmem>>
        %gather3A_2621 = tpu.vector_load_idx %gather3A_2620[%add3A_2611, %add3A_2615] : memref<128x32xf32, #tpu.memory_space<vmem>>[vector<16xi32>, vector<16xi32>], vector<16xf32>,
        %swap3A_2622 = arith.constant 3 : i32
        %swap3A_2623 = arith.index_cast %swap3A_2622 : i32 to index
        %swap3A_2624 = arith.index_cast %select_n3A_2532 : i32 to index
        %swap3A_2625 = arith.index_cast %sub3A_2535 : i32 to index
        %swap3A_2626 = arith.constant 64 : index
        %swap3A_2627 = tpu.vector_load %arg10[%swap3A_2623, %swap3A_2624, %swap3A_2625, %swap3A_2626] {strides = array<i32>} : memref<8x4x8x128xf32, #tpu.memory_space<vmem>>, vector<16xf32>,
        tpu.vector_store %arg10[%swap3A_2623, %swap3A_2624, %swap3A_2625, %swap3A_2626], %gather3A_2621 {strides = array<i32>} : memref<8x4x8x128xf32, #tpu.memory_space<vmem>>, vector<16xf32>,
        %add3A_2628 = arith.constant 80 : i32
        %add3A_2629 = vector.broadcast %add3A_2628 : i32 to vector<16xi32>
        %add3A_2630 = arith.addi %iota3A, %add3A_2629 : vector<16xi32>
        %broadcast_in_dim3A_2631 = arith.constant 0 : i32
        %broadcast_in_dim3A_2632 = vector.broadcast %broadcast_in_dim3A_2631 : i32 to vector<16xi32>
        %add3A_2633 = vector.broadcast %scan3A_2508 : i32 to vector<16xi32>
        %add3A_2634 = arith.addi %broadcast_in_dim3A_2632, %add3A_2633 : vector<16xi32>
        %gather3A_2635 = arith.constant 3 : i32
        %gather3A_2636 = arith.constant 0 : i32
        %gather3A_2637 = arith.constant 0 : i32
        %gather3A_2638 = tpu.memref_slice %arg9[%gather3A_2635, %gather3A_2636, %gather3A_2637] : memref<8x128x32xf32, #tpu.memory_space<vmem>> -> memref<1x128x32xf32, #tpu.memory_space<vmem>>
        %gather3A_2639 = tpu.memref_squeeze %gather3A_2638 : memref<1x128x32xf32, #tpu.memory_space<vmem>> -> memref<128x32xf32, #tpu.memory_space<vmem>>
        %gather3A_2640 = tpu.vector_load_idx %gather3A_2639[%add3A_2630, %add3A_2634] : memref<128x32xf32, #tpu.memory_space<vmem>>[vector<16xi32>, vector<16xi32>], vector<16xf32>,
        %swap3A_2641 = arith.constant 3 : i32
        %swap3A_2642 = arith.index_cast %swap3A_2641 : i32 to index
        %swap3A_2643 = arith.index_cast %select_n3A_2532 : i32 to index
        %swap3A_2644 = arith.index_cast %sub3A_2535 : i32 to index
        %swap3A_2645 = arith.constant 80 : index
        %swap3A_2646 = tpu.vector_load %arg10[%swap3A_2642, %swap3A_2643, %swap3A_2644, %swap3A_2645] {strides = array<i32>} : memref<8x4x8x128xf32, #tpu.memory_space<vmem>>, vector<16xf32>,
        tpu.vector_store %arg10[%swap3A_2642, %swap3A_2643, %swap3A_2644, %swap3A_2645], %gather3A_2640 {strides = array<i32>} : memref<8x4x8x128xf32, #tpu.memory_space<vmem>>, vector<16xf32>,
        %add3A_2647 = arith.constant 96 : i32
        %add3A_2648 = vector.broadcast %add3A_2647 : i32 to vector<16xi32>
        %add3A_2649 = arith.addi %iota3A, %add3A_2648 : vector<16xi32>
        %broadcast_in_dim3A_2650 = arith.constant 0 : i32
        %broadcast_in_dim3A_2651 = vector.broadcast %broadcast_in_dim3A_2650 : i32 to vector<16xi32>
        %add3A_2652 = vector.broadcast %scan3A_2508 : i32 to vector<16xi32>
        %add3A_2653 = arith.addi %broadcast_in_dim3A_2651, %add3A_2652 : vector<16xi32>
        %gather3A_2654 = arith.constant 3 : i32
        %gather3A_2655 = arith.constant 0 : i32
        %gather3A_2656 = arith.constant 0 : i32
        %gather3A_2657 = tpu.memref_slice %arg9[%gather3A_2654, %gather3A_2655, %gather3A_2656] : memref<8x128x32xf32, #tpu.memory_space<vmem>> -> memref<1x128x32xf32, #tpu.memory_space<vmem>>
        %gather3A_2658 = tpu.memref_squeeze %gather3A_2657 : memref<1x128x32xf32, #tpu.memory_space<vmem>> -> memref<128x32xf32, #tpu.memory_space<vmem>>
        %gather3A_2659 = tpu.vector_load_idx %gather3A_2658[%add3A_2649, %add3A_2653] : memref<128x32xf32, #tpu.memory_space<vmem>>[vector<16xi32>, vector<16xi32>], vector<16xf32>,
        %swap3A_2660 = arith.constant 3 : i32
        %swap3A_2661 = arith.index_cast %swap3A_2660 : i32 to index
        %swap3A_2662 = arith.index_cast %select_n3A_2532 : i32 to index
        %swap3A_2663 = arith.index_cast %sub3A_2535 : i32 to index
        %swap3A_2664 = arith.constant 96 : index
        %swap3A_2665 = tpu.vector_load %arg10[%swap3A_2661, %swap3A_2662, %swap3A_2663, %swap3A_2664] {strides = array<i32>} : memref<8x4x8x128xf32, #tpu.memory_space<vmem>>, vector<16xf32>,
        tpu.vector_store %arg10[%swap3A_2661, %swap3A_2662, %swap3A_2663, %swap3A_2664], %gather3A_2659 {strides = array<i32>} : memref<8x4x8x128xf32, #tpu.memory_space<vmem>>, vector<16xf32>,
        %add3A_2666 = arith.constant 112 : i32
        %add3A_2667 = vector.broadcast %add3A_2666 : i32 to vector<16xi32>
        %add3A_2668 = arith.addi %iota3A, %add3A_2667 : vector<16xi32>
        %broadcast_in_dim3A_2669 = arith.constant 0 : i32
        %broadcast_in_dim3A_2670 = vector.broadcast %broadcast_in_dim3A_2669 : i32 to vector<16xi32>
        %add3A_2671 = vector.broadcast %scan3A_2508 : i32 to vector<16xi32>
        %add3A_2672 = arith.addi %broadcast_in_dim3A_2670, %add3A_2671 : vector<16xi32>
        %gather3A_2673 = arith.constant 3 : i32
        %gather3A_2674 = arith.constant 0 : i32
        %gather3A_2675 = arith.constant 0 : i32
        %gather3A_2676 = tpu.memref_slice %arg9[%gather3A_2673, %gather3A_2674, %gather3A_2675] : memref<8x128x32xf32, #tpu.memory_space<vmem>> -> memref<1x128x32xf32, #tpu.memory_space<vmem>>
        %gather3A_2677 = tpu.memref_squeeze %gather3A_2676 : memref<1x128x32xf32, #tpu.memory_space<vmem>> -> memref<128x32xf32, #tpu.memory_space<vmem>>
        %gather3A_2678 = tpu.vector_load_idx %gather3A_2677[%add3A_2668, %add3A_2672] : memref<128x32xf32, #tpu.memory_space<vmem>>[vector<16xi32>, vector<16xi32>], vector<16xf32>,
        %swap3A_2679 = arith.constant 3 : i32
        %swap3A_2680 = arith.index_cast %swap3A_2679 : i32 to index
        %swap3A_2681 = arith.index_cast %select_n3A_2532 : i32 to index
        %swap3A_2682 = arith.index_cast %sub3A_2535 : i32 to index
        %swap3A_2683 = arith.constant 112 : index
        %swap3A_2684 = tpu.vector_load %arg10[%swap3A_2680, %swap3A_2681, %swap3A_2682, %swap3A_2683] {strides = array<i32>} : memref<8x4x8x128xf32, #tpu.memory_space<vmem>>, vector<16xf32>,
        tpu.vector_store %arg10[%swap3A_2680, %swap3A_2681, %swap3A_2682, %swap3A_2683], %gather3A_2678 {strides = array<i32>} : memref<8x4x8x128xf32, #tpu.memory_space<vmem>>, vector<16xf32>,
      }
      %scan3A_846 = arith.constant 32 : i32
      %dma_start3A_847 = arith.constant 3 : i32
      %dma_start3A_848 = arith.constant 0 : i32
      %dma_start3A_849 = arith.constant 0 : i32
      %dma_start3A_850 = arith.constant 3 : i32
      %dma_start3A_851 = arith.constant 0 : i32
      %dma_start3A_852 = arith.constant 0 : i32
      %dma_start3A_853 = tpu.memref_slice %arg10[%dma_start3A_847, %dma_start3A_848, %dma_start3A_851, %dma_start3A_852] : memref<8x4x8x128xf32, #tpu.memory_space<vmem>> -> memref<1x1x8x128xf32, #tpu.memory_space<vmem>>
      %dma_start3A_854 = tpu.memref_squeeze %dma_start3A_853 : memref<1x1x8x128xf32, #tpu.memory_space<vmem>> -> memref<8x128xf32, #tpu.memory_space<vmem>>
      %dma_start3A_855 = arith.constant 0 : i32
      %dma_start3A_856 = arith.constant 0 : i32
      %dma_start3A_857 = tpu.memref_slice %arg6[%select_n3A_823, %dma_start3A_849, %sub3A_826, %dma_start3A_855, %dma_start3A_856] : memref<50x4x128x8x128xf32, #tpu.memory_space<hbm>> -> memref<1x1x1x8x128xf32, #tpu.memory_space<hbm>>
      %dma_start3A_858 = tpu.memref_squeeze %dma_start3A_857 : memref<1x1x1x8x128xf32, #tpu.memory_space<hbm>> -> memref<8x128xf32, #tpu.memory_space<hbm>>
      %dma_start3A_859 = tpu.memref_slice %arg11[%dma_start3A_850] : memref<8x!tpu.dma_semaphore, #tpu.memory_space<semaphore_mem>> -> memref<1x!tpu.dma_semaphore, #tpu.memory_space<semaphore_mem>>
      %dma_start3A_860 = tpu.memref_squeeze %dma_start3A_859 : memref<1x!tpu.dma_semaphore, #tpu.memory_space<semaphore_mem>> -> memref<!tpu.dma_semaphore, #tpu.memory_space<semaphore_mem>>
      %dma_start3A_861 = arith.constant 0 : i32
      %dma_start3A_862 = arith.constant 0 : i32
      %dma_start3A_863 = tpu.memref_slice %arg6[%select_n3A_823, %dma_start3A_849, %sub3A_826, %dma_start3A_861, %dma_start3A_862] : memref<50x4x128x8x128xf32, #tpu.memory_space<hbm>> -> memref<1x1x1x8x128xf32, #tpu.memory_space<hbm>>
      %dma_start3A_864 = tpu.memref_squeeze %dma_start3A_863 : memref<1x1x1x8x128xf32, #tpu.memory_space<hbm>> -> memref<8x128xf32, #tpu.memory_space<hbm>>
      %dma_start3A_865 = arith.constant 0 : i32
      %dma_start3A_866 = arith.constant 0 : i32
      %dma_start3A_867 = tpu.memref_slice %arg10[%dma_start3A_847, %dma_start3A_848, %dma_start3A_865, %dma_start3A_866] : memref<8x4x8x128xf32, #tpu.memory_space<vmem>> -> memref<1x1x8x128xf32, #tpu.memory_space<vmem>>
      %dma_start3A_868 = tpu.memref_squeeze %dma_start3A_867 : memref<1x1x8x128xf32, #tpu.memory_space<vmem>> -> memref<8x128xf32, #tpu.memory_space<vmem>>
      tpu.enqueue_dma source(%dma_start3A_868 : memref<8x128xf32, #tpu.memory_space<vmem>>) target(%dma_start3A_864 : memref<8x128xf32, #tpu.memory_space<hbm>>) target_semaphore(%dma_start3A_860 : memref<!tpu.dma_semaphore, #tpu.memory_space<semaphore_mem>>)
      %dma_start3A_869 = arith.constant 3 : i32
      %dma_start3A_870 = arith.constant 1 : i32
      %dma_start3A_871 = arith.constant 1 : i32
      %dma_start3A_872 = arith.constant 3 : i32
      %dma_start3A_873 = arith.constant 0 : i32
      %dma_start3A_874 = arith.constant 0 : i32
      %dma_start3A_875 = tpu.memref_slice %arg10[%dma_start3A_869, %dma_start3A_870, %dma_start3A_873, %dma_start3A_874] : memref<8x4x8x128xf32, #tpu.memory_space<vmem>> -> memref<1x1x8x128xf32, #tpu.memory_space<vmem>>
      %dma_start3A_876 = tpu.memref_squeeze %dma_start3A_875 : memref<1x1x8x128xf32, #tpu.memory_space<vmem>> -> memref<8x128xf32, #tpu.memory_space<vmem>>
      %dma_start3A_877 = arith.constant 0 : i32
      %dma_start3A_878 = arith.constant 0 : i32
      %dma_start3A_879 = tpu.memref_slice %arg6[%select_n3A_823, %dma_start3A_871, %sub3A_826, %dma_start3A_877, %dma_start3A_878] : memref<50x4x128x8x128xf32, #tpu.memory_space<hbm>> -> memref<1x1x1x8x128xf32, #tpu.memory_space<hbm>>
      %dma_start3A_880 = tpu.memref_squeeze %dma_start3A_879 : memref<1x1x1x8x128xf32, #tpu.memory_space<hbm>> -> memref<8x128xf32, #tpu.memory_space<hbm>>
      %dma_start3A_881 = tpu.memref_slice %arg11[%dma_start3A_872] : memref<8x!tpu.dma_semaphore, #tpu.memory_space<semaphore_mem>> -> memref<1x!tpu.dma_semaphore, #tpu.memory_space<semaphore_mem>>
      %dma_start3A_882 = tpu.memref_squeeze %dma_start3A_881 : memref<1x!tpu.dma_semaphore, #tpu.memory_space<semaphore_mem>> -> memref<!tpu.dma_semaphore, #tpu.memory_space<semaphore_mem>>
      %dma_start3A_883 = arith.constant 0 : i32
      %dma_start3A_884 = arith.constant 0 : i32
      %dma_start3A_885 = tpu.memref_slice %arg6[%select_n3A_823, %dma_start3A_871, %sub3A_826, %dma_start3A_883, %dma_start3A_884] : memref<50x4x128x8x128xf32, #tpu.memory_space<hbm>> -> memref<1x1x1x8x128xf32, #tpu.memory_space<hbm>>
      %dma_start3A_886 = tpu.memref_squeeze %dma_start3A_885 : memref<1x1x1x8x128xf32, #tpu.memory_space<hbm>> -> memref<8x128xf32, #tpu.memory_space<hbm>>
      %dma_start3A_887 = arith.constant 0 : i32
      %dma_start3A_888 = arith.constant 0 : i32
      %dma_start3A_889 = tpu.memref_slice %arg10[%dma_start3A_869, %dma_start3A_870, %dma_start3A_887, %dma_start3A_888] : memref<8x4x8x128xf32, #tpu.memory_space<vmem>> -> memref<1x1x8x128xf32, #tpu.memory_space<vmem>>
      %dma_start3A_890 = tpu.memref_squeeze %dma_start3A_889 : memref<1x1x8x128xf32, #tpu.memory_space<vmem>> -> memref<8x128xf32, #tpu.memory_space<vmem>>
      tpu.enqueue_dma source(%dma_start3A_890 : memref<8x128xf32, #tpu.memory_space<vmem>>) target(%dma_start3A_886 : memref<8x128xf32, #tpu.memory_space<hbm>>) target_semaphore(%dma_start3A_882 : memref<!tpu.dma_semaphore, #tpu.memory_space<semaphore_mem>>)
      %dma_start3A_891 = arith.constant 3 : i32
      %dma_start3A_892 = arith.constant 2 : i32
      %dma_start3A_893 = arith.constant 2 : i32
      %dma_start3A_894 = arith.constant 3 : i32
      %dma_start3A_895 = arith.constant 0 : i32
      %dma_start3A_896 = arith.constant 0 : i32
      %dma_start3A_897 = tpu.memref_slice %arg10[%dma_start3A_891, %dma_start3A_892, %dma_start3A_895, %dma_start3A_896] : memref<8x4x8x128xf32, #tpu.memory_space<vmem>> -> memref<1x1x8x128xf32, #tpu.memory_space<vmem>>
      %dma_start3A_898 = tpu.memref_squeeze %dma_start3A_897 : memref<1x1x8x128xf32, #tpu.memory_space<vmem>> -> memref<8x128xf32, #tpu.memory_space<vmem>>
      %dma_start3A_899 = arith.constant 0 : i32
      %dma_start3A_900 = arith.constant 0 : i32
      %dma_start3A_901 = tpu.memref_slice %arg6[%select_n3A_823, %dma_start3A_893, %sub3A_826, %dma_start3A_899, %dma_start3A_900] : memref<50x4x128x8x128xf32, #tpu.memory_space<hbm>> -> memref<1x1x1x8x128xf32, #tpu.memory_space<hbm>>
      %dma_start3A_902 = tpu.memref_squeeze %dma_start3A_901 : memref<1x1x1x8x128xf32, #tpu.memory_space<hbm>> -> memref<8x128xf32, #tpu.memory_space<hbm>>
      %dma_start3A_903 = tpu.memref_slice %arg11[%dma_start3A_894] : memref<8x!tpu.dma_semaphore, #tpu.memory_space<semaphore_mem>> -> memref<1x!tpu.dma_semaphore, #tpu.memory_space<semaphore_mem>>
      %dma_start3A_904 = tpu.memref_squeeze %dma_start3A_903 : memref<1x!tpu.dma_semaphore, #tpu.memory_space<semaphore_mem>> -> memref<!tpu.dma_semaphore, #tpu.memory_space<semaphore_mem>>
      %dma_start3A_905 = arith.constant 0 : i32
      %dma_start3A_906 = arith.constant 0 : i32
      %dma_start3A_907 = tpu.memref_slice %arg6[%select_n3A_823, %dma_start3A_893, %sub3A_826, %dma_start3A_905, %dma_start3A_906] : memref<50x4x128x8x128xf32, #tpu.memory_space<hbm>> -> memref<1x1x1x8x128xf32, #tpu.memory_space<hbm>>
      %dma_start3A_908 = tpu.memref_squeeze %dma_start3A_907 : memref<1x1x1x8x128xf32, #tpu.memory_space<hbm>> -> memref<8x128xf32, #tpu.memory_space<hbm>>
      %dma_start3A_909 = arith.constant 0 : i32
      %dma_start3A_910 = arith.constant 0 : i32
      %dma_start3A_911 = tpu.memref_slice %arg10[%dma_start3A_891, %dma_start3A_892, %dma_start3A_909, %dma_start3A_910] : memref<8x4x8x128xf32, #tpu.memory_space<vmem>> -> memref<1x1x8x128xf32, #tpu.memory_space<vmem>>
      %dma_start3A_912 = tpu.memref_squeeze %dma_start3A_911 : memref<1x1x8x128xf32, #tpu.memory_space<vmem>> -> memref<8x128xf32, #tpu.memory_space<vmem>>
      tpu.enqueue_dma source(%dma_start3A_912 : memref<8x128xf32, #tpu.memory_space<vmem>>) target(%dma_start3A_908 : memref<8x128xf32, #tpu.memory_space<hbm>>) target_semaphore(%dma_start3A_904 : memref<!tpu.dma_semaphore, #tpu.memory_space<semaphore_mem>>)
      %dma_start3A_913 = arith.constant 3 : i32
      %dma_start3A_914 = arith.constant 3 : i32
      %dma_start3A_915 = arith.constant 3 : i32
      %dma_start3A_916 = arith.constant 3 : i32
      %dma_start3A_917 = arith.constant 0 : i32
      %dma_start3A_918 = arith.constant 0 : i32
      %dma_start3A_919 = tpu.memref_slice %arg10[%dma_start3A_913, %dma_start3A_914, %dma_start3A_917, %dma_start3A_918] : memref<8x4x8x128xf32, #tpu.memory_space<vmem>> -> memref<1x1x8x128xf32, #tpu.memory_space<vmem>>
      %dma_start3A_920 = tpu.memref_squeeze %dma_start3A_919 : memref<1x1x8x128xf32, #tpu.memory_space<vmem>> -> memref<8x128xf32, #tpu.memory_space<vmem>>
      %dma_start3A_921 = arith.constant 0 : i32
      %dma_start3A_922 = arith.constant 0 : i32
      %dma_start3A_923 = tpu.memref_slice %arg6[%select_n3A_823, %dma_start3A_915, %sub3A_826, %dma_start3A_921, %dma_start3A_922] : memref<50x4x128x8x128xf32, #tpu.memory_space<hbm>> -> memref<1x1x1x8x128xf32, #tpu.memory_space<hbm>>
      %dma_start3A_924 = tpu.memref_squeeze %dma_start3A_923 : memref<1x1x1x8x128xf32, #tpu.memory_space<hbm>> -> memref<8x128xf32, #tpu.memory_space<hbm>>
      %dma_start3A_925 = tpu.memref_slice %arg11[%dma_start3A_916] : memref<8x!tpu.dma_semaphore, #tpu.memory_space<semaphore_mem>> -> memref<1x!tpu.dma_semaphore, #tpu.memory_space<semaphore_mem>>
      %dma_start3A_926 = tpu.memref_squeeze %dma_start3A_925 : memref<1x!tpu.dma_semaphore, #tpu.memory_space<semaphore_mem>> -> memref<!tpu.dma_semaphore, #tpu.memory_space<semaphore_mem>>
      %dma_start3A_927 = arith.constant 0 : i32
      %dma_start3A_928 = arith.constant 0 : i32
      %dma_start3A_929 = tpu.memref_slice %arg6[%select_n3A_823, %dma_start3A_915, %sub3A_826, %dma_start3A_927, %dma_start3A_928] : memref<50x4x128x8x128xf32, #tpu.memory_space<hbm>> -> memref<1x1x1x8x128xf32, #tpu.memory_space<hbm>>
      %dma_start3A_930 = tpu.memref_squeeze %dma_start3A_929 : memref<1x1x1x8x128xf32, #tpu.memory_space<hbm>> -> memref<8x128xf32, #tpu.memory_space<hbm>>
      %dma_start3A_931 = arith.constant 0 : i32
      %dma_start3A_932 = arith.constant 0 : i32
      %dma_start3A_933 = tpu.memref_slice %arg10[%dma_start3A_913, %dma_start3A_914, %dma_start3A_931, %dma_start3A_932] : memref<8x4x8x128xf32, #tpu.memory_space<vmem>> -> memref<1x1x8x128xf32, #tpu.memory_space<vmem>>
      %dma_start3A_934 = tpu.memref_squeeze %dma_start3A_933 : memref<1x1x8x128xf32, #tpu.memory_space<vmem>> -> memref<8x128xf32, #tpu.memory_space<vmem>>
      tpu.enqueue_dma source(%dma_start3A_934 : memref<8x128xf32, #tpu.memory_space<vmem>>) target(%dma_start3A_930 : memref<8x128xf32, #tpu.memory_space<hbm>>) target_semaphore(%dma_start3A_926 : memref<!tpu.dma_semaphore, #tpu.memory_space<semaphore_mem>>)
      %mul3A_935 = arith.constant 8 : i32
      %mul3A_936 = arith.muli %scan3A_127, %mul3A_935 : i32
      %add3A_937 = arith.constant 4 : i32
      %add3A_938 = arith.addi %mul3A_936, %add3A_937 : i32
      %add3A_939 = arith.addi %mul3A_2, %add3A_938 : i32
      %jit3A_940 = arith.constant 128 : i32
      %div3A_941 = arith.divsi %add3A_939, %jit3A_940 : i32
      %sign3A_942 = arith.constant 0 : i32
      %sign3A_943 = arith.cmpi sgt, %add3A_939, %sign3A_942 : i32
      %sign3A_944 = arith.extui %sign3A_943 : i1 to i32
      %sign3A_945 = arith.constant 0 : i32
      %sign3A_946 = arith.cmpi slt, %add3A_939, %sign3A_945 : i32
      %sign3A_947 = arith.extui %sign3A_946 : i1 to i32
      %sign3A_948 = arith.subi %sign3A_944, %sign3A_947 : i32
      %sign3A_949 = arith.constant 0 : i32
      %sign3A_950 = arith.cmpi sgt, %jit3A_940, %sign3A_949 : i32
      %sign3A_951 = arith.extui %sign3A_950 : i1 to i32
      %sign3A_952 = arith.constant 0 : i32
      %sign3A_953 = arith.cmpi slt, %jit3A_940, %sign3A_952 : i32
      %sign3A_954 = arith.extui %sign3A_953 : i1 to i32
      %sign3A_955 = arith.subi %sign3A_951, %sign3A_954 : i32
      %ne3A_956 = arith.cmpi ne, %sign3A_948, %sign3A_955 : i32
      %rem3A_957 = arith.remsi %add3A_939, %jit3A_940 : i32
      %ne3A_958 = arith.constant 0 : i32
      %ne3A_959 = arith.cmpi ne, %rem3A_957, %ne3A_958 : i32
      %and3A_960 = arith.andi %ne3A_956, %ne3A_959 : i1
      %sub3A_961 = arith.constant 1 : i32
      %sub3A_962 = arith.subi %div3A_941, %sub3A_961 : i32
      %select_n3A_963 = arith.select %and3A_960, %sub3A_962, %div3A_941 : i32
      %mul3A_964 = arith.constant 128 : i32
      %mul3A_965 = arith.muli %select_n3A_963, %mul3A_964 : i32
      %sub3A_966 = arith.subi %add3A_939, %mul3A_965 : i32
      %dma_wait3A_967 = arith.constant 4 : i32
      %dma_wait3A_968 = arith.constant 4 : i32
      %dma_wait3A_969 = arith.constant 0 : i32
      %dma_wait3A_970 = arith.constant 0 : i32
      %dma_wait3A_971 = tpu.memref_slice %arg9[%dma_wait3A_967, %dma_wait3A_969, %dma_wait3A_970] : memref<8x128x32xf32, #tpu.memory_space<vmem>> -> memref<1x128x32xf32, #tpu.memory_space<vmem>>
      %dma_wait3A_972 = tpu.memref_squeeze %dma_wait3A_971 : memref<1x128x32xf32, #tpu.memory_space<vmem>> -> memref<128x32xf32, #tpu.memory_space<vmem>>
      %dma_wait3A_973 = arith.constant 0 : i32
      %dma_wait3A_974 = tpu.memref_slice %arg8[%add3A_938, %dma_wait3A_973] : memref<200x128xi32, #tpu.memory_space<vmem>> -> memref<1x128xi32, #tpu.memory_space<vmem>>
      %dma_wait3A_975 = tpu.memref_squeeze %dma_wait3A_974 : memref<1x128xi32, #tpu.memory_space<vmem>> -> memref<128xi32, #tpu.memory_space<vmem>>
      %dma_wait3A_976 = arith.constant 0 : i32
      %dma_wait3A_977 = arith.constant 0 : i32
      %dma_wait3A_978 = tpu.memref_slice %arg5[%dma_wait3A_976, %dma_wait3A_977] : memref<1000000x32xf32, #tpu.memory_space<hbm>> -> memref<1000000x32xf32, #tpu.memory_space<hbm>>
      %dma_wait3A_979 = tpu.memref_slice %arg11[%dma_wait3A_968] : memref<8x!tpu.dma_semaphore, #tpu.memory_space<semaphore_mem>> -> memref<1x!tpu.dma_semaphore, #tpu.memory_space<semaphore_mem>>
      %dma_wait3A_980 = tpu.memref_squeeze %dma_wait3A_979 : memref<1x!tpu.dma_semaphore, #tpu.memory_space<semaphore_mem>> -> memref<!tpu.dma_semaphore, #tpu.memory_space<semaphore_mem>>
      tpu.wait_indirect_dma semaphore(%dma_wait3A_980 : memref<!tpu.dma_semaphore, #tpu.memory_space<semaphore_mem>>) src(%dma_wait3A_978 : memref<1000000x32xf32, #tpu.memory_space<hbm>>) dst(%dma_wait3A_972 : memref<128x32xf32, #tpu.memory_space<vmem>>)
      %scan3A_981 = arith.constant 0 : i32
      %scan3A_982 = arith.constant 0 : i32
      %scan3A_983 = arith.constant 32 : i32
      %scan3A_984 = arith.addi %scan3A_982, %scan3A_983 : i32
      %scan3A_985 = arith.constant 1 : i32
      scf.for %scan3A_2508 = %scan3A_982 to %scan3A_984 step %scan3A_985  : i32 {
        %jit3A_2509 = arith.constant 8 : i32
        %div3A_2510 = arith.divsi %scan3A_2508, %jit3A_2509 : i32
        %sign3A_2511 = arith.constant 0 : i32
        %sign3A_2512 = arith.cmpi sgt, %scan3A_2508, %sign3A_2511 : i32
        %sign3A_2513 = arith.extui %sign3A_2512 : i1 to i32
        %sign3A_2514 = arith.constant 0 : i32
        %sign3A_2515 = arith.cmpi slt, %scan3A_2508, %sign3A_2514 : i32
        %sign3A_2516 = arith.extui %sign3A_2515 : i1 to i32
        %sign3A_2517 = arith.subi %sign3A_2513, %sign3A_2516 : i32
        %sign3A_2518 = arith.constant 0 : i32
        %sign3A_2519 = arith.cmpi sgt, %jit3A_2509, %sign3A_2518 : i32
        %sign3A_2520 = arith.extui %sign3A_2519 : i1 to i32
        %sign3A_2521 = arith.constant 0 : i32
        %sign3A_2522 = arith.cmpi slt, %jit3A_2509, %sign3A_2521 : i32
        %sign3A_2523 = arith.extui %sign3A_2522 : i1 to i32
        %sign3A_2524 = arith.subi %sign3A_2520, %sign3A_2523 : i32
        %ne3A_2525 = arith.cmpi ne, %sign3A_2517, %sign3A_2524 : i32
        %rem3A_2526 = arith.remsi %scan3A_2508, %jit3A_2509 : i32
        %ne3A_2527 = arith.constant 0 : i32
        %ne3A_2528 = arith.cmpi ne, %rem3A_2526, %ne3A_2527 : i32
        %and3A_2529 = arith.andi %ne3A_2525, %ne3A_2528 : i1
        %sub3A_2530 = arith.constant 1 : i32
        %sub3A_2531 = arith.subi %div3A_2510, %sub3A_2530 : i32
        %select_n3A_2532 = arith.select %and3A_2529, %sub3A_2531, %div3A_2510 : i32
        %mul3A_2533 = arith.constant 8 : i32
        %mul3A_2534 = arith.muli %select_n3A_2532, %mul3A_2533 : i32
        %sub3A_2535 = arith.subi %scan3A_2508, %mul3A_2534 : i32
        %add3A_2536 = arith.constant 0 : i32
        %add3A_2537 = vector.broadcast %add3A_2536 : i32 to vector<16xi32>
        %add3A_2538 = arith.addi %iota3A, %add3A_2537 : vector<16xi32>
        %broadcast_in_dim3A = arith.constant 0 : i32
        %broadcast_in_dim3A_2539 = vector.broadcast %broadcast_in_dim3A : i32 to vector<16xi32>
        %add3A_2540 = vector.broadcast %scan3A_2508 : i32 to vector<16xi32>
        %add3A_2541 = arith.addi %broadcast_in_dim3A_2539, %add3A_2540 : vector<16xi32>
        %gather3A = arith.constant 4 : i32
        %gather3A_2542 = arith.constant 0 : i32
        %gather3A_2543 = arith.constant 0 : i32
        %gather3A_2544 = tpu.memref_slice %arg9[%gather3A, %gather3A_2542, %gather3A_2543] : memref<8x128x32xf32, #tpu.memory_space<vmem>> -> memref<1x128x32xf32, #tpu.memory_space<vmem>>
        %gather3A_2545 = tpu.memref_squeeze %gather3A_2544 : memref<1x128x32xf32, #tpu.memory_space<vmem>> -> memref<128x32xf32, #tpu.memory_space<vmem>>
        %gather3A_2546 = tpu.vector_load_idx %gather3A_2545[%add3A_2538, %add3A_2541] : memref<128x32xf32, #tpu.memory_space<vmem>>[vector<16xi32>, vector<16xi32>], vector<16xf32>,
        %swap3A = arith.constant 4 : i32
        %swap3A_2547 = arith.index_cast %swap3A : i32 to index
        %swap3A_2548 = arith.index_cast %select_n3A_2532 : i32 to index
        %swap3A_2549 = arith.index_cast %sub3A_2535 : i32 to index
        %swap3A_2550 = arith.constant 0 : index
        %swap3A_2551 = tpu.vector_load %arg10[%swap3A_2547, %swap3A_2548, %swap3A_2549, %swap3A_2550] {strides = array<i32>} : memref<8x4x8x128xf32, #tpu.memory_space<vmem>>, vector<16xf32>,
        tpu.vector_store %arg10[%swap3A_2547, %swap3A_2548, %swap3A_2549, %swap3A_2550], %gather3A_2546 {strides = array<i32>} : memref<8x4x8x128xf32, #tpu.memory_space<vmem>>, vector<16xf32>,
        %add3A_2552 = arith.constant 16 : i32
        %add3A_2553 = vector.broadcast %add3A_2552 : i32 to vector<16xi32>
        %add3A_2554 = arith.addi %iota3A, %add3A_2553 : vector<16xi32>
        %broadcast_in_dim3A_2555 = arith.constant 0 : i32
        %broadcast_in_dim3A_2556 = vector.broadcast %broadcast_in_dim3A_2555 : i32 to vector<16xi32>
        %add3A_2557 = vector.broadcast %scan3A_2508 : i32 to vector<16xi32>
        %add3A_2558 = arith.addi %broadcast_in_dim3A_2556, %add3A_2557 : vector<16xi32>
        %gather3A_2559 = arith.constant 4 : i32
        %gather3A_2560 = arith.constant 0 : i32
        %gather3A_2561 = arith.constant 0 : i32
        %gather3A_2562 = tpu.memref_slice %arg9[%gather3A_2559, %gather3A_2560, %gather3A_2561] : memref<8x128x32xf32, #tpu.memory_space<vmem>> -> memref<1x128x32xf32, #tpu.memory_space<vmem>>
        %gather3A_2563 = tpu.memref_squeeze %gather3A_2562 : memref<1x128x32xf32, #tpu.memory_space<vmem>> -> memref<128x32xf32, #tpu.memory_space<vmem>>
        %gather3A_2564 = tpu.vector_load_idx %gather3A_2563[%add3A_2554, %add3A_2558] : memref<128x32xf32, #tpu.memory_space<vmem>>[vector<16xi32>, vector<16xi32>], vector<16xf32>,
        %swap3A_2565 = arith.constant 4 : i32
        %swap3A_2566 = arith.index_cast %swap3A_2565 : i32 to index
        %swap3A_2567 = arith.index_cast %select_n3A_2532 : i32 to index
        %swap3A_2568 = arith.index_cast %sub3A_2535 : i32 to index
        %swap3A_2569 = arith.constant 16 : index
        %swap3A_2570 = tpu.vector_load %arg10[%swap3A_2566, %swap3A_2567, %swap3A_2568, %swap3A_2569] {strides = array<i32>} : memref<8x4x8x128xf32, #tpu.memory_space<vmem>>, vector<16xf32>,
        tpu.vector_store %arg10[%swap3A_2566, %swap3A_2567, %swap3A_2568, %swap3A_2569], %gather3A_2564 {strides = array<i32>} : memref<8x4x8x128xf32, #tpu.memory_space<vmem>>, vector<16xf32>,
        %add3A_2571 = arith.constant 32 : i32
        %add3A_2572 = vector.broadcast %add3A_2571 : i32 to vector<16xi32>
        %add3A_2573 = arith.addi %iota3A, %add3A_2572 : vector<16xi32>
        %broadcast_in_dim3A_2574 = arith.constant 0 : i32
        %broadcast_in_dim3A_2575 = vector.broadcast %broadcast_in_dim3A_2574 : i32 to vector<16xi32>
        %add3A_2576 = vector.broadcast %scan3A_2508 : i32 to vector<16xi32>
        %add3A_2577 = arith.addi %broadcast_in_dim3A_2575, %add3A_2576 : vector<16xi32>
        %gather3A_2578 = arith.constant 4 : i32
        %gather3A_2579 = arith.constant 0 : i32
        %gather3A_2580 = arith.constant 0 : i32
        %gather3A_2581 = tpu.memref_slice %arg9[%gather3A_2578, %gather3A_2579, %gather3A_2580] : memref<8x128x32xf32, #tpu.memory_space<vmem>> -> memref<1x128x32xf32, #tpu.memory_space<vmem>>
        %gather3A_2582 = tpu.memref_squeeze %gather3A_2581 : memref<1x128x32xf32, #tpu.memory_space<vmem>> -> memref<128x32xf32, #tpu.memory_space<vmem>>
        %gather3A_2583 = tpu.vector_load_idx %gather3A_2582[%add3A_2573, %add3A_2577] : memref<128x32xf32, #tpu.memory_space<vmem>>[vector<16xi32>, vector<16xi32>], vector<16xf32>,
        %swap3A_2584 = arith.constant 4 : i32
        %swap3A_2585 = arith.index_cast %swap3A_2584 : i32 to index
        %swap3A_2586 = arith.index_cast %select_n3A_2532 : i32 to index
        %swap3A_2587 = arith.index_cast %sub3A_2535 : i32 to index
        %swap3A_2588 = arith.constant 32 : index
        %swap3A_2589 = tpu.vector_load %arg10[%swap3A_2585, %swap3A_2586, %swap3A_2587, %swap3A_2588] {strides = array<i32>} : memref<8x4x8x128xf32, #tpu.memory_space<vmem>>, vector<16xf32>,
        tpu.vector_store %arg10[%swap3A_2585, %swap3A_2586, %swap3A_2587, %swap3A_2588], %gather3A_2583 {strides = array<i32>} : memref<8x4x8x128xf32, #tpu.memory_space<vmem>>, vector<16xf32>,
        %add3A_2590 = arith.constant 48 : i32
        %add3A_2591 = vector.broadcast %add3A_2590 : i32 to vector<16xi32>
        %add3A_2592 = arith.addi %iota3A, %add3A_2591 : vector<16xi32>
        %broadcast_in_dim3A_2593 = arith.constant 0 : i32
        %broadcast_in_dim3A_2594 = vector.broadcast %broadcast_in_dim3A_2593 : i32 to vector<16xi32>
        %add3A_2595 = vector.broadcast %scan3A_2508 : i32 to vector<16xi32>
        %add3A_2596 = arith.addi %broadcast_in_dim3A_2594, %add3A_2595 : vector<16xi32>
        %gather3A_2597 = arith.constant 4 : i32
        %gather3A_2598 = arith.constant 0 : i32
        %gather3A_2599 = arith.constant 0 : i32
        %gather3A_2600 = tpu.memref_slice %arg9[%gather3A_2597, %gather3A_2598, %gather3A_2599] : memref<8x128x32xf32, #tpu.memory_space<vmem>> -> memref<1x128x32xf32, #tpu.memory_space<vmem>>
        %gather3A_2601 = tpu.memref_squeeze %gather3A_2600 : memref<1x128x32xf32, #tpu.memory_space<vmem>> -> memref<128x32xf32, #tpu.memory_space<vmem>>
        %gather3A_2602 = tpu.vector_load_idx %gather3A_2601[%add3A_2592, %add3A_2596] : memref<128x32xf32, #tpu.memory_space<vmem>>[vector<16xi32>, vector<16xi32>], vector<16xf32>,
        %swap3A_2603 = arith.constant 4 : i32
        %swap3A_2604 = arith.index_cast %swap3A_2603 : i32 to index
        %swap3A_2605 = arith.index_cast %select_n3A_2532 : i32 to index
        %swap3A_2606 = arith.index_cast %sub3A_2535 : i32 to index
        %swap3A_2607 = arith.constant 48 : index
        %swap3A_2608 = tpu.vector_load %arg10[%swap3A_2604, %swap3A_2605, %swap3A_2606, %swap3A_2607] {strides = array<i32>} : memref<8x4x8x128xf32, #tpu.memory_space<vmem>>, vector<16xf32>,
        tpu.vector_store %arg10[%swap3A_2604, %swap3A_2605, %swap3A_2606, %swap3A_2607], %gather3A_2602 {strides = array<i32>} : memref<8x4x8x128xf32, #tpu.memory_space<vmem>>, vector<16xf32>,
        %add3A_2609 = arith.constant 64 : i32
        %add3A_2610 = vector.broadcast %add3A_2609 : i32 to vector<16xi32>
        %add3A_2611 = arith.addi %iota3A, %add3A_2610 : vector<16xi32>
        %broadcast_in_dim3A_2612 = arith.constant 0 : i32
        %broadcast_in_dim3A_2613 = vector.broadcast %broadcast_in_dim3A_2612 : i32 to vector<16xi32>
        %add3A_2614 = vector.broadcast %scan3A_2508 : i32 to vector<16xi32>
        %add3A_2615 = arith.addi %broadcast_in_dim3A_2613, %add3A_2614 : vector<16xi32>
        %gather3A_2616 = arith.constant 4 : i32
        %gather3A_2617 = arith.constant 0 : i32
        %gather3A_2618 = arith.constant 0 : i32
        %gather3A_2619 = tpu.memref_slice %arg9[%gather3A_2616, %gather3A_2617, %gather3A_2618] : memref<8x128x32xf32, #tpu.memory_space<vmem>> -> memref<1x128x32xf32, #tpu.memory_space<vmem>>
        %gather3A_2620 = tpu.memref_squeeze %gather3A_2619 : memref<1x128x32xf32, #tpu.memory_space<vmem>> -> memref<128x32xf32, #tpu.memory_space<vmem>>
        %gather3A_2621 = tpu.vector_load_idx %gather3A_2620[%add3A_2611, %add3A_2615] : memref<128x32xf32, #tpu.memory_space<vmem>>[vector<16xi32>, vector<16xi32>], vector<16xf32>,
        %swap3A_2622 = arith.constant 4 : i32
        %swap3A_2623 = arith.index_cast %swap3A_2622 : i32 to index
        %swap3A_2624 = arith.index_cast %select_n3A_2532 : i32 to index
        %swap3A_2625 = arith.index_cast %sub3A_2535 : i32 to index
        %swap3A_2626 = arith.constant 64 : index
        %swap3A_2627 = tpu.vector_load %arg10[%swap3A_2623, %swap3A_2624, %swap3A_2625, %swap3A_2626] {strides = array<i32>} : memref<8x4x8x128xf32, #tpu.memory_space<vmem>>, vector<16xf32>,
        tpu.vector_store %arg10[%swap3A_2623, %swap3A_2624, %swap3A_2625, %swap3A_2626], %gather3A_2621 {strides = array<i32>} : memref<8x4x8x128xf32, #tpu.memory_space<vmem>>, vector<16xf32>,
        %add3A_2628 = arith.constant 80 : i32
        %add3A_2629 = vector.broadcast %add3A_2628 : i32 to vector<16xi32>
        %add3A_2630 = arith.addi %iota3A, %add3A_2629 : vector<16xi32>
        %broadcast_in_dim3A_2631 = arith.constant 0 : i32
        %broadcast_in_dim3A_2632 = vector.broadcast %broadcast_in_dim3A_2631 : i32 to vector<16xi32>
        %add3A_2633 = vector.broadcast %scan3A_2508 : i32 to vector<16xi32>
        %add3A_2634 = arith.addi %broadcast_in_dim3A_2632, %add3A_2633 : vector<16xi32>
        %gather3A_2635 = arith.constant 4 : i32
        %gather3A_2636 = arith.constant 0 : i32
        %gather3A_2637 = arith.constant 0 : i32
        %gather3A_2638 = tpu.memref_slice %arg9[%gather3A_2635, %gather3A_2636, %gather3A_2637] : memref<8x128x32xf32, #tpu.memory_space<vmem>> -> memref<1x128x32xf32, #tpu.memory_space<vmem>>
        %gather3A_2639 = tpu.memref_squeeze %gather3A_2638 : memref<1x128x32xf32, #tpu.memory_space<vmem>> -> memref<128x32xf32, #tpu.memory_space<vmem>>
        %gather3A_2640 = tpu.vector_load_idx %gather3A_2639[%add3A_2630, %add3A_2634] : memref<128x32xf32, #tpu.memory_space<vmem>>[vector<16xi32>, vector<16xi32>], vector<16xf32>,
        %swap3A_2641 = arith.constant 4 : i32
        %swap3A_2642 = arith.index_cast %swap3A_2641 : i32 to index
        %swap3A_2643 = arith.index_cast %select_n3A_2532 : i32 to index
        %swap3A_2644 = arith.index_cast %sub3A_2535 : i32 to index
        %swap3A_2645 = arith.constant 80 : index
        %swap3A_2646 = tpu.vector_load %arg10[%swap3A_2642, %swap3A_2643, %swap3A_2644, %swap3A_2645] {strides = array<i32>} : memref<8x4x8x128xf32, #tpu.memory_space<vmem>>, vector<16xf32>,
        tpu.vector_store %arg10[%swap3A_2642, %swap3A_2643, %swap3A_2644, %swap3A_2645], %gather3A_2640 {strides = array<i32>} : memref<8x4x8x128xf32, #tpu.memory_space<vmem>>, vector<16xf32>,
        %add3A_2647 = arith.constant 96 : i32
        %add3A_2648 = vector.broadcast %add3A_2647 : i32 to vector<16xi32>
        %add3A_2649 = arith.addi %iota3A, %add3A_2648 : vector<16xi32>
        %broadcast_in_dim3A_2650 = arith.constant 0 : i32
        %broadcast_in_dim3A_2651 = vector.broadcast %broadcast_in_dim3A_2650 : i32 to vector<16xi32>
        %add3A_2652 = vector.broadcast %scan3A_2508 : i32 to vector<16xi32>
        %add3A_2653 = arith.addi %broadcast_in_dim3A_2651, %add3A_2652 : vector<16xi32>
        %gather3A_2654 = arith.constant 4 : i32
        %gather3A_2655 = arith.constant 0 : i32
        %gather3A_2656 = arith.constant 0 : i32
        %gather3A_2657 = tpu.memref_slice %arg9[%gather3A_2654, %gather3A_2655, %gather3A_2656] : memref<8x128x32xf32, #tpu.memory_space<vmem>> -> memref<1x128x32xf32, #tpu.memory_space<vmem>>
        %gather3A_2658 = tpu.memref_squeeze %gather3A_2657 : memref<1x128x32xf32, #tpu.memory_space<vmem>> -> memref<128x32xf32, #tpu.memory_space<vmem>>
        %gather3A_2659 = tpu.vector_load_idx %gather3A_2658[%add3A_2649, %add3A_2653] : memref<128x32xf32, #tpu.memory_space<vmem>>[vector<16xi32>, vector<16xi32>], vector<16xf32>,
        %swap3A_2660 = arith.constant 4 : i32
        %swap3A_2661 = arith.index_cast %swap3A_2660 : i32 to index
        %swap3A_2662 = arith.index_cast %select_n3A_2532 : i32 to index
        %swap3A_2663 = arith.index_cast %sub3A_2535 : i32 to index
        %swap3A_2664 = arith.constant 96 : index
        %swap3A_2665 = tpu.vector_load %arg10[%swap3A_2661, %swap3A_2662, %swap3A_2663, %swap3A_2664] {strides = array<i32>} : memref<8x4x8x128xf32, #tpu.memory_space<vmem>>, vector<16xf32>,
        tpu.vector_store %arg10[%swap3A_2661, %swap3A_2662, %swap3A_2663, %swap3A_2664], %gather3A_2659 {strides = array<i32>} : memref<8x4x8x128xf32, #tpu.memory_space<vmem>>, vector<16xf32>,
        %add3A_2666 = arith.constant 112 : i32
        %add3A_2667 = vector.broadcast %add3A_2666 : i32 to vector<16xi32>
        %add3A_2668 = arith.addi %iota3A, %add3A_2667 : vector<16xi32>
        %broadcast_in_dim3A_2669 = arith.constant 0 : i32
        %broadcast_in_dim3A_2670 = vector.broadcast %broadcast_in_dim3A_2669 : i32 to vector<16xi32>
        %add3A_2671 = vector.broadcast %scan3A_2508 : i32 to vector<16xi32>
        %add3A_2672 = arith.addi %broadcast_in_dim3A_2670, %add3A_2671 : vector<16xi32>
        %gather3A_2673 = arith.constant 4 : i32
        %gather3A_2674 = arith.constant 0 : i32
        %gather3A_2675 = arith.constant 0 : i32
        %gather3A_2676 = tpu.memref_slice %arg9[%gather3A_2673, %gather3A_2674, %gather3A_2675] : memref<8x128x32xf32, #tpu.memory_space<vmem>> -> memref<1x128x32xf32, #tpu.memory_space<vmem>>
        %gather3A_2677 = tpu.memref_squeeze %gather3A_2676 : memref<1x128x32xf32, #tpu.memory_space<vmem>> -> memref<128x32xf32, #tpu.memory_space<vmem>>
        %gather3A_2678 = tpu.vector_load_idx %gather3A_2677[%add3A_2668, %add3A_2672] : memref<128x32xf32, #tpu.memory_space<vmem>>[vector<16xi32>, vector<16xi32>], vector<16xf32>,
        %swap3A_2679 = arith.constant 4 : i32
        %swap3A_2680 = arith.index_cast %swap3A_2679 : i32 to index
        %swap3A_2681 = arith.index_cast %select_n3A_2532 : i32 to index
        %swap3A_2682 = arith.index_cast %sub3A_2535 : i32 to index
        %swap3A_2683 = arith.constant 112 : index
        %swap3A_2684 = tpu.vector_load %arg10[%swap3A_2680, %swap3A_2681, %swap3A_2682, %swap3A_2683] {strides = array<i32>} : memref<8x4x8x128xf32, #tpu.memory_space<vmem>>, vector<16xf32>,
        tpu.vector_store %arg10[%swap3A_2680, %swap3A_2681, %swap3A_2682, %swap3A_2683], %gather3A_2678 {strides = array<i32>} : memref<8x4x8x128xf32, #tpu.memory_space<vmem>>, vector<16xf32>,
      }
      %scan3A_986 = arith.constant 32 : i32
      %dma_start3A_987 = arith.constant 4 : i32
      %dma_start3A_988 = arith.constant 0 : i32
      %dma_start3A_989 = arith.constant 0 : i32
      %dma_start3A_990 = arith.constant 4 : i32
      %dma_start3A_991 = arith.constant 0 : i32
      %dma_start3A_992 = arith.constant 0 : i32
      %dma_start3A_993 = tpu.memref_slice %arg10[%dma_start3A_987, %dma_start3A_988, %dma_start3A_991, %dma_start3A_992] : memref<8x4x8x128xf32, #tpu.memory_space<vmem>> -> memref<1x1x8x128xf32, #tpu.memory_space<vmem>>
      %dma_start3A_994 = tpu.memref_squeeze %dma_start3A_993 : memref<1x1x8x128xf32, #tpu.memory_space<vmem>> -> memref<8x128xf32, #tpu.memory_space<vmem>>
      %dma_start3A_995 = arith.constant 0 : i32
      %dma_start3A_996 = arith.constant 0 : i32
      %dma_start3A_997 = tpu.memref_slice %arg6[%select_n3A_963, %dma_start3A_989, %sub3A_966, %dma_start3A_995, %dma_start3A_996] : memref<50x4x128x8x128xf32, #tpu.memory_space<hbm>> -> memref<1x1x1x8x128xf32, #tpu.memory_space<hbm>>
      %dma_start3A_998 = tpu.memref_squeeze %dma_start3A_997 : memref<1x1x1x8x128xf32, #tpu.memory_space<hbm>> -> memref<8x128xf32, #tpu.memory_space<hbm>>
      %dma_start3A_999 = tpu.memref_slice %arg11[%dma_start3A_990] : memref<8x!tpu.dma_semaphore, #tpu.memory_space<semaphore_mem>> -> memref<1x!tpu.dma_semaphore, #tpu.memory_space<semaphore_mem>>
      %dma_start3A_1000 = tpu.memref_squeeze %dma_start3A_999 : memref<1x!tpu.dma_semaphore, #tpu.memory_space<semaphore_mem>> -> memref<!tpu.dma_semaphore, #tpu.memory_space<semaphore_mem>>
      %dma_start3A_1001 = arith.constant 0 : i32
      %dma_start3A_1002 = arith.constant 0 : i32
      %dma_start3A_1003 = tpu.memref_slice %arg6[%select_n3A_963, %dma_start3A_989, %sub3A_966, %dma_start3A_1001, %dma_start3A_1002] : memref<50x4x128x8x128xf32, #tpu.memory_space<hbm>> -> memref<1x1x1x8x128xf32, #tpu.memory_space<hbm>>
      %dma_start3A_1004 = tpu.memref_squeeze %dma_start3A_1003 : memref<1x1x1x8x128xf32, #tpu.memory_space<hbm>> -> memref<8x128xf32, #tpu.memory_space<hbm>>
      %dma_start3A_1005 = arith.constant 0 : i32
      %dma_start3A_1006 = arith.constant 0 : i32
      %dma_start3A_1007 = tpu.memref_slice %arg10[%dma_start3A_987, %dma_start3A_988, %dma_start3A_1005, %dma_start3A_1006] : memref<8x4x8x128xf32, #tpu.memory_space<vmem>> -> memref<1x1x8x128xf32, #tpu.memory_space<vmem>>
      %dma_start3A_1008 = tpu.memref_squeeze %dma_start3A_1007 : memref<1x1x8x128xf32, #tpu.memory_space<vmem>> -> memref<8x128xf32, #tpu.memory_space<vmem>>
      tpu.enqueue_dma source(%dma_start3A_1008 : memref<8x128xf32, #tpu.memory_space<vmem>>) target(%dma_start3A_1004 : memref<8x128xf32, #tpu.memory_space<hbm>>) target_semaphore(%dma_start3A_1000 : memref<!tpu.dma_semaphore, #tpu.memory_space<semaphore_mem>>)
      %dma_start3A_1009 = arith.constant 4 : i32
      %dma_start3A_1010 = arith.constant 1 : i32
      %dma_start3A_1011 = arith.constant 1 : i32
      %dma_start3A_1012 = arith.constant 4 : i32
      %dma_start3A_1013 = arith.constant 0 : i32
      %dma_start3A_1014 = arith.constant 0 : i32
      %dma_start3A_1015 = tpu.memref_slice %arg10[%dma_start3A_1009, %dma_start3A_1010, %dma_start3A_1013, %dma_start3A_1014] : memref<8x4x8x128xf32, #tpu.memory_space<vmem>> -> memref<1x1x8x128xf32, #tpu.memory_space<vmem>>
      %dma_start3A_1016 = tpu.memref_squeeze %dma_start3A_1015 : memref<1x1x8x128xf32, #tpu.memory_space<vmem>> -> memref<8x128xf32, #tpu.memory_space<vmem>>
      %dma_start3A_1017 = arith.constant 0 : i32
      %dma_start3A_1018 = arith.constant 0 : i32
      %dma_start3A_1019 = tpu.memref_slice %arg6[%select_n3A_963, %dma_start3A_1011, %sub3A_966, %dma_start3A_1017, %dma_start3A_1018] : memref<50x4x128x8x128xf32, #tpu.memory_space<hbm>> -> memref<1x1x1x8x128xf32, #tpu.memory_space<hbm>>
      %dma_start3A_1020 = tpu.memref_squeeze %dma_start3A_1019 : memref<1x1x1x8x128xf32, #tpu.memory_space<hbm>> -> memref<8x128xf32, #tpu.memory_space<hbm>>
      %dma_start3A_1021 = tpu.memref_slice %arg11[%dma_start3A_1012] : memref<8x!tpu.dma_semaphore, #tpu.memory_space<semaphore_mem>> -> memref<1x!tpu.dma_semaphore, #tpu.memory_space<semaphore_mem>>
      %dma_start3A_1022 = tpu.memref_squeeze %dma_start3A_1021 : memref<1x!tpu.dma_semaphore, #tpu.memory_space<semaphore_mem>> -> memref<!tpu.dma_semaphore, #tpu.memory_space<semaphore_mem>>
      %dma_start3A_1023 = arith.constant 0 : i32
      %dma_start3A_1024 = arith.constant 0 : i32
      %dma_start3A_1025 = tpu.memref_slice %arg6[%select_n3A_963, %dma_start3A_1011, %sub3A_966, %dma_start3A_1023, %dma_start3A_1024] : memref<50x4x128x8x128xf32, #tpu.memory_space<hbm>> -> memref<1x1x1x8x128xf32, #tpu.memory_space<hbm>>
      %dma_start3A_1026 = tpu.memref_squeeze %dma_start3A_1025 : memref<1x1x1x8x128xf32, #tpu.memory_space<hbm>> -> memref<8x128xf32, #tpu.memory_space<hbm>>
      %dma_start3A_1027 = arith.constant 0 : i32
      %dma_start3A_1028 = arith.constant 0 : i32
      %dma_start3A_1029 = tpu.memref_slice %arg10[%dma_start3A_1009, %dma_start3A_1010, %dma_start3A_1027, %dma_start3A_1028] : memref<8x4x8x128xf32, #tpu.memory_space<vmem>> -> memref<1x1x8x128xf32, #tpu.memory_space<vmem>>
      %dma_start3A_1030 = tpu.memref_squeeze %dma_start3A_1029 : memref<1x1x8x128xf32, #tpu.memory_space<vmem>> -> memref<8x128xf32, #tpu.memory_space<vmem>>
      tpu.enqueue_dma source(%dma_start3A_1030 : memref<8x128xf32, #tpu.memory_space<vmem>>) target(%dma_start3A_1026 : memref<8x128xf32, #tpu.memory_space<hbm>>) target_semaphore(%dma_start3A_1022 : memref<!tpu.dma_semaphore, #tpu.memory_space<semaphore_mem>>)
      %dma_start3A_1031 = arith.constant 4 : i32
      %dma_start3A_1032 = arith.constant 2 : i32
      %dma_start3A_1033 = arith.constant 2 : i32
      %dma_start3A_1034 = arith.constant 4 : i32
      %dma_start3A_1035 = arith.constant 0 : i32
      %dma_start3A_1036 = arith.constant 0 : i32
      %dma_start3A_1037 = tpu.memref_slice %arg10[%dma_start3A_1031, %dma_start3A_1032, %dma_start3A_1035, %dma_start3A_1036] : memref<8x4x8x128xf32, #tpu.memory_space<vmem>> -> memref<1x1x8x128xf32, #tpu.memory_space<vmem>>
      %dma_start3A_1038 = tpu.memref_squeeze %dma_start3A_1037 : memref<1x1x8x128xf32, #tpu.memory_space<vmem>> -> memref<8x128xf32, #tpu.memory_space<vmem>>
      %dma_start3A_1039 = arith.constant 0 : i32
      %dma_start3A_1040 = arith.constant 0 : i32
      %dma_start3A_1041 = tpu.memref_slice %arg6[%select_n3A_963, %dma_start3A_1033, %sub3A_966, %dma_start3A_1039, %dma_start3A_1040] : memref<50x4x128x8x128xf32, #tpu.memory_space<hbm>> -> memref<1x1x1x8x128xf32, #tpu.memory_space<hbm>>
      %dma_start3A_1042 = tpu.memref_squeeze %dma_start3A_1041 : memref<1x1x1x8x128xf32, #tpu.memory_space<hbm>> -> memref<8x128xf32, #tpu.memory_space<hbm>>
      %dma_start3A_1043 = tpu.memref_slice %arg11[%dma_start3A_1034] : memref<8x!tpu.dma_semaphore, #tpu.memory_space<semaphore_mem>> -> memref<1x!tpu.dma_semaphore, #tpu.memory_space<semaphore_mem>>
      %dma_start3A_1044 = tpu.memref_squeeze %dma_start3A_1043 : memref<1x!tpu.dma_semaphore, #tpu.memory_space<semaphore_mem>> -> memref<!tpu.dma_semaphore, #tpu.memory_space<semaphore_mem>>
      %dma_start3A_1045 = arith.constant 0 : i32
      %dma_start3A_1046 = arith.constant 0 : i32
      %dma_start3A_1047 = tpu.memref_slice %arg6[%select_n3A_963, %dma_start3A_1033, %sub3A_966, %dma_start3A_1045, %dma_start3A_1046] : memref<50x4x128x8x128xf32, #tpu.memory_space<hbm>> -> memref<1x1x1x8x128xf32, #tpu.memory_space<hbm>>
      %dma_start3A_1048 = tpu.memref_squeeze %dma_start3A_1047 : memref<1x1x1x8x128xf32, #tpu.memory_space<hbm>> -> memref<8x128xf32, #tpu.memory_space<hbm>>
      %dma_start3A_1049 = arith.constant 0 : i32
      %dma_start3A_1050 = arith.constant 0 : i32
      %dma_start3A_1051 = tpu.memref_slice %arg10[%dma_start3A_1031, %dma_start3A_1032, %dma_start3A_1049, %dma_start3A_1050] : memref<8x4x8x128xf32, #tpu.memory_space<vmem>> -> memref<1x1x8x128xf32, #tpu.memory_space<vmem>>
      %dma_start3A_1052 = tpu.memref_squeeze %dma_start3A_1051 : memref<1x1x8x128xf32, #tpu.memory_space<vmem>> -> memref<8x128xf32, #tpu.memory_space<vmem>>
      tpu.enqueue_dma source(%dma_start3A_1052 : memref<8x128xf32, #tpu.memory_space<vmem>>) target(%dma_start3A_1048 : memref<8x128xf32, #tpu.memory_space<hbm>>) target_semaphore(%dma_start3A_1044 : memref<!tpu.dma_semaphore, #tpu.memory_space<semaphore_mem>>)
      %dma_start3A_1053 = arith.constant 4 : i32
      %dma_start3A_1054 = arith.constant 3 : i32
      %dma_start3A_1055 = arith.constant 3 : i32
      %dma_start3A_1056 = arith.constant 4 : i32
      %dma_start3A_1057 = arith.constant 0 : i32
      %dma_start3A_1058 = arith.constant 0 : i32
      %dma_start3A_1059 = tpu.memref_slice %arg10[%dma_start3A_1053, %dma_start3A_1054, %dma_start3A_1057, %dma_start3A_1058] : memref<8x4x8x128xf32, #tpu.memory_space<vmem>> -> memref<1x1x8x128xf32, #tpu.memory_space<vmem>>
      %dma_start3A_1060 = tpu.memref_squeeze %dma_start3A_1059 : memref<1x1x8x128xf32, #tpu.memory_space<vmem>> -> memref<8x128xf32, #tpu.memory_space<vmem>>
      %dma_start3A_1061 = arith.constant 0 : i32
      %dma_start3A_1062 = arith.constant 0 : i32
      %dma_start3A_1063 = tpu.memref_slice %arg6[%select_n3A_963, %dma_start3A_1055, %sub3A_966, %dma_start3A_1061, %dma_start3A_1062] : memref<50x4x128x8x128xf32, #tpu.memory_space<hbm>> -> memref<1x1x1x8x128xf32, #tpu.memory_space<hbm>>
      %dma_start3A_1064 = tpu.memref_squeeze %dma_start3A_1063 : memref<1x1x1x8x128xf32, #tpu.memory_space<hbm>> -> memref<8x128xf32, #tpu.memory_space<hbm>>
      %dma_start3A_1065 = tpu.memref_slice %arg11[%dma_start3A_1056] : memref<8x!tpu.dma_semaphore, #tpu.memory_space<semaphore_mem>> -> memref<1x!tpu.dma_semaphore, #tpu.memory_space<semaphore_mem>>
      %dma_start3A_1066 = tpu.memref_squeeze %dma_start3A_1065 : memref<1x!tpu.dma_semaphore, #tpu.memory_space<semaphore_mem>> -> memref<!tpu.dma_semaphore, #tpu.memory_space<semaphore_mem>>
      %dma_start3A_1067 = arith.constant 0 : i32
      %dma_start3A_1068 = arith.constant 0 : i32
      %dma_start3A_1069 = tpu.memref_slice %arg6[%select_n3A_963, %dma_start3A_1055, %sub3A_966, %dma_start3A_1067, %dma_start3A_1068] : memref<50x4x128x8x128xf32, #tpu.memory_space<hbm>> -> memref<1x1x1x8x128xf32, #tpu.memory_space<hbm>>
      %dma_start3A_1070 = tpu.memref_squeeze %dma_start3A_1069 : memref<1x1x1x8x128xf32, #tpu.memory_space<hbm>> -> memref<8x128xf32, #tpu.memory_space<hbm>>
      %dma_start3A_1071 = arith.constant 0 : i32
      %dma_start3A_1072 = arith.constant 0 : i32
      %dma_start3A_1073 = tpu.memref_slice %arg10[%dma_start3A_1053, %dma_start3A_1054, %dma_start3A_1071, %dma_start3A_1072] : memref<8x4x8x128xf32, #tpu.memory_space<vmem>> -> memref<1x1x8x128xf32, #tpu.memory_space<vmem>>
      %dma_start3A_1074 = tpu.memref_squeeze %dma_start3A_1073 : memref<1x1x8x128xf32, #tpu.memory_space<vmem>> -> memref<8x128xf32, #tpu.memory_space<vmem>>
      tpu.enqueue_dma source(%dma_start3A_1074 : memref<8x128xf32, #tpu.memory_space<vmem>>) target(%dma_start3A_1070 : memref<8x128xf32, #tpu.memory_space<hbm>>) target_semaphore(%dma_start3A_1066 : memref<!tpu.dma_semaphore, #tpu.memory_space<semaphore_mem>>)
      %mul3A_1075 = arith.constant 8 : i32
      %mul3A_1076 = arith.muli %scan3A_127, %mul3A_1075 : i32
      %add3A_1077 = arith.constant 5 : i32
      %add3A_1078 = arith.addi %mul3A_1076, %add3A_1077 : i32
      %add3A_1079 = arith.addi %mul3A_2, %add3A_1078 : i32
      %jit3A_1080 = arith.constant 128 : i32
      %div3A_1081 = arith.divsi %add3A_1079, %jit3A_1080 : i32
      %sign3A_1082 = arith.constant 0 : i32
      %sign3A_1083 = arith.cmpi sgt, %add3A_1079, %sign3A_1082 : i32
      %sign3A_1084 = arith.extui %sign3A_1083 : i1 to i32
      %sign3A_1085 = arith.constant 0 : i32
      %sign3A_1086 = arith.cmpi slt, %add3A_1079, %sign3A_1085 : i32
      %sign3A_1087 = arith.extui %sign3A_1086 : i1 to i32
      %sign3A_1088 = arith.subi %sign3A_1084, %sign3A_1087 : i32
      %sign3A_1089 = arith.constant 0 : i32
      %sign3A_1090 = arith.cmpi sgt, %jit3A_1080, %sign3A_1089 : i32
      %sign3A_1091 = arith.extui %sign3A_1090 : i1 to i32
      %sign3A_1092 = arith.constant 0 : i32
      %sign3A_1093 = arith.cmpi slt, %jit3A_1080, %sign3A_1092 : i32
      %sign3A_1094 = arith.extui %sign3A_1093 : i1 to i32
      %sign3A_1095 = arith.subi %sign3A_1091, %sign3A_1094 : i32
      %ne3A_1096 = arith.cmpi ne, %sign3A_1088, %sign3A_1095 : i32
      %rem3A_1097 = arith.remsi %add3A_1079, %jit3A_1080 : i32
      %ne3A_1098 = arith.constant 0 : i32
      %ne3A_1099 = arith.cmpi ne, %rem3A_1097, %ne3A_1098 : i32
      %and3A_1100 = arith.andi %ne3A_1096, %ne3A_1099 : i1
      %sub3A_1101 = arith.constant 1 : i32
      %sub3A_1102 = arith.subi %div3A_1081, %sub3A_1101 : i32
      %select_n3A_1103 = arith.select %and3A_1100, %sub3A_1102, %div3A_1081 : i32
      %mul3A_1104 = arith.constant 128 : i32
      %mul3A_1105 = arith.muli %select_n3A_1103, %mul3A_1104 : i32
      %sub3A_1106 = arith.subi %add3A_1079, %mul3A_1105 : i32
      %dma_wait3A_1107 = arith.constant 5 : i32
      %dma_wait3A_1108 = arith.constant 5 : i32
      %dma_wait3A_1109 = arith.constant 0 : i32
      %dma_wait3A_1110 = arith.constant 0 : i32
      %dma_wait3A_1111 = tpu.memref_slice %arg9[%dma_wait3A_1107, %dma_wait3A_1109, %dma_wait3A_1110] : memref<8x128x32xf32, #tpu.memory_space<vmem>> -> memref<1x128x32xf32, #tpu.memory_space<vmem>>
      %dma_wait3A_1112 = tpu.memref_squeeze %dma_wait3A_1111 : memref<1x128x32xf32, #tpu.memory_space<vmem>> -> memref<128x32xf32, #tpu.memory_space<vmem>>
      %dma_wait3A_1113 = arith.constant 0 : i32
      %dma_wait3A_1114 = tpu.memref_slice %arg8[%add3A_1078, %dma_wait3A_1113] : memref<200x128xi32, #tpu.memory_space<vmem>> -> memref<1x128xi32, #tpu.memory_space<vmem>>
      %dma_wait3A_1115 = tpu.memref_squeeze %dma_wait3A_1114 : memref<1x128xi32, #tpu.memory_space<vmem>> -> memref<128xi32, #tpu.memory_space<vmem>>
      %dma_wait3A_1116 = arith.constant 0 : i32
      %dma_wait3A_1117 = arith.constant 0 : i32
      %dma_wait3A_1118 = tpu.memref_slice %arg5[%dma_wait3A_1116, %dma_wait3A_1117] : memref<1000000x32xf32, #tpu.memory_space<hbm>> -> memref<1000000x32xf32, #tpu.memory_space<hbm>>
      %dma_wait3A_1119 = tpu.memref_slice %arg11[%dma_wait3A_1108] : memref<8x!tpu.dma_semaphore, #tpu.memory_space<semaphore_mem>> -> memref<1x!tpu.dma_semaphore, #tpu.memory_space<semaphore_mem>>
      %dma_wait3A_1120 = tpu.memref_squeeze %dma_wait3A_1119 : memref<1x!tpu.dma_semaphore, #tpu.memory_space<semaphore_mem>> -> memref<!tpu.dma_semaphore, #tpu.memory_space<semaphore_mem>>
      tpu.wait_indirect_dma semaphore(%dma_wait3A_1120 : memref<!tpu.dma_semaphore, #tpu.memory_space<semaphore_mem>>) src(%dma_wait3A_1118 : memref<1000000x32xf32, #tpu.memory_space<hbm>>) dst(%dma_wait3A_1112 : memref<128x32xf32, #tpu.memory_space<vmem>>)
      %scan3A_1121 = arith.constant 0 : i32
      %scan3A_1122 = arith.constant 0 : i32
      %scan3A_1123 = arith.constant 32 : i32
      %scan3A_1124 = arith.addi %scan3A_1122, %scan3A_1123 : i32
      %scan3A_1125 = arith.constant 1 : i32
      scf.for %scan3A_2508 = %scan3A_1122 to %scan3A_1124 step %scan3A_1125  : i32 {
        %jit3A_2509 = arith.constant 8 : i32
        %div3A_2510 = arith.divsi %scan3A_2508, %jit3A_2509 : i32
        %sign3A_2511 = arith.constant 0 : i32
        %sign3A_2512 = arith.cmpi sgt, %scan3A_2508, %sign3A_2511 : i32
        %sign3A_2513 = arith.extui %sign3A_2512 : i1 to i32
        %sign3A_2514 = arith.constant 0 : i32
        %sign3A_2515 = arith.cmpi slt, %scan3A_2508, %sign3A_2514 : i32
        %sign3A_2516 = arith.extui %sign3A_2515 : i1 to i32
        %sign3A_2517 = arith.subi %sign3A_2513, %sign3A_2516 : i32
        %sign3A_2518 = arith.constant 0 : i32
        %sign3A_2519 = arith.cmpi sgt, %jit3A_2509, %sign3A_2518 : i32
        %sign3A_2520 = arith.extui %sign3A_2519 : i1 to i32
        %sign3A_2521 = arith.constant 0 : i32
        %sign3A_2522 = arith.cmpi slt, %jit3A_2509, %sign3A_2521 : i32
        %sign3A_2523 = arith.extui %sign3A_2522 : i1 to i32
        %sign3A_2524 = arith.subi %sign3A_2520, %sign3A_2523 : i32
        %ne3A_2525 = arith.cmpi ne, %sign3A_2517, %sign3A_2524 : i32
        %rem3A_2526 = arith.remsi %scan3A_2508, %jit3A_2509 : i32
        %ne3A_2527 = arith.constant 0 : i32
        %ne3A_2528 = arith.cmpi ne, %rem3A_2526, %ne3A_2527 : i32
        %and3A_2529 = arith.andi %ne3A_2525, %ne3A_2528 : i1
        %sub3A_2530 = arith.constant 1 : i32
        %sub3A_2531 = arith.subi %div3A_2510, %sub3A_2530 : i32
        %select_n3A_2532 = arith.select %and3A_2529, %sub3A_2531, %div3A_2510 : i32
        %mul3A_2533 = arith.constant 8 : i32
        %mul3A_2534 = arith.muli %select_n3A_2532, %mul3A_2533 : i32
        %sub3A_2535 = arith.subi %scan3A_2508, %mul3A_2534 : i32
        %add3A_2536 = arith.constant 0 : i32
        %add3A_2537 = vector.broadcast %add3A_2536 : i32 to vector<16xi32>
        %add3A_2538 = arith.addi %iota3A, %add3A_2537 : vector<16xi32>
        %broadcast_in_dim3A = arith.constant 0 : i32
        %broadcast_in_dim3A_2539 = vector.broadcast %broadcast_in_dim3A : i32 to vector<16xi32>
        %add3A_2540 = vector.broadcast %scan3A_2508 : i32 to vector<16xi32>
        %add3A_2541 = arith.addi %broadcast_in_dim3A_2539, %add3A_2540 : vector<16xi32>
        %gather3A = arith.constant 5 : i32
        %gather3A_2542 = arith.constant 0 : i32
        %gather3A_2543 = arith.constant 0 : i32
        %gather3A_2544 = tpu.memref_slice %arg9[%gather3A, %gather3A_2542, %gather3A_2543] : memref<8x128x32xf32, #tpu.memory_space<vmem>> -> memref<1x128x32xf32, #tpu.memory_space<vmem>>
        %gather3A_2545 = tpu.memref_squeeze %gather3A_2544 : memref<1x128x32xf32, #tpu.memory_space<vmem>> -> memref<128x32xf32, #tpu.memory_space<vmem>>
        %gather3A_2546 = tpu.vector_load_idx %gather3A_2545[%add3A_2538, %add3A_2541] : memref<128x32xf32, #tpu.memory_space<vmem>>[vector<16xi32>, vector<16xi32>], vector<16xf32>,
        %swap3A = arith.constant 5 : i32
        %swap3A_2547 = arith.index_cast %swap3A : i32 to index
        %swap3A_2548 = arith.index_cast %select_n3A_2532 : i32 to index
        %swap3A_2549 = arith.index_cast %sub3A_2535 : i32 to index
        %swap3A_2550 = arith.constant 0 : index
        %swap3A_2551 = tpu.vector_load %arg10[%swap3A_2547, %swap3A_2548, %swap3A_2549, %swap3A_2550] {strides = array<i32>} : memref<8x4x8x128xf32, #tpu.memory_space<vmem>>, vector<16xf32>,
        tpu.vector_store %arg10[%swap3A_2547, %swap3A_2548, %swap3A_2549, %swap3A_2550], %gather3A_2546 {strides = array<i32>} : memref<8x4x8x128xf32, #tpu.memory_space<vmem>>, vector<16xf32>,
        %add3A_2552 = arith.constant 16 : i32
        %add3A_2553 = vector.broadcast %add3A_2552 : i32 to vector<16xi32>
        %add3A_2554 = arith.addi %iota3A, %add3A_2553 : vector<16xi32>
        %broadcast_in_dim3A_2555 = arith.constant 0 : i32
        %broadcast_in_dim3A_2556 = vector.broadcast %broadcast_in_dim3A_2555 : i32 to vector<16xi32>
        %add3A_2557 = vector.broadcast %scan3A_2508 : i32 to vector<16xi32>
        %add3A_2558 = arith.addi %broadcast_in_dim3A_2556, %add3A_2557 : vector<16xi32>
        %gather3A_2559 = arith.constant 5 : i32
        %gather3A_2560 = arith.constant 0 : i32
        %gather3A_2561 = arith.constant 0 : i32
        %gather3A_2562 = tpu.memref_slice %arg9[%gather3A_2559, %gather3A_2560, %gather3A_2561] : memref<8x128x32xf32, #tpu.memory_space<vmem>> -> memref<1x128x32xf32, #tpu.memory_space<vmem>>
        %gather3A_2563 = tpu.memref_squeeze %gather3A_2562 : memref<1x128x32xf32, #tpu.memory_space<vmem>> -> memref<128x32xf32, #tpu.memory_space<vmem>>
        %gather3A_2564 = tpu.vector_load_idx %gather3A_2563[%add3A_2554, %add3A_2558] : memref<128x32xf32, #tpu.memory_space<vmem>>[vector<16xi32>, vector<16xi32>], vector<16xf32>,
        %swap3A_2565 = arith.constant 5 : i32
        %swap3A_2566 = arith.index_cast %swap3A_2565 : i32 to index
        %swap3A_2567 = arith.index_cast %select_n3A_2532 : i32 to index
        %swap3A_2568 = arith.index_cast %sub3A_2535 : i32 to index
        %swap3A_2569 = arith.constant 16 : index
        %swap3A_2570 = tpu.vector_load %arg10[%swap3A_2566, %swap3A_2567, %swap3A_2568, %swap3A_2569] {strides = array<i32>} : memref<8x4x8x128xf32, #tpu.memory_space<vmem>>, vector<16xf32>,
        tpu.vector_store %arg10[%swap3A_2566, %swap3A_2567, %swap3A_2568, %swap3A_2569], %gather3A_2564 {strides = array<i32>} : memref<8x4x8x128xf32, #tpu.memory_space<vmem>>, vector<16xf32>,
        %add3A_2571 = arith.constant 32 : i32
        %add3A_2572 = vector.broadcast %add3A_2571 : i32 to vector<16xi32>
        %add3A_2573 = arith.addi %iota3A, %add3A_2572 : vector<16xi32>
        %broadcast_in_dim3A_2574 = arith.constant 0 : i32
        %broadcast_in_dim3A_2575 = vector.broadcast %broadcast_in_dim3A_2574 : i32 to vector<16xi32>
        %add3A_2576 = vector.broadcast %scan3A_2508 : i32 to vector<16xi32>
        %add3A_2577 = arith.addi %broadcast_in_dim3A_2575, %add3A_2576 : vector<16xi32>
        %gather3A_2578 = arith.constant 5 : i32
        %gather3A_2579 = arith.constant 0 : i32
        %gather3A_2580 = arith.constant 0 : i32
        %gather3A_2581 = tpu.memref_slice %arg9[%gather3A_2578, %gather3A_2579, %gather3A_2580] : memref<8x128x32xf32, #tpu.memory_space<vmem>> -> memref<1x128x32xf32, #tpu.memory_space<vmem>>
        %gather3A_2582 = tpu.memref_squeeze %gather3A_2581 : memref<1x128x32xf32, #tpu.memory_space<vmem>> -> memref<128x32xf32, #tpu.memory_space<vmem>>
        %gather3A_2583 = tpu.vector_load_idx %gather3A_2582[%add3A_2573, %add3A_2577] : memref<128x32xf32, #tpu.memory_space<vmem>>[vector<16xi32>, vector<16xi32>], vector<16xf32>,
        %swap3A_2584 = arith.constant 5 : i32
        %swap3A_2585 = arith.index_cast %swap3A_2584 : i32 to index
        %swap3A_2586 = arith.index_cast %select_n3A_2532 : i32 to index
        %swap3A_2587 = arith.index_cast %sub3A_2535 : i32 to index
        %swap3A_2588 = arith.constant 32 : index
        %swap3A_2589 = tpu.vector_load %arg10[%swap3A_2585, %swap3A_2586, %swap3A_2587, %swap3A_2588] {strides = array<i32>} : memref<8x4x8x128xf32, #tpu.memory_space<vmem>>, vector<16xf32>,
        tpu.vector_store %arg10[%swap3A_2585, %swap3A_2586, %swap3A_2587, %swap3A_2588], %gather3A_2583 {strides = array<i32>} : memref<8x4x8x128xf32, #tpu.memory_space<vmem>>, vector<16xf32>,
        %add3A_2590 = arith.constant 48 : i32
        %add3A_2591 = vector.broadcast %add3A_2590 : i32 to vector<16xi32>
        %add3A_2592 = arith.addi %iota3A, %add3A_2591 : vector<16xi32>
        %broadcast_in_dim3A_2593 = arith.constant 0 : i32
        %broadcast_in_dim3A_2594 = vector.broadcast %broadcast_in_dim3A_2593 : i32 to vector<16xi32>
        %add3A_2595 = vector.broadcast %scan3A_2508 : i32 to vector<16xi32>
        %add3A_2596 = arith.addi %broadcast_in_dim3A_2594, %add3A_2595 : vector<16xi32>
        %gather3A_2597 = arith.constant 5 : i32
        %gather3A_2598 = arith.constant 0 : i32
        %gather3A_2599 = arith.constant 0 : i32
        %gather3A_2600 = tpu.memref_slice %arg9[%gather3A_2597, %gather3A_2598, %gather3A_2599] : memref<8x128x32xf32, #tpu.memory_space<vmem>> -> memref<1x128x32xf32, #tpu.memory_space<vmem>>
        %gather3A_2601 = tpu.memref_squeeze %gather3A_2600 : memref<1x128x32xf32, #tpu.memory_space<vmem>> -> memref<128x32xf32, #tpu.memory_space<vmem>>
        %gather3A_2602 = tpu.vector_load_idx %gather3A_2601[%add3A_2592, %add3A_2596] : memref<128x32xf32, #tpu.memory_space<vmem>>[vector<16xi32>, vector<16xi32>], vector<16xf32>,
        %swap3A_2603 = arith.constant 5 : i32
        %swap3A_2604 = arith.index_cast %swap3A_2603 : i32 to index
        %swap3A_2605 = arith.index_cast %select_n3A_2532 : i32 to index
        %swap3A_2606 = arith.index_cast %sub3A_2535 : i32 to index
        %swap3A_2607 = arith.constant 48 : index
        %swap3A_2608 = tpu.vector_load %arg10[%swap3A_2604, %swap3A_2605, %swap3A_2606, %swap3A_2607] {strides = array<i32>} : memref<8x4x8x128xf32, #tpu.memory_space<vmem>>, vector<16xf32>,
        tpu.vector_store %arg10[%swap3A_2604, %swap3A_2605, %swap3A_2606, %swap3A_2607], %gather3A_2602 {strides = array<i32>} : memref<8x4x8x128xf32, #tpu.memory_space<vmem>>, vector<16xf32>,
        %add3A_2609 = arith.constant 64 : i32
        %add3A_2610 = vector.broadcast %add3A_2609 : i32 to vector<16xi32>
        %add3A_2611 = arith.addi %iota3A, %add3A_2610 : vector<16xi32>
        %broadcast_in_dim3A_2612 = arith.constant 0 : i32
        %broadcast_in_dim3A_2613 = vector.broadcast %broadcast_in_dim3A_2612 : i32 to vector<16xi32>
        %add3A_2614 = vector.broadcast %scan3A_2508 : i32 to vector<16xi32>
        %add3A_2615 = arith.addi %broadcast_in_dim3A_2613, %add3A_2614 : vector<16xi32>
        %gather3A_2616 = arith.constant 5 : i32
        %gather3A_2617 = arith.constant 0 : i32
        %gather3A_2618 = arith.constant 0 : i32
        %gather3A_2619 = tpu.memref_slice %arg9[%gather3A_2616, %gather3A_2617, %gather3A_2618] : memref<8x128x32xf32, #tpu.memory_space<vmem>> -> memref<1x128x32xf32, #tpu.memory_space<vmem>>
        %gather3A_2620 = tpu.memref_squeeze %gather3A_2619 : memref<1x128x32xf32, #tpu.memory_space<vmem>> -> memref<128x32xf32, #tpu.memory_space<vmem>>
        %gather3A_2621 = tpu.vector_load_idx %gather3A_2620[%add3A_2611, %add3A_2615] : memref<128x32xf32, #tpu.memory_space<vmem>>[vector<16xi32>, vector<16xi32>], vector<16xf32>,
        %swap3A_2622 = arith.constant 5 : i32
        %swap3A_2623 = arith.index_cast %swap3A_2622 : i32 to index
        %swap3A_2624 = arith.index_cast %select_n3A_2532 : i32 to index
        %swap3A_2625 = arith.index_cast %sub3A_2535 : i32 to index
        %swap3A_2626 = arith.constant 64 : index
        %swap3A_2627 = tpu.vector_load %arg10[%swap3A_2623, %swap3A_2624, %swap3A_2625, %swap3A_2626] {strides = array<i32>} : memref<8x4x8x128xf32, #tpu.memory_space<vmem>>, vector<16xf32>,
        tpu.vector_store %arg10[%swap3A_2623, %swap3A_2624, %swap3A_2625, %swap3A_2626], %gather3A_2621 {strides = array<i32>} : memref<8x4x8x128xf32, #tpu.memory_space<vmem>>, vector<16xf32>,
        %add3A_2628 = arith.constant 80 : i32
        %add3A_2629 = vector.broadcast %add3A_2628 : i32 to vector<16xi32>
        %add3A_2630 = arith.addi %iota3A, %add3A_2629 : vector<16xi32>
        %broadcast_in_dim3A_2631 = arith.constant 0 : i32
        %broadcast_in_dim3A_2632 = vector.broadcast %broadcast_in_dim3A_2631 : i32 to vector<16xi32>
        %add3A_2633 = vector.broadcast %scan3A_2508 : i32 to vector<16xi32>
        %add3A_2634 = arith.addi %broadcast_in_dim3A_2632, %add3A_2633 : vector<16xi32>
        %gather3A_2635 = arith.constant 5 : i32
        %gather3A_2636 = arith.constant 0 : i32
        %gather3A_2637 = arith.constant 0 : i32
        %gather3A_2638 = tpu.memref_slice %arg9[%gather3A_2635, %gather3A_2636, %gather3A_2637] : memref<8x128x32xf32, #tpu.memory_space<vmem>> -> memref<1x128x32xf32, #tpu.memory_space<vmem>>
        %gather3A_2639 = tpu.memref_squeeze %gather3A_2638 : memref<1x128x32xf32, #tpu.memory_space<vmem>> -> memref<128x32xf32, #tpu.memory_space<vmem>>
        %gather3A_2640 = tpu.vector_load_idx %gather3A_2639[%add3A_2630, %add3A_2634] : memref<128x32xf32, #tpu.memory_space<vmem>>[vector<16xi32>, vector<16xi32>], vector<16xf32>,
        %swap3A_2641 = arith.constant 5 : i32
        %swap3A_2642 = arith.index_cast %swap3A_2641 : i32 to index
        %swap3A_2643 = arith.index_cast %select_n3A_2532 : i32 to index
        %swap3A_2644 = arith.index_cast %sub3A_2535 : i32 to index
        %swap3A_2645 = arith.constant 80 : index
        %swap3A_2646 = tpu.vector_load %arg10[%swap3A_2642, %swap3A_2643, %swap3A_2644, %swap3A_2645] {strides = array<i32>} : memref<8x4x8x128xf32, #tpu.memory_space<vmem>>, vector<16xf32>,
        tpu.vector_store %arg10[%swap3A_2642, %swap3A_2643, %swap3A_2644, %swap3A_2645], %gather3A_2640 {strides = array<i32>} : memref<8x4x8x128xf32, #tpu.memory_space<vmem>>, vector<16xf32>,
        %add3A_2647 = arith.constant 96 : i32
        %add3A_2648 = vector.broadcast %add3A_2647 : i32 to vector<16xi32>
        %add3A_2649 = arith.addi %iota3A, %add3A_2648 : vector<16xi32>
        %broadcast_in_dim3A_2650 = arith.constant 0 : i32
        %broadcast_in_dim3A_2651 = vector.broadcast %broadcast_in_dim3A_2650 : i32 to vector<16xi32>
        %add3A_2652 = vector.broadcast %scan3A_2508 : i32 to vector<16xi32>
        %add3A_2653 = arith.addi %broadcast_in_dim3A_2651, %add3A_2652 : vector<16xi32>
        %gather3A_2654 = arith.constant 5 : i32
        %gather3A_2655 = arith.constant 0 : i32
        %gather3A_2656 = arith.constant 0 : i32
        %gather3A_2657 = tpu.memref_slice %arg9[%gather3A_2654, %gather3A_2655, %gather3A_2656] : memref<8x128x32xf32, #tpu.memory_space<vmem>> -> memref<1x128x32xf32, #tpu.memory_space<vmem>>
        %gather3A_2658 = tpu.memref_squeeze %gather3A_2657 : memref<1x128x32xf32, #tpu.memory_space<vmem>> -> memref<128x32xf32, #tpu.memory_space<vmem>>
        %gather3A_2659 = tpu.vector_load_idx %gather3A_2658[%add3A_2649, %add3A_2653] : memref<128x32xf32, #tpu.memory_space<vmem>>[vector<16xi32>, vector<16xi32>], vector<16xf32>,
        %swap3A_2660 = arith.constant 5 : i32
        %swap3A_2661 = arith.index_cast %swap3A_2660 : i32 to index
        %swap3A_2662 = arith.index_cast %select_n3A_2532 : i32 to index
        %swap3A_2663 = arith.index_cast %sub3A_2535 : i32 to index
        %swap3A_2664 = arith.constant 96 : index
        %swap3A_2665 = tpu.vector_load %arg10[%swap3A_2661, %swap3A_2662, %swap3A_2663, %swap3A_2664] {strides = array<i32>} : memref<8x4x8x128xf32, #tpu.memory_space<vmem>>, vector<16xf32>,
        tpu.vector_store %arg10[%swap3A_2661, %swap3A_2662, %swap3A_2663, %swap3A_2664], %gather3A_2659 {strides = array<i32>} : memref<8x4x8x128xf32, #tpu.memory_space<vmem>>, vector<16xf32>,
        %add3A_2666 = arith.constant 112 : i32
        %add3A_2667 = vector.broadcast %add3A_2666 : i32 to vector<16xi32>
        %add3A_2668 = arith.addi %iota3A, %add3A_2667 : vector<16xi32>
        %broadcast_in_dim3A_2669 = arith.constant 0 : i32
        %broadcast_in_dim3A_2670 = vector.broadcast %broadcast_in_dim3A_2669 : i32 to vector<16xi32>
        %add3A_2671 = vector.broadcast %scan3A_2508 : i32 to vector<16xi32>
        %add3A_2672 = arith.addi %broadcast_in_dim3A_2670, %add3A_2671 : vector<16xi32>
        %gather3A_2673 = arith.constant 5 : i32
        %gather3A_2674 = arith.constant 0 : i32
        %gather3A_2675 = arith.constant 0 : i32
        %gather3A_2676 = tpu.memref_slice %arg9[%gather3A_2673, %gather3A_2674, %gather3A_2675] : memref<8x128x32xf32, #tpu.memory_space<vmem>> -> memref<1x128x32xf32, #tpu.memory_space<vmem>>
        %gather3A_2677 = tpu.memref_squeeze %gather3A_2676 : memref<1x128x32xf32, #tpu.memory_space<vmem>> -> memref<128x32xf32, #tpu.memory_space<vmem>>
        %gather3A_2678 = tpu.vector_load_idx %gather3A_2677[%add3A_2668, %add3A_2672] : memref<128x32xf32, #tpu.memory_space<vmem>>[vector<16xi32>, vector<16xi32>], vector<16xf32>,
        %swap3A_2679 = arith.constant 5 : i32
        %swap3A_2680 = arith.index_cast %swap3A_2679 : i32 to index
        %swap3A_2681 = arith.index_cast %select_n3A_2532 : i32 to index
        %swap3A_2682 = arith.index_cast %sub3A_2535 : i32 to index
        %swap3A_2683 = arith.constant 112 : index
        %swap3A_2684 = tpu.vector_load %arg10[%swap3A_2680, %swap3A_2681, %swap3A_2682, %swap3A_2683] {strides = array<i32>} : memref<8x4x8x128xf32, #tpu.memory_space<vmem>>, vector<16xf32>,
        tpu.vector_store %arg10[%swap3A_2680, %swap3A_2681, %swap3A_2682, %swap3A_2683], %gather3A_2678 {strides = array<i32>} : memref<8x4x8x128xf32, #tpu.memory_space<vmem>>, vector<16xf32>,
      }
      %scan3A_1126 = arith.constant 32 : i32
      %dma_start3A_1127 = arith.constant 5 : i32
      %dma_start3A_1128 = arith.constant 0 : i32
      %dma_start3A_1129 = arith.constant 0 : i32
      %dma_start3A_1130 = arith.constant 5 : i32
      %dma_start3A_1131 = arith.constant 0 : i32
      %dma_start3A_1132 = arith.constant 0 : i32
      %dma_start3A_1133 = tpu.memref_slice %arg10[%dma_start3A_1127, %dma_start3A_1128, %dma_start3A_1131, %dma_start3A_1132] : memref<8x4x8x128xf32, #tpu.memory_space<vmem>> -> memref<1x1x8x128xf32, #tpu.memory_space<vmem>>
      %dma_start3A_1134 = tpu.memref_squeeze %dma_start3A_1133 : memref<1x1x8x128xf32, #tpu.memory_space<vmem>> -> memref<8x128xf32, #tpu.memory_space<vmem>>
      %dma_start3A_1135 = arith.constant 0 : i32
      %dma_start3A_1136 = arith.constant 0 : i32
      %dma_start3A_1137 = tpu.memref_slice %arg6[%select_n3A_1103, %dma_start3A_1129, %sub3A_1106, %dma_start3A_1135, %dma_start3A_1136] : memref<50x4x128x8x128xf32, #tpu.memory_space<hbm>> -> memref<1x1x1x8x128xf32, #tpu.memory_space<hbm>>
      %dma_start3A_1138 = tpu.memref_squeeze %dma_start3A_1137 : memref<1x1x1x8x128xf32, #tpu.memory_space<hbm>> -> memref<8x128xf32, #tpu.memory_space<hbm>>
      %dma_start3A_1139 = tpu.memref_slice %arg11[%dma_start3A_1130] : memref<8x!tpu.dma_semaphore, #tpu.memory_space<semaphore_mem>> -> memref<1x!tpu.dma_semaphore, #tpu.memory_space<semaphore_mem>>
      %dma_start3A_1140 = tpu.memref_squeeze %dma_start3A_1139 : memref<1x!tpu.dma_semaphore, #tpu.memory_space<semaphore_mem>> -> memref<!tpu.dma_semaphore, #tpu.memory_space<semaphore_mem>>
      %dma_start3A_1141 = arith.constant 0 : i32
      %dma_start3A_1142 = arith.constant 0 : i32
      %dma_start3A_1143 = tpu.memref_slice %arg6[%select_n3A_1103, %dma_start3A_1129, %sub3A_1106, %dma_start3A_1141, %dma_start3A_1142] : memref<50x4x128x8x128xf32, #tpu.memory_space<hbm>> -> memref<1x1x1x8x128xf32, #tpu.memory_space<hbm>>
      %dma_start3A_1144 = tpu.memref_squeeze %dma_start3A_1143 : memref<1x1x1x8x128xf32, #tpu.memory_space<hbm>> -> memref<8x128xf32, #tpu.memory_space<hbm>>
      %dma_start3A_1145 = arith.constant 0 : i32
      %dma_start3A_1146 = arith.constant 0 : i32
      %dma_start3A_1147 = tpu.memref_slice %arg10[%dma_start3A_1127, %dma_start3A_1128, %dma_start3A_1145, %dma_start3A_1146] : memref<8x4x8x128xf32, #tpu.memory_space<vmem>> -> memref<1x1x8x128xf32, #tpu.memory_space<vmem>>
      %dma_start3A_1148 = tpu.memref_squeeze %dma_start3A_1147 : memref<1x1x8x128xf32, #tpu.memory_space<vmem>> -> memref<8x128xf32, #tpu.memory_space<vmem>>
      tpu.enqueue_dma source(%dma_start3A_1148 : memref<8x128xf32, #tpu.memory_space<vmem>>) target(%dma_start3A_1144 : memref<8x128xf32, #tpu.memory_space<hbm>>) target_semaphore(%dma_start3A_1140 : memref<!tpu.dma_semaphore, #tpu.memory_space<semaphore_mem>>)
      %dma_start3A_1149 = arith.constant 5 : i32
      %dma_start3A_1150 = arith.constant 1 : i32
      %dma_start3A_1151 = arith.constant 1 : i32
      %dma_start3A_1152 = arith.constant 5 : i32
      %dma_start3A_1153 = arith.constant 0 : i32
      %dma_start3A_1154 = arith.constant 0 : i32
      %dma_start3A_1155 = tpu.memref_slice %arg10[%dma_start3A_1149, %dma_start3A_1150, %dma_start3A_1153, %dma_start3A_1154] : memref<8x4x8x128xf32, #tpu.memory_space<vmem>> -> memref<1x1x8x128xf32, #tpu.memory_space<vmem>>
      %dma_start3A_1156 = tpu.memref_squeeze %dma_start3A_1155 : memref<1x1x8x128xf32, #tpu.memory_space<vmem>> -> memref<8x128xf32, #tpu.memory_space<vmem>>
      %dma_start3A_1157 = arith.constant 0 : i32
      %dma_start3A_1158 = arith.constant 0 : i32
      %dma_start3A_1159 = tpu.memref_slice %arg6[%select_n3A_1103, %dma_start3A_1151, %sub3A_1106, %dma_start3A_1157, %dma_start3A_1158] : memref<50x4x128x8x128xf32, #tpu.memory_space<hbm>> -> memref<1x1x1x8x128xf32, #tpu.memory_space<hbm>>
      %dma_start3A_1160 = tpu.memref_squeeze %dma_start3A_1159 : memref<1x1x1x8x128xf32, #tpu.memory_space<hbm>> -> memref<8x128xf32, #tpu.memory_space<hbm>>
      %dma_start3A_1161 = tpu.memref_slice %arg11[%dma_start3A_1152] : memref<8x!tpu.dma_semaphore, #tpu.memory_space<semaphore_mem>> -> memref<1x!tpu.dma_semaphore, #tpu.memory_space<semaphore_mem>>
      %dma_start3A_1162 = tpu.memref_squeeze %dma_start3A_1161 : memref<1x!tpu.dma_semaphore, #tpu.memory_space<semaphore_mem>> -> memref<!tpu.dma_semaphore, #tpu.memory_space<semaphore_mem>>
      %dma_start3A_1163 = arith.constant 0 : i32
      %dma_start3A_1164 = arith.constant 0 : i32
      %dma_start3A_1165 = tpu.memref_slice %arg6[%select_n3A_1103, %dma_start3A_1151, %sub3A_1106, %dma_start3A_1163, %dma_start3A_1164] : memref<50x4x128x8x128xf32, #tpu.memory_space<hbm>> -> memref<1x1x1x8x128xf32, #tpu.memory_space<hbm>>
      %dma_start3A_1166 = tpu.memref_squeeze %dma_start3A_1165 : memref<1x1x1x8x128xf32, #tpu.memory_space<hbm>> -> memref<8x128xf32, #tpu.memory_space<hbm>>
      %dma_start3A_1167 = arith.constant 0 : i32
      %dma_start3A_1168 = arith.constant 0 : i32
      %dma_start3A_1169 = tpu.memref_slice %arg10[%dma_start3A_1149, %dma_start3A_1150, %dma_start3A_1167, %dma_start3A_1168] : memref<8x4x8x128xf32, #tpu.memory_space<vmem>> -> memref<1x1x8x128xf32, #tpu.memory_space<vmem>>
      %dma_start3A_1170 = tpu.memref_squeeze %dma_start3A_1169 : memref<1x1x8x128xf32, #tpu.memory_space<vmem>> -> memref<8x128xf32, #tpu.memory_space<vmem>>
      tpu.enqueue_dma source(%dma_start3A_1170 : memref<8x128xf32, #tpu.memory_space<vmem>>) target(%dma_start3A_1166 : memref<8x128xf32, #tpu.memory_space<hbm>>) target_semaphore(%dma_start3A_1162 : memref<!tpu.dma_semaphore, #tpu.memory_space<semaphore_mem>>)
      %dma_start3A_1171 = arith.constant 5 : i32
      %dma_start3A_1172 = arith.constant 2 : i32
      %dma_start3A_1173 = arith.constant 2 : i32
      %dma_start3A_1174 = arith.constant 5 : i32
      %dma_start3A_1175 = arith.constant 0 : i32
      %dma_start3A_1176 = arith.constant 0 : i32
      %dma_start3A_1177 = tpu.memref_slice %arg10[%dma_start3A_1171, %dma_start3A_1172, %dma_start3A_1175, %dma_start3A_1176] : memref<8x4x8x128xf32, #tpu.memory_space<vmem>> -> memref<1x1x8x128xf32, #tpu.memory_space<vmem>>
      %dma_start3A_1178 = tpu.memref_squeeze %dma_start3A_1177 : memref<1x1x8x128xf32, #tpu.memory_space<vmem>> -> memref<8x128xf32, #tpu.memory_space<vmem>>
      %dma_start3A_1179 = arith.constant 0 : i32
      %dma_start3A_1180 = arith.constant 0 : i32
      %dma_start3A_1181 = tpu.memref_slice %arg6[%select_n3A_1103, %dma_start3A_1173, %sub3A_1106, %dma_start3A_1179, %dma_start3A_1180] : memref<50x4x128x8x128xf32, #tpu.memory_space<hbm>> -> memref<1x1x1x8x128xf32, #tpu.memory_space<hbm>>
      %dma_start3A_1182 = tpu.memref_squeeze %dma_start3A_1181 : memref<1x1x1x8x128xf32, #tpu.memory_space<hbm>> -> memref<8x128xf32, #tpu.memory_space<hbm>>
      %dma_start3A_1183 = tpu.memref_slice %arg11[%dma_start3A_1174] : memref<8x!tpu.dma_semaphore, #tpu.memory_space<semaphore_mem>> -> memref<1x!tpu.dma_semaphore, #tpu.memory_space<semaphore_mem>>
      %dma_start3A_1184 = tpu.memref_squeeze %dma_start3A_1183 : memref<1x!tpu.dma_semaphore, #tpu.memory_space<semaphore_mem>> -> memref<!tpu.dma_semaphore, #tpu.memory_space<semaphore_mem>>
      %dma_start3A_1185 = arith.constant 0 : i32
      %dma_start3A_1186 = arith.constant 0 : i32
      %dma_start3A_1187 = tpu.memref_slice %arg6[%select_n3A_1103, %dma_start3A_1173, %sub3A_1106, %dma_start3A_1185, %dma_start3A_1186] : memref<50x4x128x8x128xf32, #tpu.memory_space<hbm>> -> memref<1x1x1x8x128xf32, #tpu.memory_space<hbm>>
      %dma_start3A_1188 = tpu.memref_squeeze %dma_start3A_1187 : memref<1x1x1x8x128xf32, #tpu.memory_space<hbm>> -> memref<8x128xf32, #tpu.memory_space<hbm>>
      %dma_start3A_1189 = arith.constant 0 : i32
      %dma_start3A_1190 = arith.constant 0 : i32
      %dma_start3A_1191 = tpu.memref_slice %arg10[%dma_start3A_1171, %dma_start3A_1172, %dma_start3A_1189, %dma_start3A_1190] : memref<8x4x8x128xf32, #tpu.memory_space<vmem>> -> memref<1x1x8x128xf32, #tpu.memory_space<vmem>>
      %dma_start3A_1192 = tpu.memref_squeeze %dma_start3A_1191 : memref<1x1x8x128xf32, #tpu.memory_space<vmem>> -> memref<8x128xf32, #tpu.memory_space<vmem>>
      tpu.enqueue_dma source(%dma_start3A_1192 : memref<8x128xf32, #tpu.memory_space<vmem>>) target(%dma_start3A_1188 : memref<8x128xf32, #tpu.memory_space<hbm>>) target_semaphore(%dma_start3A_1184 : memref<!tpu.dma_semaphore, #tpu.memory_space<semaphore_mem>>)
      %dma_start3A_1193 = arith.constant 5 : i32
      %dma_start3A_1194 = arith.constant 3 : i32
      %dma_start3A_1195 = arith.constant 3 : i32
      %dma_start3A_1196 = arith.constant 5 : i32
      %dma_start3A_1197 = arith.constant 0 : i32
      %dma_start3A_1198 = arith.constant 0 : i32
      %dma_start3A_1199 = tpu.memref_slice %arg10[%dma_start3A_1193, %dma_start3A_1194, %dma_start3A_1197, %dma_start3A_1198] : memref<8x4x8x128xf32, #tpu.memory_space<vmem>> -> memref<1x1x8x128xf32, #tpu.memory_space<vmem>>
      %dma_start3A_1200 = tpu.memref_squeeze %dma_start3A_1199 : memref<1x1x8x128xf32, #tpu.memory_space<vmem>> -> memref<8x128xf32, #tpu.memory_space<vmem>>
      %dma_start3A_1201 = arith.constant 0 : i32
      %dma_start3A_1202 = arith.constant 0 : i32
      %dma_start3A_1203 = tpu.memref_slice %arg6[%select_n3A_1103, %dma_start3A_1195, %sub3A_1106, %dma_start3A_1201, %dma_start3A_1202] : memref<50x4x128x8x128xf32, #tpu.memory_space<hbm>> -> memref<1x1x1x8x128xf32, #tpu.memory_space<hbm>>
      %dma_start3A_1204 = tpu.memref_squeeze %dma_start3A_1203 : memref<1x1x1x8x128xf32, #tpu.memory_space<hbm>> -> memref<8x128xf32, #tpu.memory_space<hbm>>
      %dma_start3A_1205 = tpu.memref_slice %arg11[%dma_start3A_1196] : memref<8x!tpu.dma_semaphore, #tpu.memory_space<semaphore_mem>> -> memref<1x!tpu.dma_semaphore, #tpu.memory_space<semaphore_mem>>
      %dma_start3A_1206 = tpu.memref_squeeze %dma_start3A_1205 : memref<1x!tpu.dma_semaphore, #tpu.memory_space<semaphore_mem>> -> memref<!tpu.dma_semaphore, #tpu.memory_space<semaphore_mem>>
      %dma_start3A_1207 = arith.constant 0 : i32
      %dma_start3A_1208 = arith.constant 0 : i32
      %dma_start3A_1209 = tpu.memref_slice %arg6[%select_n3A_1103, %dma_start3A_1195, %sub3A_1106, %dma_start3A_1207, %dma_start3A_1208] : memref<50x4x128x8x128xf32, #tpu.memory_space<hbm>> -> memref<1x1x1x8x128xf32, #tpu.memory_space<hbm>>
      %dma_start3A_1210 = tpu.memref_squeeze %dma_start3A_1209 : memref<1x1x1x8x128xf32, #tpu.memory_space<hbm>> -> memref<8x128xf32, #tpu.memory_space<hbm>>
      %dma_start3A_1211 = arith.constant 0 : i32
      %dma_start3A_1212 = arith.constant 0 : i32
      %dma_start3A_1213 = tpu.memref_slice %arg10[%dma_start3A_1193, %dma_start3A_1194, %dma_start3A_1211, %dma_start3A_1212] : memref<8x4x8x128xf32, #tpu.memory_space<vmem>> -> memref<1x1x8x128xf32, #tpu.memory_space<vmem>>
      %dma_start3A_1214 = tpu.memref_squeeze %dma_start3A_1213 : memref<1x1x8x128xf32, #tpu.memory_space<vmem>> -> memref<8x128xf32, #tpu.memory_space<vmem>>
      tpu.enqueue_dma source(%dma_start3A_1214 : memref<8x128xf32, #tpu.memory_space<vmem>>) target(%dma_start3A_1210 : memref<8x128xf32, #tpu.memory_space<hbm>>) target_semaphore(%dma_start3A_1206 : memref<!tpu.dma_semaphore, #tpu.memory_space<semaphore_mem>>)
      %mul3A_1215 = arith.constant 8 : i32
      %mul3A_1216 = arith.muli %scan3A_127, %mul3A_1215 : i32
      %add3A_1217 = arith.constant 6 : i32
      %add3A_1218 = arith.addi %mul3A_1216, %add3A_1217 : i32
      %add3A_1219 = arith.addi %mul3A_2, %add3A_1218 : i32
      %jit3A_1220 = arith.constant 128 : i32
      %div3A_1221 = arith.divsi %add3A_1219, %jit3A_1220 : i32
      %sign3A_1222 = arith.constant 0 : i32
      %sign3A_1223 = arith.cmpi sgt, %add3A_1219, %sign3A_1222 : i32
      %sign3A_1224 = arith.extui %sign3A_1223 : i1 to i32
      %sign3A_1225 = arith.constant 0 : i32
      %sign3A_1226 = arith.cmpi slt, %add3A_1219, %sign3A_1225 : i32
      %sign3A_1227 = arith.extui %sign3A_1226 : i1 to i32
      %sign3A_1228 = arith.subi %sign3A_1224, %sign3A_1227 : i32
      %sign3A_1229 = arith.constant 0 : i32
      %sign3A_1230 = arith.cmpi sgt, %jit3A_1220, %sign3A_1229 : i32
      %sign3A_1231 = arith.extui %sign3A_1230 : i1 to i32
      %sign3A_1232 = arith.constant 0 : i32
      %sign3A_1233 = arith.cmpi slt, %jit3A_1220, %sign3A_1232 : i32
      %sign3A_1234 = arith.extui %sign3A_1233 : i1 to i32
      %sign3A_1235 = arith.subi %sign3A_1231, %sign3A_1234 : i32
      %ne3A_1236 = arith.cmpi ne, %sign3A_1228, %sign3A_1235 : i32
      %rem3A_1237 = arith.remsi %add3A_1219, %jit3A_1220 : i32
      %ne3A_1238 = arith.constant 0 : i32
      %ne3A_1239 = arith.cmpi ne, %rem3A_1237, %ne3A_1238 : i32
      %and3A_1240 = arith.andi %ne3A_1236, %ne3A_1239 : i1
      %sub3A_1241 = arith.constant 1 : i32
      %sub3A_1242 = arith.subi %div3A_1221, %sub3A_1241 : i32
      %select_n3A_1243 = arith.select %and3A_1240, %sub3A_1242, %div3A_1221 : i32
      %mul3A_1244 = arith.constant 128 : i32
      %mul3A_1245 = arith.muli %select_n3A_1243, %mul3A_1244 : i32
      %sub3A_1246 = arith.subi %add3A_1219, %mul3A_1245 : i32
      %dma_wait3A_1247 = arith.constant 6 : i32
      %dma_wait3A_1248 = arith.constant 6 : i32
      %dma_wait3A_1249 = arith.constant 0 : i32
      %dma_wait3A_1250 = arith.constant 0 : i32
      %dma_wait3A_1251 = tpu.memref_slice %arg9[%dma_wait3A_1247, %dma_wait3A_1249, %dma_wait3A_1250] : memref<8x128x32xf32, #tpu.memory_space<vmem>> -> memref<1x128x32xf32, #tpu.memory_space<vmem>>
      %dma_wait3A_1252 = tpu.memref_squeeze %dma_wait3A_1251 : memref<1x128x32xf32, #tpu.memory_space<vmem>> -> memref<128x32xf32, #tpu.memory_space<vmem>>
      %dma_wait3A_1253 = arith.constant 0 : i32
      %dma_wait3A_1254 = tpu.memref_slice %arg8[%add3A_1218, %dma_wait3A_1253] : memref<200x128xi32, #tpu.memory_space<vmem>> -> memref<1x128xi32, #tpu.memory_space<vmem>>
      %dma_wait3A_1255 = tpu.memref_squeeze %dma_wait3A_1254 : memref<1x128xi32, #tpu.memory_space<vmem>> -> memref<128xi32, #tpu.memory_space<vmem>>
      %dma_wait3A_1256 = arith.constant 0 : i32
      %dma_wait3A_1257 = arith.constant 0 : i32
      %dma_wait3A_1258 = tpu.memref_slice %arg5[%dma_wait3A_1256, %dma_wait3A_1257] : memref<1000000x32xf32, #tpu.memory_space<hbm>> -> memref<1000000x32xf32, #tpu.memory_space<hbm>>
      %dma_wait3A_1259 = tpu.memref_slice %arg11[%dma_wait3A_1248] : memref<8x!tpu.dma_semaphore, #tpu.memory_space<semaphore_mem>> -> memref<1x!tpu.dma_semaphore, #tpu.memory_space<semaphore_mem>>
      %dma_wait3A_1260 = tpu.memref_squeeze %dma_wait3A_1259 : memref<1x!tpu.dma_semaphore, #tpu.memory_space<semaphore_mem>> -> memref<!tpu.dma_semaphore, #tpu.memory_space<semaphore_mem>>
      tpu.wait_indirect_dma semaphore(%dma_wait3A_1260 : memref<!tpu.dma_semaphore, #tpu.memory_space<semaphore_mem>>) src(%dma_wait3A_1258 : memref<1000000x32xf32, #tpu.memory_space<hbm>>) dst(%dma_wait3A_1252 : memref<128x32xf32, #tpu.memory_space<vmem>>)
      %scan3A_1261 = arith.constant 0 : i32
      %scan3A_1262 = arith.constant 0 : i32
      %scan3A_1263 = arith.constant 32 : i32
      %scan3A_1264 = arith.addi %scan3A_1262, %scan3A_1263 : i32
      %scan3A_1265 = arith.constant 1 : i32
      scf.for %scan3A_2508 = %scan3A_1262 to %scan3A_1264 step %scan3A_1265  : i32 {
        %jit3A_2509 = arith.constant 8 : i32
        %div3A_2510 = arith.divsi %scan3A_2508, %jit3A_2509 : i32
        %sign3A_2511 = arith.constant 0 : i32
        %sign3A_2512 = arith.cmpi sgt, %scan3A_2508, %sign3A_2511 : i32
        %sign3A_2513 = arith.extui %sign3A_2512 : i1 to i32
        %sign3A_2514 = arith.constant 0 : i32
        %sign3A_2515 = arith.cmpi slt, %scan3A_2508, %sign3A_2514 : i32
        %sign3A_2516 = arith.extui %sign3A_2515 : i1 to i32
        %sign3A_2517 = arith.subi %sign3A_2513, %sign3A_2516 : i32
        %sign3A_2518 = arith.constant 0 : i32
        %sign3A_2519 = arith.cmpi sgt, %jit3A_2509, %sign3A_2518 : i32
        %sign3A_2520 = arith.extui %sign3A_2519 : i1 to i32
        %sign3A_2521 = arith.constant 0 : i32
        %sign3A_2522 = arith.cmpi slt, %jit3A_2509, %sign3A_2521 : i32
        %sign3A_2523 = arith.extui %sign3A_2522 : i1 to i32
        %sign3A_2524 = arith.subi %sign3A_2520, %sign3A_2523 : i32
        %ne3A_2525 = arith.cmpi ne, %sign3A_2517, %sign3A_2524 : i32
        %rem3A_2526 = arith.remsi %scan3A_2508, %jit3A_2509 : i32
        %ne3A_2527 = arith.constant 0 : i32
        %ne3A_2528 = arith.cmpi ne, %rem3A_2526, %ne3A_2527 : i32
        %and3A_2529 = arith.andi %ne3A_2525, %ne3A_2528 : i1
        %sub3A_2530 = arith.constant 1 : i32
        %sub3A_2531 = arith.subi %div3A_2510, %sub3A_2530 : i32
        %select_n3A_2532 = arith.select %and3A_2529, %sub3A_2531, %div3A_2510 : i32
        %mul3A_2533 = arith.constant 8 : i32
        %mul3A_2534 = arith.muli %select_n3A_2532, %mul3A_2533 : i32
        %sub3A_2535 = arith.subi %scan3A_2508, %mul3A_2534 : i32
        %add3A_2536 = arith.constant 0 : i32
        %add3A_2537 = vector.broadcast %add3A_2536 : i32 to vector<16xi32>
        %add3A_2538 = arith.addi %iota3A, %add3A_2537 : vector<16xi32>
        %broadcast_in_dim3A = arith.constant 0 : i32
        %broadcast_in_dim3A_2539 = vector.broadcast %broadcast_in_dim3A : i32 to vector<16xi32>
        %add3A_2540 = vector.broadcast %scan3A_2508 : i32 to vector<16xi32>
        %add3A_2541 = arith.addi %broadcast_in_dim3A_2539, %add3A_2540 : vector<16xi32>
        %gather3A = arith.constant 6 : i32
        %gather3A_2542 = arith.constant 0 : i32
        %gather3A_2543 = arith.constant 0 : i32
        %gather3A_2544 = tpu.memref_slice %arg9[%gather3A, %gather3A_2542, %gather3A_2543] : memref<8x128x32xf32, #tpu.memory_space<vmem>> -> memref<1x128x32xf32, #tpu.memory_space<vmem>>
        %gather3A_2545 = tpu.memref_squeeze %gather3A_2544 : memref<1x128x32xf32, #tpu.memory_space<vmem>> -> memref<128x32xf32, #tpu.memory_space<vmem>>
        %gather3A_2546 = tpu.vector_load_idx %gather3A_2545[%add3A_2538, %add3A_2541] : memref<128x32xf32, #tpu.memory_space<vmem>>[vector<16xi32>, vector<16xi32>], vector<16xf32>,
        %swap3A = arith.constant 6 : i32
        %swap3A_2547 = arith.index_cast %swap3A : i32 to index
        %swap3A_2548 = arith.index_cast %select_n3A_2532 : i32 to index
        %swap3A_2549 = arith.index_cast %sub3A_2535 : i32 to index
        %swap3A_2550 = arith.constant 0 : index
        %swap3A_2551 = tpu.vector_load %arg10[%swap3A_2547, %swap3A_2548, %swap3A_2549, %swap3A_2550] {strides = array<i32>} : memref<8x4x8x128xf32, #tpu.memory_space<vmem>>, vector<16xf32>,
        tpu.vector_store %arg10[%swap3A_2547, %swap3A_2548, %swap3A_2549, %swap3A_2550], %gather3A_2546 {strides = array<i32>} : memref<8x4x8x128xf32, #tpu.memory_space<vmem>>, vector<16xf32>,
        %add3A_2552 = arith.constant 16 : i32
        %add3A_2553 = vector.broadcast %add3A_2552 : i32 to vector<16xi32>
        %add3A_2554 = arith.addi %iota3A, %add3A_2553 : vector<16xi32>
        %broadcast_in_dim3A_2555 = arith.constant 0 : i32
        %broadcast_in_dim3A_2556 = vector.broadcast %broadcast_in_dim3A_2555 : i32 to vector<16xi32>
        %add3A_2557 = vector.broadcast %scan3A_2508 : i32 to vector<16xi32>
        %add3A_2558 = arith.addi %broadcast_in_dim3A_2556, %add3A_2557 : vector<16xi32>
        %gather3A_2559 = arith.constant 6 : i32
        %gather3A_2560 = arith.constant 0 : i32
        %gather3A_2561 = arith.constant 0 : i32
        %gather3A_2562 = tpu.memref_slice %arg9[%gather3A_2559, %gather3A_2560, %gather3A_2561] : memref<8x128x32xf32, #tpu.memory_space<vmem>> -> memref<1x128x32xf32, #tpu.memory_space<vmem>>
        %gather3A_2563 = tpu.memref_squeeze %gather3A_2562 : memref<1x128x32xf32, #tpu.memory_space<vmem>> -> memref<128x32xf32, #tpu.memory_space<vmem>>
        %gather3A_2564 = tpu.vector_load_idx %gather3A_2563[%add3A_2554, %add3A_2558] : memref<128x32xf32, #tpu.memory_space<vmem>>[vector<16xi32>, vector<16xi32>], vector<16xf32>,
        %swap3A_2565 = arith.constant 6 : i32
        %swap3A_2566 = arith.index_cast %swap3A_2565 : i32 to index
        %swap3A_2567 = arith.index_cast %select_n3A_2532 : i32 to index
        %swap3A_2568 = arith.index_cast %sub3A_2535 : i32 to index
        %swap3A_2569 = arith.constant 16 : index
        %swap3A_2570 = tpu.vector_load %arg10[%swap3A_2566, %swap3A_2567, %swap3A_2568, %swap3A_2569] {strides = array<i32>} : memref<8x4x8x128xf32, #tpu.memory_space<vmem>>, vector<16xf32>,
        tpu.vector_store %arg10[%swap3A_2566, %swap3A_2567, %swap3A_2568, %swap3A_2569], %gather3A_2564 {strides = array<i32>} : memref<8x4x8x128xf32, #tpu.memory_space<vmem>>, vector<16xf32>,
        %add3A_2571 = arith.constant 32 : i32
        %add3A_2572 = vector.broadcast %add3A_2571 : i32 to vector<16xi32>
        %add3A_2573 = arith.addi %iota3A, %add3A_2572 : vector<16xi32>
        %broadcast_in_dim3A_2574 = arith.constant 0 : i32
        %broadcast_in_dim3A_2575 = vector.broadcast %broadcast_in_dim3A_2574 : i32 to vector<16xi32>
        %add3A_2576 = vector.broadcast %scan3A_2508 : i32 to vector<16xi32>
        %add3A_2577 = arith.addi %broadcast_in_dim3A_2575, %add3A_2576 : vector<16xi32>
        %gather3A_2578 = arith.constant 6 : i32
        %gather3A_2579 = arith.constant 0 : i32
        %gather3A_2580 = arith.constant 0 : i32
        %gather3A_2581 = tpu.memref_slice %arg9[%gather3A_2578, %gather3A_2579, %gather3A_2580] : memref<8x128x32xf32, #tpu.memory_space<vmem>> -> memref<1x128x32xf32, #tpu.memory_space<vmem>>
        %gather3A_2582 = tpu.memref_squeeze %gather3A_2581 : memref<1x128x32xf32, #tpu.memory_space<vmem>> -> memref<128x32xf32, #tpu.memory_space<vmem>>
        %gather3A_2583 = tpu.vector_load_idx %gather3A_2582[%add3A_2573, %add3A_2577] : memref<128x32xf32, #tpu.memory_space<vmem>>[vector<16xi32>, vector<16xi32>], vector<16xf32>,
        %swap3A_2584 = arith.constant 6 : i32
        %swap3A_2585 = arith.index_cast %swap3A_2584 : i32 to index
        %swap3A_2586 = arith.index_cast %select_n3A_2532 : i32 to index
        %swap3A_2587 = arith.index_cast %sub3A_2535 : i32 to index
        %swap3A_2588 = arith.constant 32 : index
        %swap3A_2589 = tpu.vector_load %arg10[%swap3A_2585, %swap3A_2586, %swap3A_2587, %swap3A_2588] {strides = array<i32>} : memref<8x4x8x128xf32, #tpu.memory_space<vmem>>, vector<16xf32>,
        tpu.vector_store %arg10[%swap3A_2585, %swap3A_2586, %swap3A_2587, %swap3A_2588], %gather3A_2583 {strides = array<i32>} : memref<8x4x8x128xf32, #tpu.memory_space<vmem>>, vector<16xf32>,
        %add3A_2590 = arith.constant 48 : i32
        %add3A_2591 = vector.broadcast %add3A_2590 : i32 to vector<16xi32>
        %add3A_2592 = arith.addi %iota3A, %add3A_2591 : vector<16xi32>
        %broadcast_in_dim3A_2593 = arith.constant 0 : i32
        %broadcast_in_dim3A_2594 = vector.broadcast %broadcast_in_dim3A_2593 : i32 to vector<16xi32>
        %add3A_2595 = vector.broadcast %scan3A_2508 : i32 to vector<16xi32>
        %add3A_2596 = arith.addi %broadcast_in_dim3A_2594, %add3A_2595 : vector<16xi32>
        %gather3A_2597 = arith.constant 6 : i32
        %gather3A_2598 = arith.constant 0 : i32
        %gather3A_2599 = arith.constant 0 : i32
        %gather3A_2600 = tpu.memref_slice %arg9[%gather3A_2597, %gather3A_2598, %gather3A_2599] : memref<8x128x32xf32, #tpu.memory_space<vmem>> -> memref<1x128x32xf32, #tpu.memory_space<vmem>>
        %gather3A_2601 = tpu.memref_squeeze %gather3A_2600 : memref<1x128x32xf32, #tpu.memory_space<vmem>> -> memref<128x32xf32, #tpu.memory_space<vmem>>
        %gather3A_2602 = tpu.vector_load_idx %gather3A_2601[%add3A_2592, %add3A_2596] : memref<128x32xf32, #tpu.memory_space<vmem>>[vector<16xi32>, vector<16xi32>], vector<16xf32>,
        %swap3A_2603 = arith.constant 6 : i32
        %swap3A_2604 = arith.index_cast %swap3A_2603 : i32 to index
        %swap3A_2605 = arith.index_cast %select_n3A_2532 : i32 to index
        %swap3A_2606 = arith.index_cast %sub3A_2535 : i32 to index
        %swap3A_2607 = arith.constant 48 : index
        %swap3A_2608 = tpu.vector_load %arg10[%swap3A_2604, %swap3A_2605, %swap3A_2606, %swap3A_2607] {strides = array<i32>} : memref<8x4x8x128xf32, #tpu.memory_space<vmem>>, vector<16xf32>,
        tpu.vector_store %arg10[%swap3A_2604, %swap3A_2605, %swap3A_2606, %swap3A_2607], %gather3A_2602 {strides = array<i32>} : memref<8x4x8x128xf32, #tpu.memory_space<vmem>>, vector<16xf32>,
        %add3A_2609 = arith.constant 64 : i32
        %add3A_2610 = vector.broadcast %add3A_2609 : i32 to vector<16xi32>
        %add3A_2611 = arith.addi %iota3A, %add3A_2610 : vector<16xi32>
        %broadcast_in_dim3A_2612 = arith.constant 0 : i32
        %broadcast_in_dim3A_2613 = vector.broadcast %broadcast_in_dim3A_2612 : i32 to vector<16xi32>
        %add3A_2614 = vector.broadcast %scan3A_2508 : i32 to vector<16xi32>
        %add3A_2615 = arith.addi %broadcast_in_dim3A_2613, %add3A_2614 : vector<16xi32>
        %gather3A_2616 = arith.constant 6 : i32
        %gather3A_2617 = arith.constant 0 : i32
        %gather3A_2618 = arith.constant 0 : i32
        %gather3A_2619 = tpu.memref_slice %arg9[%gather3A_2616, %gather3A_2617, %gather3A_2618] : memref<8x128x32xf32, #tpu.memory_space<vmem>> -> memref<1x128x32xf32, #tpu.memory_space<vmem>>
        %gather3A_2620 = tpu.memref_squeeze %gather3A_2619 : memref<1x128x32xf32, #tpu.memory_space<vmem>> -> memref<128x32xf32, #tpu.memory_space<vmem>>
        %gather3A_2621 = tpu.vector_load_idx %gather3A_2620[%add3A_2611, %add3A_2615] : memref<128x32xf32, #tpu.memory_space<vmem>>[vector<16xi32>, vector<16xi32>], vector<16xf32>,
        %swap3A_2622 = arith.constant 6 : i32
        %swap3A_2623 = arith.index_cast %swap3A_2622 : i32 to index
        %swap3A_2624 = arith.index_cast %select_n3A_2532 : i32 to index
        %swap3A_2625 = arith.index_cast %sub3A_2535 : i32 to index
        %swap3A_2626 = arith.constant 64 : index
        %swap3A_2627 = tpu.vector_load %arg10[%swap3A_2623, %swap3A_2624, %swap3A_2625, %swap3A_2626] {strides = array<i32>} : memref<8x4x8x128xf32, #tpu.memory_space<vmem>>, vector<16xf32>,
        tpu.vector_store %arg10[%swap3A_2623, %swap3A_2624, %swap3A_2625, %swap3A_2626], %gather3A_2621 {strides = array<i32>} : memref<8x4x8x128xf32, #tpu.memory_space<vmem>>, vector<16xf32>,
        %add3A_2628 = arith.constant 80 : i32
        %add3A_2629 = vector.broadcast %add3A_2628 : i32 to vector<16xi32>
        %add3A_2630 = arith.addi %iota3A, %add3A_2629 : vector<16xi32>
        %broadcast_in_dim3A_2631 = arith.constant 0 : i32
        %broadcast_in_dim3A_2632 = vector.broadcast %broadcast_in_dim3A_2631 : i32 to vector<16xi32>
        %add3A_2633 = vector.broadcast %scan3A_2508 : i32 to vector<16xi32>
        %add3A_2634 = arith.addi %broadcast_in_dim3A_2632, %add3A_2633 : vector<16xi32>
        %gather3A_2635 = arith.constant 6 : i32
        %gather3A_2636 = arith.constant 0 : i32
        %gather3A_2637 = arith.constant 0 : i32
        %gather3A_2638 = tpu.memref_slice %arg9[%gather3A_2635, %gather3A_2636, %gather3A_2637] : memref<8x128x32xf32, #tpu.memory_space<vmem>> -> memref<1x128x32xf32, #tpu.memory_space<vmem>>
        %gather3A_2639 = tpu.memref_squeeze %gather3A_2638 : memref<1x128x32xf32, #tpu.memory_space<vmem>> -> memref<128x32xf32, #tpu.memory_space<vmem>>
        %gather3A_2640 = tpu.vector_load_idx %gather3A_2639[%add3A_2630, %add3A_2634] : memref<128x32xf32, #tpu.memory_space<vmem>>[vector<16xi32>, vector<16xi32>], vector<16xf32>,
        %swap3A_2641 = arith.constant 6 : i32
        %swap3A_2642 = arith.index_cast %swap3A_2641 : i32 to index
        %swap3A_2643 = arith.index_cast %select_n3A_2532 : i32 to index
        %swap3A_2644 = arith.index_cast %sub3A_2535 : i32 to index
        %swap3A_2645 = arith.constant 80 : index
        %swap3A_2646 = tpu.vector_load %arg10[%swap3A_2642, %swap3A_2643, %swap3A_2644, %swap3A_2645] {strides = array<i32>} : memref<8x4x8x128xf32, #tpu.memory_space<vmem>>, vector<16xf32>,
        tpu.vector_store %arg10[%swap3A_2642, %swap3A_2643, %swap3A_2644, %swap3A_2645], %gather3A_2640 {strides = array<i32>} : memref<8x4x8x128xf32, #tpu.memory_space<vmem>>, vector<16xf32>,
        %add3A_2647 = arith.constant 96 : i32
        %add3A_2648 = vector.broadcast %add3A_2647 : i32 to vector<16xi32>
        %add3A_2649 = arith.addi %iota3A, %add3A_2648 : vector<16xi32>
        %broadcast_in_dim3A_2650 = arith.constant 0 : i32
        %broadcast_in_dim3A_2651 = vector.broadcast %broadcast_in_dim3A_2650 : i32 to vector<16xi32>
        %add3A_2652 = vector.broadcast %scan3A_2508 : i32 to vector<16xi32>
        %add3A_2653 = arith.addi %broadcast_in_dim3A_2651, %add3A_2652 : vector<16xi32>
        %gather3A_2654 = arith.constant 6 : i32
        %gather3A_2655 = arith.constant 0 : i32
        %gather3A_2656 = arith.constant 0 : i32
        %gather3A_2657 = tpu.memref_slice %arg9[%gather3A_2654, %gather3A_2655, %gather3A_2656] : memref<8x128x32xf32, #tpu.memory_space<vmem>> -> memref<1x128x32xf32, #tpu.memory_space<vmem>>
        %gather3A_2658 = tpu.memref_squeeze %gather3A_2657 : memref<1x128x32xf32, #tpu.memory_space<vmem>> -> memref<128x32xf32, #tpu.memory_space<vmem>>
        %gather3A_2659 = tpu.vector_load_idx %gather3A_2658[%add3A_2649, %add3A_2653] : memref<128x32xf32, #tpu.memory_space<vmem>>[vector<16xi32>, vector<16xi32>], vector<16xf32>,
        %swap3A_2660 = arith.constant 6 : i32
        %swap3A_2661 = arith.index_cast %swap3A_2660 : i32 to index
        %swap3A_2662 = arith.index_cast %select_n3A_2532 : i32 to index
        %swap3A_2663 = arith.index_cast %sub3A_2535 : i32 to index
        %swap3A_2664 = arith.constant 96 : index
        %swap3A_2665 = tpu.vector_load %arg10[%swap3A_2661, %swap3A_2662, %swap3A_2663, %swap3A_2664] {strides = array<i32>} : memref<8x4x8x128xf32, #tpu.memory_space<vmem>>, vector<16xf32>,
        tpu.vector_store %arg10[%swap3A_2661, %swap3A_2662, %swap3A_2663, %swap3A_2664], %gather3A_2659 {strides = array<i32>} : memref<8x4x8x128xf32, #tpu.memory_space<vmem>>, vector<16xf32>,
        %add3A_2666 = arith.constant 112 : i32
        %add3A_2667 = vector.broadcast %add3A_2666 : i32 to vector<16xi32>
        %add3A_2668 = arith.addi %iota3A, %add3A_2667 : vector<16xi32>
        %broadcast_in_dim3A_2669 = arith.constant 0 : i32
        %broadcast_in_dim3A_2670 = vector.broadcast %broadcast_in_dim3A_2669 : i32 to vector<16xi32>
        %add3A_2671 = vector.broadcast %scan3A_2508 : i32 to vector<16xi32>
        %add3A_2672 = arith.addi %broadcast_in_dim3A_2670, %add3A_2671 : vector<16xi32>
        %gather3A_2673 = arith.constant 6 : i32
        %gather3A_2674 = arith.constant 0 : i32
        %gather3A_2675 = arith.constant 0 : i32
        %gather3A_2676 = tpu.memref_slice %arg9[%gather3A_2673, %gather3A_2674, %gather3A_2675] : memref<8x128x32xf32, #tpu.memory_space<vmem>> -> memref<1x128x32xf32, #tpu.memory_space<vmem>>
        %gather3A_2677 = tpu.memref_squeeze %gather3A_2676 : memref<1x128x32xf32, #tpu.memory_space<vmem>> -> memref<128x32xf32, #tpu.memory_space<vmem>>
        %gather3A_2678 = tpu.vector_load_idx %gather3A_2677[%add3A_2668, %add3A_2672] : memref<128x32xf32, #tpu.memory_space<vmem>>[vector<16xi32>, vector<16xi32>], vector<16xf32>,
        %swap3A_2679 = arith.constant 6 : i32
        %swap3A_2680 = arith.index_cast %swap3A_2679 : i32 to index
        %swap3A_2681 = arith.index_cast %select_n3A_2532 : i32 to index
        %swap3A_2682 = arith.index_cast %sub3A_2535 : i32 to index
        %swap3A_2683 = arith.constant 112 : index
        %swap3A_2684 = tpu.vector_load %arg10[%swap3A_2680, %swap3A_2681, %swap3A_2682, %swap3A_2683] {strides = array<i32>} : memref<8x4x8x128xf32, #tpu.memory_space<vmem>>, vector<16xf32>,
        tpu.vector_store %arg10[%swap3A_2680, %swap3A_2681, %swap3A_2682, %swap3A_2683], %gather3A_2678 {strides = array<i32>} : memref<8x4x8x128xf32, #tpu.memory_space<vmem>>, vector<16xf32>,
      }
      %scan3A_1266 = arith.constant 32 : i32
      %dma_start3A_1267 = arith.constant 6 : i32
      %dma_start3A_1268 = arith.constant 0 : i32
      %dma_start3A_1269 = arith.constant 0 : i32
      %dma_start3A_1270 = arith.constant 6 : i32
      %dma_start3A_1271 = arith.constant 0 : i32
      %dma_start3A_1272 = arith.constant 0 : i32
      %dma_start3A_1273 = tpu.memref_slice %arg10[%dma_start3A_1267, %dma_start3A_1268, %dma_start3A_1271, %dma_start3A_1272] : memref<8x4x8x128xf32, #tpu.memory_space<vmem>> -> memref<1x1x8x128xf32, #tpu.memory_space<vmem>>
      %dma_start3A_1274 = tpu.memref_squeeze %dma_start3A_1273 : memref<1x1x8x128xf32, #tpu.memory_space<vmem>> -> memref<8x128xf32, #tpu.memory_space<vmem>>
      %dma_start3A_1275 = arith.constant 0 : i32
      %dma_start3A_1276 = arith.constant 0 : i32
      %dma_start3A_1277 = tpu.memref_slice %arg6[%select_n3A_1243, %dma_start3A_1269, %sub3A_1246, %dma_start3A_1275, %dma_start3A_1276] : memref<50x4x128x8x128xf32, #tpu.memory_space<hbm>> -> memref<1x1x1x8x128xf32, #tpu.memory_space<hbm>>
      %dma_start3A_1278 = tpu.memref_squeeze %dma_start3A_1277 : memref<1x1x1x8x128xf32, #tpu.memory_space<hbm>> -> memref<8x128xf32, #tpu.memory_space<hbm>>
      %dma_start3A_1279 = tpu.memref_slice %arg11[%dma_start3A_1270] : memref<8x!tpu.dma_semaphore, #tpu.memory_space<semaphore_mem>> -> memref<1x!tpu.dma_semaphore, #tpu.memory_space<semaphore_mem>>
      %dma_start3A_1280 = tpu.memref_squeeze %dma_start3A_1279 : memref<1x!tpu.dma_semaphore, #tpu.memory_space<semaphore_mem>> -> memref<!tpu.dma_semaphore, #tpu.memory_space<semaphore_mem>>
      %dma_start3A_1281 = arith.constant 0 : i32
      %dma_start3A_1282 = arith.constant 0 : i32
      %dma_start3A_1283 = tpu.memref_slice %arg6[%select_n3A_1243, %dma_start3A_1269, %sub3A_1246, %dma_start3A_1281, %dma_start3A_1282] : memref<50x4x128x8x128xf32, #tpu.memory_space<hbm>> -> memref<1x1x1x8x128xf32, #tpu.memory_space<hbm>>
      %dma_start3A_1284 = tpu.memref_squeeze %dma_start3A_1283 : memref<1x1x1x8x128xf32, #tpu.memory_space<hbm>> -> memref<8x128xf32, #tpu.memory_space<hbm>>
      %dma_start3A_1285 = arith.constant 0 : i32
      %dma_start3A_1286 = arith.constant 0 : i32
      %dma_start3A_1287 = tpu.memref_slice %arg10[%dma_start3A_1267, %dma_start3A_1268, %dma_start3A_1285, %dma_start3A_1286] : memref<8x4x8x128xf32, #tpu.memory_space<vmem>> -> memref<1x1x8x128xf32, #tpu.memory_space<vmem>>
      %dma_start3A_1288 = tpu.memref_squeeze %dma_start3A_1287 : memref<1x1x8x128xf32, #tpu.memory_space<vmem>> -> memref<8x128xf32, #tpu.memory_space<vmem>>
      tpu.enqueue_dma source(%dma_start3A_1288 : memref<8x128xf32, #tpu.memory_space<vmem>>) target(%dma_start3A_1284 : memref<8x128xf32, #tpu.memory_space<hbm>>) target_semaphore(%dma_start3A_1280 : memref<!tpu.dma_semaphore, #tpu.memory_space<semaphore_mem>>)
      %dma_start3A_1289 = arith.constant 6 : i32
      %dma_start3A_1290 = arith.constant 1 : i32
      %dma_start3A_1291 = arith.constant 1 : i32
      %dma_start3A_1292 = arith.constant 6 : i32
      %dma_start3A_1293 = arith.constant 0 : i32
      %dma_start3A_1294 = arith.constant 0 : i32
      %dma_start3A_1295 = tpu.memref_slice %arg10[%dma_start3A_1289, %dma_start3A_1290, %dma_start3A_1293, %dma_start3A_1294] : memref<8x4x8x128xf32, #tpu.memory_space<vmem>> -> memref<1x1x8x128xf32, #tpu.memory_space<vmem>>
      %dma_start3A_1296 = tpu.memref_squeeze %dma_start3A_1295 : memref<1x1x8x128xf32, #tpu.memory_space<vmem>> -> memref<8x128xf32, #tpu.memory_space<vmem>>
      %dma_start3A_1297 = arith.constant 0 : i32
      %dma_start3A_1298 = arith.constant 0 : i32
      %dma_start3A_1299 = tpu.memref_slice %arg6[%select_n3A_1243, %dma_start3A_1291, %sub3A_1246, %dma_start3A_1297, %dma_start3A_1298] : memref<50x4x128x8x128xf32, #tpu.memory_space<hbm>> -> memref<1x1x1x8x128xf32, #tpu.memory_space<hbm>>
      %dma_start3A_1300 = tpu.memref_squeeze %dma_start3A_1299 : memref<1x1x1x8x128xf32, #tpu.memory_space<hbm>> -> memref<8x128xf32, #tpu.memory_space<hbm>>
      %dma_start3A_1301 = tpu.memref_slice %arg11[%dma_start3A_1292] : memref<8x!tpu.dma_semaphore, #tpu.memory_space<semaphore_mem>> -> memref<1x!tpu.dma_semaphore, #tpu.memory_space<semaphore_mem>>
      %dma_start3A_1302 = tpu.memref_squeeze %dma_start3A_1301 : memref<1x!tpu.dma_semaphore, #tpu.memory_space<semaphore_mem>> -> memref<!tpu.dma_semaphore, #tpu.memory_space<semaphore_mem>>
      %dma_start3A_1303 = arith.constant 0 : i32
      %dma_start3A_1304 = arith.constant 0 : i32
      %dma_start3A_1305 = tpu.memref_slice %arg6[%select_n3A_1243, %dma_start3A_1291, %sub3A_1246, %dma_start3A_1303, %dma_start3A_1304] : memref<50x4x128x8x128xf32, #tpu.memory_space<hbm>> -> memref<1x1x1x8x128xf32, #tpu.memory_space<hbm>>
      %dma_start3A_1306 = tpu.memref_squeeze %dma_start3A_1305 : memref<1x1x1x8x128xf32, #tpu.memory_space<hbm>> -> memref<8x128xf32, #tpu.memory_space<hbm>>
      %dma_start3A_1307 = arith.constant 0 : i32
      %dma_start3A_1308 = arith.constant 0 : i32
      %dma_start3A_1309 = tpu.memref_slice %arg10[%dma_start3A_1289, %dma_start3A_1290, %dma_start3A_1307, %dma_start3A_1308] : memref<8x4x8x128xf32, #tpu.memory_space<vmem>> -> memref<1x1x8x128xf32, #tpu.memory_space<vmem>>
      %dma_start3A_1310 = tpu.memref_squeeze %dma_start3A_1309 : memref<1x1x8x128xf32, #tpu.memory_space<vmem>> -> memref<8x128xf32, #tpu.memory_space<vmem>>
      tpu.enqueue_dma source(%dma_start3A_1310 : memref<8x128xf32, #tpu.memory_space<vmem>>) target(%dma_start3A_1306 : memref<8x128xf32, #tpu.memory_space<hbm>>) target_semaphore(%dma_start3A_1302 : memref<!tpu.dma_semaphore, #tpu.memory_space<semaphore_mem>>)
      %dma_start3A_1311 = arith.constant 6 : i32
      %dma_start3A_1312 = arith.constant 2 : i32
      %dma_start3A_1313 = arith.constant 2 : i32
      %dma_start3A_1314 = arith.constant 6 : i32
      %dma_start3A_1315 = arith.constant 0 : i32
      %dma_start3A_1316 = arith.constant 0 : i32
      %dma_start3A_1317 = tpu.memref_slice %arg10[%dma_start3A_1311, %dma_start3A_1312, %dma_start3A_1315, %dma_start3A_1316] : memref<8x4x8x128xf32, #tpu.memory_space<vmem>> -> memref<1x1x8x128xf32, #tpu.memory_space<vmem>>
      %dma_start3A_1318 = tpu.memref_squeeze %dma_start3A_1317 : memref<1x1x8x128xf32, #tpu.memory_space<vmem>> -> memref<8x128xf32, #tpu.memory_space<vmem>>
      %dma_start3A_1319 = arith.constant 0 : i32
      %dma_start3A_1320 = arith.constant 0 : i32
      %dma_start3A_1321 = tpu.memref_slice %arg6[%select_n3A_1243, %dma_start3A_1313, %sub3A_1246, %dma_start3A_1319, %dma_start3A_1320] : memref<50x4x128x8x128xf32, #tpu.memory_space<hbm>> -> memref<1x1x1x8x128xf32, #tpu.memory_space<hbm>>
      %dma_start3A_1322 = tpu.memref_squeeze %dma_start3A_1321 : memref<1x1x1x8x128xf32, #tpu.memory_space<hbm>> -> memref<8x128xf32, #tpu.memory_space<hbm>>
      %dma_start3A_1323 = tpu.memref_slice %arg11[%dma_start3A_1314] : memref<8x!tpu.dma_semaphore, #tpu.memory_space<semaphore_mem>> -> memref<1x!tpu.dma_semaphore, #tpu.memory_space<semaphore_mem>>
      %dma_start3A_1324 = tpu.memref_squeeze %dma_start3A_1323 : memref<1x!tpu.dma_semaphore, #tpu.memory_space<semaphore_mem>> -> memref<!tpu.dma_semaphore, #tpu.memory_space<semaphore_mem>>
      %dma_start3A_1325 = arith.constant 0 : i32
      %dma_start3A_1326 = arith.constant 0 : i32
      %dma_start3A_1327 = tpu.memref_slice %arg6[%select_n3A_1243, %dma_start3A_1313, %sub3A_1246, %dma_start3A_1325, %dma_start3A_1326] : memref<50x4x128x8x128xf32, #tpu.memory_space<hbm>> -> memref<1x1x1x8x128xf32, #tpu.memory_space<hbm>>
      %dma_start3A_1328 = tpu.memref_squeeze %dma_start3A_1327 : memref<1x1x1x8x128xf32, #tpu.memory_space<hbm>> -> memref<8x128xf32, #tpu.memory_space<hbm>>
      %dma_start3A_1329 = arith.constant 0 : i32
      %dma_start3A_1330 = arith.constant 0 : i32
      %dma_start3A_1331 = tpu.memref_slice %arg10[%dma_start3A_1311, %dma_start3A_1312, %dma_start3A_1329, %dma_start3A_1330] : memref<8x4x8x128xf32, #tpu.memory_space<vmem>> -> memref<1x1x8x128xf32, #tpu.memory_space<vmem>>
      %dma_start3A_1332 = tpu.memref_squeeze %dma_start3A_1331 : memref<1x1x8x128xf32, #tpu.memory_space<vmem>> -> memref<8x128xf32, #tpu.memory_space<vmem>>
      tpu.enqueue_dma source(%dma_start3A_1332 : memref<8x128xf32, #tpu.memory_space<vmem>>) target(%dma_start3A_1328 : memref<8x128xf32, #tpu.memory_space<hbm>>) target_semaphore(%dma_start3A_1324 : memref<!tpu.dma_semaphore, #tpu.memory_space<semaphore_mem>>)
      %dma_start3A_1333 = arith.constant 6 : i32
      %dma_start3A_1334 = arith.constant 3 : i32
      %dma_start3A_1335 = arith.constant 3 : i32
      %dma_start3A_1336 = arith.constant 6 : i32
      %dma_start3A_1337 = arith.constant 0 : i32
      %dma_start3A_1338 = arith.constant 0 : i32
      %dma_start3A_1339 = tpu.memref_slice %arg10[%dma_start3A_1333, %dma_start3A_1334, %dma_start3A_1337, %dma_start3A_1338] : memref<8x4x8x128xf32, #tpu.memory_space<vmem>> -> memref<1x1x8x128xf32, #tpu.memory_space<vmem>>
      %dma_start3A_1340 = tpu.memref_squeeze %dma_start3A_1339 : memref<1x1x8x128xf32, #tpu.memory_space<vmem>> -> memref<8x128xf32, #tpu.memory_space<vmem>>
      %dma_start3A_1341 = arith.constant 0 : i32
      %dma_start3A_1342 = arith.constant 0 : i32
      %dma_start3A_1343 = tpu.memref_slice %arg6[%select_n3A_1243, %dma_start3A_1335, %sub3A_1246, %dma_start3A_1341, %dma_start3A_1342] : memref<50x4x128x8x128xf32, #tpu.memory_space<hbm>> -> memref<1x1x1x8x128xf32, #tpu.memory_space<hbm>>
      %dma_start3A_1344 = tpu.memref_squeeze %dma_start3A_1343 : memref<1x1x1x8x128xf32, #tpu.memory_space<hbm>> -> memref<8x128xf32, #tpu.memory_space<hbm>>
      %dma_start3A_1345 = tpu.memref_slice %arg11[%dma_start3A_1336] : memref<8x!tpu.dma_semaphore, #tpu.memory_space<semaphore_mem>> -> memref<1x!tpu.dma_semaphore, #tpu.memory_space<semaphore_mem>>
      %dma_start3A_1346 = tpu.memref_squeeze %dma_start3A_1345 : memref<1x!tpu.dma_semaphore, #tpu.memory_space<semaphore_mem>> -> memref<!tpu.dma_semaphore, #tpu.memory_space<semaphore_mem>>
      %dma_start3A_1347 = arith.constant 0 : i32
      %dma_start3A_1348 = arith.constant 0 : i32
      %dma_start3A_1349 = tpu.memref_slice %arg6[%select_n3A_1243, %dma_start3A_1335, %sub3A_1246, %dma_start3A_1347, %dma_start3A_1348] : memref<50x4x128x8x128xf32, #tpu.memory_space<hbm>> -> memref<1x1x1x8x128xf32, #tpu.memory_space<hbm>>
      %dma_start3A_1350 = tpu.memref_squeeze %dma_start3A_1349 : memref<1x1x1x8x128xf32, #tpu.memory_space<hbm>> -> memref<8x128xf32, #tpu.memory_space<hbm>>
      %dma_start3A_1351 = arith.constant 0 : i32
      %dma_start3A_1352 = arith.constant 0 : i32
      %dma_start3A_1353 = tpu.memref_slice %arg10[%dma_start3A_1333, %dma_start3A_1334, %dma_start3A_1351, %dma_start3A_1352] : memref<8x4x8x128xf32, #tpu.memory_space<vmem>> -> memref<1x1x8x128xf32, #tpu.memory_space<vmem>>
      %dma_start3A_1354 = tpu.memref_squeeze %dma_start3A_1353 : memref<1x1x8x128xf32, #tpu.memory_space<vmem>> -> memref<8x128xf32, #tpu.memory_space<vmem>>
      tpu.enqueue_dma source(%dma_start3A_1354 : memref<8x128xf32, #tpu.memory_space<vmem>>) target(%dma_start3A_1350 : memref<8x128xf32, #tpu.memory_space<hbm>>) target_semaphore(%dma_start3A_1346 : memref<!tpu.dma_semaphore, #tpu.memory_space<semaphore_mem>>)
      %mul3A_1355 = arith.constant 8 : i32
      %mul3A_1356 = arith.muli %scan3A_127, %mul3A_1355 : i32
      %add3A_1357 = arith.constant 7 : i32
      %add3A_1358 = arith.addi %mul3A_1356, %add3A_1357 : i32
      %add3A_1359 = arith.addi %mul3A_2, %add3A_1358 : i32
      %jit3A_1360 = arith.constant 128 : i32
      %div3A_1361 = arith.divsi %add3A_1359, %jit3A_1360 : i32
      %sign3A_1362 = arith.constant 0 : i32
      %sign3A_1363 = arith.cmpi sgt, %add3A_1359, %sign3A_1362 : i32
      %sign3A_1364 = arith.extui %sign3A_1363 : i1 to i32
      %sign3A_1365 = arith.constant 0 : i32
      %sign3A_1366 = arith.cmpi slt, %add3A_1359, %sign3A_1365 : i32
      %sign3A_1367 = arith.extui %sign3A_1366 : i1 to i32
      %sign3A_1368 = arith.subi %sign3A_1364, %sign3A_1367 : i32
      %sign3A_1369 = arith.constant 0 : i32
      %sign3A_1370 = arith.cmpi sgt, %jit3A_1360, %sign3A_1369 : i32
      %sign3A_1371 = arith.extui %sign3A_1370 : i1 to i32
      %sign3A_1372 = arith.constant 0 : i32
      %sign3A_1373 = arith.cmpi slt, %jit3A_1360, %sign3A_1372 : i32
      %sign3A_1374 = arith.extui %sign3A_1373 : i1 to i32
      %sign3A_1375 = arith.subi %sign3A_1371, %sign3A_1374 : i32
      %ne3A_1376 = arith.cmpi ne, %sign3A_1368, %sign3A_1375 : i32
      %rem3A_1377 = arith.remsi %add3A_1359, %jit3A_1360 : i32
      %ne3A_1378 = arith.constant 0 : i32
      %ne3A_1379 = arith.cmpi ne, %rem3A_1377, %ne3A_1378 : i32
      %and3A_1380 = arith.andi %ne3A_1376, %ne3A_1379 : i1
      %sub3A_1381 = arith.constant 1 : i32
      %sub3A_1382 = arith.subi %div3A_1361, %sub3A_1381 : i32
      %select_n3A_1383 = arith.select %and3A_1380, %sub3A_1382, %div3A_1361 : i32
      %mul3A_1384 = arith.constant 128 : i32
      %mul3A_1385 = arith.muli %select_n3A_1383, %mul3A_1384 : i32
      %sub3A_1386 = arith.subi %add3A_1359, %mul3A_1385 : i32
      %dma_wait3A_1387 = arith.constant 7 : i32
      %dma_wait3A_1388 = arith.constant 7 : i32
      %dma_wait3A_1389 = arith.constant 0 : i32
      %dma_wait3A_1390 = arith.constant 0 : i32
      %dma_wait3A_1391 = tpu.memref_slice %arg9[%dma_wait3A_1387, %dma_wait3A_1389, %dma_wait3A_1390] : memref<8x128x32xf32, #tpu.memory_space<vmem>> -> memref<1x128x32xf32, #tpu.memory_space<vmem>>
      %dma_wait3A_1392 = tpu.memref_squeeze %dma_wait3A_1391 : memref<1x128x32xf32, #tpu.memory_space<vmem>> -> memref<128x32xf32, #tpu.memory_space<vmem>>
      %dma_wait3A_1393 = arith.constant 0 : i32
      %dma_wait3A_1394 = tpu.memref_slice %arg8[%add3A_1358, %dma_wait3A_1393] : memref<200x128xi32, #tpu.memory_space<vmem>> -> memref<1x128xi32, #tpu.memory_space<vmem>>
      %dma_wait3A_1395 = tpu.memref_squeeze %dma_wait3A_1394 : memref<1x128xi32, #tpu.memory_space<vmem>> -> memref<128xi32, #tpu.memory_space<vmem>>
      %dma_wait3A_1396 = arith.constant 0 : i32
      %dma_wait3A_1397 = arith.constant 0 : i32
      %dma_wait3A_1398 = tpu.memref_slice %arg5[%dma_wait3A_1396, %dma_wait3A_1397] : memref<1000000x32xf32, #tpu.memory_space<hbm>> -> memref<1000000x32xf32, #tpu.memory_space<hbm>>
      %dma_wait3A_1399 = tpu.memref_slice %arg11[%dma_wait3A_1388] : memref<8x!tpu.dma_semaphore, #tpu.memory_space<semaphore_mem>> -> memref<1x!tpu.dma_semaphore, #tpu.memory_space<semaphore_mem>>
      %dma_wait3A_1400 = tpu.memref_squeeze %dma_wait3A_1399 : memref<1x!tpu.dma_semaphore, #tpu.memory_space<semaphore_mem>> -> memref<!tpu.dma_semaphore, #tpu.memory_space<semaphore_mem>>
      tpu.wait_indirect_dma semaphore(%dma_wait3A_1400 : memref<!tpu.dma_semaphore, #tpu.memory_space<semaphore_mem>>) src(%dma_wait3A_1398 : memref<1000000x32xf32, #tpu.memory_space<hbm>>) dst(%dma_wait3A_1392 : memref<128x32xf32, #tpu.memory_space<vmem>>)
      %scan3A_1401 = arith.constant 0 : i32
      %scan3A_1402 = arith.constant 0 : i32
      %scan3A_1403 = arith.constant 32 : i32
      %scan3A_1404 = arith.addi %scan3A_1402, %scan3A_1403 : i32
      %scan3A_1405 = arith.constant 1 : i32
      scf.for %scan3A_2508 = %scan3A_1402 to %scan3A_1404 step %scan3A_1405  : i32 {
        %jit3A_2509 = arith.constant 8 : i32
        %div3A_2510 = arith.divsi %scan3A_2508, %jit3A_2509 : i32
        %sign3A_2511 = arith.constant 0 : i32
        %sign3A_2512 = arith.cmpi sgt, %scan3A_2508, %sign3A_2511 : i32
        %sign3A_2513 = arith.extui %sign3A_2512 : i1 to i32
        %sign3A_2514 = arith.constant 0 : i32
        %sign3A_2515 = arith.cmpi slt, %scan3A_2508, %sign3A_2514 : i32
        %sign3A_2516 = arith.extui %sign3A_2515 : i1 to i32
        %sign3A_2517 = arith.subi %sign3A_2513, %sign3A_2516 : i32
        %sign3A_2518 = arith.constant 0 : i32
        %sign3A_2519 = arith.cmpi sgt, %jit3A_2509, %sign3A_2518 : i32
        %sign3A_2520 = arith.extui %sign3A_2519 : i1 to i32
        %sign3A_2521 = arith.constant 0 : i32
        %sign3A_2522 = arith.cmpi slt, %jit3A_2509, %sign3A_2521 : i32
        %sign3A_2523 = arith.extui %sign3A_2522 : i1 to i32
        %sign3A_2524 = arith.subi %sign3A_2520, %sign3A_2523 : i32
        %ne3A_2525 = arith.cmpi ne, %sign3A_2517, %sign3A_2524 : i32
        %rem3A_2526 = arith.remsi %scan3A_2508, %jit3A_2509 : i32
        %ne3A_2527 = arith.constant 0 : i32
        %ne3A_2528 = arith.cmpi ne, %rem3A_2526, %ne3A_2527 : i32
        %and3A_2529 = arith.andi %ne3A_2525, %ne3A_2528 : i1
        %sub3A_2530 = arith.constant 1 : i32
        %sub3A_2531 = arith.subi %div3A_2510, %sub3A_2530 : i32
        %select_n3A_2532 = arith.select %and3A_2529, %sub3A_2531, %div3A_2510 : i32
        %mul3A_2533 = arith.constant 8 : i32
        %mul3A_2534 = arith.muli %select_n3A_2532, %mul3A_2533 : i32
        %sub3A_2535 = arith.subi %scan3A_2508, %mul3A_2534 : i32
        %add3A_2536 = arith.constant 0 : i32
        %add3A_2537 = vector.broadcast %add3A_2536 : i32 to vector<16xi32>
        %add3A_2538 = arith.addi %iota3A, %add3A_2537 : vector<16xi32>
        %broadcast_in_dim3A = arith.constant 0 : i32
        %broadcast_in_dim3A_2539 = vector.broadcast %broadcast_in_dim3A : i32 to vector<16xi32>
        %add3A_2540 = vector.broadcast %scan3A_2508 : i32 to vector<16xi32>
        %add3A_2541 = arith.addi %broadcast_in_dim3A_2539, %add3A_2540 : vector<16xi32>
        %gather3A = arith.constant 7 : i32
        %gather3A_2542 = arith.constant 0 : i32
        %gather3A_2543 = arith.constant 0 : i32
        %gather3A_2544 = tpu.memref_slice %arg9[%gather3A, %gather3A_2542, %gather3A_2543] : memref<8x128x32xf32, #tpu.memory_space<vmem>> -> memref<1x128x32xf32, #tpu.memory_space<vmem>>
        %gather3A_2545 = tpu.memref_squeeze %gather3A_2544 : memref<1x128x32xf32, #tpu.memory_space<vmem>> -> memref<128x32xf32, #tpu.memory_space<vmem>>
        %gather3A_2546 = tpu.vector_load_idx %gather3A_2545[%add3A_2538, %add3A_2541] : memref<128x32xf32, #tpu.memory_space<vmem>>[vector<16xi32>, vector<16xi32>], vector<16xf32>,
        %swap3A = arith.constant 7 : i32
        %swap3A_2547 = arith.index_cast %swap3A : i32 to index
        %swap3A_2548 = arith.index_cast %select_n3A_2532 : i32 to index
        %swap3A_2549 = arith.index_cast %sub3A_2535 : i32 to index
        %swap3A_2550 = arith.constant 0 : index
        %swap3A_2551 = tpu.vector_load %arg10[%swap3A_2547, %swap3A_2548, %swap3A_2549, %swap3A_2550] {strides = array<i32>} : memref<8x4x8x128xf32, #tpu.memory_space<vmem>>, vector<16xf32>,
        tpu.vector_store %arg10[%swap3A_2547, %swap3A_2548, %swap3A_2549, %swap3A_2550], %gather3A_2546 {strides = array<i32>} : memref<8x4x8x128xf32, #tpu.memory_space<vmem>>, vector<16xf32>,
        %add3A_2552 = arith.constant 16 : i32
        %add3A_2553 = vector.broadcast %add3A_2552 : i32 to vector<16xi32>
        %add3A_2554 = arith.addi %iota3A, %add3A_2553 : vector<16xi32>
        %broadcast_in_dim3A_2555 = arith.constant 0 : i32
        %broadcast_in_dim3A_2556 = vector.broadcast %broadcast_in_dim3A_2555 : i32 to vector<16xi32>
        %add3A_2557 = vector.broadcast %scan3A_2508 : i32 to vector<16xi32>
        %add3A_2558 = arith.addi %broadcast_in_dim3A_2556, %add3A_2557 : vector<16xi32>
        %gather3A_2559 = arith.constant 7 : i32
        %gather3A_2560 = arith.constant 0 : i32
        %gather3A_2561 = arith.constant 0 : i32
        %gather3A_2562 = tpu.memref_slice %arg9[%gather3A_2559, %gather3A_2560, %gather3A_2561] : memref<8x128x32xf32, #tpu.memory_space<vmem>> -> memref<1x128x32xf32, #tpu.memory_space<vmem>>
        %gather3A_2563 = tpu.memref_squeeze %gather3A_2562 : memref<1x128x32xf32, #tpu.memory_space<vmem>> -> memref<128x32xf32, #tpu.memory_space<vmem>>
        %gather3A_2564 = tpu.vector_load_idx %gather3A_2563[%add3A_2554, %add3A_2558] : memref<128x32xf32, #tpu.memory_space<vmem>>[vector<16xi32>, vector<16xi32>], vector<16xf32>,
        %swap3A_2565 = arith.constant 7 : i32
        %swap3A_2566 = arith.index_cast %swap3A_2565 : i32 to index
        %swap3A_2567 = arith.index_cast %select_n3A_2532 : i32 to index
        %swap3A_2568 = arith.index_cast %sub3A_2535 : i32 to index
        %swap3A_2569 = arith.constant 16 : index
        %swap3A_2570 = tpu.vector_load %arg10[%swap3A_2566, %swap3A_2567, %swap3A_2568, %swap3A_2569] {strides = array<i32>} : memref<8x4x8x128xf32, #tpu.memory_space<vmem>>, vector<16xf32>,
        tpu.vector_store %arg10[%swap3A_2566, %swap3A_2567, %swap3A_2568, %swap3A_2569], %gather3A_2564 {strides = array<i32>} : memref<8x4x8x128xf32, #tpu.memory_space<vmem>>, vector<16xf32>,
        %add3A_2571 = arith.constant 32 : i32
        %add3A_2572 = vector.broadcast %add3A_2571 : i32 to vector<16xi32>
        %add3A_2573 = arith.addi %iota3A, %add3A_2572 : vector<16xi32>
        %broadcast_in_dim3A_2574 = arith.constant 0 : i32
        %broadcast_in_dim3A_2575 = vector.broadcast %broadcast_in_dim3A_2574 : i32 to vector<16xi32>
        %add3A_2576 = vector.broadcast %scan3A_2508 : i32 to vector<16xi32>
        %add3A_2577 = arith.addi %broadcast_in_dim3A_2575, %add3A_2576 : vector<16xi32>
        %gather3A_2578 = arith.constant 7 : i32
        %gather3A_2579 = arith.constant 0 : i32
        %gather3A_2580 = arith.constant 0 : i32
        %gather3A_2581 = tpu.memref_slice %arg9[%gather3A_2578, %gather3A_2579, %gather3A_2580] : memref<8x128x32xf32, #tpu.memory_space<vmem>> -> memref<1x128x32xf32, #tpu.memory_space<vmem>>
        %gather3A_2582 = tpu.memref_squeeze %gather3A_2581 : memref<1x128x32xf32, #tpu.memory_space<vmem>> -> memref<128x32xf32, #tpu.memory_space<vmem>>
        %gather3A_2583 = tpu.vector_load_idx %gather3A_2582[%add3A_2573, %add3A_2577] : memref<128x32xf32, #tpu.memory_space<vmem>>[vector<16xi32>, vector<16xi32>], vector<16xf32>,
        %swap3A_2584 = arith.constant 7 : i32
        %swap3A_2585 = arith.index_cast %swap3A_2584 : i32 to index
        %swap3A_2586 = arith.index_cast %select_n3A_2532 : i32 to index
        %swap3A_2587 = arith.index_cast %sub3A_2535 : i32 to index
        %swap3A_2588 = arith.constant 32 : index
        %swap3A_2589 = tpu.vector_load %arg10[%swap3A_2585, %swap3A_2586, %swap3A_2587, %swap3A_2588] {strides = array<i32>} : memref<8x4x8x128xf32, #tpu.memory_space<vmem>>, vector<16xf32>,
        tpu.vector_store %arg10[%swap3A_2585, %swap3A_2586, %swap3A_2587, %swap3A_2588], %gather3A_2583 {strides = array<i32>} : memref<8x4x8x128xf32, #tpu.memory_space<vmem>>, vector<16xf32>,
        %add3A_2590 = arith.constant 48 : i32
        %add3A_2591 = vector.broadcast %add3A_2590 : i32 to vector<16xi32>
        %add3A_2592 = arith.addi %iota3A, %add3A_2591 : vector<16xi32>
        %broadcast_in_dim3A_2593 = arith.constant 0 : i32
        %broadcast_in_dim3A_2594 = vector.broadcast %broadcast_in_dim3A_2593 : i32 to vector<16xi32>
        %add3A_2595 = vector.broadcast %scan3A_2508 : i32 to vector<16xi32>
        %add3A_2596 = arith.addi %broadcast_in_dim3A_2594, %add3A_2595 : vector<16xi32>
        %gather3A_2597 = arith.constant 7 : i32
        %gather3A_2598 = arith.constant 0 : i32
        %gather3A_2599 = arith.constant 0 : i32
        %gather3A_2600 = tpu.memref_slice %arg9[%gather3A_2597, %gather3A_2598, %gather3A_2599] : memref<8x128x32xf32, #tpu.memory_space<vmem>> -> memref<1x128x32xf32, #tpu.memory_space<vmem>>
        %gather3A_2601 = tpu.memref_squeeze %gather3A_2600 : memref<1x128x32xf32, #tpu.memory_space<vmem>> -> memref<128x32xf32, #tpu.memory_space<vmem>>
        %gather3A_2602 = tpu.vector_load_idx %gather3A_2601[%add3A_2592, %add3A_2596] : memref<128x32xf32, #tpu.memory_space<vmem>>[vector<16xi32>, vector<16xi32>], vector<16xf32>,
        %swap3A_2603 = arith.constant 7 : i32
        %swap3A_2604 = arith.index_cast %swap3A_2603 : i32 to index
        %swap3A_2605 = arith.index_cast %select_n3A_2532 : i32 to index
        %swap3A_2606 = arith.index_cast %sub3A_2535 : i32 to index
        %swap3A_2607 = arith.constant 48 : index
        %swap3A_2608 = tpu.vector_load %arg10[%swap3A_2604, %swap3A_2605, %swap3A_2606, %swap3A_2607] {strides = array<i32>} : memref<8x4x8x128xf32, #tpu.memory_space<vmem>>, vector<16xf32>,
        tpu.vector_store %arg10[%swap3A_2604, %swap3A_2605, %swap3A_2606, %swap3A_2607], %gather3A_2602 {strides = array<i32>} : memref<8x4x8x128xf32, #tpu.memory_space<vmem>>, vector<16xf32>,
        %add3A_2609 = arith.constant 64 : i32
        %add3A_2610 = vector.broadcast %add3A_2609 : i32 to vector<16xi32>
        %add3A_2611 = arith.addi %iota3A, %add3A_2610 : vector<16xi32>
        %broadcast_in_dim3A_2612 = arith.constant 0 : i32
        %broadcast_in_dim3A_2613 = vector.broadcast %broadcast_in_dim3A_2612 : i32 to vector<16xi32>
        %add3A_2614 = vector.broadcast %scan3A_2508 : i32 to vector<16xi32>
        %add3A_2615 = arith.addi %broadcast_in_dim3A_2613, %add3A_2614 : vector<16xi32>
        %gather3A_2616 = arith.constant 7 : i32
        %gather3A_2617 = arith.constant 0 : i32
        %gather3A_2618 = arith.constant 0 : i32
        %gather3A_2619 = tpu.memref_slice %arg9[%gather3A_2616, %gather3A_2617, %gather3A_2618] : memref<8x128x32xf32, #tpu.memory_space<vmem>> -> memref<1x128x32xf32, #tpu.memory_space<vmem>>
        %gather3A_2620 = tpu.memref_squeeze %gather3A_2619 : memref<1x128x32xf32, #tpu.memory_space<vmem>> -> memref<128x32xf32, #tpu.memory_space<vmem>>
        %gather3A_2621 = tpu.vector_load_idx %gather3A_2620[%add3A_2611, %add3A_2615] : memref<128x32xf32, #tpu.memory_space<vmem>>[vector<16xi32>, vector<16xi32>], vector<16xf32>,
        %swap3A_2622 = arith.constant 7 : i32
        %swap3A_2623 = arith.index_cast %swap3A_2622 : i32 to index
        %swap3A_2624 = arith.index_cast %select_n3A_2532 : i32 to index
        %swap3A_2625 = arith.index_cast %sub3A_2535 : i32 to index
        %swap3A_2626 = arith.constant 64 : index
        %swap3A_2627 = tpu.vector_load %arg10[%swap3A_2623, %swap3A_2624, %swap3A_2625, %swap3A_2626] {strides = array<i32>} : memref<8x4x8x128xf32, #tpu.memory_space<vmem>>, vector<16xf32>,
        tpu.vector_store %arg10[%swap3A_2623, %swap3A_2624, %swap3A_2625, %swap3A_2626], %gather3A_2621 {strides = array<i32>} : memref<8x4x8x128xf32, #tpu.memory_space<vmem>>, vector<16xf32>,
        %add3A_2628 = arith.constant 80 : i32
        %add3A_2629 = vector.broadcast %add3A_2628 : i32 to vector<16xi32>
        %add3A_2630 = arith.addi %iota3A, %add3A_2629 : vector<16xi32>
        %broadcast_in_dim3A_2631 = arith.constant 0 : i32
        %broadcast_in_dim3A_2632 = vector.broadcast %broadcast_in_dim3A_2631 : i32 to vector<16xi32>
        %add3A_2633 = vector.broadcast %scan3A_2508 : i32 to vector<16xi32>
        %add3A_2634 = arith.addi %broadcast_in_dim3A_2632, %add3A_2633 : vector<16xi32>
        %gather3A_2635 = arith.constant 7 : i32
        %gather3A_2636 = arith.constant 0 : i32
        %gather3A_2637 = arith.constant 0 : i32
        %gather3A_2638 = tpu.memref_slice %arg9[%gather3A_2635, %gather3A_2636, %gather3A_2637] : memref<8x128x32xf32, #tpu.memory_space<vmem>> -> memref<1x128x32xf32, #tpu.memory_space<vmem>>
        %gather3A_2639 = tpu.memref_squeeze %gather3A_2638 : memref<1x128x32xf32, #tpu.memory_space<vmem>> -> memref<128x32xf32, #tpu.memory_space<vmem>>
        %gather3A_2640 = tpu.vector_load_idx %gather3A_2639[%add3A_2630, %add3A_2634] : memref<128x32xf32, #tpu.memory_space<vmem>>[vector<16xi32>, vector<16xi32>], vector<16xf32>,
        %swap3A_2641 = arith.constant 7 : i32
        %swap3A_2642 = arith.index_cast %swap3A_2641 : i32 to index
        %swap3A_2643 = arith.index_cast %select_n3A_2532 : i32 to index
        %swap3A_2644 = arith.index_cast %sub3A_2535 : i32 to index
        %swap3A_2645 = arith.constant 80 : index
        %swap3A_2646 = tpu.vector_load %arg10[%swap3A_2642, %swap3A_2643, %swap3A_2644, %swap3A_2645] {strides = array<i32>} : memref<8x4x8x128xf32, #tpu.memory_space<vmem>>, vector<16xf32>,
        tpu.vector_store %arg10[%swap3A_2642, %swap3A_2643, %swap3A_2644, %swap3A_2645], %gather3A_2640 {strides = array<i32>} : memref<8x4x8x128xf32, #tpu.memory_space<vmem>>, vector<16xf32>,
        %add3A_2647 = arith.constant 96 : i32
        %add3A_2648 = vector.broadcast %add3A_2647 : i32 to vector<16xi32>
        %add3A_2649 = arith.addi %iota3A, %add3A_2648 : vector<16xi32>
        %broadcast_in_dim3A_2650 = arith.constant 0 : i32
        %broadcast_in_dim3A_2651 = vector.broadcast %broadcast_in_dim3A_2650 : i32 to vector<16xi32>
        %add3A_2652 = vector.broadcast %scan3A_2508 : i32 to vector<16xi32>
        %add3A_2653 = arith.addi %broadcast_in_dim3A_2651, %add3A_2652 : vector<16xi32>
        %gather3A_2654 = arith.constant 7 : i32
        %gather3A_2655 = arith.constant 0 : i32
        %gather3A_2656 = arith.constant 0 : i32
        %gather3A_2657 = tpu.memref_slice %arg9[%gather3A_2654, %gather3A_2655, %gather3A_2656] : memref<8x128x32xf32, #tpu.memory_space<vmem>> -> memref<1x128x32xf32, #tpu.memory_space<vmem>>
        %gather3A_2658 = tpu.memref_squeeze %gather3A_2657 : memref<1x128x32xf32, #tpu.memory_space<vmem>> -> memref<128x32xf32, #tpu.memory_space<vmem>>
        %gather3A_2659 = tpu.vector_load_idx %gather3A_2658[%add3A_2649, %add3A_2653] : memref<128x32xf32, #tpu.memory_space<vmem>>[vector<16xi32>, vector<16xi32>], vector<16xf32>,
        %swap3A_2660 = arith.constant 7 : i32
        %swap3A_2661 = arith.index_cast %swap3A_2660 : i32 to index
        %swap3A_2662 = arith.index_cast %select_n3A_2532 : i32 to index
        %swap3A_2663 = arith.index_cast %sub3A_2535 : i32 to index
        %swap3A_2664 = arith.constant 96 : index
        %swap3A_2665 = tpu.vector_load %arg10[%swap3A_2661, %swap3A_2662, %swap3A_2663, %swap3A_2664] {strides = array<i32>} : memref<8x4x8x128xf32, #tpu.memory_space<vmem>>, vector<16xf32>,
        tpu.vector_store %arg10[%swap3A_2661, %swap3A_2662, %swap3A_2663, %swap3A_2664], %gather3A_2659 {strides = array<i32>} : memref<8x4x8x128xf32, #tpu.memory_space<vmem>>, vector<16xf32>,
        %add3A_2666 = arith.constant 112 : i32
        %add3A_2667 = vector.broadcast %add3A_2666 : i32 to vector<16xi32>
        %add3A_2668 = arith.addi %iota3A, %add3A_2667 : vector<16xi32>
        %broadcast_in_dim3A_2669 = arith.constant 0 : i32
        %broadcast_in_dim3A_2670 = vector.broadcast %broadcast_in_dim3A_2669 : i32 to vector<16xi32>
        %add3A_2671 = vector.broadcast %scan3A_2508 : i32 to vector<16xi32>
        %add3A_2672 = arith.addi %broadcast_in_dim3A_2670, %add3A_2671 : vector<16xi32>
        %gather3A_2673 = arith.constant 7 : i32
        %gather3A_2674 = arith.constant 0 : i32
        %gather3A_2675 = arith.constant 0 : i32
        %gather3A_2676 = tpu.memref_slice %arg9[%gather3A_2673, %gather3A_2674, %gather3A_2675] : memref<8x128x32xf32, #tpu.memory_space<vmem>> -> memref<1x128x32xf32, #tpu.memory_space<vmem>>
        %gather3A_2677 = tpu.memref_squeeze %gather3A_2676 : memref<1x128x32xf32, #tpu.memory_space<vmem>> -> memref<128x32xf32, #tpu.memory_space<vmem>>
        %gather3A_2678 = tpu.vector_load_idx %gather3A_2677[%add3A_2668, %add3A_2672] : memref<128x32xf32, #tpu.memory_space<vmem>>[vector<16xi32>, vector<16xi32>], vector<16xf32>,
        %swap3A_2679 = arith.constant 7 : i32
        %swap3A_2680 = arith.index_cast %swap3A_2679 : i32 to index
        %swap3A_2681 = arith.index_cast %select_n3A_2532 : i32 to index
        %swap3A_2682 = arith.index_cast %sub3A_2535 : i32 to index
        %swap3A_2683 = arith.constant 112 : index
        %swap3A_2684 = tpu.vector_load %arg10[%swap3A_2680, %swap3A_2681, %swap3A_2682, %swap3A_2683] {strides = array<i32>} : memref<8x4x8x128xf32, #tpu.memory_space<vmem>>, vector<16xf32>,
        tpu.vector_store %arg10[%swap3A_2680, %swap3A_2681, %swap3A_2682, %swap3A_2683], %gather3A_2678 {strides = array<i32>} : memref<8x4x8x128xf32, #tpu.memory_space<vmem>>, vector<16xf32>,
      }
      %scan3A_1406 = arith.constant 32 : i32
      %dma_start3A_1407 = arith.constant 7 : i32
      %dma_start3A_1408 = arith.constant 0 : i32
      %dma_start3A_1409 = arith.constant 0 : i32
      %dma_start3A_1410 = arith.constant 7 : i32
      %dma_start3A_1411 = arith.constant 0 : i32
      %dma_start3A_1412 = arith.constant 0 : i32
      %dma_start3A_1413 = tpu.memref_slice %arg10[%dma_start3A_1407, %dma_start3A_1408, %dma_start3A_1411, %dma_start3A_1412] : memref<8x4x8x128xf32, #tpu.memory_space<vmem>> -> memref<1x1x8x128xf32, #tpu.memory_space<vmem>>
      %dma_start3A_1414 = tpu.memref_squeeze %dma_start3A_1413 : memref<1x1x8x128xf32, #tpu.memory_space<vmem>> -> memref<8x128xf32, #tpu.memory_space<vmem>>
      %dma_start3A_1415 = arith.constant 0 : i32
      %dma_start3A_1416 = arith.constant 0 : i32
      %dma_start3A_1417 = tpu.memref_slice %arg6[%select_n3A_1383, %dma_start3A_1409, %sub3A_1386, %dma_start3A_1415, %dma_start3A_1416] : memref<50x4x128x8x128xf32, #tpu.memory_space<hbm>> -> memref<1x1x1x8x128xf32, #tpu.memory_space<hbm>>
      %dma_start3A_1418 = tpu.memref_squeeze %dma_start3A_1417 : memref<1x1x1x8x128xf32, #tpu.memory_space<hbm>> -> memref<8x128xf32, #tpu.memory_space<hbm>>
      %dma_start3A_1419 = tpu.memref_slice %arg11[%dma_start3A_1410] : memref<8x!tpu.dma_semaphore, #tpu.memory_space<semaphore_mem>> -> memref<1x!tpu.dma_semaphore, #tpu.memory_space<semaphore_mem>>
      %dma_start3A_1420 = tpu.memref_squeeze %dma_start3A_1419 : memref<1x!tpu.dma_semaphore, #tpu.memory_space<semaphore_mem>> -> memref<!tpu.dma_semaphore, #tpu.memory_space<semaphore_mem>>
      %dma_start3A_1421 = arith.constant 0 : i32
      %dma_start3A_1422 = arith.constant 0 : i32
      %dma_start3A_1423 = tpu.memref_slice %arg6[%select_n3A_1383, %dma_start3A_1409, %sub3A_1386, %dma_start3A_1421, %dma_start3A_1422] : memref<50x4x128x8x128xf32, #tpu.memory_space<hbm>> -> memref<1x1x1x8x128xf32, #tpu.memory_space<hbm>>
      %dma_start3A_1424 = tpu.memref_squeeze %dma_start3A_1423 : memref<1x1x1x8x128xf32, #tpu.memory_space<hbm>> -> memref<8x128xf32, #tpu.memory_space<hbm>>
      %dma_start3A_1425 = arith.constant 0 : i32
      %dma_start3A_1426 = arith.constant 0 : i32
      %dma_start3A_1427 = tpu.memref_slice %arg10[%dma_start3A_1407, %dma_start3A_1408, %dma_start3A_1425, %dma_start3A_1426] : memref<8x4x8x128xf32, #tpu.memory_space<vmem>> -> memref<1x1x8x128xf32, #tpu.memory_space<vmem>>
      %dma_start3A_1428 = tpu.memref_squeeze %dma_start3A_1427 : memref<1x1x8x128xf32, #tpu.memory_space<vmem>> -> memref<8x128xf32, #tpu.memory_space<vmem>>
      tpu.enqueue_dma source(%dma_start3A_1428 : memref<8x128xf32, #tpu.memory_space<vmem>>) target(%dma_start3A_1424 : memref<8x128xf32, #tpu.memory_space<hbm>>) target_semaphore(%dma_start3A_1420 : memref<!tpu.dma_semaphore, #tpu.memory_space<semaphore_mem>>)
      %dma_start3A_1429 = arith.constant 7 : i32
      %dma_start3A_1430 = arith.constant 1 : i32
      %dma_start3A_1431 = arith.constant 1 : i32
      %dma_start3A_1432 = arith.constant 7 : i32
      %dma_start3A_1433 = arith.constant 0 : i32
      %dma_start3A_1434 = arith.constant 0 : i32
      %dma_start3A_1435 = tpu.memref_slice %arg10[%dma_start3A_1429, %dma_start3A_1430, %dma_start3A_1433, %dma_start3A_1434] : memref<8x4x8x128xf32, #tpu.memory_space<vmem>> -> memref<1x1x8x128xf32, #tpu.memory_space<vmem>>
      %dma_start3A_1436 = tpu.memref_squeeze %dma_start3A_1435 : memref<1x1x8x128xf32, #tpu.memory_space<vmem>> -> memref<8x128xf32, #tpu.memory_space<vmem>>
      %dma_start3A_1437 = arith.constant 0 : i32
      %dma_start3A_1438 = arith.constant 0 : i32
      %dma_start3A_1439 = tpu.memref_slice %arg6[%select_n3A_1383, %dma_start3A_1431, %sub3A_1386, %dma_start3A_1437, %dma_start3A_1438] : memref<50x4x128x8x128xf32, #tpu.memory_space<hbm>> -> memref<1x1x1x8x128xf32, #tpu.memory_space<hbm>>
      %dma_start3A_1440 = tpu.memref_squeeze %dma_start3A_1439 : memref<1x1x1x8x128xf32, #tpu.memory_space<hbm>> -> memref<8x128xf32, #tpu.memory_space<hbm>>
      %dma_start3A_1441 = tpu.memref_slice %arg11[%dma_start3A_1432] : memref<8x!tpu.dma_semaphore, #tpu.memory_space<semaphore_mem>> -> memref<1x!tpu.dma_semaphore, #tpu.memory_space<semaphore_mem>>
      %dma_start3A_1442 = tpu.memref_squeeze %dma_start3A_1441 : memref<1x!tpu.dma_semaphore, #tpu.memory_space<semaphore_mem>> -> memref<!tpu.dma_semaphore, #tpu.memory_space<semaphore_mem>>
      %dma_start3A_1443 = arith.constant 0 : i32
      %dma_start3A_1444 = arith.constant 0 : i32
      %dma_start3A_1445 = tpu.memref_slice %arg6[%select_n3A_1383, %dma_start3A_1431, %sub3A_1386, %dma_start3A_1443, %dma_start3A_1444] : memref<50x4x128x8x128xf32, #tpu.memory_space<hbm>> -> memref<1x1x1x8x128xf32, #tpu.memory_space<hbm>>
      %dma_start3A_1446 = tpu.memref_squeeze %dma_start3A_1445 : memref<1x1x1x8x128xf32, #tpu.memory_space<hbm>> -> memref<8x128xf32, #tpu.memory_space<hbm>>
      %dma_start3A_1447 = arith.constant 0 : i32
      %dma_start3A_1448 = arith.constant 0 : i32
      %dma_start3A_1449 = tpu.memref_slice %arg10[%dma_start3A_1429, %dma_start3A_1430, %dma_start3A_1447, %dma_start3A_1448] : memref<8x4x8x128xf32, #tpu.memory_space<vmem>> -> memref<1x1x8x128xf32, #tpu.memory_space<vmem>>
      %dma_start3A_1450 = tpu.memref_squeeze %dma_start3A_1449 : memref<1x1x8x128xf32, #tpu.memory_space<vmem>> -> memref<8x128xf32, #tpu.memory_space<vmem>>
      tpu.enqueue_dma source(%dma_start3A_1450 : memref<8x128xf32, #tpu.memory_space<vmem>>) target(%dma_start3A_1446 : memref<8x128xf32, #tpu.memory_space<hbm>>) target_semaphore(%dma_start3A_1442 : memref<!tpu.dma_semaphore, #tpu.memory_space<semaphore_mem>>)
      %dma_start3A_1451 = arith.constant 7 : i32
      %dma_start3A_1452 = arith.constant 2 : i32
      %dma_start3A_1453 = arith.constant 2 : i32
      %dma_start3A_1454 = arith.constant 7 : i32
      %dma_start3A_1455 = arith.constant 0 : i32
      %dma_start3A_1456 = arith.constant 0 : i32
      %dma_start3A_1457 = tpu.memref_slice %arg10[%dma_start3A_1451, %dma_start3A_1452, %dma_start3A_1455, %dma_start3A_1456] : memref<8x4x8x128xf32, #tpu.memory_space<vmem>> -> memref<1x1x8x128xf32, #tpu.memory_space<vmem>>
      %dma_start3A_1458 = tpu.memref_squeeze %dma_start3A_1457 : memref<1x1x8x128xf32, #tpu.memory_space<vmem>> -> memref<8x128xf32, #tpu.memory_space<vmem>>
      %dma_start3A_1459 = arith.constant 0 : i32
      %dma_start3A_1460 = arith.constant 0 : i32
      %dma_start3A_1461 = tpu.memref_slice %arg6[%select_n3A_1383, %dma_start3A_1453, %sub3A_1386, %dma_start3A_1459, %dma_start3A_1460] : memref<50x4x128x8x128xf32, #tpu.memory_space<hbm>> -> memref<1x1x1x8x128xf32, #tpu.memory_space<hbm>>
      %dma_start3A_1462 = tpu.memref_squeeze %dma_start3A_1461 : memref<1x1x1x8x128xf32, #tpu.memory_space<hbm>> -> memref<8x128xf32, #tpu.memory_space<hbm>>
      %dma_start3A_1463 = tpu.memref_slice %arg11[%dma_start3A_1454] : memref<8x!tpu.dma_semaphore, #tpu.memory_space<semaphore_mem>> -> memref<1x!tpu.dma_semaphore, #tpu.memory_space<semaphore_mem>>
      %dma_start3A_1464 = tpu.memref_squeeze %dma_start3A_1463 : memref<1x!tpu.dma_semaphore, #tpu.memory_space<semaphore_mem>> -> memref<!tpu.dma_semaphore, #tpu.memory_space<semaphore_mem>>
      %dma_start3A_1465 = arith.constant 0 : i32
      %dma_start3A_1466 = arith.constant 0 : i32
      %dma_start3A_1467 = tpu.memref_slice %arg6[%select_n3A_1383, %dma_start3A_1453, %sub3A_1386, %dma_start3A_1465, %dma_start3A_1466] : memref<50x4x128x8x128xf32, #tpu.memory_space<hbm>> -> memref<1x1x1x8x128xf32, #tpu.memory_space<hbm>>
      %dma_start3A_1468 = tpu.memref_squeeze %dma_start3A_1467 : memref<1x1x1x8x128xf32, #tpu.memory_space<hbm>> -> memref<8x128xf32, #tpu.memory_space<hbm>>
      %dma_start3A_1469 = arith.constant 0 : i32
      %dma_start3A_1470 = arith.constant 0 : i32
      %dma_start3A_1471 = tpu.memref_slice %arg10[%dma_start3A_1451, %dma_start3A_1452, %dma_start3A_1469, %dma_start3A_1470] : memref<8x4x8x128xf32, #tpu.memory_space<vmem>> -> memref<1x1x8x128xf32, #tpu.memory_space<vmem>>
      %dma_start3A_1472 = tpu.memref_squeeze %dma_start3A_1471 : memref<1x1x8x128xf32, #tpu.memory_space<vmem>> -> memref<8x128xf32, #tpu.memory_space<vmem>>
      tpu.enqueue_dma source(%dma_start3A_1472 : memref<8x128xf32, #tpu.memory_space<vmem>>) target(%dma_start3A_1468 : memref<8x128xf32, #tpu.memory_space<hbm>>) target_semaphore(%dma_start3A_1464 : memref<!tpu.dma_semaphore, #tpu.memory_space<semaphore_mem>>)
      %dma_start3A_1473 = arith.constant 7 : i32
      %dma_start3A_1474 = arith.constant 3 : i32
      %dma_start3A_1475 = arith.constant 3 : i32
      %dma_start3A_1476 = arith.constant 7 : i32
      %dma_start3A_1477 = arith.constant 0 : i32
      %dma_start3A_1478 = arith.constant 0 : i32
      %dma_start3A_1479 = tpu.memref_slice %arg10[%dma_start3A_1473, %dma_start3A_1474, %dma_start3A_1477, %dma_start3A_1478] : memref<8x4x8x128xf32, #tpu.memory_space<vmem>> -> memref<1x1x8x128xf32, #tpu.memory_space<vmem>>
      %dma_start3A_1480 = tpu.memref_squeeze %dma_start3A_1479 : memref<1x1x8x128xf32, #tpu.memory_space<vmem>> -> memref<8x128xf32, #tpu.memory_space<vmem>>
      %dma_start3A_1481 = arith.constant 0 : i32
      %dma_start3A_1482 = arith.constant 0 : i32
      %dma_start3A_1483 = tpu.memref_slice %arg6[%select_n3A_1383, %dma_start3A_1475, %sub3A_1386, %dma_start3A_1481, %dma_start3A_1482] : memref<50x4x128x8x128xf32, #tpu.memory_space<hbm>> -> memref<1x1x1x8x128xf32, #tpu.memory_space<hbm>>
      %dma_start3A_1484 = tpu.memref_squeeze %dma_start3A_1483 : memref<1x1x1x8x128xf32, #tpu.memory_space<hbm>> -> memref<8x128xf32, #tpu.memory_space<hbm>>
      %dma_start3A_1485 = tpu.memref_slice %arg11[%dma_start3A_1476] : memref<8x!tpu.dma_semaphore, #tpu.memory_space<semaphore_mem>> -> memref<1x!tpu.dma_semaphore, #tpu.memory_space<semaphore_mem>>
      %dma_start3A_1486 = tpu.memref_squeeze %dma_start3A_1485 : memref<1x!tpu.dma_semaphore, #tpu.memory_space<semaphore_mem>> -> memref<!tpu.dma_semaphore, #tpu.memory_space<semaphore_mem>>
      %dma_start3A_1487 = arith.constant 0 : i32
      %dma_start3A_1488 = arith.constant 0 : i32
      %dma_start3A_1489 = tpu.memref_slice %arg6[%select_n3A_1383, %dma_start3A_1475, %sub3A_1386, %dma_start3A_1487, %dma_start3A_1488] : memref<50x4x128x8x128xf32, #tpu.memory_space<hbm>> -> memref<1x1x1x8x128xf32, #tpu.memory_space<hbm>>
      %dma_start3A_1490 = tpu.memref_squeeze %dma_start3A_1489 : memref<1x1x1x8x128xf32, #tpu.memory_space<hbm>> -> memref<8x128xf32, #tpu.memory_space<hbm>>
      %dma_start3A_1491 = arith.constant 0 : i32
      %dma_start3A_1492 = arith.constant 0 : i32
      %dma_start3A_1493 = tpu.memref_slice %arg10[%dma_start3A_1473, %dma_start3A_1474, %dma_start3A_1491, %dma_start3A_1492] : memref<8x4x8x128xf32, #tpu.memory_space<vmem>> -> memref<1x1x8x128xf32, #tpu.memory_space<vmem>>
      %dma_start3A_1494 = tpu.memref_squeeze %dma_start3A_1493 : memref<1x1x8x128xf32, #tpu.memory_space<vmem>> -> memref<8x128xf32, #tpu.memory_space<vmem>>
      tpu.enqueue_dma source(%dma_start3A_1494 : memref<8x128xf32, #tpu.memory_space<vmem>>) target(%dma_start3A_1490 : memref<8x128xf32, #tpu.memory_space<hbm>>) target_semaphore(%dma_start3A_1486 : memref<!tpu.dma_semaphore, #tpu.memory_space<semaphore_mem>>)
      %mul3A_1495 = arith.constant 8 : i32
      %mul3A_1496 = arith.muli %scan3A_127, %mul3A_1495 : i32
      %add3A_1497 = arith.constant 0 : i32
      %add3A_1498 = arith.addi %mul3A_1496, %add3A_1497 : i32
      %add3A_1499 = arith.addi %mul3A_2, %add3A_1498 : i32
      %jit3A_1500 = arith.constant 128 : i32
      %div3A_1501 = arith.divsi %add3A_1499, %jit3A_1500 : i32
      %sign3A_1502 = arith.constant 0 : i32
      %sign3A_1503 = arith.cmpi sgt, %add3A_1499, %sign3A_1502 : i32
      %sign3A_1504 = arith.extui %sign3A_1503 : i1 to i32
      %sign3A_1505 = arith.constant 0 : i32
      %sign3A_1506 = arith.cmpi slt, %add3A_1499, %sign3A_1505 : i32
      %sign3A_1507 = arith.extui %sign3A_1506 : i1 to i32
      %sign3A_1508 = arith.subi %sign3A_1504, %sign3A_1507 : i32
      %sign3A_1509 = arith.constant 0 : i32
      %sign3A_1510 = arith.cmpi sgt, %jit3A_1500, %sign3A_1509 : i32
      %sign3A_1511 = arith.extui %sign3A_1510 : i1 to i32
      %sign3A_1512 = arith.constant 0 : i32
      %sign3A_1513 = arith.cmpi slt, %jit3A_1500, %sign3A_1512 : i32
      %sign3A_1514 = arith.extui %sign3A_1513 : i1 to i32
      %sign3A_1515 = arith.subi %sign3A_1511, %sign3A_1514 : i32
      %ne3A_1516 = arith.cmpi ne, %sign3A_1508, %sign3A_1515 : i32
      %rem3A_1517 = arith.remsi %add3A_1499, %jit3A_1500 : i32
      %ne3A_1518 = arith.constant 0 : i32
      %ne3A_1519 = arith.cmpi ne, %rem3A_1517, %ne3A_1518 : i32
      %and3A_1520 = arith.andi %ne3A_1516, %ne3A_1519 : i1
      %sub3A_1521 = arith.constant 1 : i32
      %sub3A_1522 = arith.subi %div3A_1501, %sub3A_1521 : i32
      %select_n3A_1523 = arith.select %and3A_1520, %sub3A_1522, %div3A_1501 : i32
      %mul3A_1524 = arith.constant 128 : i32
      %mul3A_1525 = arith.muli %select_n3A_1523, %mul3A_1524 : i32
      %sub3A_1526 = arith.subi %add3A_1499, %mul3A_1525 : i32
      %dma_wait3A_1527 = arith.constant 0 : i32
      %dma_wait3A_1528 = arith.constant 0 : i32
      %dma_wait3A_1529 = arith.constant 0 : i32
      %dma_wait3A_1530 = arith.constant 0 : i32
      %dma_wait3A_1531 = arith.constant 0 : i32
      %dma_wait3A_1532 = arith.constant 0 : i32
      %dma_wait3A_1533 = tpu.memref_slice %arg10[%dma_wait3A_1527, %dma_wait3A_1528, %dma_wait3A_1531, %dma_wait3A_1532] : memref<8x4x8x128xf32, #tpu.memory_space<vmem>> -> memref<1x1x8x128xf32, #tpu.memory_space<vmem>>
      %dma_wait3A_1534 = tpu.memref_squeeze %dma_wait3A_1533 : memref<1x1x8x128xf32, #tpu.memory_space<vmem>> -> memref<8x128xf32, #tpu.memory_space<vmem>>
      %dma_wait3A_1535 = arith.constant 0 : i32
      %dma_wait3A_1536 = arith.constant 0 : i32
      %dma_wait3A_1537 = tpu.memref_slice %arg6[%select_n3A_1523, %dma_wait3A_1529, %sub3A_1526, %dma_wait3A_1535, %dma_wait3A_1536] : memref<50x4x128x8x128xf32, #tpu.memory_space<hbm>> -> memref<1x1x1x8x128xf32, #tpu.memory_space<hbm>>
      %dma_wait3A_1538 = tpu.memref_squeeze %dma_wait3A_1537 : memref<1x1x1x8x128xf32, #tpu.memory_space<hbm>> -> memref<8x128xf32, #tpu.memory_space<hbm>>
      %dma_wait3A_1539 = tpu.memref_slice %arg11[%dma_wait3A_1530] : memref<8x!tpu.dma_semaphore, #tpu.memory_space<semaphore_mem>> -> memref<1x!tpu.dma_semaphore, #tpu.memory_space<semaphore_mem>>
      %dma_wait3A_1540 = tpu.memref_squeeze %dma_wait3A_1539 : memref<1x!tpu.dma_semaphore, #tpu.memory_space<semaphore_mem>> -> memref<!tpu.dma_semaphore, #tpu.memory_space<semaphore_mem>>
      %dma_wait3A_1541 = arith.constant 0 : i32
      %dma_wait3A_1542 = arith.constant 0 : i32
      %dma_wait3A_1543 = tpu.memref_slice %arg6[%select_n3A_1523, %dma_wait3A_1529, %sub3A_1526, %dma_wait3A_1541, %dma_wait3A_1542] : memref<50x4x128x8x128xf32, #tpu.memory_space<hbm>> -> memref<1x1x1x8x128xf32, #tpu.memory_space<hbm>>
      %dma_wait3A_1544 = tpu.memref_squeeze %dma_wait3A_1543 : memref<1x1x1x8x128xf32, #tpu.memory_space<hbm>> -> memref<8x128xf32, #tpu.memory_space<hbm>>
      %dma_wait3A_1545 = arith.constant 0 : i32
      %dma_wait3A_1546 = arith.constant 0 : i32
      %dma_wait3A_1547 = tpu.memref_slice %arg10[%dma_wait3A_1527, %dma_wait3A_1528, %dma_wait3A_1545, %dma_wait3A_1546] : memref<8x4x8x128xf32, #tpu.memory_space<vmem>> -> memref<1x1x8x128xf32, #tpu.memory_space<vmem>>
      %dma_wait3A_1548 = tpu.memref_squeeze %dma_wait3A_1547 : memref<1x1x8x128xf32, #tpu.memory_space<vmem>> -> memref<8x128xf32, #tpu.memory_space<vmem>>
      tpu.wait_dma2 semaphore(%dma_wait3A_1540 : memref<!tpu.dma_semaphore, #tpu.memory_space<semaphore_mem>>) src(%dma_wait3A_1548 : memref<8x128xf32, #tpu.memory_space<vmem>>) dst(%dma_wait3A_1544 : memref<8x128xf32, #tpu.memory_space<hbm>>)
      %dma_wait3A_1549 = arith.constant 0 : i32
      %dma_wait3A_1550 = arith.constant 1 : i32
      %dma_wait3A_1551 = arith.constant 1 : i32
      %dma_wait3A_1552 = arith.constant 0 : i32
      %dma_wait3A_1553 = arith.constant 0 : i32
      %dma_wait3A_1554 = arith.constant 0 : i32
      %dma_wait3A_1555 = tpu.memref_slice %arg10[%dma_wait3A_1549, %dma_wait3A_1550, %dma_wait3A_1553, %dma_wait3A_1554] : memref<8x4x8x128xf32, #tpu.memory_space<vmem>> -> memref<1x1x8x128xf32, #tpu.memory_space<vmem>>
      %dma_wait3A_1556 = tpu.memref_squeeze %dma_wait3A_1555 : memref<1x1x8x128xf32, #tpu.memory_space<vmem>> -> memref<8x128xf32, #tpu.memory_space<vmem>>
      %dma_wait3A_1557 = arith.constant 0 : i32
      %dma_wait3A_1558 = arith.constant 0 : i32
      %dma_wait3A_1559 = tpu.memref_slice %arg6[%select_n3A_1523, %dma_wait3A_1551, %sub3A_1526, %dma_wait3A_1557, %dma_wait3A_1558] : memref<50x4x128x8x128xf32, #tpu.memory_space<hbm>> -> memref<1x1x1x8x128xf32, #tpu.memory_space<hbm>>
      %dma_wait3A_1560 = tpu.memref_squeeze %dma_wait3A_1559 : memref<1x1x1x8x128xf32, #tpu.memory_space<hbm>> -> memref<8x128xf32, #tpu.memory_space<hbm>>
      %dma_wait3A_1561 = tpu.memref_slice %arg11[%dma_wait3A_1552] : memref<8x!tpu.dma_semaphore, #tpu.memory_space<semaphore_mem>> -> memref<1x!tpu.dma_semaphore, #tpu.memory_space<semaphore_mem>>
      %dma_wait3A_1562 = tpu.memref_squeeze %dma_wait3A_1561 : memref<1x!tpu.dma_semaphore, #tpu.memory_space<semaphore_mem>> -> memref<!tpu.dma_semaphore, #tpu.memory_space<semaphore_mem>>
      %dma_wait3A_1563 = arith.constant 0 : i32
      %dma_wait3A_1564 = arith.constant 0 : i32
      %dma_wait3A_1565 = tpu.memref_slice %arg6[%select_n3A_1523, %dma_wait3A_1551, %sub3A_1526, %dma_wait3A_1563, %dma_wait3A_1564] : memref<50x4x128x8x128xf32, #tpu.memory_space<hbm>> -> memref<1x1x1x8x128xf32, #tpu.memory_space<hbm>>
      %dma_wait3A_1566 = tpu.memref_squeeze %dma_wait3A_1565 : memref<1x1x1x8x128xf32, #tpu.memory_space<hbm>> -> memref<8x128xf32, #tpu.memory_space<hbm>>
      %dma_wait3A_1567 = arith.constant 0 : i32
      %dma_wait3A_1568 = arith.constant 0 : i32
      %dma_wait3A_1569 = tpu.memref_slice %arg10[%dma_wait3A_1549, %dma_wait3A_1550, %dma_wait3A_1567, %dma_wait3A_1568] : memref<8x4x8x128xf32, #tpu.memory_space<vmem>> -> memref<1x1x8x128xf32, #tpu.memory_space<vmem>>
      %dma_wait3A_1570 = tpu.memref_squeeze %dma_wait3A_1569 : memref<1x1x8x128xf32, #tpu.memory_space<vmem>> -> memref<8x128xf32, #tpu.memory_space<vmem>>
      tpu.wait_dma2 semaphore(%dma_wait3A_1562 : memref<!tpu.dma_semaphore, #tpu.memory_space<semaphore_mem>>) src(%dma_wait3A_1570 : memref<8x128xf32, #tpu.memory_space<vmem>>) dst(%dma_wait3A_1566 : memref<8x128xf32, #tpu.memory_space<hbm>>)
      %dma_wait3A_1571 = arith.constant 0 : i32
      %dma_wait3A_1572 = arith.constant 2 : i32
      %dma_wait3A_1573 = arith.constant 2 : i32
      %dma_wait3A_1574 = arith.constant 0 : i32
      %dma_wait3A_1575 = arith.constant 0 : i32
      %dma_wait3A_1576 = arith.constant 0 : i32
      %dma_wait3A_1577 = tpu.memref_slice %arg10[%dma_wait3A_1571, %dma_wait3A_1572, %dma_wait3A_1575, %dma_wait3A_1576] : memref<8x4x8x128xf32, #tpu.memory_space<vmem>> -> memref<1x1x8x128xf32, #tpu.memory_space<vmem>>
      %dma_wait3A_1578 = tpu.memref_squeeze %dma_wait3A_1577 : memref<1x1x8x128xf32, #tpu.memory_space<vmem>> -> memref<8x128xf32, #tpu.memory_space<vmem>>
      %dma_wait3A_1579 = arith.constant 0 : i32
      %dma_wait3A_1580 = arith.constant 0 : i32
      %dma_wait3A_1581 = tpu.memref_slice %arg6[%select_n3A_1523, %dma_wait3A_1573, %sub3A_1526, %dma_wait3A_1579, %dma_wait3A_1580] : memref<50x4x128x8x128xf32, #tpu.memory_space<hbm>> -> memref<1x1x1x8x128xf32, #tpu.memory_space<hbm>>
      %dma_wait3A_1582 = tpu.memref_squeeze %dma_wait3A_1581 : memref<1x1x1x8x128xf32, #tpu.memory_space<hbm>> -> memref<8x128xf32, #tpu.memory_space<hbm>>
      %dma_wait3A_1583 = tpu.memref_slice %arg11[%dma_wait3A_1574] : memref<8x!tpu.dma_semaphore, #tpu.memory_space<semaphore_mem>> -> memref<1x!tpu.dma_semaphore, #tpu.memory_space<semaphore_mem>>
      %dma_wait3A_1584 = tpu.memref_squeeze %dma_wait3A_1583 : memref<1x!tpu.dma_semaphore, #tpu.memory_space<semaphore_mem>> -> memref<!tpu.dma_semaphore, #tpu.memory_space<semaphore_mem>>
      %dma_wait3A_1585 = arith.constant 0 : i32
      %dma_wait3A_1586 = arith.constant 0 : i32
      %dma_wait3A_1587 = tpu.memref_slice %arg6[%select_n3A_1523, %dma_wait3A_1573, %sub3A_1526, %dma_wait3A_1585, %dma_wait3A_1586] : memref<50x4x128x8x128xf32, #tpu.memory_space<hbm>> -> memref<1x1x1x8x128xf32, #tpu.memory_space<hbm>>
      %dma_wait3A_1588 = tpu.memref_squeeze %dma_wait3A_1587 : memref<1x1x1x8x128xf32, #tpu.memory_space<hbm>> -> memref<8x128xf32, #tpu.memory_space<hbm>>
      %dma_wait3A_1589 = arith.constant 0 : i32
      %dma_wait3A_1590 = arith.constant 0 : i32
      %dma_wait3A_1591 = tpu.memref_slice %arg10[%dma_wait3A_1571, %dma_wait3A_1572, %dma_wait3A_1589, %dma_wait3A_1590] : memref<8x4x8x128xf32, #tpu.memory_space<vmem>> -> memref<1x1x8x128xf32, #tpu.memory_space<vmem>>
      %dma_wait3A_1592 = tpu.memref_squeeze %dma_wait3A_1591 : memref<1x1x8x128xf32, #tpu.memory_space<vmem>> -> memref<8x128xf32, #tpu.memory_space<vmem>>
      tpu.wait_dma2 semaphore(%dma_wait3A_1584 : memref<!tpu.dma_semaphore, #tpu.memory_space<semaphore_mem>>) src(%dma_wait3A_1592 : memref<8x128xf32, #tpu.memory_space<vmem>>) dst(%dma_wait3A_1588 : memref<8x128xf32, #tpu.memory_space<hbm>>)
      %dma_wait3A_1593 = arith.constant 0 : i32
      %dma_wait3A_1594 = arith.constant 3 : i32
      %dma_wait3A_1595 = arith.constant 3 : i32
      %dma_wait3A_1596 = arith.constant 0 : i32
      %dma_wait3A_1597 = arith.constant 0 : i32
      %dma_wait3A_1598 = arith.constant 0 : i32
      %dma_wait3A_1599 = tpu.memref_slice %arg10[%dma_wait3A_1593, %dma_wait3A_1594, %dma_wait3A_1597, %dma_wait3A_1598] : memref<8x4x8x128xf32, #tpu.memory_space<vmem>> -> memref<1x1x8x128xf32, #tpu.memory_space<vmem>>
      %dma_wait3A_1600 = tpu.memref_squeeze %dma_wait3A_1599 : memref<1x1x8x128xf32, #tpu.memory_space<vmem>> -> memref<8x128xf32, #tpu.memory_space<vmem>>
      %dma_wait3A_1601 = arith.constant 0 : i32
      %dma_wait3A_1602 = arith.constant 0 : i32
      %dma_wait3A_1603 = tpu.memref_slice %arg6[%select_n3A_1523, %dma_wait3A_1595, %sub3A_1526, %dma_wait3A_1601, %dma_wait3A_1602] : memref<50x4x128x8x128xf32, #tpu.memory_space<hbm>> -> memref<1x1x1x8x128xf32, #tpu.memory_space<hbm>>
      %dma_wait3A_1604 = tpu.memref_squeeze %dma_wait3A_1603 : memref<1x1x1x8x128xf32, #tpu.memory_space<hbm>> -> memref<8x128xf32, #tpu.memory_space<hbm>>
      %dma_wait3A_1605 = tpu.memref_slice %arg11[%dma_wait3A_1596] : memref<8x!tpu.dma_semaphore, #tpu.memory_space<semaphore_mem>> -> memref<1x!tpu.dma_semaphore, #tpu.memory_space<semaphore_mem>>
      %dma_wait3A_1606 = tpu.memref_squeeze %dma_wait3A_1605 : memref<1x!tpu.dma_semaphore, #tpu.memory_space<semaphore_mem>> -> memref<!tpu.dma_semaphore, #tpu.memory_space<semaphore_mem>>
      %dma_wait3A_1607 = arith.constant 0 : i32
      %dma_wait3A_1608 = arith.constant 0 : i32
      %dma_wait3A_1609 = tpu.memref_slice %arg6[%select_n3A_1523, %dma_wait3A_1595, %sub3A_1526, %dma_wait3A_1607, %dma_wait3A_1608] : memref<50x4x128x8x128xf32, #tpu.memory_space<hbm>> -> memref<1x1x1x8x128xf32, #tpu.memory_space<hbm>>
      %dma_wait3A_1610 = tpu.memref_squeeze %dma_wait3A_1609 : memref<1x1x1x8x128xf32, #tpu.memory_space<hbm>> -> memref<8x128xf32, #tpu.memory_space<hbm>>
      %dma_wait3A_1611 = arith.constant 0 : i32
      %dma_wait3A_1612 = arith.constant 0 : i32
      %dma_wait3A_1613 = tpu.memref_slice %arg10[%dma_wait3A_1593, %dma_wait3A_1594, %dma_wait3A_1611, %dma_wait3A_1612] : memref<8x4x8x128xf32, #tpu.memory_space<vmem>> -> memref<1x1x8x128xf32, #tpu.memory_space<vmem>>
      %dma_wait3A_1614 = tpu.memref_squeeze %dma_wait3A_1613 : memref<1x1x8x128xf32, #tpu.memory_space<vmem>> -> memref<8x128xf32, #tpu.memory_space<vmem>>
      tpu.wait_dma2 semaphore(%dma_wait3A_1606 : memref<!tpu.dma_semaphore, #tpu.memory_space<semaphore_mem>>) src(%dma_wait3A_1614 : memref<8x128xf32, #tpu.memory_space<vmem>>) dst(%dma_wait3A_1610 : memref<8x128xf32, #tpu.memory_space<hbm>>)
      %add3A_1615 = arith.constant 1 : i32
      %add3A_1616 = arith.addi %scan3A_127, %add3A_1615 : i32
      %lt3A = arith.constant 25 : i32
      %lt3A_1617 = arith.cmpi slt, %add3A_1616, %lt3A : i32
      %convert_element_type3A = arith.extui %lt3A_1617 : i1 to i32
      %cond3A = arith.constant 0 : i32
      %cond3A_1618 = arith.cmpi ne, %convert_element_type3A, %cond3A : i32
      scf.if %cond3A_1618 {
        %add3A_2508 = arith.constant 1 : i32
        %add3A_2509 = arith.addi %scan3A_127, %add3A_2508 : i32
        %mul3A_2510 = arith.constant 8 : i32
        %mul3A_2511 = arith.muli %add3A_2509, %mul3A_2510 : i32
        %add3A_2512 = arith.constant 0 : i32
        %add3A_2513 = arith.addi %mul3A_2511, %add3A_2512 : i32
        %dma_start3A_2514 = arith.constant 0 : i32
        %dma_start3A_2515 = arith.constant 0 : i32
        %dma_start3A_2516 = arith.constant 0 : i32
        %dma_start3A_2517 = arith.constant 0 : i32
        %dma_start3A_2518 = tpu.memref_slice %arg9[%dma_start3A_2514, %dma_start3A_2516, %dma_start3A_2517] : memref<8x128x32xf32, #tpu.memory_space<vmem>> -> memref<1x128x32xf32, #tpu.memory_space<vmem>>
        %dma_start3A_2519 = tpu.memref_squeeze %dma_start3A_2518 : memref<1x128x32xf32, #tpu.memory_space<vmem>> -> memref<128x32xf32, #tpu.memory_space<vmem>>
        %dma_start3A_2520 = arith.constant 0 : i32
        %dma_start3A_2521 = tpu.memref_slice %arg7[%add3A_2513, %dma_start3A_2520] : memref<200x128xi32, #tpu.memory_space<vmem>> -> memref<1x128xi32, #tpu.memory_space<vmem>>
        %dma_start3A_2522 = tpu.memref_squeeze %dma_start3A_2521 : memref<1x128xi32, #tpu.memory_space<vmem>> -> memref<128xi32, #tpu.memory_space<vmem>>
        %dma_start3A_2523 = arith.constant 0 : i32
        %dma_start3A_2524 = arith.constant 0 : i32
        %dma_start3A_2525 = tpu.memref_slice %arg4[%dma_start3A_2523, %dma_start3A_2524] : memref<1000000x32xf32, #tpu.memory_space<hbm>> -> memref<1000000x32xf32, #tpu.memory_space<hbm>>
        %dma_start3A_2526 = tpu.memref_slice %arg11[%dma_start3A_2515] : memref<8x!tpu.dma_semaphore, #tpu.memory_space<semaphore_mem>> -> memref<1x!tpu.dma_semaphore, #tpu.memory_space<semaphore_mem>>
        %dma_start3A_2527 = tpu.memref_squeeze %dma_start3A_2526 : memref<1x!tpu.dma_semaphore, #tpu.memory_space<semaphore_mem>> -> memref<!tpu.dma_semaphore, #tpu.memory_space<semaphore_mem>>
        tpu.enqueue_indirect_dma source(%dma_start3A_2525 : memref<1000000x32xf32, #tpu.memory_space<hbm>>) target(%dma_start3A_2519 : memref<128x32xf32, #tpu.memory_space<vmem>>) offsets(%dma_start3A_2522 : memref<128xi32, #tpu.memory_space<vmem>>) semaphore(%dma_start3A_2527 : memref<!tpu.dma_semaphore, #tpu.memory_space<semaphore_mem>>)
      } else {
      }
      %mul3A_1619 = arith.constant 8 : i32
      %mul3A_1620 = arith.muli %scan3A_127, %mul3A_1619 : i32
      %add3A_1621 = arith.constant 1 : i32
      %add3A_1622 = arith.addi %mul3A_1620, %add3A_1621 : i32
      %add3A_1623 = arith.addi %mul3A_2, %add3A_1622 : i32
      %jit3A_1624 = arith.constant 128 : i32
      %div3A_1625 = arith.divsi %add3A_1623, %jit3A_1624 : i32
      %sign3A_1626 = arith.constant 0 : i32
      %sign3A_1627 = arith.cmpi sgt, %add3A_1623, %sign3A_1626 : i32
      %sign3A_1628 = arith.extui %sign3A_1627 : i1 to i32
      %sign3A_1629 = arith.constant 0 : i32
      %sign3A_1630 = arith.cmpi slt, %add3A_1623, %sign3A_1629 : i32
      %sign3A_1631 = arith.extui %sign3A_1630 : i1 to i32
      %sign3A_1632 = arith.subi %sign3A_1628, %sign3A_1631 : i32
      %sign3A_1633 = arith.constant 0 : i32
      %sign3A_1634 = arith.cmpi sgt, %jit3A_1624, %sign3A_1633 : i32
      %sign3A_1635 = arith.extui %sign3A_1634 : i1 to i32
      %sign3A_1636 = arith.constant 0 : i32
      %sign3A_1637 = arith.cmpi slt, %jit3A_1624, %sign3A_1636 : i32
      %sign3A_1638 = arith.extui %sign3A_1637 : i1 to i32
      %sign3A_1639 = arith.subi %sign3A_1635, %sign3A_1638 : i32
      %ne3A_1640 = arith.cmpi ne, %sign3A_1632, %sign3A_1639 : i32
      %rem3A_1641 = arith.remsi %add3A_1623, %jit3A_1624 : i32
      %ne3A_1642 = arith.constant 0 : i32
      %ne3A_1643 = arith.cmpi ne, %rem3A_1641, %ne3A_1642 : i32
      %and3A_1644 = arith.andi %ne3A_1640, %ne3A_1643 : i1
      %sub3A_1645 = arith.constant 1 : i32
      %sub3A_1646 = arith.subi %div3A_1625, %sub3A_1645 : i32
      %select_n3A_1647 = arith.select %and3A_1644, %sub3A_1646, %div3A_1625 : i32
      %mul3A_1648 = arith.constant 128 : i32
      %mul3A_1649 = arith.muli %select_n3A_1647, %mul3A_1648 : i32
      %sub3A_1650 = arith.subi %add3A_1623, %mul3A_1649 : i32
      %dma_wait3A_1651 = arith.constant 1 : i32
      %dma_wait3A_1652 = arith.constant 0 : i32
      %dma_wait3A_1653 = arith.constant 0 : i32
      %dma_wait3A_1654 = arith.constant 1 : i32
      %dma_wait3A_1655 = arith.constant 0 : i32
      %dma_wait3A_1656 = arith.constant 0 : i32
      %dma_wait3A_1657 = tpu.memref_slice %arg10[%dma_wait3A_1651, %dma_wait3A_1652, %dma_wait3A_1655, %dma_wait3A_1656] : memref<8x4x8x128xf32, #tpu.memory_space<vmem>> -> memref<1x1x8x128xf32, #tpu.memory_space<vmem>>
      %dma_wait3A_1658 = tpu.memref_squeeze %dma_wait3A_1657 : memref<1x1x8x128xf32, #tpu.memory_space<vmem>> -> memref<8x128xf32, #tpu.memory_space<vmem>>
      %dma_wait3A_1659 = arith.constant 0 : i32
      %dma_wait3A_1660 = arith.constant 0 : i32
      %dma_wait3A_1661 = tpu.memref_slice %arg6[%select_n3A_1647, %dma_wait3A_1653, %sub3A_1650, %dma_wait3A_1659, %dma_wait3A_1660] : memref<50x4x128x8x128xf32, #tpu.memory_space<hbm>> -> memref<1x1x1x8x128xf32, #tpu.memory_space<hbm>>
      %dma_wait3A_1662 = tpu.memref_squeeze %dma_wait3A_1661 : memref<1x1x1x8x128xf32, #tpu.memory_space<hbm>> -> memref<8x128xf32, #tpu.memory_space<hbm>>
      %dma_wait3A_1663 = tpu.memref_slice %arg11[%dma_wait3A_1654] : memref<8x!tpu.dma_semaphore, #tpu.memory_space<semaphore_mem>> -> memref<1x!tpu.dma_semaphore, #tpu.memory_space<semaphore_mem>>
      %dma_wait3A_1664 = tpu.memref_squeeze %dma_wait3A_1663 : memref<1x!tpu.dma_semaphore, #tpu.memory_space<semaphore_mem>> -> memref<!tpu.dma_semaphore, #tpu.memory_space<semaphore_mem>>
      %dma_wait3A_1665 = arith.constant 0 : i32
      %dma_wait3A_1666 = arith.constant 0 : i32
      %dma_wait3A_1667 = tpu.memref_slice %arg6[%select_n3A_1647, %dma_wait3A_1653, %sub3A_1650, %dma_wait3A_1665, %dma_wait3A_1666] : memref<50x4x128x8x128xf32, #tpu.memory_space<hbm>> -> memref<1x1x1x8x128xf32, #tpu.memory_space<hbm>>
      %dma_wait3A_1668 = tpu.memref_squeeze %dma_wait3A_1667 : memref<1x1x1x8x128xf32, #tpu.memory_space<hbm>> -> memref<8x128xf32, #tpu.memory_space<hbm>>
      %dma_wait3A_1669 = arith.constant 0 : i32
      %dma_wait3A_1670 = arith.constant 0 : i32
      %dma_wait3A_1671 = tpu.memref_slice %arg10[%dma_wait3A_1651, %dma_wait3A_1652, %dma_wait3A_1669, %dma_wait3A_1670] : memref<8x4x8x128xf32, #tpu.memory_space<vmem>> -> memref<1x1x8x128xf32, #tpu.memory_space<vmem>>
      %dma_wait3A_1672 = tpu.memref_squeeze %dma_wait3A_1671 : memref<1x1x8x128xf32, #tpu.memory_space<vmem>> -> memref<8x128xf32, #tpu.memory_space<vmem>>
      tpu.wait_dma2 semaphore(%dma_wait3A_1664 : memref<!tpu.dma_semaphore, #tpu.memory_space<semaphore_mem>>) src(%dma_wait3A_1672 : memref<8x128xf32, #tpu.memory_space<vmem>>) dst(%dma_wait3A_1668 : memref<8x128xf32, #tpu.memory_space<hbm>>)
      %dma_wait3A_1673 = arith.constant 1 : i32
      %dma_wait3A_1674 = arith.constant 1 : i32
      %dma_wait3A_1675 = arith.constant 1 : i32
      %dma_wait3A_1676 = arith.constant 1 : i32
      %dma_wait3A_1677 = arith.constant 0 : i32
      %dma_wait3A_1678 = arith.constant 0 : i32
      %dma_wait3A_1679 = tpu.memref_slice %arg10[%dma_wait3A_1673, %dma_wait3A_1674, %dma_wait3A_1677, %dma_wait3A_1678] : memref<8x4x8x128xf32, #tpu.memory_space<vmem>> -> memref<1x1x8x128xf32, #tpu.memory_space<vmem>>
      %dma_wait3A_1680 = tpu.memref_squeeze %dma_wait3A_1679 : memref<1x1x8x128xf32, #tpu.memory_space<vmem>> -> memref<8x128xf32, #tpu.memory_space<vmem>>
      %dma_wait3A_1681 = arith.constant 0 : i32
      %dma_wait3A_1682 = arith.constant 0 : i32
      %dma_wait3A_1683 = tpu.memref_slice %arg6[%select_n3A_1647, %dma_wait3A_1675, %sub3A_1650, %dma_wait3A_1681, %dma_wait3A_1682] : memref<50x4x128x8x128xf32, #tpu.memory_space<hbm>> -> memref<1x1x1x8x128xf32, #tpu.memory_space<hbm>>
      %dma_wait3A_1684 = tpu.memref_squeeze %dma_wait3A_1683 : memref<1x1x1x8x128xf32, #tpu.memory_space<hbm>> -> memref<8x128xf32, #tpu.memory_space<hbm>>
      %dma_wait3A_1685 = tpu.memref_slice %arg11[%dma_wait3A_1676] : memref<8x!tpu.dma_semaphore, #tpu.memory_space<semaphore_mem>> -> memref<1x!tpu.dma_semaphore, #tpu.memory_space<semaphore_mem>>
      %dma_wait3A_1686 = tpu.memref_squeeze %dma_wait3A_1685 : memref<1x!tpu.dma_semaphore, #tpu.memory_space<semaphore_mem>> -> memref<!tpu.dma_semaphore, #tpu.memory_space<semaphore_mem>>
      %dma_wait3A_1687 = arith.constant 0 : i32
      %dma_wait3A_1688 = arith.constant 0 : i32
      %dma_wait3A_1689 = tpu.memref_slice %arg6[%select_n3A_1647, %dma_wait3A_1675, %sub3A_1650, %dma_wait3A_1687, %dma_wait3A_1688] : memref<50x4x128x8x128xf32, #tpu.memory_space<hbm>> -> memref<1x1x1x8x128xf32, #tpu.memory_space<hbm>>
      %dma_wait3A_1690 = tpu.memref_squeeze %dma_wait3A_1689 : memref<1x1x1x8x128xf32, #tpu.memory_space<hbm>> -> memref<8x128xf32, #tpu.memory_space<hbm>>
      %dma_wait3A_1691 = arith.constant 0 : i32
      %dma_wait3A_1692 = arith.constant 0 : i32
      %dma_wait3A_1693 = tpu.memref_slice %arg10[%dma_wait3A_1673, %dma_wait3A_1674, %dma_wait3A_1691, %dma_wait3A_1692] : memref<8x4x8x128xf32, #tpu.memory_space<vmem>> -> memref<1x1x8x128xf32, #tpu.memory_space<vmem>>
      %dma_wait3A_1694 = tpu.memref_squeeze %dma_wait3A_1693 : memref<1x1x8x128xf32, #tpu.memory_space<vmem>> -> memref<8x128xf32, #tpu.memory_space<vmem>>
      tpu.wait_dma2 semaphore(%dma_wait3A_1686 : memref<!tpu.dma_semaphore, #tpu.memory_space<semaphore_mem>>) src(%dma_wait3A_1694 : memref<8x128xf32, #tpu.memory_space<vmem>>) dst(%dma_wait3A_1690 : memref<8x128xf32, #tpu.memory_space<hbm>>)
      %dma_wait3A_1695 = arith.constant 1 : i32
      %dma_wait3A_1696 = arith.constant 2 : i32
      %dma_wait3A_1697 = arith.constant 2 : i32
      %dma_wait3A_1698 = arith.constant 1 : i32
      %dma_wait3A_1699 = arith.constant 0 : i32
      %dma_wait3A_1700 = arith.constant 0 : i32
      %dma_wait3A_1701 = tpu.memref_slice %arg10[%dma_wait3A_1695, %dma_wait3A_1696, %dma_wait3A_1699, %dma_wait3A_1700] : memref<8x4x8x128xf32, #tpu.memory_space<vmem>> -> memref<1x1x8x128xf32, #tpu.memory_space<vmem>>
      %dma_wait3A_1702 = tpu.memref_squeeze %dma_wait3A_1701 : memref<1x1x8x128xf32, #tpu.memory_space<vmem>> -> memref<8x128xf32, #tpu.memory_space<vmem>>
      %dma_wait3A_1703 = arith.constant 0 : i32
      %dma_wait3A_1704 = arith.constant 0 : i32
      %dma_wait3A_1705 = tpu.memref_slice %arg6[%select_n3A_1647, %dma_wait3A_1697, %sub3A_1650, %dma_wait3A_1703, %dma_wait3A_1704] : memref<50x4x128x8x128xf32, #tpu.memory_space<hbm>> -> memref<1x1x1x8x128xf32, #tpu.memory_space<hbm>>
      %dma_wait3A_1706 = tpu.memref_squeeze %dma_wait3A_1705 : memref<1x1x1x8x128xf32, #tpu.memory_space<hbm>> -> memref<8x128xf32, #tpu.memory_space<hbm>>
      %dma_wait3A_1707 = tpu.memref_slice %arg11[%dma_wait3A_1698] : memref<8x!tpu.dma_semaphore, #tpu.memory_space<semaphore_mem>> -> memref<1x!tpu.dma_semaphore, #tpu.memory_space<semaphore_mem>>
      %dma_wait3A_1708 = tpu.memref_squeeze %dma_wait3A_1707 : memref<1x!tpu.dma_semaphore, #tpu.memory_space<semaphore_mem>> -> memref<!tpu.dma_semaphore, #tpu.memory_space<semaphore_mem>>
      %dma_wait3A_1709 = arith.constant 0 : i32
      %dma_wait3A_1710 = arith.constant 0 : i32
      %dma_wait3A_1711 = tpu.memref_slice %arg6[%select_n3A_1647, %dma_wait3A_1697, %sub3A_1650, %dma_wait3A_1709, %dma_wait3A_1710] : memref<50x4x128x8x128xf32, #tpu.memory_space<hbm>> -> memref<1x1x1x8x128xf32, #tpu.memory_space<hbm>>
      %dma_wait3A_1712 = tpu.memref_squeeze %dma_wait3A_1711 : memref<1x1x1x8x128xf32, #tpu.memory_space<hbm>> -> memref<8x128xf32, #tpu.memory_space<hbm>>
      %dma_wait3A_1713 = arith.constant 0 : i32
      %dma_wait3A_1714 = arith.constant 0 : i32
      %dma_wait3A_1715 = tpu.memref_slice %arg10[%dma_wait3A_1695, %dma_wait3A_1696, %dma_wait3A_1713, %dma_wait3A_1714] : memref<8x4x8x128xf32, #tpu.memory_space<vmem>> -> memref<1x1x8x128xf32, #tpu.memory_space<vmem>>
      %dma_wait3A_1716 = tpu.memref_squeeze %dma_wait3A_1715 : memref<1x1x8x128xf32, #tpu.memory_space<vmem>> -> memref<8x128xf32, #tpu.memory_space<vmem>>
      tpu.wait_dma2 semaphore(%dma_wait3A_1708 : memref<!tpu.dma_semaphore, #tpu.memory_space<semaphore_mem>>) src(%dma_wait3A_1716 : memref<8x128xf32, #tpu.memory_space<vmem>>) dst(%dma_wait3A_1712 : memref<8x128xf32, #tpu.memory_space<hbm>>)
      %dma_wait3A_1717 = arith.constant 1 : i32
      %dma_wait3A_1718 = arith.constant 3 : i32
      %dma_wait3A_1719 = arith.constant 3 : i32
      %dma_wait3A_1720 = arith.constant 1 : i32
      %dma_wait3A_1721 = arith.constant 0 : i32
      %dma_wait3A_1722 = arith.constant 0 : i32
      %dma_wait3A_1723 = tpu.memref_slice %arg10[%dma_wait3A_1717, %dma_wait3A_1718, %dma_wait3A_1721, %dma_wait3A_1722] : memref<8x4x8x128xf32, #tpu.memory_space<vmem>> -> memref<1x1x8x128xf32, #tpu.memory_space<vmem>>
      %dma_wait3A_1724 = tpu.memref_squeeze %dma_wait3A_1723 : memref<1x1x8x128xf32, #tpu.memory_space<vmem>> -> memref<8x128xf32, #tpu.memory_space<vmem>>
      %dma_wait3A_1725 = arith.constant 0 : i32
      %dma_wait3A_1726 = arith.constant 0 : i32
      %dma_wait3A_1727 = tpu.memref_slice %arg6[%select_n3A_1647, %dma_wait3A_1719, %sub3A_1650, %dma_wait3A_1725, %dma_wait3A_1726] : memref<50x4x128x8x128xf32, #tpu.memory_space<hbm>> -> memref<1x1x1x8x128xf32, #tpu.memory_space<hbm>>
      %dma_wait3A_1728 = tpu.memref_squeeze %dma_wait3A_1727 : memref<1x1x1x8x128xf32, #tpu.memory_space<hbm>> -> memref<8x128xf32, #tpu.memory_space<hbm>>
      %dma_wait3A_1729 = tpu.memref_slice %arg11[%dma_wait3A_1720] : memref<8x!tpu.dma_semaphore, #tpu.memory_space<semaphore_mem>> -> memref<1x!tpu.dma_semaphore, #tpu.memory_space<semaphore_mem>>
      %dma_wait3A_1730 = tpu.memref_squeeze %dma_wait3A_1729 : memref<1x!tpu.dma_semaphore, #tpu.memory_space<semaphore_mem>> -> memref<!tpu.dma_semaphore, #tpu.memory_space<semaphore_mem>>
      %dma_wait3A_1731 = arith.constant 0 : i32
      %dma_wait3A_1732 = arith.constant 0 : i32
      %dma_wait3A_1733 = tpu.memref_slice %arg6[%select_n3A_1647, %dma_wait3A_1719, %sub3A_1650, %dma_wait3A_1731, %dma_wait3A_1732] : memref<50x4x128x8x128xf32, #tpu.memory_space<hbm>> -> memref<1x1x1x8x128xf32, #tpu.memory_space<hbm>>
      %dma_wait3A_1734 = tpu.memref_squeeze %dma_wait3A_1733 : memref<1x1x1x8x128xf32, #tpu.memory_space<hbm>> -> memref<8x128xf32, #tpu.memory_space<hbm>>
      %dma_wait3A_1735 = arith.constant 0 : i32
      %dma_wait3A_1736 = arith.constant 0 : i32
      %dma_wait3A_1737 = tpu.memref_slice %arg10[%dma_wait3A_1717, %dma_wait3A_1718, %dma_wait3A_1735, %dma_wait3A_1736] : memref<8x4x8x128xf32, #tpu.memory_space<vmem>> -> memref<1x1x8x128xf32, #tpu.memory_space<vmem>>
      %dma_wait3A_1738 = tpu.memref_squeeze %dma_wait3A_1737 : memref<1x1x8x128xf32, #tpu.memory_space<vmem>> -> memref<8x128xf32, #tpu.memory_space<vmem>>
      tpu.wait_dma2 semaphore(%dma_wait3A_1730 : memref<!tpu.dma_semaphore, #tpu.memory_space<semaphore_mem>>) src(%dma_wait3A_1738 : memref<8x128xf32, #tpu.memory_space<vmem>>) dst(%dma_wait3A_1734 : memref<8x128xf32, #tpu.memory_space<hbm>>)
      %add3A_1739 = arith.constant 1 : i32
      %add3A_1740 = arith.addi %scan3A_127, %add3A_1739 : i32
      %lt3A_1741 = arith.constant 25 : i32
      %lt3A_1742 = arith.cmpi slt, %add3A_1740, %lt3A_1741 : i32
      %convert_element_type3A_1743 = arith.extui %lt3A_1742 : i1 to i32
      %cond3A_1744 = arith.constant 0 : i32
      %cond3A_1745 = arith.cmpi ne, %convert_element_type3A_1743, %cond3A_1744 : i32
      scf.if %cond3A_1745 {
        %add3A_2508 = arith.constant 1 : i32
        %add3A_2509 = arith.addi %scan3A_127, %add3A_2508 : i32
        %mul3A_2510 = arith.constant 8 : i32
        %mul3A_2511 = arith.muli %add3A_2509, %mul3A_2510 : i32
        %add3A_2512 = arith.constant 1 : i32
        %add3A_2513 = arith.addi %mul3A_2511, %add3A_2512 : i32
        %dma_start3A_2514 = arith.constant 1 : i32
        %dma_start3A_2515 = arith.constant 1 : i32
        %dma_start3A_2516 = arith.constant 0 : i32
        %dma_start3A_2517 = arith.constant 0 : i32
        %dma_start3A_2518 = tpu.memref_slice %arg9[%dma_start3A_2514, %dma_start3A_2516, %dma_start3A_2517] : memref<8x128x32xf32, #tpu.memory_space<vmem>> -> memref<1x128x32xf32, #tpu.memory_space<vmem>>
        %dma_start3A_2519 = tpu.memref_squeeze %dma_start3A_2518 : memref<1x128x32xf32, #tpu.memory_space<vmem>> -> memref<128x32xf32, #tpu.memory_space<vmem>>
        %dma_start3A_2520 = arith.constant 0 : i32
        %dma_start3A_2521 = tpu.memref_slice %arg7[%add3A_2513, %dma_start3A_2520] : memref<200x128xi32, #tpu.memory_space<vmem>> -> memref<1x128xi32, #tpu.memory_space<vmem>>
        %dma_start3A_2522 = tpu.memref_squeeze %dma_start3A_2521 : memref<1x128xi32, #tpu.memory_space<vmem>> -> memref<128xi32, #tpu.memory_space<vmem>>
        %dma_start3A_2523 = arith.constant 0 : i32
        %dma_start3A_2524 = arith.constant 0 : i32
        %dma_start3A_2525 = tpu.memref_slice %arg4[%dma_start3A_2523, %dma_start3A_2524] : memref<1000000x32xf32, #tpu.memory_space<hbm>> -> memref<1000000x32xf32, #tpu.memory_space<hbm>>
        %dma_start3A_2526 = tpu.memref_slice %arg11[%dma_start3A_2515] : memref<8x!tpu.dma_semaphore, #tpu.memory_space<semaphore_mem>> -> memref<1x!tpu.dma_semaphore, #tpu.memory_space<semaphore_mem>>
        %dma_start3A_2527 = tpu.memref_squeeze %dma_start3A_2526 : memref<1x!tpu.dma_semaphore, #tpu.memory_space<semaphore_mem>> -> memref<!tpu.dma_semaphore, #tpu.memory_space<semaphore_mem>>
        tpu.enqueue_indirect_dma source(%dma_start3A_2525 : memref<1000000x32xf32, #tpu.memory_space<hbm>>) target(%dma_start3A_2519 : memref<128x32xf32, #tpu.memory_space<vmem>>) offsets(%dma_start3A_2522 : memref<128xi32, #tpu.memory_space<vmem>>) semaphore(%dma_start3A_2527 : memref<!tpu.dma_semaphore, #tpu.memory_space<semaphore_mem>>)
      } else {
      }
      %mul3A_1746 = arith.constant 8 : i32
      %mul3A_1747 = arith.muli %scan3A_127, %mul3A_1746 : i32
      %add3A_1748 = arith.constant 2 : i32
      %add3A_1749 = arith.addi %mul3A_1747, %add3A_1748 : i32
      %add3A_1750 = arith.addi %mul3A_2, %add3A_1749 : i32
      %jit3A_1751 = arith.constant 128 : i32
      %div3A_1752 = arith.divsi %add3A_1750, %jit3A_1751 : i32
      %sign3A_1753 = arith.constant 0 : i32
      %sign3A_1754 = arith.cmpi sgt, %add3A_1750, %sign3A_1753 : i32
      %sign3A_1755 = arith.extui %sign3A_1754 : i1 to i32
      %sign3A_1756 = arith.constant 0 : i32
      %sign3A_1757 = arith.cmpi slt, %add3A_1750, %sign3A_1756 : i32
      %sign3A_1758 = arith.extui %sign3A_1757 : i1 to i32
      %sign3A_1759 = arith.subi %sign3A_1755, %sign3A_1758 : i32
      %sign3A_1760 = arith.constant 0 : i32
      %sign3A_1761 = arith.cmpi sgt, %jit3A_1751, %sign3A_1760 : i32
      %sign3A_1762 = arith.extui %sign3A_1761 : i1 to i32
      %sign3A_1763 = arith.constant 0 : i32
      %sign3A_1764 = arith.cmpi slt, %jit3A_1751, %sign3A_1763 : i32
      %sign3A_1765 = arith.extui %sign3A_1764 : i1 to i32
      %sign3A_1766 = arith.subi %sign3A_1762, %sign3A_1765 : i32
      %ne3A_1767 = arith.cmpi ne, %sign3A_1759, %sign3A_1766 : i32
      %rem3A_1768 = arith.remsi %add3A_1750, %jit3A_1751 : i32
      %ne3A_1769 = arith.constant 0 : i32
      %ne3A_1770 = arith.cmpi ne, %rem3A_1768, %ne3A_1769 : i32
      %and3A_1771 = arith.andi %ne3A_1767, %ne3A_1770 : i1
      %sub3A_1772 = arith.constant 1 : i32
      %sub3A_1773 = arith.subi %div3A_1752, %sub3A_1772 : i32
      %select_n3A_1774 = arith.select %and3A_1771, %sub3A_1773, %div3A_1752 : i32
      %mul3A_1775 = arith.constant 128 : i32
      %mul3A_1776 = arith.muli %select_n3A_1774, %mul3A_1775 : i32
      %sub3A_1777 = arith.subi %add3A_1750, %mul3A_1776 : i32
      %dma_wait3A_1778 = arith.constant 2 : i32
      %dma_wait3A_1779 = arith.constant 0 : i32
      %dma_wait3A_1780 = arith.constant 0 : i32
      %dma_wait3A_1781 = arith.constant 2 : i32
      %dma_wait3A_1782 = arith.constant 0 : i32
      %dma_wait3A_1783 = arith.constant 0 : i32
      %dma_wait3A_1784 = tpu.memref_slice %arg10[%dma_wait3A_1778, %dma_wait3A_1779, %dma_wait3A_1782, %dma_wait3A_1783] : memref<8x4x8x128xf32, #tpu.memory_space<vmem>> -> memref<1x1x8x128xf32, #tpu.memory_space<vmem>>
      %dma_wait3A_1785 = tpu.memref_squeeze %dma_wait3A_1784 : memref<1x1x8x128xf32, #tpu.memory_space<vmem>> -> memref<8x128xf32, #tpu.memory_space<vmem>>
      %dma_wait3A_1786 = arith.constant 0 : i32
      %dma_wait3A_1787 = arith.constant 0 : i32
      %dma_wait3A_1788 = tpu.memref_slice %arg6[%select_n3A_1774, %dma_wait3A_1780, %sub3A_1777, %dma_wait3A_1786, %dma_wait3A_1787] : memref<50x4x128x8x128xf32, #tpu.memory_space<hbm>> -> memref<1x1x1x8x128xf32, #tpu.memory_space<hbm>>
      %dma_wait3A_1789 = tpu.memref_squeeze %dma_wait3A_1788 : memref<1x1x1x8x128xf32, #tpu.memory_space<hbm>> -> memref<8x128xf32, #tpu.memory_space<hbm>>
      %dma_wait3A_1790 = tpu.memref_slice %arg11[%dma_wait3A_1781] : memref<8x!tpu.dma_semaphore, #tpu.memory_space<semaphore_mem>> -> memref<1x!tpu.dma_semaphore, #tpu.memory_space<semaphore_mem>>
      %dma_wait3A_1791 = tpu.memref_squeeze %dma_wait3A_1790 : memref<1x!tpu.dma_semaphore, #tpu.memory_space<semaphore_mem>> -> memref<!tpu.dma_semaphore, #tpu.memory_space<semaphore_mem>>
      %dma_wait3A_1792 = arith.constant 0 : i32
      %dma_wait3A_1793 = arith.constant 0 : i32
      %dma_wait3A_1794 = tpu.memref_slice %arg6[%select_n3A_1774, %dma_wait3A_1780, %sub3A_1777, %dma_wait3A_1792, %dma_wait3A_1793] : memref<50x4x128x8x128xf32, #tpu.memory_space<hbm>> -> memref<1x1x1x8x128xf32, #tpu.memory_space<hbm>>
      %dma_wait3A_1795 = tpu.memref_squeeze %dma_wait3A_1794 : memref<1x1x1x8x128xf32, #tpu.memory_space<hbm>> -> memref<8x128xf32, #tpu.memory_space<hbm>>
      %dma_wait3A_1796 = arith.constant 0 : i32
      %dma_wait3A_1797 = arith.constant 0 : i32
      %dma_wait3A_1798 = tpu.memref_slice %arg10[%dma_wait3A_1778, %dma_wait3A_1779, %dma_wait3A_1796, %dma_wait3A_1797] : memref<8x4x8x128xf32, #tpu.memory_space<vmem>> -> memref<1x1x8x128xf32, #tpu.memory_space<vmem>>
      %dma_wait3A_1799 = tpu.memref_squeeze %dma_wait3A_1798 : memref<1x1x8x128xf32, #tpu.memory_space<vmem>> -> memref<8x128xf32, #tpu.memory_space<vmem>>
      tpu.wait_dma2 semaphore(%dma_wait3A_1791 : memref<!tpu.dma_semaphore, #tpu.memory_space<semaphore_mem>>) src(%dma_wait3A_1799 : memref<8x128xf32, #tpu.memory_space<vmem>>) dst(%dma_wait3A_1795 : memref<8x128xf32, #tpu.memory_space<hbm>>)
      %dma_wait3A_1800 = arith.constant 2 : i32
      %dma_wait3A_1801 = arith.constant 1 : i32
      %dma_wait3A_1802 = arith.constant 1 : i32
      %dma_wait3A_1803 = arith.constant 2 : i32
      %dma_wait3A_1804 = arith.constant 0 : i32
      %dma_wait3A_1805 = arith.constant 0 : i32
      %dma_wait3A_1806 = tpu.memref_slice %arg10[%dma_wait3A_1800, %dma_wait3A_1801, %dma_wait3A_1804, %dma_wait3A_1805] : memref<8x4x8x128xf32, #tpu.memory_space<vmem>> -> memref<1x1x8x128xf32, #tpu.memory_space<vmem>>
      %dma_wait3A_1807 = tpu.memref_squeeze %dma_wait3A_1806 : memref<1x1x8x128xf32, #tpu.memory_space<vmem>> -> memref<8x128xf32, #tpu.memory_space<vmem>>
      %dma_wait3A_1808 = arith.constant 0 : i32
      %dma_wait3A_1809 = arith.constant 0 : i32
      %dma_wait3A_1810 = tpu.memref_slice %arg6[%select_n3A_1774, %dma_wait3A_1802, %sub3A_1777, %dma_wait3A_1808, %dma_wait3A_1809] : memref<50x4x128x8x128xf32, #tpu.memory_space<hbm>> -> memref<1x1x1x8x128xf32, #tpu.memory_space<hbm>>
      %dma_wait3A_1811 = tpu.memref_squeeze %dma_wait3A_1810 : memref<1x1x1x8x128xf32, #tpu.memory_space<hbm>> -> memref<8x128xf32, #tpu.memory_space<hbm>>
      %dma_wait3A_1812 = tpu.memref_slice %arg11[%dma_wait3A_1803] : memref<8x!tpu.dma_semaphore, #tpu.memory_space<semaphore_mem>> -> memref<1x!tpu.dma_semaphore, #tpu.memory_space<semaphore_mem>>
      %dma_wait3A_1813 = tpu.memref_squeeze %dma_wait3A_1812 : memref<1x!tpu.dma_semaphore, #tpu.memory_space<semaphore_mem>> -> memref<!tpu.dma_semaphore, #tpu.memory_space<semaphore_mem>>
      %dma_wait3A_1814 = arith.constant 0 : i32
      %dma_wait3A_1815 = arith.constant 0 : i32
      %dma_wait3A_1816 = tpu.memref_slice %arg6[%select_n3A_1774, %dma_wait3A_1802, %sub3A_1777, %dma_wait3A_1814, %dma_wait3A_1815] : memref<50x4x128x8x128xf32, #tpu.memory_space<hbm>> -> memref<1x1x1x8x128xf32, #tpu.memory_space<hbm>>
      %dma_wait3A_1817 = tpu.memref_squeeze %dma_wait3A_1816 : memref<1x1x1x8x128xf32, #tpu.memory_space<hbm>> -> memref<8x128xf32, #tpu.memory_space<hbm>>
      %dma_wait3A_1818 = arith.constant 0 : i32
      %dma_wait3A_1819 = arith.constant 0 : i32
      %dma_wait3A_1820 = tpu.memref_slice %arg10[%dma_wait3A_1800, %dma_wait3A_1801, %dma_wait3A_1818, %dma_wait3A_1819] : memref<8x4x8x128xf32, #tpu.memory_space<vmem>> -> memref<1x1x8x128xf32, #tpu.memory_space<vmem>>
      %dma_wait3A_1821 = tpu.memref_squeeze %dma_wait3A_1820 : memref<1x1x8x128xf32, #tpu.memory_space<vmem>> -> memref<8x128xf32, #tpu.memory_space<vmem>>
      tpu.wait_dma2 semaphore(%dma_wait3A_1813 : memref<!tpu.dma_semaphore, #tpu.memory_space<semaphore_mem>>) src(%dma_wait3A_1821 : memref<8x128xf32, #tpu.memory_space<vmem>>) dst(%dma_wait3A_1817 : memref<8x128xf32, #tpu.memory_space<hbm>>)
      %dma_wait3A_1822 = arith.constant 2 : i32
      %dma_wait3A_1823 = arith.constant 2 : i32
      %dma_wait3A_1824 = arith.constant 2 : i32
      %dma_wait3A_1825 = arith.constant 2 : i32
      %dma_wait3A_1826 = arith.constant 0 : i32
      %dma_wait3A_1827 = arith.constant 0 : i32
      %dma_wait3A_1828 = tpu.memref_slice %arg10[%dma_wait3A_1822, %dma_wait3A_1823, %dma_wait3A_1826, %dma_wait3A_1827] : memref<8x4x8x128xf32, #tpu.memory_space<vmem>> -> memref<1x1x8x128xf32, #tpu.memory_space<vmem>>
      %dma_wait3A_1829 = tpu.memref_squeeze %dma_wait3A_1828 : memref<1x1x8x128xf32, #tpu.memory_space<vmem>> -> memref<8x128xf32, #tpu.memory_space<vmem>>
      %dma_wait3A_1830 = arith.constant 0 : i32
      %dma_wait3A_1831 = arith.constant 0 : i32
      %dma_wait3A_1832 = tpu.memref_slice %arg6[%select_n3A_1774, %dma_wait3A_1824, %sub3A_1777, %dma_wait3A_1830, %dma_wait3A_1831] : memref<50x4x128x8x128xf32, #tpu.memory_space<hbm>> -> memref<1x1x1x8x128xf32, #tpu.memory_space<hbm>>
      %dma_wait3A_1833 = tpu.memref_squeeze %dma_wait3A_1832 : memref<1x1x1x8x128xf32, #tpu.memory_space<hbm>> -> memref<8x128xf32, #tpu.memory_space<hbm>>
      %dma_wait3A_1834 = tpu.memref_slice %arg11[%dma_wait3A_1825] : memref<8x!tpu.dma_semaphore, #tpu.memory_space<semaphore_mem>> -> memref<1x!tpu.dma_semaphore, #tpu.memory_space<semaphore_mem>>
      %dma_wait3A_1835 = tpu.memref_squeeze %dma_wait3A_1834 : memref<1x!tpu.dma_semaphore, #tpu.memory_space<semaphore_mem>> -> memref<!tpu.dma_semaphore, #tpu.memory_space<semaphore_mem>>
      %dma_wait3A_1836 = arith.constant 0 : i32
      %dma_wait3A_1837 = arith.constant 0 : i32
      %dma_wait3A_1838 = tpu.memref_slice %arg6[%select_n3A_1774, %dma_wait3A_1824, %sub3A_1777, %dma_wait3A_1836, %dma_wait3A_1837] : memref<50x4x128x8x128xf32, #tpu.memory_space<hbm>> -> memref<1x1x1x8x128xf32, #tpu.memory_space<hbm>>
      %dma_wait3A_1839 = tpu.memref_squeeze %dma_wait3A_1838 : memref<1x1x1x8x128xf32, #tpu.memory_space<hbm>> -> memref<8x128xf32, #tpu.memory_space<hbm>>
      %dma_wait3A_1840 = arith.constant 0 : i32
      %dma_wait3A_1841 = arith.constant 0 : i32
      %dma_wait3A_1842 = tpu.memref_slice %arg10[%dma_wait3A_1822, %dma_wait3A_1823, %dma_wait3A_1840, %dma_wait3A_1841] : memref<8x4x8x128xf32, #tpu.memory_space<vmem>> -> memref<1x1x8x128xf32, #tpu.memory_space<vmem>>
      %dma_wait3A_1843 = tpu.memref_squeeze %dma_wait3A_1842 : memref<1x1x8x128xf32, #tpu.memory_space<vmem>> -> memref<8x128xf32, #tpu.memory_space<vmem>>
      tpu.wait_dma2 semaphore(%dma_wait3A_1835 : memref<!tpu.dma_semaphore, #tpu.memory_space<semaphore_mem>>) src(%dma_wait3A_1843 : memref<8x128xf32, #tpu.memory_space<vmem>>) dst(%dma_wait3A_1839 : memref<8x128xf32, #tpu.memory_space<hbm>>)
      %dma_wait3A_1844 = arith.constant 2 : i32
      %dma_wait3A_1845 = arith.constant 3 : i32
      %dma_wait3A_1846 = arith.constant 3 : i32
      %dma_wait3A_1847 = arith.constant 2 : i32
      %dma_wait3A_1848 = arith.constant 0 : i32
      %dma_wait3A_1849 = arith.constant 0 : i32
      %dma_wait3A_1850 = tpu.memref_slice %arg10[%dma_wait3A_1844, %dma_wait3A_1845, %dma_wait3A_1848, %dma_wait3A_1849] : memref<8x4x8x128xf32, #tpu.memory_space<vmem>> -> memref<1x1x8x128xf32, #tpu.memory_space<vmem>>
      %dma_wait3A_1851 = tpu.memref_squeeze %dma_wait3A_1850 : memref<1x1x8x128xf32, #tpu.memory_space<vmem>> -> memref<8x128xf32, #tpu.memory_space<vmem>>
      %dma_wait3A_1852 = arith.constant 0 : i32
      %dma_wait3A_1853 = arith.constant 0 : i32
      %dma_wait3A_1854 = tpu.memref_slice %arg6[%select_n3A_1774, %dma_wait3A_1846, %sub3A_1777, %dma_wait3A_1852, %dma_wait3A_1853] : memref<50x4x128x8x128xf32, #tpu.memory_space<hbm>> -> memref<1x1x1x8x128xf32, #tpu.memory_space<hbm>>
      %dma_wait3A_1855 = tpu.memref_squeeze %dma_wait3A_1854 : memref<1x1x1x8x128xf32, #tpu.memory_space<hbm>> -> memref<8x128xf32, #tpu.memory_space<hbm>>
      %dma_wait3A_1856 = tpu.memref_slice %arg11[%dma_wait3A_1847] : memref<8x!tpu.dma_semaphore, #tpu.memory_space<semaphore_mem>> -> memref<1x!tpu.dma_semaphore, #tpu.memory_space<semaphore_mem>>
      %dma_wait3A_1857 = tpu.memref_squeeze %dma_wait3A_1856 : memref<1x!tpu.dma_semaphore, #tpu.memory_space<semaphore_mem>> -> memref<!tpu.dma_semaphore, #tpu.memory_space<semaphore_mem>>
      %dma_wait3A_1858 = arith.constant 0 : i32
      %dma_wait3A_1859 = arith.constant 0 : i32
      %dma_wait3A_1860 = tpu.memref_slice %arg6[%select_n3A_1774, %dma_wait3A_1846, %sub3A_1777, %dma_wait3A_1858, %dma_wait3A_1859] : memref<50x4x128x8x128xf32, #tpu.memory_space<hbm>> -> memref<1x1x1x8x128xf32, #tpu.memory_space<hbm>>
      %dma_wait3A_1861 = tpu.memref_squeeze %dma_wait3A_1860 : memref<1x1x1x8x128xf32, #tpu.memory_space<hbm>> -> memref<8x128xf32, #tpu.memory_space<hbm>>
      %dma_wait3A_1862 = arith.constant 0 : i32
      %dma_wait3A_1863 = arith.constant 0 : i32
      %dma_wait3A_1864 = tpu.memref_slice %arg10[%dma_wait3A_1844, %dma_wait3A_1845, %dma_wait3A_1862, %dma_wait3A_1863] : memref<8x4x8x128xf32, #tpu.memory_space<vmem>> -> memref<1x1x8x128xf32, #tpu.memory_space<vmem>>
      %dma_wait3A_1865 = tpu.memref_squeeze %dma_wait3A_1864 : memref<1x1x8x128xf32, #tpu.memory_space<vmem>> -> memref<8x128xf32, #tpu.memory_space<vmem>>
      tpu.wait_dma2 semaphore(%dma_wait3A_1857 : memref<!tpu.dma_semaphore, #tpu.memory_space<semaphore_mem>>) src(%dma_wait3A_1865 : memref<8x128xf32, #tpu.memory_space<vmem>>) dst(%dma_wait3A_1861 : memref<8x128xf32, #tpu.memory_space<hbm>>)
      %add3A_1866 = arith.constant 1 : i32
      %add3A_1867 = arith.addi %scan3A_127, %add3A_1866 : i32
      %lt3A_1868 = arith.constant 25 : i32
      %lt3A_1869 = arith.cmpi slt, %add3A_1867, %lt3A_1868 : i32
      %convert_element_type3A_1870 = arith.extui %lt3A_1869 : i1 to i32
      %cond3A_1871 = arith.constant 0 : i32
      %cond3A_1872 = arith.cmpi ne, %convert_element_type3A_1870, %cond3A_1871 : i32
      scf.if %cond3A_1872 {
        %add3A_2508 = arith.constant 1 : i32
        %add3A_2509 = arith.addi %scan3A_127, %add3A_2508 : i32
        %mul3A_2510 = arith.constant 8 : i32
        %mul3A_2511 = arith.muli %add3A_2509, %mul3A_2510 : i32
        %add3A_2512 = arith.constant 2 : i32
        %add3A_2513 = arith.addi %mul3A_2511, %add3A_2512 : i32
        %dma_start3A_2514 = arith.constant 2 : i32
        %dma_start3A_2515 = arith.constant 2 : i32
        %dma_start3A_2516 = arith.constant 0 : i32
        %dma_start3A_2517 = arith.constant 0 : i32
        %dma_start3A_2518 = tpu.memref_slice %arg9[%dma_start3A_2514, %dma_start3A_2516, %dma_start3A_2517] : memref<8x128x32xf32, #tpu.memory_space<vmem>> -> memref<1x128x32xf32, #tpu.memory_space<vmem>>
        %dma_start3A_2519 = tpu.memref_squeeze %dma_start3A_2518 : memref<1x128x32xf32, #tpu.memory_space<vmem>> -> memref<128x32xf32, #tpu.memory_space<vmem>>
        %dma_start3A_2520 = arith.constant 0 : i32
        %dma_start3A_2521 = tpu.memref_slice %arg7[%add3A_2513, %dma_start3A_2520] : memref<200x128xi32, #tpu.memory_space<vmem>> -> memref<1x128xi32, #tpu.memory_space<vmem>>
        %dma_start3A_2522 = tpu.memref_squeeze %dma_start3A_2521 : memref<1x128xi32, #tpu.memory_space<vmem>> -> memref<128xi32, #tpu.memory_space<vmem>>
        %dma_start3A_2523 = arith.constant 0 : i32
        %dma_start3A_2524 = arith.constant 0 : i32
        %dma_start3A_2525 = tpu.memref_slice %arg4[%dma_start3A_2523, %dma_start3A_2524] : memref<1000000x32xf32, #tpu.memory_space<hbm>> -> memref<1000000x32xf32, #tpu.memory_space<hbm>>
        %dma_start3A_2526 = tpu.memref_slice %arg11[%dma_start3A_2515] : memref<8x!tpu.dma_semaphore, #tpu.memory_space<semaphore_mem>> -> memref<1x!tpu.dma_semaphore, #tpu.memory_space<semaphore_mem>>
        %dma_start3A_2527 = tpu.memref_squeeze %dma_start3A_2526 : memref<1x!tpu.dma_semaphore, #tpu.memory_space<semaphore_mem>> -> memref<!tpu.dma_semaphore, #tpu.memory_space<semaphore_mem>>
        tpu.enqueue_indirect_dma source(%dma_start3A_2525 : memref<1000000x32xf32, #tpu.memory_space<hbm>>) target(%dma_start3A_2519 : memref<128x32xf32, #tpu.memory_space<vmem>>) offsets(%dma_start3A_2522 : memref<128xi32, #tpu.memory_space<vmem>>) semaphore(%dma_start3A_2527 : memref<!tpu.dma_semaphore, #tpu.memory_space<semaphore_mem>>)
      } else {
      }
      %mul3A_1873 = arith.constant 8 : i32
      %mul3A_1874 = arith.muli %scan3A_127, %mul3A_1873 : i32
      %add3A_1875 = arith.constant 3 : i32
      %add3A_1876 = arith.addi %mul3A_1874, %add3A_1875 : i32
      %add3A_1877 = arith.addi %mul3A_2, %add3A_1876 : i32
      %jit3A_1878 = arith.constant 128 : i32
      %div3A_1879 = arith.divsi %add3A_1877, %jit3A_1878 : i32
      %sign3A_1880 = arith.constant 0 : i32
      %sign3A_1881 = arith.cmpi sgt, %add3A_1877, %sign3A_1880 : i32
      %sign3A_1882 = arith.extui %sign3A_1881 : i1 to i32
      %sign3A_1883 = arith.constant 0 : i32
      %sign3A_1884 = arith.cmpi slt, %add3A_1877, %sign3A_1883 : i32
      %sign3A_1885 = arith.extui %sign3A_1884 : i1 to i32
      %sign3A_1886 = arith.subi %sign3A_1882, %sign3A_1885 : i32
      %sign3A_1887 = arith.constant 0 : i32
      %sign3A_1888 = arith.cmpi sgt, %jit3A_1878, %sign3A_1887 : i32
      %sign3A_1889 = arith.extui %sign3A_1888 : i1 to i32
      %sign3A_1890 = arith.constant 0 : i32
      %sign3A_1891 = arith.cmpi slt, %jit3A_1878, %sign3A_1890 : i32
      %sign3A_1892 = arith.extui %sign3A_1891 : i1 to i32
      %sign3A_1893 = arith.subi %sign3A_1889, %sign3A_1892 : i32
      %ne3A_1894 = arith.cmpi ne, %sign3A_1886, %sign3A_1893 : i32
      %rem3A_1895 = arith.remsi %add3A_1877, %jit3A_1878 : i32
      %ne3A_1896 = arith.constant 0 : i32
      %ne3A_1897 = arith.cmpi ne, %rem3A_1895, %ne3A_1896 : i32
      %and3A_1898 = arith.andi %ne3A_1894, %ne3A_1897 : i1
      %sub3A_1899 = arith.constant 1 : i32
      %sub3A_1900 = arith.subi %div3A_1879, %sub3A_1899 : i32
      %select_n3A_1901 = arith.select %and3A_1898, %sub3A_1900, %div3A_1879 : i32
      %mul3A_1902 = arith.constant 128 : i32
      %mul3A_1903 = arith.muli %select_n3A_1901, %mul3A_1902 : i32
      %sub3A_1904 = arith.subi %add3A_1877, %mul3A_1903 : i32
      %dma_wait3A_1905 = arith.constant 3 : i32
      %dma_wait3A_1906 = arith.constant 0 : i32
      %dma_wait3A_1907 = arith.constant 0 : i32
      %dma_wait3A_1908 = arith.constant 3 : i32
      %dma_wait3A_1909 = arith.constant 0 : i32
      %dma_wait3A_1910 = arith.constant 0 : i32
      %dma_wait3A_1911 = tpu.memref_slice %arg10[%dma_wait3A_1905, %dma_wait3A_1906, %dma_wait3A_1909, %dma_wait3A_1910] : memref<8x4x8x128xf32, #tpu.memory_space<vmem>> -> memref<1x1x8x128xf32, #tpu.memory_space<vmem>>
      %dma_wait3A_1912 = tpu.memref_squeeze %dma_wait3A_1911 : memref<1x1x8x128xf32, #tpu.memory_space<vmem>> -> memref<8x128xf32, #tpu.memory_space<vmem>>
      %dma_wait3A_1913 = arith.constant 0 : i32
      %dma_wait3A_1914 = arith.constant 0 : i32
      %dma_wait3A_1915 = tpu.memref_slice %arg6[%select_n3A_1901, %dma_wait3A_1907, %sub3A_1904, %dma_wait3A_1913, %dma_wait3A_1914] : memref<50x4x128x8x128xf32, #tpu.memory_space<hbm>> -> memref<1x1x1x8x128xf32, #tpu.memory_space<hbm>>
      %dma_wait3A_1916 = tpu.memref_squeeze %dma_wait3A_1915 : memref<1x1x1x8x128xf32, #tpu.memory_space<hbm>> -> memref<8x128xf32, #tpu.memory_space<hbm>>
      %dma_wait3A_1917 = tpu.memref_slice %arg11[%dma_wait3A_1908] : memref<8x!tpu.dma_semaphore, #tpu.memory_space<semaphore_mem>> -> memref<1x!tpu.dma_semaphore, #tpu.memory_space<semaphore_mem>>
      %dma_wait3A_1918 = tpu.memref_squeeze %dma_wait3A_1917 : memref<1x!tpu.dma_semaphore, #tpu.memory_space<semaphore_mem>> -> memref<!tpu.dma_semaphore, #tpu.memory_space<semaphore_mem>>
      %dma_wait3A_1919 = arith.constant 0 : i32
      %dma_wait3A_1920 = arith.constant 0 : i32
      %dma_wait3A_1921 = tpu.memref_slice %arg6[%select_n3A_1901, %dma_wait3A_1907, %sub3A_1904, %dma_wait3A_1919, %dma_wait3A_1920] : memref<50x4x128x8x128xf32, #tpu.memory_space<hbm>> -> memref<1x1x1x8x128xf32, #tpu.memory_space<hbm>>
      %dma_wait3A_1922 = tpu.memref_squeeze %dma_wait3A_1921 : memref<1x1x1x8x128xf32, #tpu.memory_space<hbm>> -> memref<8x128xf32, #tpu.memory_space<hbm>>
      %dma_wait3A_1923 = arith.constant 0 : i32
      %dma_wait3A_1924 = arith.constant 0 : i32
      %dma_wait3A_1925 = tpu.memref_slice %arg10[%dma_wait3A_1905, %dma_wait3A_1906, %dma_wait3A_1923, %dma_wait3A_1924] : memref<8x4x8x128xf32, #tpu.memory_space<vmem>> -> memref<1x1x8x128xf32, #tpu.memory_space<vmem>>
      %dma_wait3A_1926 = tpu.memref_squeeze %dma_wait3A_1925 : memref<1x1x8x128xf32, #tpu.memory_space<vmem>> -> memref<8x128xf32, #tpu.memory_space<vmem>>
      tpu.wait_dma2 semaphore(%dma_wait3A_1918 : memref<!tpu.dma_semaphore, #tpu.memory_space<semaphore_mem>>) src(%dma_wait3A_1926 : memref<8x128xf32, #tpu.memory_space<vmem>>) dst(%dma_wait3A_1922 : memref<8x128xf32, #tpu.memory_space<hbm>>)
      %dma_wait3A_1927 = arith.constant 3 : i32
      %dma_wait3A_1928 = arith.constant 1 : i32
      %dma_wait3A_1929 = arith.constant 1 : i32
      %dma_wait3A_1930 = arith.constant 3 : i32
      %dma_wait3A_1931 = arith.constant 0 : i32
      %dma_wait3A_1932 = arith.constant 0 : i32
      %dma_wait3A_1933 = tpu.memref_slice %arg10[%dma_wait3A_1927, %dma_wait3A_1928, %dma_wait3A_1931, %dma_wait3A_1932] : memref<8x4x8x128xf32, #tpu.memory_space<vmem>> -> memref<1x1x8x128xf32, #tpu.memory_space<vmem>>
      %dma_wait3A_1934 = tpu.memref_squeeze %dma_wait3A_1933 : memref<1x1x8x128xf32, #tpu.memory_space<vmem>> -> memref<8x128xf32, #tpu.memory_space<vmem>>
      %dma_wait3A_1935 = arith.constant 0 : i32
      %dma_wait3A_1936 = arith.constant 0 : i32
      %dma_wait3A_1937 = tpu.memref_slice %arg6[%select_n3A_1901, %dma_wait3A_1929, %sub3A_1904, %dma_wait3A_1935, %dma_wait3A_1936] : memref<50x4x128x8x128xf32, #tpu.memory_space<hbm>> -> memref<1x1x1x8x128xf32, #tpu.memory_space<hbm>>
      %dma_wait3A_1938 = tpu.memref_squeeze %dma_wait3A_1937 : memref<1x1x1x8x128xf32, #tpu.memory_space<hbm>> -> memref<8x128xf32, #tpu.memory_space<hbm>>
      %dma_wait3A_1939 = tpu.memref_slice %arg11[%dma_wait3A_1930] : memref<8x!tpu.dma_semaphore, #tpu.memory_space<semaphore_mem>> -> memref<1x!tpu.dma_semaphore, #tpu.memory_space<semaphore_mem>>
      %dma_wait3A_1940 = tpu.memref_squeeze %dma_wait3A_1939 : memref<1x!tpu.dma_semaphore, #tpu.memory_space<semaphore_mem>> -> memref<!tpu.dma_semaphore, #tpu.memory_space<semaphore_mem>>
      %dma_wait3A_1941 = arith.constant 0 : i32
      %dma_wait3A_1942 = arith.constant 0 : i32
      %dma_wait3A_1943 = tpu.memref_slice %arg6[%select_n3A_1901, %dma_wait3A_1929, %sub3A_1904, %dma_wait3A_1941, %dma_wait3A_1942] : memref<50x4x128x8x128xf32, #tpu.memory_space<hbm>> -> memref<1x1x1x8x128xf32, #tpu.memory_space<hbm>>
      %dma_wait3A_1944 = tpu.memref_squeeze %dma_wait3A_1943 : memref<1x1x1x8x128xf32, #tpu.memory_space<hbm>> -> memref<8x128xf32, #tpu.memory_space<hbm>>
      %dma_wait3A_1945 = arith.constant 0 : i32
      %dma_wait3A_1946 = arith.constant 0 : i32
      %dma_wait3A_1947 = tpu.memref_slice %arg10[%dma_wait3A_1927, %dma_wait3A_1928, %dma_wait3A_1945, %dma_wait3A_1946] : memref<8x4x8x128xf32, #tpu.memory_space<vmem>> -> memref<1x1x8x128xf32, #tpu.memory_space<vmem>>
      %dma_wait3A_1948 = tpu.memref_squeeze %dma_wait3A_1947 : memref<1x1x8x128xf32, #tpu.memory_space<vmem>> -> memref<8x128xf32, #tpu.memory_space<vmem>>
      tpu.wait_dma2 semaphore(%dma_wait3A_1940 : memref<!tpu.dma_semaphore, #tpu.memory_space<semaphore_mem>>) src(%dma_wait3A_1948 : memref<8x128xf32, #tpu.memory_space<vmem>>) dst(%dma_wait3A_1944 : memref<8x128xf32, #tpu.memory_space<hbm>>)
      %dma_wait3A_1949 = arith.constant 3 : i32
      %dma_wait3A_1950 = arith.constant 2 : i32
      %dma_wait3A_1951 = arith.constant 2 : i32
      %dma_wait3A_1952 = arith.constant 3 : i32
      %dma_wait3A_1953 = arith.constant 0 : i32
      %dma_wait3A_1954 = arith.constant 0 : i32
      %dma_wait3A_1955 = tpu.memref_slice %arg10[%dma_wait3A_1949, %dma_wait3A_1950, %dma_wait3A_1953, %dma_wait3A_1954] : memref<8x4x8x128xf32, #tpu.memory_space<vmem>> -> memref<1x1x8x128xf32, #tpu.memory_space<vmem>>
      %dma_wait3A_1956 = tpu.memref_squeeze %dma_wait3A_1955 : memref<1x1x8x128xf32, #tpu.memory_space<vmem>> -> memref<8x128xf32, #tpu.memory_space<vmem>>
      %dma_wait3A_1957 = arith.constant 0 : i32
      %dma_wait3A_1958 = arith.constant 0 : i32
      %dma_wait3A_1959 = tpu.memref_slice %arg6[%select_n3A_1901, %dma_wait3A_1951, %sub3A_1904, %dma_wait3A_1957, %dma_wait3A_1958] : memref<50x4x128x8x128xf32, #tpu.memory_space<hbm>> -> memref<1x1x1x8x128xf32, #tpu.memory_space<hbm>>
      %dma_wait3A_1960 = tpu.memref_squeeze %dma_wait3A_1959 : memref<1x1x1x8x128xf32, #tpu.memory_space<hbm>> -> memref<8x128xf32, #tpu.memory_space<hbm>>
      %dma_wait3A_1961 = tpu.memref_slice %arg11[%dma_wait3A_1952] : memref<8x!tpu.dma_semaphore, #tpu.memory_space<semaphore_mem>> -> memref<1x!tpu.dma_semaphore, #tpu.memory_space<semaphore_mem>>
      %dma_wait3A_1962 = tpu.memref_squeeze %dma_wait3A_1961 : memref<1x!tpu.dma_semaphore, #tpu.memory_space<semaphore_mem>> -> memref<!tpu.dma_semaphore, #tpu.memory_space<semaphore_mem>>
      %dma_wait3A_1963 = arith.constant 0 : i32
      %dma_wait3A_1964 = arith.constant 0 : i32
      %dma_wait3A_1965 = tpu.memref_slice %arg6[%select_n3A_1901, %dma_wait3A_1951, %sub3A_1904, %dma_wait3A_1963, %dma_wait3A_1964] : memref<50x4x128x8x128xf32, #tpu.memory_space<hbm>> -> memref<1x1x1x8x128xf32, #tpu.memory_space<hbm>>
      %dma_wait3A_1966 = tpu.memref_squeeze %dma_wait3A_1965 : memref<1x1x1x8x128xf32, #tpu.memory_space<hbm>> -> memref<8x128xf32, #tpu.memory_space<hbm>>
      %dma_wait3A_1967 = arith.constant 0 : i32
      %dma_wait3A_1968 = arith.constant 0 : i32
      %dma_wait3A_1969 = tpu.memref_slice %arg10[%dma_wait3A_1949, %dma_wait3A_1950, %dma_wait3A_1967, %dma_wait3A_1968] : memref<8x4x8x128xf32, #tpu.memory_space<vmem>> -> memref<1x1x8x128xf32, #tpu.memory_space<vmem>>
      %dma_wait3A_1970 = tpu.memref_squeeze %dma_wait3A_1969 : memref<1x1x8x128xf32, #tpu.memory_space<vmem>> -> memref<8x128xf32, #tpu.memory_space<vmem>>
      tpu.wait_dma2 semaphore(%dma_wait3A_1962 : memref<!tpu.dma_semaphore, #tpu.memory_space<semaphore_mem>>) src(%dma_wait3A_1970 : memref<8x128xf32, #tpu.memory_space<vmem>>) dst(%dma_wait3A_1966 : memref<8x128xf32, #tpu.memory_space<hbm>>)
      %dma_wait3A_1971 = arith.constant 3 : i32
      %dma_wait3A_1972 = arith.constant 3 : i32
      %dma_wait3A_1973 = arith.constant 3 : i32
      %dma_wait3A_1974 = arith.constant 3 : i32
      %dma_wait3A_1975 = arith.constant 0 : i32
      %dma_wait3A_1976 = arith.constant 0 : i32
      %dma_wait3A_1977 = tpu.memref_slice %arg10[%dma_wait3A_1971, %dma_wait3A_1972, %dma_wait3A_1975, %dma_wait3A_1976] : memref<8x4x8x128xf32, #tpu.memory_space<vmem>> -> memref<1x1x8x128xf32, #tpu.memory_space<vmem>>
      %dma_wait3A_1978 = tpu.memref_squeeze %dma_wait3A_1977 : memref<1x1x8x128xf32, #tpu.memory_space<vmem>> -> memref<8x128xf32, #tpu.memory_space<vmem>>
      %dma_wait3A_1979 = arith.constant 0 : i32
      %dma_wait3A_1980 = arith.constant 0 : i32
      %dma_wait3A_1981 = tpu.memref_slice %arg6[%select_n3A_1901, %dma_wait3A_1973, %sub3A_1904, %dma_wait3A_1979, %dma_wait3A_1980] : memref<50x4x128x8x128xf32, #tpu.memory_space<hbm>> -> memref<1x1x1x8x128xf32, #tpu.memory_space<hbm>>
      %dma_wait3A_1982 = tpu.memref_squeeze %dma_wait3A_1981 : memref<1x1x1x8x128xf32, #tpu.memory_space<hbm>> -> memref<8x128xf32, #tpu.memory_space<hbm>>
      %dma_wait3A_1983 = tpu.memref_slice %arg11[%dma_wait3A_1974] : memref<8x!tpu.dma_semaphore, #tpu.memory_space<semaphore_mem>> -> memref<1x!tpu.dma_semaphore, #tpu.memory_space<semaphore_mem>>
      %dma_wait3A_1984 = tpu.memref_squeeze %dma_wait3A_1983 : memref<1x!tpu.dma_semaphore, #tpu.memory_space<semaphore_mem>> -> memref<!tpu.dma_semaphore, #tpu.memory_space<semaphore_mem>>
      %dma_wait3A_1985 = arith.constant 0 : i32
      %dma_wait3A_1986 = arith.constant 0 : i32
      %dma_wait3A_1987 = tpu.memref_slice %arg6[%select_n3A_1901, %dma_wait3A_1973, %sub3A_1904, %dma_wait3A_1985, %dma_wait3A_1986] : memref<50x4x128x8x128xf32, #tpu.memory_space<hbm>> -> memref<1x1x1x8x128xf32, #tpu.memory_space<hbm>>
      %dma_wait3A_1988 = tpu.memref_squeeze %dma_wait3A_1987 : memref<1x1x1x8x128xf32, #tpu.memory_space<hbm>> -> memref<8x128xf32, #tpu.memory_space<hbm>>
      %dma_wait3A_1989 = arith.constant 0 : i32
      %dma_wait3A_1990 = arith.constant 0 : i32
      %dma_wait3A_1991 = tpu.memref_slice %arg10[%dma_wait3A_1971, %dma_wait3A_1972, %dma_wait3A_1989, %dma_wait3A_1990] : memref<8x4x8x128xf32, #tpu.memory_space<vmem>> -> memref<1x1x8x128xf32, #tpu.memory_space<vmem>>
      %dma_wait3A_1992 = tpu.memref_squeeze %dma_wait3A_1991 : memref<1x1x8x128xf32, #tpu.memory_space<vmem>> -> memref<8x128xf32, #tpu.memory_space<vmem>>
      tpu.wait_dma2 semaphore(%dma_wait3A_1984 : memref<!tpu.dma_semaphore, #tpu.memory_space<semaphore_mem>>) src(%dma_wait3A_1992 : memref<8x128xf32, #tpu.memory_space<vmem>>) dst(%dma_wait3A_1988 : memref<8x128xf32, #tpu.memory_space<hbm>>)
      %add3A_1993 = arith.constant 1 : i32
      %add3A_1994 = arith.addi %scan3A_127, %add3A_1993 : i32
      %lt3A_1995 = arith.constant 25 : i32
      %lt3A_1996 = arith.cmpi slt, %add3A_1994, %lt3A_1995 : i32
      %convert_element_type3A_1997 = arith.extui %lt3A_1996 : i1 to i32
      %cond3A_1998 = arith.constant 0 : i32
      %cond3A_1999 = arith.cmpi ne, %convert_element_type3A_1997, %cond3A_1998 : i32
      scf.if %cond3A_1999 {
        %add3A_2508 = arith.constant 1 : i32
        %add3A_2509 = arith.addi %scan3A_127, %add3A_2508 : i32
        %mul3A_2510 = arith.constant 8 : i32
        %mul3A_2511 = arith.muli %add3A_2509, %mul3A_2510 : i32
        %add3A_2512 = arith.constant 3 : i32
        %add3A_2513 = arith.addi %mul3A_2511, %add3A_2512 : i32
        %dma_start3A_2514 = arith.constant 3 : i32
        %dma_start3A_2515 = arith.constant 3 : i32
        %dma_start3A_2516 = arith.constant 0 : i32
        %dma_start3A_2517 = arith.constant 0 : i32
        %dma_start3A_2518 = tpu.memref_slice %arg9[%dma_start3A_2514, %dma_start3A_2516, %dma_start3A_2517] : memref<8x128x32xf32, #tpu.memory_space<vmem>> -> memref<1x128x32xf32, #tpu.memory_space<vmem>>
        %dma_start3A_2519 = tpu.memref_squeeze %dma_start3A_2518 : memref<1x128x32xf32, #tpu.memory_space<vmem>> -> memref<128x32xf32, #tpu.memory_space<vmem>>
        %dma_start3A_2520 = arith.constant 0 : i32
        %dma_start3A_2521 = tpu.memref_slice %arg7[%add3A_2513, %dma_start3A_2520] : memref<200x128xi32, #tpu.memory_space<vmem>> -> memref<1x128xi32, #tpu.memory_space<vmem>>
        %dma_start3A_2522 = tpu.memref_squeeze %dma_start3A_2521 : memref<1x128xi32, #tpu.memory_space<vmem>> -> memref<128xi32, #tpu.memory_space<vmem>>
        %dma_start3A_2523 = arith.constant 0 : i32
        %dma_start3A_2524 = arith.constant 0 : i32
        %dma_start3A_2525 = tpu.memref_slice %arg4[%dma_start3A_2523, %dma_start3A_2524] : memref<1000000x32xf32, #tpu.memory_space<hbm>> -> memref<1000000x32xf32, #tpu.memory_space<hbm>>
        %dma_start3A_2526 = tpu.memref_slice %arg11[%dma_start3A_2515] : memref<8x!tpu.dma_semaphore, #tpu.memory_space<semaphore_mem>> -> memref<1x!tpu.dma_semaphore, #tpu.memory_space<semaphore_mem>>
        %dma_start3A_2527 = tpu.memref_squeeze %dma_start3A_2526 : memref<1x!tpu.dma_semaphore, #tpu.memory_space<semaphore_mem>> -> memref<!tpu.dma_semaphore, #tpu.memory_space<semaphore_mem>>
        tpu.enqueue_indirect_dma source(%dma_start3A_2525 : memref<1000000x32xf32, #tpu.memory_space<hbm>>) target(%dma_start3A_2519 : memref<128x32xf32, #tpu.memory_space<vmem>>) offsets(%dma_start3A_2522 : memref<128xi32, #tpu.memory_space<vmem>>) semaphore(%dma_start3A_2527 : memref<!tpu.dma_semaphore, #tpu.memory_space<semaphore_mem>>)
      } else {
      }
      %mul3A_2000 = arith.constant 8 : i32
      %mul3A_2001 = arith.muli %scan3A_127, %mul3A_2000 : i32
      %add3A_2002 = arith.constant 4 : i32
      %add3A_2003 = arith.addi %mul3A_2001, %add3A_2002 : i32
      %add3A_2004 = arith.addi %mul3A_2, %add3A_2003 : i32
      %jit3A_2005 = arith.constant 128 : i32
      %div3A_2006 = arith.divsi %add3A_2004, %jit3A_2005 : i32
      %sign3A_2007 = arith.constant 0 : i32
      %sign3A_2008 = arith.cmpi sgt, %add3A_2004, %sign3A_2007 : i32
      %sign3A_2009 = arith.extui %sign3A_2008 : i1 to i32
      %sign3A_2010 = arith.constant 0 : i32
      %sign3A_2011 = arith.cmpi slt, %add3A_2004, %sign3A_2010 : i32
      %sign3A_2012 = arith.extui %sign3A_2011 : i1 to i32
      %sign3A_2013 = arith.subi %sign3A_2009, %sign3A_2012 : i32
      %sign3A_2014 = arith.constant 0 : i32
      %sign3A_2015 = arith.cmpi sgt, %jit3A_2005, %sign3A_2014 : i32
      %sign3A_2016 = arith.extui %sign3A_2015 : i1 to i32
      %sign3A_2017 = arith.constant 0 : i32
      %sign3A_2018 = arith.cmpi slt, %jit3A_2005, %sign3A_2017 : i32
      %sign3A_2019 = arith.extui %sign3A_2018 : i1 to i32
      %sign3A_2020 = arith.subi %sign3A_2016, %sign3A_2019 : i32
      %ne3A_2021 = arith.cmpi ne, %sign3A_2013, %sign3A_2020 : i32
      %rem3A_2022 = arith.remsi %add3A_2004, %jit3A_2005 : i32
      %ne3A_2023 = arith.constant 0 : i32
      %ne3A_2024 = arith.cmpi ne, %rem3A_2022, %ne3A_2023 : i32
      %and3A_2025 = arith.andi %ne3A_2021, %ne3A_2024 : i1
      %sub3A_2026 = arith.constant 1 : i32
      %sub3A_2027 = arith.subi %div3A_2006, %sub3A_2026 : i32
      %select_n3A_2028 = arith.select %and3A_2025, %sub3A_2027, %div3A_2006 : i32
      %mul3A_2029 = arith.constant 128 : i32
      %mul3A_2030 = arith.muli %select_n3A_2028, %mul3A_2029 : i32
      %sub3A_2031 = arith.subi %add3A_2004, %mul3A_2030 : i32
      %dma_wait3A_2032 = arith.constant 4 : i32
      %dma_wait3A_2033 = arith.constant 0 : i32
      %dma_wait3A_2034 = arith.constant 0 : i32
      %dma_wait3A_2035 = arith.constant 4 : i32
      %dma_wait3A_2036 = arith.constant 0 : i32
      %dma_wait3A_2037 = arith.constant 0 : i32
      %dma_wait3A_2038 = tpu.memref_slice %arg10[%dma_wait3A_2032, %dma_wait3A_2033, %dma_wait3A_2036, %dma_wait3A_2037] : memref<8x4x8x128xf32, #tpu.memory_space<vmem>> -> memref<1x1x8x128xf32, #tpu.memory_space<vmem>>
      %dma_wait3A_2039 = tpu.memref_squeeze %dma_wait3A_2038 : memref<1x1x8x128xf32, #tpu.memory_space<vmem>> -> memref<8x128xf32, #tpu.memory_space<vmem>>
      %dma_wait3A_2040 = arith.constant 0 : i32
      %dma_wait3A_2041 = arith.constant 0 : i32
      %dma_wait3A_2042 = tpu.memref_slice %arg6[%select_n3A_2028, %dma_wait3A_2034, %sub3A_2031, %dma_wait3A_2040, %dma_wait3A_2041] : memref<50x4x128x8x128xf32, #tpu.memory_space<hbm>> -> memref<1x1x1x8x128xf32, #tpu.memory_space<hbm>>
      %dma_wait3A_2043 = tpu.memref_squeeze %dma_wait3A_2042 : memref<1x1x1x8x128xf32, #tpu.memory_space<hbm>> -> memref<8x128xf32, #tpu.memory_space<hbm>>
      %dma_wait3A_2044 = tpu.memref_slice %arg11[%dma_wait3A_2035] : memref<8x!tpu.dma_semaphore, #tpu.memory_space<semaphore_mem>> -> memref<1x!tpu.dma_semaphore, #tpu.memory_space<semaphore_mem>>
      %dma_wait3A_2045 = tpu.memref_squeeze %dma_wait3A_2044 : memref<1x!tpu.dma_semaphore, #tpu.memory_space<semaphore_mem>> -> memref<!tpu.dma_semaphore, #tpu.memory_space<semaphore_mem>>
      %dma_wait3A_2046 = arith.constant 0 : i32
      %dma_wait3A_2047 = arith.constant 0 : i32
      %dma_wait3A_2048 = tpu.memref_slice %arg6[%select_n3A_2028, %dma_wait3A_2034, %sub3A_2031, %dma_wait3A_2046, %dma_wait3A_2047] : memref<50x4x128x8x128xf32, #tpu.memory_space<hbm>> -> memref<1x1x1x8x128xf32, #tpu.memory_space<hbm>>
      %dma_wait3A_2049 = tpu.memref_squeeze %dma_wait3A_2048 : memref<1x1x1x8x128xf32, #tpu.memory_space<hbm>> -> memref<8x128xf32, #tpu.memory_space<hbm>>
      %dma_wait3A_2050 = arith.constant 0 : i32
      %dma_wait3A_2051 = arith.constant 0 : i32
      %dma_wait3A_2052 = tpu.memref_slice %arg10[%dma_wait3A_2032, %dma_wait3A_2033, %dma_wait3A_2050, %dma_wait3A_2051] : memref<8x4x8x128xf32, #tpu.memory_space<vmem>> -> memref<1x1x8x128xf32, #tpu.memory_space<vmem>>
      %dma_wait3A_2053 = tpu.memref_squeeze %dma_wait3A_2052 : memref<1x1x8x128xf32, #tpu.memory_space<vmem>> -> memref<8x128xf32, #tpu.memory_space<vmem>>
      tpu.wait_dma2 semaphore(%dma_wait3A_2045 : memref<!tpu.dma_semaphore, #tpu.memory_space<semaphore_mem>>) src(%dma_wait3A_2053 : memref<8x128xf32, #tpu.memory_space<vmem>>) dst(%dma_wait3A_2049 : memref<8x128xf32, #tpu.memory_space<hbm>>)
      %dma_wait3A_2054 = arith.constant 4 : i32
      %dma_wait3A_2055 = arith.constant 1 : i32
      %dma_wait3A_2056 = arith.constant 1 : i32
      %dma_wait3A_2057 = arith.constant 4 : i32
      %dma_wait3A_2058 = arith.constant 0 : i32
      %dma_wait3A_2059 = arith.constant 0 : i32
      %dma_wait3A_2060 = tpu.memref_slice %arg10[%dma_wait3A_2054, %dma_wait3A_2055, %dma_wait3A_2058, %dma_wait3A_2059] : memref<8x4x8x128xf32, #tpu.memory_space<vmem>> -> memref<1x1x8x128xf32, #tpu.memory_space<vmem>>
      %dma_wait3A_2061 = tpu.memref_squeeze %dma_wait3A_2060 : memref<1x1x8x128xf32, #tpu.memory_space<vmem>> -> memref<8x128xf32, #tpu.memory_space<vmem>>
      %dma_wait3A_2062 = arith.constant 0 : i32
      %dma_wait3A_2063 = arith.constant 0 : i32
      %dma_wait3A_2064 = tpu.memref_slice %arg6[%select_n3A_2028, %dma_wait3A_2056, %sub3A_2031, %dma_wait3A_2062, %dma_wait3A_2063] : memref<50x4x128x8x128xf32, #tpu.memory_space<hbm>> -> memref<1x1x1x8x128xf32, #tpu.memory_space<hbm>>
      %dma_wait3A_2065 = tpu.memref_squeeze %dma_wait3A_2064 : memref<1x1x1x8x128xf32, #tpu.memory_space<hbm>> -> memref<8x128xf32, #tpu.memory_space<hbm>>
      %dma_wait3A_2066 = tpu.memref_slice %arg11[%dma_wait3A_2057] : memref<8x!tpu.dma_semaphore, #tpu.memory_space<semaphore_mem>> -> memref<1x!tpu.dma_semaphore, #tpu.memory_space<semaphore_mem>>
      %dma_wait3A_2067 = tpu.memref_squeeze %dma_wait3A_2066 : memref<1x!tpu.dma_semaphore, #tpu.memory_space<semaphore_mem>> -> memref<!tpu.dma_semaphore, #tpu.memory_space<semaphore_mem>>
      %dma_wait3A_2068 = arith.constant 0 : i32
      %dma_wait3A_2069 = arith.constant 0 : i32
      %dma_wait3A_2070 = tpu.memref_slice %arg6[%select_n3A_2028, %dma_wait3A_2056, %sub3A_2031, %dma_wait3A_2068, %dma_wait3A_2069] : memref<50x4x128x8x128xf32, #tpu.memory_space<hbm>> -> memref<1x1x1x8x128xf32, #tpu.memory_space<hbm>>
      %dma_wait3A_2071 = tpu.memref_squeeze %dma_wait3A_2070 : memref<1x1x1x8x128xf32, #tpu.memory_space<hbm>> -> memref<8x128xf32, #tpu.memory_space<hbm>>
      %dma_wait3A_2072 = arith.constant 0 : i32
      %dma_wait3A_2073 = arith.constant 0 : i32
      %dma_wait3A_2074 = tpu.memref_slice %arg10[%dma_wait3A_2054, %dma_wait3A_2055, %dma_wait3A_2072, %dma_wait3A_2073] : memref<8x4x8x128xf32, #tpu.memory_space<vmem>> -> memref<1x1x8x128xf32, #tpu.memory_space<vmem>>
      %dma_wait3A_2075 = tpu.memref_squeeze %dma_wait3A_2074 : memref<1x1x8x128xf32, #tpu.memory_space<vmem>> -> memref<8x128xf32, #tpu.memory_space<vmem>>
      tpu.wait_dma2 semaphore(%dma_wait3A_2067 : memref<!tpu.dma_semaphore, #tpu.memory_space<semaphore_mem>>) src(%dma_wait3A_2075 : memref<8x128xf32, #tpu.memory_space<vmem>>) dst(%dma_wait3A_2071 : memref<8x128xf32, #tpu.memory_space<hbm>>)
      %dma_wait3A_2076 = arith.constant 4 : i32
      %dma_wait3A_2077 = arith.constant 2 : i32
      %dma_wait3A_2078 = arith.constant 2 : i32
      %dma_wait3A_2079 = arith.constant 4 : i32
      %dma_wait3A_2080 = arith.constant 0 : i32
      %dma_wait3A_2081 = arith.constant 0 : i32
      %dma_wait3A_2082 = tpu.memref_slice %arg10[%dma_wait3A_2076, %dma_wait3A_2077, %dma_wait3A_2080, %dma_wait3A_2081] : memref<8x4x8x128xf32, #tpu.memory_space<vmem>> -> memref<1x1x8x128xf32, #tpu.memory_space<vmem>>
      %dma_wait3A_2083 = tpu.memref_squeeze %dma_wait3A_2082 : memref<1x1x8x128xf32, #tpu.memory_space<vmem>> -> memref<8x128xf32, #tpu.memory_space<vmem>>
      %dma_wait3A_2084 = arith.constant 0 : i32
      %dma_wait3A_2085 = arith.constant 0 : i32
      %dma_wait3A_2086 = tpu.memref_slice %arg6[%select_n3A_2028, %dma_wait3A_2078, %sub3A_2031, %dma_wait3A_2084, %dma_wait3A_2085] : memref<50x4x128x8x128xf32, #tpu.memory_space<hbm>> -> memref<1x1x1x8x128xf32, #tpu.memory_space<hbm>>
      %dma_wait3A_2087 = tpu.memref_squeeze %dma_wait3A_2086 : memref<1x1x1x8x128xf32, #tpu.memory_space<hbm>> -> memref<8x128xf32, #tpu.memory_space<hbm>>
      %dma_wait3A_2088 = tpu.memref_slice %arg11[%dma_wait3A_2079] : memref<8x!tpu.dma_semaphore, #tpu.memory_space<semaphore_mem>> -> memref<1x!tpu.dma_semaphore, #tpu.memory_space<semaphore_mem>>
      %dma_wait3A_2089 = tpu.memref_squeeze %dma_wait3A_2088 : memref<1x!tpu.dma_semaphore, #tpu.memory_space<semaphore_mem>> -> memref<!tpu.dma_semaphore, #tpu.memory_space<semaphore_mem>>
      %dma_wait3A_2090 = arith.constant 0 : i32
      %dma_wait3A_2091 = arith.constant 0 : i32
      %dma_wait3A_2092 = tpu.memref_slice %arg6[%select_n3A_2028, %dma_wait3A_2078, %sub3A_2031, %dma_wait3A_2090, %dma_wait3A_2091] : memref<50x4x128x8x128xf32, #tpu.memory_space<hbm>> -> memref<1x1x1x8x128xf32, #tpu.memory_space<hbm>>
      %dma_wait3A_2093 = tpu.memref_squeeze %dma_wait3A_2092 : memref<1x1x1x8x128xf32, #tpu.memory_space<hbm>> -> memref<8x128xf32, #tpu.memory_space<hbm>>
      %dma_wait3A_2094 = arith.constant 0 : i32
      %dma_wait3A_2095 = arith.constant 0 : i32
      %dma_wait3A_2096 = tpu.memref_slice %arg10[%dma_wait3A_2076, %dma_wait3A_2077, %dma_wait3A_2094, %dma_wait3A_2095] : memref<8x4x8x128xf32, #tpu.memory_space<vmem>> -> memref<1x1x8x128xf32, #tpu.memory_space<vmem>>
      %dma_wait3A_2097 = tpu.memref_squeeze %dma_wait3A_2096 : memref<1x1x8x128xf32, #tpu.memory_space<vmem>> -> memref<8x128xf32, #tpu.memory_space<vmem>>
      tpu.wait_dma2 semaphore(%dma_wait3A_2089 : memref<!tpu.dma_semaphore, #tpu.memory_space<semaphore_mem>>) src(%dma_wait3A_2097 : memref<8x128xf32, #tpu.memory_space<vmem>>) dst(%dma_wait3A_2093 : memref<8x128xf32, #tpu.memory_space<hbm>>)
      %dma_wait3A_2098 = arith.constant 4 : i32
      %dma_wait3A_2099 = arith.constant 3 : i32
      %dma_wait3A_2100 = arith.constant 3 : i32
      %dma_wait3A_2101 = arith.constant 4 : i32
      %dma_wait3A_2102 = arith.constant 0 : i32
      %dma_wait3A_2103 = arith.constant 0 : i32
      %dma_wait3A_2104 = tpu.memref_slice %arg10[%dma_wait3A_2098, %dma_wait3A_2099, %dma_wait3A_2102, %dma_wait3A_2103] : memref<8x4x8x128xf32, #tpu.memory_space<vmem>> -> memref<1x1x8x128xf32, #tpu.memory_space<vmem>>
      %dma_wait3A_2105 = tpu.memref_squeeze %dma_wait3A_2104 : memref<1x1x8x128xf32, #tpu.memory_space<vmem>> -> memref<8x128xf32, #tpu.memory_space<vmem>>
      %dma_wait3A_2106 = arith.constant 0 : i32
      %dma_wait3A_2107 = arith.constant 0 : i32
      %dma_wait3A_2108 = tpu.memref_slice %arg6[%select_n3A_2028, %dma_wait3A_2100, %sub3A_2031, %dma_wait3A_2106, %dma_wait3A_2107] : memref<50x4x128x8x128xf32, #tpu.memory_space<hbm>> -> memref<1x1x1x8x128xf32, #tpu.memory_space<hbm>>
      %dma_wait3A_2109 = tpu.memref_squeeze %dma_wait3A_2108 : memref<1x1x1x8x128xf32, #tpu.memory_space<hbm>> -> memref<8x128xf32, #tpu.memory_space<hbm>>
      %dma_wait3A_2110 = tpu.memref_slice %arg11[%dma_wait3A_2101] : memref<8x!tpu.dma_semaphore, #tpu.memory_space<semaphore_mem>> -> memref<1x!tpu.dma_semaphore, #tpu.memory_space<semaphore_mem>>
      %dma_wait3A_2111 = tpu.memref_squeeze %dma_wait3A_2110 : memref<1x!tpu.dma_semaphore, #tpu.memory_space<semaphore_mem>> -> memref<!tpu.dma_semaphore, #tpu.memory_space<semaphore_mem>>
      %dma_wait3A_2112 = arith.constant 0 : i32
      %dma_wait3A_2113 = arith.constant 0 : i32
      %dma_wait3A_2114 = tpu.memref_slice %arg6[%select_n3A_2028, %dma_wait3A_2100, %sub3A_2031, %dma_wait3A_2112, %dma_wait3A_2113] : memref<50x4x128x8x128xf32, #tpu.memory_space<hbm>> -> memref<1x1x1x8x128xf32, #tpu.memory_space<hbm>>
      %dma_wait3A_2115 = tpu.memref_squeeze %dma_wait3A_2114 : memref<1x1x1x8x128xf32, #tpu.memory_space<hbm>> -> memref<8x128xf32, #tpu.memory_space<hbm>>
      %dma_wait3A_2116 = arith.constant 0 : i32
      %dma_wait3A_2117 = arith.constant 0 : i32
      %dma_wait3A_2118 = tpu.memref_slice %arg10[%dma_wait3A_2098, %dma_wait3A_2099, %dma_wait3A_2116, %dma_wait3A_2117] : memref<8x4x8x128xf32, #tpu.memory_space<vmem>> -> memref<1x1x8x128xf32, #tpu.memory_space<vmem>>
      %dma_wait3A_2119 = tpu.memref_squeeze %dma_wait3A_2118 : memref<1x1x8x128xf32, #tpu.memory_space<vmem>> -> memref<8x128xf32, #tpu.memory_space<vmem>>
      tpu.wait_dma2 semaphore(%dma_wait3A_2111 : memref<!tpu.dma_semaphore, #tpu.memory_space<semaphore_mem>>) src(%dma_wait3A_2119 : memref<8x128xf32, #tpu.memory_space<vmem>>) dst(%dma_wait3A_2115 : memref<8x128xf32, #tpu.memory_space<hbm>>)
      %add3A_2120 = arith.constant 1 : i32
      %add3A_2121 = arith.addi %scan3A_127, %add3A_2120 : i32
      %lt3A_2122 = arith.constant 25 : i32
      %lt3A_2123 = arith.cmpi slt, %add3A_2121, %lt3A_2122 : i32
      %convert_element_type3A_2124 = arith.extui %lt3A_2123 : i1 to i32
      %cond3A_2125 = arith.constant 0 : i32
      %cond3A_2126 = arith.cmpi ne, %convert_element_type3A_2124, %cond3A_2125 : i32
      scf.if %cond3A_2126 {
        %add3A_2508 = arith.constant 1 : i32
        %add3A_2509 = arith.addi %scan3A_127, %add3A_2508 : i32
        %mul3A_2510 = arith.constant 8 : i32
        %mul3A_2511 = arith.muli %add3A_2509, %mul3A_2510 : i32
        %add3A_2512 = arith.constant 4 : i32
        %add3A_2513 = arith.addi %mul3A_2511, %add3A_2512 : i32
        %dma_start3A_2514 = arith.constant 4 : i32
        %dma_start3A_2515 = arith.constant 4 : i32
        %dma_start3A_2516 = arith.constant 0 : i32
        %dma_start3A_2517 = arith.constant 0 : i32
        %dma_start3A_2518 = tpu.memref_slice %arg9[%dma_start3A_2514, %dma_start3A_2516, %dma_start3A_2517] : memref<8x128x32xf32, #tpu.memory_space<vmem>> -> memref<1x128x32xf32, #tpu.memory_space<vmem>>
        %dma_start3A_2519 = tpu.memref_squeeze %dma_start3A_2518 : memref<1x128x32xf32, #tpu.memory_space<vmem>> -> memref<128x32xf32, #tpu.memory_space<vmem>>
        %dma_start3A_2520 = arith.constant 0 : i32
        %dma_start3A_2521 = tpu.memref_slice %arg7[%add3A_2513, %dma_start3A_2520] : memref<200x128xi32, #tpu.memory_space<vmem>> -> memref<1x128xi32, #tpu.memory_space<vmem>>
        %dma_start3A_2522 = tpu.memref_squeeze %dma_start3A_2521 : memref<1x128xi32, #tpu.memory_space<vmem>> -> memref<128xi32, #tpu.memory_space<vmem>>
        %dma_start3A_2523 = arith.constant 0 : i32
        %dma_start3A_2524 = arith.constant 0 : i32
        %dma_start3A_2525 = tpu.memref_slice %arg4[%dma_start3A_2523, %dma_start3A_2524] : memref<1000000x32xf32, #tpu.memory_space<hbm>> -> memref<1000000x32xf32, #tpu.memory_space<hbm>>
        %dma_start3A_2526 = tpu.memref_slice %arg11[%dma_start3A_2515] : memref<8x!tpu.dma_semaphore, #tpu.memory_space<semaphore_mem>> -> memref<1x!tpu.dma_semaphore, #tpu.memory_space<semaphore_mem>>
        %dma_start3A_2527 = tpu.memref_squeeze %dma_start3A_2526 : memref<1x!tpu.dma_semaphore, #tpu.memory_space<semaphore_mem>> -> memref<!tpu.dma_semaphore, #tpu.memory_space<semaphore_mem>>
        tpu.enqueue_indirect_dma source(%dma_start3A_2525 : memref<1000000x32xf32, #tpu.memory_space<hbm>>) target(%dma_start3A_2519 : memref<128x32xf32, #tpu.memory_space<vmem>>) offsets(%dma_start3A_2522 : memref<128xi32, #tpu.memory_space<vmem>>) semaphore(%dma_start3A_2527 : memref<!tpu.dma_semaphore, #tpu.memory_space<semaphore_mem>>)
      } else {
      }
      %mul3A_2127 = arith.constant 8 : i32
      %mul3A_2128 = arith.muli %scan3A_127, %mul3A_2127 : i32
      %add3A_2129 = arith.constant 5 : i32
      %add3A_2130 = arith.addi %mul3A_2128, %add3A_2129 : i32
      %add3A_2131 = arith.addi %mul3A_2, %add3A_2130 : i32
      %jit3A_2132 = arith.constant 128 : i32
      %div3A_2133 = arith.divsi %add3A_2131, %jit3A_2132 : i32
      %sign3A_2134 = arith.constant 0 : i32
      %sign3A_2135 = arith.cmpi sgt, %add3A_2131, %sign3A_2134 : i32
      %sign3A_2136 = arith.extui %sign3A_2135 : i1 to i32
      %sign3A_2137 = arith.constant 0 : i32
      %sign3A_2138 = arith.cmpi slt, %add3A_2131, %sign3A_2137 : i32
      %sign3A_2139 = arith.extui %sign3A_2138 : i1 to i32
      %sign3A_2140 = arith.subi %sign3A_2136, %sign3A_2139 : i32
      %sign3A_2141 = arith.constant 0 : i32
      %sign3A_2142 = arith.cmpi sgt, %jit3A_2132, %sign3A_2141 : i32
      %sign3A_2143 = arith.extui %sign3A_2142 : i1 to i32
      %sign3A_2144 = arith.constant 0 : i32
      %sign3A_2145 = arith.cmpi slt, %jit3A_2132, %sign3A_2144 : i32
      %sign3A_2146 = arith.extui %sign3A_2145 : i1 to i32
      %sign3A_2147 = arith.subi %sign3A_2143, %sign3A_2146 : i32
      %ne3A_2148 = arith.cmpi ne, %sign3A_2140, %sign3A_2147 : i32
      %rem3A_2149 = arith.remsi %add3A_2131, %jit3A_2132 : i32
      %ne3A_2150 = arith.constant 0 : i32
      %ne3A_2151 = arith.cmpi ne, %rem3A_2149, %ne3A_2150 : i32
      %and3A_2152 = arith.andi %ne3A_2148, %ne3A_2151 : i1
      %sub3A_2153 = arith.constant 1 : i32
      %sub3A_2154 = arith.subi %div3A_2133, %sub3A_2153 : i32
      %select_n3A_2155 = arith.select %and3A_2152, %sub3A_2154, %div3A_2133 : i32
      %mul3A_2156 = arith.constant 128 : i32
      %mul3A_2157 = arith.muli %select_n3A_2155, %mul3A_2156 : i32
      %sub3A_2158 = arith.subi %add3A_2131, %mul3A_2157 : i32
      %dma_wait3A_2159 = arith.constant 5 : i32
      %dma_wait3A_2160 = arith.constant 0 : i32
      %dma_wait3A_2161 = arith.constant 0 : i32
      %dma_wait3A_2162 = arith.constant 5 : i32
      %dma_wait3A_2163 = arith.constant 0 : i32
      %dma_wait3A_2164 = arith.constant 0 : i32
      %dma_wait3A_2165 = tpu.memref_slice %arg10[%dma_wait3A_2159, %dma_wait3A_2160, %dma_wait3A_2163, %dma_wait3A_2164] : memref<8x4x8x128xf32, #tpu.memory_space<vmem>> -> memref<1x1x8x128xf32, #tpu.memory_space<vmem>>
      %dma_wait3A_2166 = tpu.memref_squeeze %dma_wait3A_2165 : memref<1x1x8x128xf32, #tpu.memory_space<vmem>> -> memref<8x128xf32, #tpu.memory_space<vmem>>
      %dma_wait3A_2167 = arith.constant 0 : i32
      %dma_wait3A_2168 = arith.constant 0 : i32
      %dma_wait3A_2169 = tpu.memref_slice %arg6[%select_n3A_2155, %dma_wait3A_2161, %sub3A_2158, %dma_wait3A_2167, %dma_wait3A_2168] : memref<50x4x128x8x128xf32, #tpu.memory_space<hbm>> -> memref<1x1x1x8x128xf32, #tpu.memory_space<hbm>>
      %dma_wait3A_2170 = tpu.memref_squeeze %dma_wait3A_2169 : memref<1x1x1x8x128xf32, #tpu.memory_space<hbm>> -> memref<8x128xf32, #tpu.memory_space<hbm>>
      %dma_wait3A_2171 = tpu.memref_slice %arg11[%dma_wait3A_2162] : memref<8x!tpu.dma_semaphore, #tpu.memory_space<semaphore_mem>> -> memref<1x!tpu.dma_semaphore, #tpu.memory_space<semaphore_mem>>
      %dma_wait3A_2172 = tpu.memref_squeeze %dma_wait3A_2171 : memref<1x!tpu.dma_semaphore, #tpu.memory_space<semaphore_mem>> -> memref<!tpu.dma_semaphore, #tpu.memory_space<semaphore_mem>>
      %dma_wait3A_2173 = arith.constant 0 : i32
      %dma_wait3A_2174 = arith.constant 0 : i32
      %dma_wait3A_2175 = tpu.memref_slice %arg6[%select_n3A_2155, %dma_wait3A_2161, %sub3A_2158, %dma_wait3A_2173, %dma_wait3A_2174] : memref<50x4x128x8x128xf32, #tpu.memory_space<hbm>> -> memref<1x1x1x8x128xf32, #tpu.memory_space<hbm>>
      %dma_wait3A_2176 = tpu.memref_squeeze %dma_wait3A_2175 : memref<1x1x1x8x128xf32, #tpu.memory_space<hbm>> -> memref<8x128xf32, #tpu.memory_space<hbm>>
      %dma_wait3A_2177 = arith.constant 0 : i32
      %dma_wait3A_2178 = arith.constant 0 : i32
      %dma_wait3A_2179 = tpu.memref_slice %arg10[%dma_wait3A_2159, %dma_wait3A_2160, %dma_wait3A_2177, %dma_wait3A_2178] : memref<8x4x8x128xf32, #tpu.memory_space<vmem>> -> memref<1x1x8x128xf32, #tpu.memory_space<vmem>>
      %dma_wait3A_2180 = tpu.memref_squeeze %dma_wait3A_2179 : memref<1x1x8x128xf32, #tpu.memory_space<vmem>> -> memref<8x128xf32, #tpu.memory_space<vmem>>
      tpu.wait_dma2 semaphore(%dma_wait3A_2172 : memref<!tpu.dma_semaphore, #tpu.memory_space<semaphore_mem>>) src(%dma_wait3A_2180 : memref<8x128xf32, #tpu.memory_space<vmem>>) dst(%dma_wait3A_2176 : memref<8x128xf32, #tpu.memory_space<hbm>>)
      %dma_wait3A_2181 = arith.constant 5 : i32
      %dma_wait3A_2182 = arith.constant 1 : i32
      %dma_wait3A_2183 = arith.constant 1 : i32
      %dma_wait3A_2184 = arith.constant 5 : i32
      %dma_wait3A_2185 = arith.constant 0 : i32
      %dma_wait3A_2186 = arith.constant 0 : i32
      %dma_wait3A_2187 = tpu.memref_slice %arg10[%dma_wait3A_2181, %dma_wait3A_2182, %dma_wait3A_2185, %dma_wait3A_2186] : memref<8x4x8x128xf32, #tpu.memory_space<vmem>> -> memref<1x1x8x128xf32, #tpu.memory_space<vmem>>
      %dma_wait3A_2188 = tpu.memref_squeeze %dma_wait3A_2187 : memref<1x1x8x128xf32, #tpu.memory_space<vmem>> -> memref<8x128xf32, #tpu.memory_space<vmem>>
      %dma_wait3A_2189 = arith.constant 0 : i32
      %dma_wait3A_2190 = arith.constant 0 : i32
      %dma_wait3A_2191 = tpu.memref_slice %arg6[%select_n3A_2155, %dma_wait3A_2183, %sub3A_2158, %dma_wait3A_2189, %dma_wait3A_2190] : memref<50x4x128x8x128xf32, #tpu.memory_space<hbm>> -> memref<1x1x1x8x128xf32, #tpu.memory_space<hbm>>
      %dma_wait3A_2192 = tpu.memref_squeeze %dma_wait3A_2191 : memref<1x1x1x8x128xf32, #tpu.memory_space<hbm>> -> memref<8x128xf32, #tpu.memory_space<hbm>>
      %dma_wait3A_2193 = tpu.memref_slice %arg11[%dma_wait3A_2184] : memref<8x!tpu.dma_semaphore, #tpu.memory_space<semaphore_mem>> -> memref<1x!tpu.dma_semaphore, #tpu.memory_space<semaphore_mem>>
      %dma_wait3A_2194 = tpu.memref_squeeze %dma_wait3A_2193 : memref<1x!tpu.dma_semaphore, #tpu.memory_space<semaphore_mem>> -> memref<!tpu.dma_semaphore, #tpu.memory_space<semaphore_mem>>
      %dma_wait3A_2195 = arith.constant 0 : i32
      %dma_wait3A_2196 = arith.constant 0 : i32
      %dma_wait3A_2197 = tpu.memref_slice %arg6[%select_n3A_2155, %dma_wait3A_2183, %sub3A_2158, %dma_wait3A_2195, %dma_wait3A_2196] : memref<50x4x128x8x128xf32, #tpu.memory_space<hbm>> -> memref<1x1x1x8x128xf32, #tpu.memory_space<hbm>>
      %dma_wait3A_2198 = tpu.memref_squeeze %dma_wait3A_2197 : memref<1x1x1x8x128xf32, #tpu.memory_space<hbm>> -> memref<8x128xf32, #tpu.memory_space<hbm>>
      %dma_wait3A_2199 = arith.constant 0 : i32
      %dma_wait3A_2200 = arith.constant 0 : i32
      %dma_wait3A_2201 = tpu.memref_slice %arg10[%dma_wait3A_2181, %dma_wait3A_2182, %dma_wait3A_2199, %dma_wait3A_2200] : memref<8x4x8x128xf32, #tpu.memory_space<vmem>> -> memref<1x1x8x128xf32, #tpu.memory_space<vmem>>
      %dma_wait3A_2202 = tpu.memref_squeeze %dma_wait3A_2201 : memref<1x1x8x128xf32, #tpu.memory_space<vmem>> -> memref<8x128xf32, #tpu.memory_space<vmem>>
      tpu.wait_dma2 semaphore(%dma_wait3A_2194 : memref<!tpu.dma_semaphore, #tpu.memory_space<semaphore_mem>>) src(%dma_wait3A_2202 : memref<8x128xf32, #tpu.memory_space<vmem>>) dst(%dma_wait3A_2198 : memref<8x128xf32, #tpu.memory_space<hbm>>)
      %dma_wait3A_2203 = arith.constant 5 : i32
      %dma_wait3A_2204 = arith.constant 2 : i32
      %dma_wait3A_2205 = arith.constant 2 : i32
      %dma_wait3A_2206 = arith.constant 5 : i32
      %dma_wait3A_2207 = arith.constant 0 : i32
      %dma_wait3A_2208 = arith.constant 0 : i32
      %dma_wait3A_2209 = tpu.memref_slice %arg10[%dma_wait3A_2203, %dma_wait3A_2204, %dma_wait3A_2207, %dma_wait3A_2208] : memref<8x4x8x128xf32, #tpu.memory_space<vmem>> -> memref<1x1x8x128xf32, #tpu.memory_space<vmem>>
      %dma_wait3A_2210 = tpu.memref_squeeze %dma_wait3A_2209 : memref<1x1x8x128xf32, #tpu.memory_space<vmem>> -> memref<8x128xf32, #tpu.memory_space<vmem>>
      %dma_wait3A_2211 = arith.constant 0 : i32
      %dma_wait3A_2212 = arith.constant 0 : i32
      %dma_wait3A_2213 = tpu.memref_slice %arg6[%select_n3A_2155, %dma_wait3A_2205, %sub3A_2158, %dma_wait3A_2211, %dma_wait3A_2212] : memref<50x4x128x8x128xf32, #tpu.memory_space<hbm>> -> memref<1x1x1x8x128xf32, #tpu.memory_space<hbm>>
      %dma_wait3A_2214 = tpu.memref_squeeze %dma_wait3A_2213 : memref<1x1x1x8x128xf32, #tpu.memory_space<hbm>> -> memref<8x128xf32, #tpu.memory_space<hbm>>
      %dma_wait3A_2215 = tpu.memref_slice %arg11[%dma_wait3A_2206] : memref<8x!tpu.dma_semaphore, #tpu.memory_space<semaphore_mem>> -> memref<1x!tpu.dma_semaphore, #tpu.memory_space<semaphore_mem>>
      %dma_wait3A_2216 = tpu.memref_squeeze %dma_wait3A_2215 : memref<1x!tpu.dma_semaphore, #tpu.memory_space<semaphore_mem>> -> memref<!tpu.dma_semaphore, #tpu.memory_space<semaphore_mem>>
      %dma_wait3A_2217 = arith.constant 0 : i32
      %dma_wait3A_2218 = arith.constant 0 : i32
      %dma_wait3A_2219 = tpu.memref_slice %arg6[%select_n3A_2155, %dma_wait3A_2205, %sub3A_2158, %dma_wait3A_2217, %dma_wait3A_2218] : memref<50x4x128x8x128xf32, #tpu.memory_space<hbm>> -> memref<1x1x1x8x128xf32, #tpu.memory_space<hbm>>
      %dma_wait3A_2220 = tpu.memref_squeeze %dma_wait3A_2219 : memref<1x1x1x8x128xf32, #tpu.memory_space<hbm>> -> memref<8x128xf32, #tpu.memory_space<hbm>>
      %dma_wait3A_2221 = arith.constant 0 : i32
      %dma_wait3A_2222 = arith.constant 0 : i32
      %dma_wait3A_2223 = tpu.memref_slice %arg10[%dma_wait3A_2203, %dma_wait3A_2204, %dma_wait3A_2221, %dma_wait3A_2222] : memref<8x4x8x128xf32, #tpu.memory_space<vmem>> -> memref<1x1x8x128xf32, #tpu.memory_space<vmem>>
      %dma_wait3A_2224 = tpu.memref_squeeze %dma_wait3A_2223 : memref<1x1x8x128xf32, #tpu.memory_space<vmem>> -> memref<8x128xf32, #tpu.memory_space<vmem>>
      tpu.wait_dma2 semaphore(%dma_wait3A_2216 : memref<!tpu.dma_semaphore, #tpu.memory_space<semaphore_mem>>) src(%dma_wait3A_2224 : memref<8x128xf32, #tpu.memory_space<vmem>>) dst(%dma_wait3A_2220 : memref<8x128xf32, #tpu.memory_space<hbm>>)
      %dma_wait3A_2225 = arith.constant 5 : i32
      %dma_wait3A_2226 = arith.constant 3 : i32
      %dma_wait3A_2227 = arith.constant 3 : i32
      %dma_wait3A_2228 = arith.constant 5 : i32
      %dma_wait3A_2229 = arith.constant 0 : i32
      %dma_wait3A_2230 = arith.constant 0 : i32
      %dma_wait3A_2231 = tpu.memref_slice %arg10[%dma_wait3A_2225, %dma_wait3A_2226, %dma_wait3A_2229, %dma_wait3A_2230] : memref<8x4x8x128xf32, #tpu.memory_space<vmem>> -> memref<1x1x8x128xf32, #tpu.memory_space<vmem>>
      %dma_wait3A_2232 = tpu.memref_squeeze %dma_wait3A_2231 : memref<1x1x8x128xf32, #tpu.memory_space<vmem>> -> memref<8x128xf32, #tpu.memory_space<vmem>>
      %dma_wait3A_2233 = arith.constant 0 : i32
      %dma_wait3A_2234 = arith.constant 0 : i32
      %dma_wait3A_2235 = tpu.memref_slice %arg6[%select_n3A_2155, %dma_wait3A_2227, %sub3A_2158, %dma_wait3A_2233, %dma_wait3A_2234] : memref<50x4x128x8x128xf32, #tpu.memory_space<hbm>> -> memref<1x1x1x8x128xf32, #tpu.memory_space<hbm>>
      %dma_wait3A_2236 = tpu.memref_squeeze %dma_wait3A_2235 : memref<1x1x1x8x128xf32, #tpu.memory_space<hbm>> -> memref<8x128xf32, #tpu.memory_space<hbm>>
      %dma_wait3A_2237 = tpu.memref_slice %arg11[%dma_wait3A_2228] : memref<8x!tpu.dma_semaphore, #tpu.memory_space<semaphore_mem>> -> memref<1x!tpu.dma_semaphore, #tpu.memory_space<semaphore_mem>>
      %dma_wait3A_2238 = tpu.memref_squeeze %dma_wait3A_2237 : memref<1x!tpu.dma_semaphore, #tpu.memory_space<semaphore_mem>> -> memref<!tpu.dma_semaphore, #tpu.memory_space<semaphore_mem>>
      %dma_wait3A_2239 = arith.constant 0 : i32
      %dma_wait3A_2240 = arith.constant 0 : i32
      %dma_wait3A_2241 = tpu.memref_slice %arg6[%select_n3A_2155, %dma_wait3A_2227, %sub3A_2158, %dma_wait3A_2239, %dma_wait3A_2240] : memref<50x4x128x8x128xf32, #tpu.memory_space<hbm>> -> memref<1x1x1x8x128xf32, #tpu.memory_space<hbm>>
      %dma_wait3A_2242 = tpu.memref_squeeze %dma_wait3A_2241 : memref<1x1x1x8x128xf32, #tpu.memory_space<hbm>> -> memref<8x128xf32, #tpu.memory_space<hbm>>
      %dma_wait3A_2243 = arith.constant 0 : i32
      %dma_wait3A_2244 = arith.constant 0 : i32
      %dma_wait3A_2245 = tpu.memref_slice %arg10[%dma_wait3A_2225, %dma_wait3A_2226, %dma_wait3A_2243, %dma_wait3A_2244] : memref<8x4x8x128xf32, #tpu.memory_space<vmem>> -> memref<1x1x8x128xf32, #tpu.memory_space<vmem>>
      %dma_wait3A_2246 = tpu.memref_squeeze %dma_wait3A_2245 : memref<1x1x8x128xf32, #tpu.memory_space<vmem>> -> memref<8x128xf32, #tpu.memory_space<vmem>>
      tpu.wait_dma2 semaphore(%dma_wait3A_2238 : memref<!tpu.dma_semaphore, #tpu.memory_space<semaphore_mem>>) src(%dma_wait3A_2246 : memref<8x128xf32, #tpu.memory_space<vmem>>) dst(%dma_wait3A_2242 : memref<8x128xf32, #tpu.memory_space<hbm>>)
      %add3A_2247 = arith.constant 1 : i32
      %add3A_2248 = arith.addi %scan3A_127, %add3A_2247 : i32
      %lt3A_2249 = arith.constant 25 : i32
      %lt3A_2250 = arith.cmpi slt, %add3A_2248, %lt3A_2249 : i32
      %convert_element_type3A_2251 = arith.extui %lt3A_2250 : i1 to i32
      %cond3A_2252 = arith.constant 0 : i32
      %cond3A_2253 = arith.cmpi ne, %convert_element_type3A_2251, %cond3A_2252 : i32
      scf.if %cond3A_2253 {
        %add3A_2508 = arith.constant 1 : i32
        %add3A_2509 = arith.addi %scan3A_127, %add3A_2508 : i32
        %mul3A_2510 = arith.constant 8 : i32
        %mul3A_2511 = arith.muli %add3A_2509, %mul3A_2510 : i32
        %add3A_2512 = arith.constant 5 : i32
        %add3A_2513 = arith.addi %mul3A_2511, %add3A_2512 : i32
        %dma_start3A_2514 = arith.constant 5 : i32
        %dma_start3A_2515 = arith.constant 5 : i32
        %dma_start3A_2516 = arith.constant 0 : i32
        %dma_start3A_2517 = arith.constant 0 : i32
        %dma_start3A_2518 = tpu.memref_slice %arg9[%dma_start3A_2514, %dma_start3A_2516, %dma_start3A_2517] : memref<8x128x32xf32, #tpu.memory_space<vmem>> -> memref<1x128x32xf32, #tpu.memory_space<vmem>>
        %dma_start3A_2519 = tpu.memref_squeeze %dma_start3A_2518 : memref<1x128x32xf32, #tpu.memory_space<vmem>> -> memref<128x32xf32, #tpu.memory_space<vmem>>
        %dma_start3A_2520 = arith.constant 0 : i32
        %dma_start3A_2521 = tpu.memref_slice %arg7[%add3A_2513, %dma_start3A_2520] : memref<200x128xi32, #tpu.memory_space<vmem>> -> memref<1x128xi32, #tpu.memory_space<vmem>>
        %dma_start3A_2522 = tpu.memref_squeeze %dma_start3A_2521 : memref<1x128xi32, #tpu.memory_space<vmem>> -> memref<128xi32, #tpu.memory_space<vmem>>
        %dma_start3A_2523 = arith.constant 0 : i32
        %dma_start3A_2524 = arith.constant 0 : i32
        %dma_start3A_2525 = tpu.memref_slice %arg4[%dma_start3A_2523, %dma_start3A_2524] : memref<1000000x32xf32, #tpu.memory_space<hbm>> -> memref<1000000x32xf32, #tpu.memory_space<hbm>>
        %dma_start3A_2526 = tpu.memref_slice %arg11[%dma_start3A_2515] : memref<8x!tpu.dma_semaphore, #tpu.memory_space<semaphore_mem>> -> memref<1x!tpu.dma_semaphore, #tpu.memory_space<semaphore_mem>>
        %dma_start3A_2527 = tpu.memref_squeeze %dma_start3A_2526 : memref<1x!tpu.dma_semaphore, #tpu.memory_space<semaphore_mem>> -> memref<!tpu.dma_semaphore, #tpu.memory_space<semaphore_mem>>
        tpu.enqueue_indirect_dma source(%dma_start3A_2525 : memref<1000000x32xf32, #tpu.memory_space<hbm>>) target(%dma_start3A_2519 : memref<128x32xf32, #tpu.memory_space<vmem>>) offsets(%dma_start3A_2522 : memref<128xi32, #tpu.memory_space<vmem>>) semaphore(%dma_start3A_2527 : memref<!tpu.dma_semaphore, #tpu.memory_space<semaphore_mem>>)
      } else {
      }
      %mul3A_2254 = arith.constant 8 : i32
      %mul3A_2255 = arith.muli %scan3A_127, %mul3A_2254 : i32
      %add3A_2256 = arith.constant 6 : i32
      %add3A_2257 = arith.addi %mul3A_2255, %add3A_2256 : i32
      %add3A_2258 = arith.addi %mul3A_2, %add3A_2257 : i32
      %jit3A_2259 = arith.constant 128 : i32
      %div3A_2260 = arith.divsi %add3A_2258, %jit3A_2259 : i32
      %sign3A_2261 = arith.constant 0 : i32
      %sign3A_2262 = arith.cmpi sgt, %add3A_2258, %sign3A_2261 : i32
      %sign3A_2263 = arith.extui %sign3A_2262 : i1 to i32
      %sign3A_2264 = arith.constant 0 : i32
      %sign3A_2265 = arith.cmpi slt, %add3A_2258, %sign3A_2264 : i32
      %sign3A_2266 = arith.extui %sign3A_2265 : i1 to i32
      %sign3A_2267 = arith.subi %sign3A_2263, %sign3A_2266 : i32
      %sign3A_2268 = arith.constant 0 : i32
      %sign3A_2269 = arith.cmpi sgt, %jit3A_2259, %sign3A_2268 : i32
      %sign3A_2270 = arith.extui %sign3A_2269 : i1 to i32
      %sign3A_2271 = arith.constant 0 : i32
      %sign3A_2272 = arith.cmpi slt, %jit3A_2259, %sign3A_2271 : i32
      %sign3A_2273 = arith.extui %sign3A_2272 : i1 to i32
      %sign3A_2274 = arith.subi %sign3A_2270, %sign3A_2273 : i32
      %ne3A_2275 = arith.cmpi ne, %sign3A_2267, %sign3A_2274 : i32
      %rem3A_2276 = arith.remsi %add3A_2258, %jit3A_2259 : i32
      %ne3A_2277 = arith.constant 0 : i32
      %ne3A_2278 = arith.cmpi ne, %rem3A_2276, %ne3A_2277 : i32
      %and3A_2279 = arith.andi %ne3A_2275, %ne3A_2278 : i1
      %sub3A_2280 = arith.constant 1 : i32
      %sub3A_2281 = arith.subi %div3A_2260, %sub3A_2280 : i32
      %select_n3A_2282 = arith.select %and3A_2279, %sub3A_2281, %div3A_2260 : i32
      %mul3A_2283 = arith.constant 128 : i32
      %mul3A_2284 = arith.muli %select_n3A_2282, %mul3A_2283 : i32
      %sub3A_2285 = arith.subi %add3A_2258, %mul3A_2284 : i32
      %dma_wait3A_2286 = arith.constant 6 : i32
      %dma_wait3A_2287 = arith.constant 0 : i32
      %dma_wait3A_2288 = arith.constant 0 : i32
      %dma_wait3A_2289 = arith.constant 6 : i32
      %dma_wait3A_2290 = arith.constant 0 : i32
      %dma_wait3A_2291 = arith.constant 0 : i32
      %dma_wait3A_2292 = tpu.memref_slice %arg10[%dma_wait3A_2286, %dma_wait3A_2287, %dma_wait3A_2290, %dma_wait3A_2291] : memref<8x4x8x128xf32, #tpu.memory_space<vmem>> -> memref<1x1x8x128xf32, #tpu.memory_space<vmem>>
      %dma_wait3A_2293 = tpu.memref_squeeze %dma_wait3A_2292 : memref<1x1x8x128xf32, #tpu.memory_space<vmem>> -> memref<8x128xf32, #tpu.memory_space<vmem>>
      %dma_wait3A_2294 = arith.constant 0 : i32
      %dma_wait3A_2295 = arith.constant 0 : i32
      %dma_wait3A_2296 = tpu.memref_slice %arg6[%select_n3A_2282, %dma_wait3A_2288, %sub3A_2285, %dma_wait3A_2294, %dma_wait3A_2295] : memref<50x4x128x8x128xf32, #tpu.memory_space<hbm>> -> memref<1x1x1x8x128xf32, #tpu.memory_space<hbm>>
      %dma_wait3A_2297 = tpu.memref_squeeze %dma_wait3A_2296 : memref<1x1x1x8x128xf32, #tpu.memory_space<hbm>> -> memref<8x128xf32, #tpu.memory_space<hbm>>
      %dma_wait3A_2298 = tpu.memref_slice %arg11[%dma_wait3A_2289] : memref<8x!tpu.dma_semaphore, #tpu.memory_space<semaphore_mem>> -> memref<1x!tpu.dma_semaphore, #tpu.memory_space<semaphore_mem>>
      %dma_wait3A_2299 = tpu.memref_squeeze %dma_wait3A_2298 : memref<1x!tpu.dma_semaphore, #tpu.memory_space<semaphore_mem>> -> memref<!tpu.dma_semaphore, #tpu.memory_space<semaphore_mem>>
      %dma_wait3A_2300 = arith.constant 0 : i32
      %dma_wait3A_2301 = arith.constant 0 : i32
      %dma_wait3A_2302 = tpu.memref_slice %arg6[%select_n3A_2282, %dma_wait3A_2288, %sub3A_2285, %dma_wait3A_2300, %dma_wait3A_2301] : memref<50x4x128x8x128xf32, #tpu.memory_space<hbm>> -> memref<1x1x1x8x128xf32, #tpu.memory_space<hbm>>
      %dma_wait3A_2303 = tpu.memref_squeeze %dma_wait3A_2302 : memref<1x1x1x8x128xf32, #tpu.memory_space<hbm>> -> memref<8x128xf32, #tpu.memory_space<hbm>>
      %dma_wait3A_2304 = arith.constant 0 : i32
      %dma_wait3A_2305 = arith.constant 0 : i32
      %dma_wait3A_2306 = tpu.memref_slice %arg10[%dma_wait3A_2286, %dma_wait3A_2287, %dma_wait3A_2304, %dma_wait3A_2305] : memref<8x4x8x128xf32, #tpu.memory_space<vmem>> -> memref<1x1x8x128xf32, #tpu.memory_space<vmem>>
      %dma_wait3A_2307 = tpu.memref_squeeze %dma_wait3A_2306 : memref<1x1x8x128xf32, #tpu.memory_space<vmem>> -> memref<8x128xf32, #tpu.memory_space<vmem>>
      tpu.wait_dma2 semaphore(%dma_wait3A_2299 : memref<!tpu.dma_semaphore, #tpu.memory_space<semaphore_mem>>) src(%dma_wait3A_2307 : memref<8x128xf32, #tpu.memory_space<vmem>>) dst(%dma_wait3A_2303 : memref<8x128xf32, #tpu.memory_space<hbm>>)
      %dma_wait3A_2308 = arith.constant 6 : i32
      %dma_wait3A_2309 = arith.constant 1 : i32
      %dma_wait3A_2310 = arith.constant 1 : i32
      %dma_wait3A_2311 = arith.constant 6 : i32
      %dma_wait3A_2312 = arith.constant 0 : i32
      %dma_wait3A_2313 = arith.constant 0 : i32
      %dma_wait3A_2314 = tpu.memref_slice %arg10[%dma_wait3A_2308, %dma_wait3A_2309, %dma_wait3A_2312, %dma_wait3A_2313] : memref<8x4x8x128xf32, #tpu.memory_space<vmem>> -> memref<1x1x8x128xf32, #tpu.memory_space<vmem>>
      %dma_wait3A_2315 = tpu.memref_squeeze %dma_wait3A_2314 : memref<1x1x8x128xf32, #tpu.memory_space<vmem>> -> memref<8x128xf32, #tpu.memory_space<vmem>>
      %dma_wait3A_2316 = arith.constant 0 : i32
      %dma_wait3A_2317 = arith.constant 0 : i32
      %dma_wait3A_2318 = tpu.memref_slice %arg6[%select_n3A_2282, %dma_wait3A_2310, %sub3A_2285, %dma_wait3A_2316, %dma_wait3A_2317] : memref<50x4x128x8x128xf32, #tpu.memory_space<hbm>> -> memref<1x1x1x8x128xf32, #tpu.memory_space<hbm>>
      %dma_wait3A_2319 = tpu.memref_squeeze %dma_wait3A_2318 : memref<1x1x1x8x128xf32, #tpu.memory_space<hbm>> -> memref<8x128xf32, #tpu.memory_space<hbm>>
      %dma_wait3A_2320 = tpu.memref_slice %arg11[%dma_wait3A_2311] : memref<8x!tpu.dma_semaphore, #tpu.memory_space<semaphore_mem>> -> memref<1x!tpu.dma_semaphore, #tpu.memory_space<semaphore_mem>>
      %dma_wait3A_2321 = tpu.memref_squeeze %dma_wait3A_2320 : memref<1x!tpu.dma_semaphore, #tpu.memory_space<semaphore_mem>> -> memref<!tpu.dma_semaphore, #tpu.memory_space<semaphore_mem>>
      %dma_wait3A_2322 = arith.constant 0 : i32
      %dma_wait3A_2323 = arith.constant 0 : i32
      %dma_wait3A_2324 = tpu.memref_slice %arg6[%select_n3A_2282, %dma_wait3A_2310, %sub3A_2285, %dma_wait3A_2322, %dma_wait3A_2323] : memref<50x4x128x8x128xf32, #tpu.memory_space<hbm>> -> memref<1x1x1x8x128xf32, #tpu.memory_space<hbm>>
      %dma_wait3A_2325 = tpu.memref_squeeze %dma_wait3A_2324 : memref<1x1x1x8x128xf32, #tpu.memory_space<hbm>> -> memref<8x128xf32, #tpu.memory_space<hbm>>
      %dma_wait3A_2326 = arith.constant 0 : i32
      %dma_wait3A_2327 = arith.constant 0 : i32
      %dma_wait3A_2328 = tpu.memref_slice %arg10[%dma_wait3A_2308, %dma_wait3A_2309, %dma_wait3A_2326, %dma_wait3A_2327] : memref<8x4x8x128xf32, #tpu.memory_space<vmem>> -> memref<1x1x8x128xf32, #tpu.memory_space<vmem>>
      %dma_wait3A_2329 = tpu.memref_squeeze %dma_wait3A_2328 : memref<1x1x8x128xf32, #tpu.memory_space<vmem>> -> memref<8x128xf32, #tpu.memory_space<vmem>>
      tpu.wait_dma2 semaphore(%dma_wait3A_2321 : memref<!tpu.dma_semaphore, #tpu.memory_space<semaphore_mem>>) src(%dma_wait3A_2329 : memref<8x128xf32, #tpu.memory_space<vmem>>) dst(%dma_wait3A_2325 : memref<8x128xf32, #tpu.memory_space<hbm>>)
      %dma_wait3A_2330 = arith.constant 6 : i32
      %dma_wait3A_2331 = arith.constant 2 : i32
      %dma_wait3A_2332 = arith.constant 2 : i32
      %dma_wait3A_2333 = arith.constant 6 : i32
      %dma_wait3A_2334 = arith.constant 0 : i32
      %dma_wait3A_2335 = arith.constant 0 : i32
      %dma_wait3A_2336 = tpu.memref_slice %arg10[%dma_wait3A_2330, %dma_wait3A_2331, %dma_wait3A_2334, %dma_wait3A_2335] : memref<8x4x8x128xf32, #tpu.memory_space<vmem>> -> memref<1x1x8x128xf32, #tpu.memory_space<vmem>>
      %dma_wait3A_2337 = tpu.memref_squeeze %dma_wait3A_2336 : memref<1x1x8x128xf32, #tpu.memory_space<vmem>> -> memref<8x128xf32, #tpu.memory_space<vmem>>
      %dma_wait3A_2338 = arith.constant 0 : i32
      %dma_wait3A_2339 = arith.constant 0 : i32
      %dma_wait3A_2340 = tpu.memref_slice %arg6[%select_n3A_2282, %dma_wait3A_2332, %sub3A_2285, %dma_wait3A_2338, %dma_wait3A_2339] : memref<50x4x128x8x128xf32, #tpu.memory_space<hbm>> -> memref<1x1x1x8x128xf32, #tpu.memory_space<hbm>>
      %dma_wait3A_2341 = tpu.memref_squeeze %dma_wait3A_2340 : memref<1x1x1x8x128xf32, #tpu.memory_space<hbm>> -> memref<8x128xf32, #tpu.memory_space<hbm>>
      %dma_wait3A_2342 = tpu.memref_slice %arg11[%dma_wait3A_2333] : memref<8x!tpu.dma_semaphore, #tpu.memory_space<semaphore_mem>> -> memref<1x!tpu.dma_semaphore, #tpu.memory_space<semaphore_mem>>
      %dma_wait3A_2343 = tpu.memref_squeeze %dma_wait3A_2342 : memref<1x!tpu.dma_semaphore, #tpu.memory_space<semaphore_mem>> -> memref<!tpu.dma_semaphore, #tpu.memory_space<semaphore_mem>>
      %dma_wait3A_2344 = arith.constant 0 : i32
      %dma_wait3A_2345 = arith.constant 0 : i32
      %dma_wait3A_2346 = tpu.memref_slice %arg6[%select_n3A_2282, %dma_wait3A_2332, %sub3A_2285, %dma_wait3A_2344, %dma_wait3A_2345] : memref<50x4x128x8x128xf32, #tpu.memory_space<hbm>> -> memref<1x1x1x8x128xf32, #tpu.memory_space<hbm>>
      %dma_wait3A_2347 = tpu.memref_squeeze %dma_wait3A_2346 : memref<1x1x1x8x128xf32, #tpu.memory_space<hbm>> -> memref<8x128xf32, #tpu.memory_space<hbm>>
      %dma_wait3A_2348 = arith.constant 0 : i32
      %dma_wait3A_2349 = arith.constant 0 : i32
      %dma_wait3A_2350 = tpu.memref_slice %arg10[%dma_wait3A_2330, %dma_wait3A_2331, %dma_wait3A_2348, %dma_wait3A_2349] : memref<8x4x8x128xf32, #tpu.memory_space<vmem>> -> memref<1x1x8x128xf32, #tpu.memory_space<vmem>>
      %dma_wait3A_2351 = tpu.memref_squeeze %dma_wait3A_2350 : memref<1x1x8x128xf32, #tpu.memory_space<vmem>> -> memref<8x128xf32, #tpu.memory_space<vmem>>
      tpu.wait_dma2 semaphore(%dma_wait3A_2343 : memref<!tpu.dma_semaphore, #tpu.memory_space<semaphore_mem>>) src(%dma_wait3A_2351 : memref<8x128xf32, #tpu.memory_space<vmem>>) dst(%dma_wait3A_2347 : memref<8x128xf32, #tpu.memory_space<hbm>>)
      %dma_wait3A_2352 = arith.constant 6 : i32
      %dma_wait3A_2353 = arith.constant 3 : i32
      %dma_wait3A_2354 = arith.constant 3 : i32
      %dma_wait3A_2355 = arith.constant 6 : i32
      %dma_wait3A_2356 = arith.constant 0 : i32
      %dma_wait3A_2357 = arith.constant 0 : i32
      %dma_wait3A_2358 = tpu.memref_slice %arg10[%dma_wait3A_2352, %dma_wait3A_2353, %dma_wait3A_2356, %dma_wait3A_2357] : memref<8x4x8x128xf32, #tpu.memory_space<vmem>> -> memref<1x1x8x128xf32, #tpu.memory_space<vmem>>
      %dma_wait3A_2359 = tpu.memref_squeeze %dma_wait3A_2358 : memref<1x1x8x128xf32, #tpu.memory_space<vmem>> -> memref<8x128xf32, #tpu.memory_space<vmem>>
      %dma_wait3A_2360 = arith.constant 0 : i32
      %dma_wait3A_2361 = arith.constant 0 : i32
      %dma_wait3A_2362 = tpu.memref_slice %arg6[%select_n3A_2282, %dma_wait3A_2354, %sub3A_2285, %dma_wait3A_2360, %dma_wait3A_2361] : memref<50x4x128x8x128xf32, #tpu.memory_space<hbm>> -> memref<1x1x1x8x128xf32, #tpu.memory_space<hbm>>
      %dma_wait3A_2363 = tpu.memref_squeeze %dma_wait3A_2362 : memref<1x1x1x8x128xf32, #tpu.memory_space<hbm>> -> memref<8x128xf32, #tpu.memory_space<hbm>>
      %dma_wait3A_2364 = tpu.memref_slice %arg11[%dma_wait3A_2355] : memref<8x!tpu.dma_semaphore, #tpu.memory_space<semaphore_mem>> -> memref<1x!tpu.dma_semaphore, #tpu.memory_space<semaphore_mem>>
      %dma_wait3A_2365 = tpu.memref_squeeze %dma_wait3A_2364 : memref<1x!tpu.dma_semaphore, #tpu.memory_space<semaphore_mem>> -> memref<!tpu.dma_semaphore, #tpu.memory_space<semaphore_mem>>
      %dma_wait3A_2366 = arith.constant 0 : i32
      %dma_wait3A_2367 = arith.constant 0 : i32
      %dma_wait3A_2368 = tpu.memref_slice %arg6[%select_n3A_2282, %dma_wait3A_2354, %sub3A_2285, %dma_wait3A_2366, %dma_wait3A_2367] : memref<50x4x128x8x128xf32, #tpu.memory_space<hbm>> -> memref<1x1x1x8x128xf32, #tpu.memory_space<hbm>>
      %dma_wait3A_2369 = tpu.memref_squeeze %dma_wait3A_2368 : memref<1x1x1x8x128xf32, #tpu.memory_space<hbm>> -> memref<8x128xf32, #tpu.memory_space<hbm>>
      %dma_wait3A_2370 = arith.constant 0 : i32
      %dma_wait3A_2371 = arith.constant 0 : i32
      %dma_wait3A_2372 = tpu.memref_slice %arg10[%dma_wait3A_2352, %dma_wait3A_2353, %dma_wait3A_2370, %dma_wait3A_2371] : memref<8x4x8x128xf32, #tpu.memory_space<vmem>> -> memref<1x1x8x128xf32, #tpu.memory_space<vmem>>
      %dma_wait3A_2373 = tpu.memref_squeeze %dma_wait3A_2372 : memref<1x1x8x128xf32, #tpu.memory_space<vmem>> -> memref<8x128xf32, #tpu.memory_space<vmem>>
      tpu.wait_dma2 semaphore(%dma_wait3A_2365 : memref<!tpu.dma_semaphore, #tpu.memory_space<semaphore_mem>>) src(%dma_wait3A_2373 : memref<8x128xf32, #tpu.memory_space<vmem>>) dst(%dma_wait3A_2369 : memref<8x128xf32, #tpu.memory_space<hbm>>)
      %add3A_2374 = arith.constant 1 : i32
      %add3A_2375 = arith.addi %scan3A_127, %add3A_2374 : i32
      %lt3A_2376 = arith.constant 25 : i32
      %lt3A_2377 = arith.cmpi slt, %add3A_2375, %lt3A_2376 : i32
      %convert_element_type3A_2378 = arith.extui %lt3A_2377 : i1 to i32
      %cond3A_2379 = arith.constant 0 : i32
      %cond3A_2380 = arith.cmpi ne, %convert_element_type3A_2378, %cond3A_2379 : i32
      scf.if %cond3A_2380 {
        %add3A_2508 = arith.constant 1 : i32
        %add3A_2509 = arith.addi %scan3A_127, %add3A_2508 : i32
        %mul3A_2510 = arith.constant 8 : i32
        %mul3A_2511 = arith.muli %add3A_2509, %mul3A_2510 : i32
        %add3A_2512 = arith.constant 6 : i32
        %add3A_2513 = arith.addi %mul3A_2511, %add3A_2512 : i32
        %dma_start3A_2514 = arith.constant 6 : i32
        %dma_start3A_2515 = arith.constant 6 : i32
        %dma_start3A_2516 = arith.constant 0 : i32
        %dma_start3A_2517 = arith.constant 0 : i32
        %dma_start3A_2518 = tpu.memref_slice %arg9[%dma_start3A_2514, %dma_start3A_2516, %dma_start3A_2517] : memref<8x128x32xf32, #tpu.memory_space<vmem>> -> memref<1x128x32xf32, #tpu.memory_space<vmem>>
        %dma_start3A_2519 = tpu.memref_squeeze %dma_start3A_2518 : memref<1x128x32xf32, #tpu.memory_space<vmem>> -> memref<128x32xf32, #tpu.memory_space<vmem>>
        %dma_start3A_2520 = arith.constant 0 : i32
        %dma_start3A_2521 = tpu.memref_slice %arg7[%add3A_2513, %dma_start3A_2520] : memref<200x128xi32, #tpu.memory_space<vmem>> -> memref<1x128xi32, #tpu.memory_space<vmem>>
        %dma_start3A_2522 = tpu.memref_squeeze %dma_start3A_2521 : memref<1x128xi32, #tpu.memory_space<vmem>> -> memref<128xi32, #tpu.memory_space<vmem>>
        %dma_start3A_2523 = arith.constant 0 : i32
        %dma_start3A_2524 = arith.constant 0 : i32
        %dma_start3A_2525 = tpu.memref_slice %arg4[%dma_start3A_2523, %dma_start3A_2524] : memref<1000000x32xf32, #tpu.memory_space<hbm>> -> memref<1000000x32xf32, #tpu.memory_space<hbm>>
        %dma_start3A_2526 = tpu.memref_slice %arg11[%dma_start3A_2515] : memref<8x!tpu.dma_semaphore, #tpu.memory_space<semaphore_mem>> -> memref<1x!tpu.dma_semaphore, #tpu.memory_space<semaphore_mem>>
        %dma_start3A_2527 = tpu.memref_squeeze %dma_start3A_2526 : memref<1x!tpu.dma_semaphore, #tpu.memory_space<semaphore_mem>> -> memref<!tpu.dma_semaphore, #tpu.memory_space<semaphore_mem>>
        tpu.enqueue_indirect_dma source(%dma_start3A_2525 : memref<1000000x32xf32, #tpu.memory_space<hbm>>) target(%dma_start3A_2519 : memref<128x32xf32, #tpu.memory_space<vmem>>) offsets(%dma_start3A_2522 : memref<128xi32, #tpu.memory_space<vmem>>) semaphore(%dma_start3A_2527 : memref<!tpu.dma_semaphore, #tpu.memory_space<semaphore_mem>>)
      } else {
      }
      %mul3A_2381 = arith.constant 8 : i32
      %mul3A_2382 = arith.muli %scan3A_127, %mul3A_2381 : i32
      %add3A_2383 = arith.constant 7 : i32
      %add3A_2384 = arith.addi %mul3A_2382, %add3A_2383 : i32
      %add3A_2385 = arith.addi %mul3A_2, %add3A_2384 : i32
      %jit3A_2386 = arith.constant 128 : i32
      %div3A_2387 = arith.divsi %add3A_2385, %jit3A_2386 : i32
      %sign3A_2388 = arith.constant 0 : i32
      %sign3A_2389 = arith.cmpi sgt, %add3A_2385, %sign3A_2388 : i32
      %sign3A_2390 = arith.extui %sign3A_2389 : i1 to i32
      %sign3A_2391 = arith.constant 0 : i32
      %sign3A_2392 = arith.cmpi slt, %add3A_2385, %sign3A_2391 : i32
      %sign3A_2393 = arith.extui %sign3A_2392 : i1 to i32
      %sign3A_2394 = arith.subi %sign3A_2390, %sign3A_2393 : i32
      %sign3A_2395 = arith.constant 0 : i32
      %sign3A_2396 = arith.cmpi sgt, %jit3A_2386, %sign3A_2395 : i32
      %sign3A_2397 = arith.extui %sign3A_2396 : i1 to i32
      %sign3A_2398 = arith.constant 0 : i32
      %sign3A_2399 = arith.cmpi slt, %jit3A_2386, %sign3A_2398 : i32
      %sign3A_2400 = arith.extui %sign3A_2399 : i1 to i32
      %sign3A_2401 = arith.subi %sign3A_2397, %sign3A_2400 : i32
      %ne3A_2402 = arith.cmpi ne, %sign3A_2394, %sign3A_2401 : i32
      %rem3A_2403 = arith.remsi %add3A_2385, %jit3A_2386 : i32
      %ne3A_2404 = arith.constant 0 : i32
      %ne3A_2405 = arith.cmpi ne, %rem3A_2403, %ne3A_2404 : i32
      %and3A_2406 = arith.andi %ne3A_2402, %ne3A_2405 : i1
      %sub3A_2407 = arith.constant 1 : i32
      %sub3A_2408 = arith.subi %div3A_2387, %sub3A_2407 : i32
      %select_n3A_2409 = arith.select %and3A_2406, %sub3A_2408, %div3A_2387 : i32
      %mul3A_2410 = arith.constant 128 : i32
      %mul3A_2411 = arith.muli %select_n3A_2409, %mul3A_2410 : i32
      %sub3A_2412 = arith.subi %add3A_2385, %mul3A_2411 : i32
      %dma_wait3A_2413 = arith.constant 7 : i32
      %dma_wait3A_2414 = arith.constant 0 : i32
      %dma_wait3A_2415 = arith.constant 0 : i32
      %dma_wait3A_2416 = arith.constant 7 : i32
      %dma_wait3A_2417 = arith.constant 0 : i32
      %dma_wait3A_2418 = arith.constant 0 : i32
      %dma_wait3A_2419 = tpu.memref_slice %arg10[%dma_wait3A_2413, %dma_wait3A_2414, %dma_wait3A_2417, %dma_wait3A_2418] : memref<8x4x8x128xf32, #tpu.memory_space<vmem>> -> memref<1x1x8x128xf32, #tpu.memory_space<vmem>>
      %dma_wait3A_2420 = tpu.memref_squeeze %dma_wait3A_2419 : memref<1x1x8x128xf32, #tpu.memory_space<vmem>> -> memref<8x128xf32, #tpu.memory_space<vmem>>
      %dma_wait3A_2421 = arith.constant 0 : i32
      %dma_wait3A_2422 = arith.constant 0 : i32
      %dma_wait3A_2423 = tpu.memref_slice %arg6[%select_n3A_2409, %dma_wait3A_2415, %sub3A_2412, %dma_wait3A_2421, %dma_wait3A_2422] : memref<50x4x128x8x128xf32, #tpu.memory_space<hbm>> -> memref<1x1x1x8x128xf32, #tpu.memory_space<hbm>>
      %dma_wait3A_2424 = tpu.memref_squeeze %dma_wait3A_2423 : memref<1x1x1x8x128xf32, #tpu.memory_space<hbm>> -> memref<8x128xf32, #tpu.memory_space<hbm>>
      %dma_wait3A_2425 = tpu.memref_slice %arg11[%dma_wait3A_2416] : memref<8x!tpu.dma_semaphore, #tpu.memory_space<semaphore_mem>> -> memref<1x!tpu.dma_semaphore, #tpu.memory_space<semaphore_mem>>
      %dma_wait3A_2426 = tpu.memref_squeeze %dma_wait3A_2425 : memref<1x!tpu.dma_semaphore, #tpu.memory_space<semaphore_mem>> -> memref<!tpu.dma_semaphore, #tpu.memory_space<semaphore_mem>>
      %dma_wait3A_2427 = arith.constant 0 : i32
      %dma_wait3A_2428 = arith.constant 0 : i32
      %dma_wait3A_2429 = tpu.memref_slice %arg6[%select_n3A_2409, %dma_wait3A_2415, %sub3A_2412, %dma_wait3A_2427, %dma_wait3A_2428] : memref<50x4x128x8x128xf32, #tpu.memory_space<hbm>> -> memref<1x1x1x8x128xf32, #tpu.memory_space<hbm>>
      %dma_wait3A_2430 = tpu.memref_squeeze %dma_wait3A_2429 : memref<1x1x1x8x128xf32, #tpu.memory_space<hbm>> -> memref<8x128xf32, #tpu.memory_space<hbm>>
      %dma_wait3A_2431 = arith.constant 0 : i32
      %dma_wait3A_2432 = arith.constant 0 : i32
      %dma_wait3A_2433 = tpu.memref_slice %arg10[%dma_wait3A_2413, %dma_wait3A_2414, %dma_wait3A_2431, %dma_wait3A_2432] : memref<8x4x8x128xf32, #tpu.memory_space<vmem>> -> memref<1x1x8x128xf32, #tpu.memory_space<vmem>>
      %dma_wait3A_2434 = tpu.memref_squeeze %dma_wait3A_2433 : memref<1x1x8x128xf32, #tpu.memory_space<vmem>> -> memref<8x128xf32, #tpu.memory_space<vmem>>
      tpu.wait_dma2 semaphore(%dma_wait3A_2426 : memref<!tpu.dma_semaphore, #tpu.memory_space<semaphore_mem>>) src(%dma_wait3A_2434 : memref<8x128xf32, #tpu.memory_space<vmem>>) dst(%dma_wait3A_2430 : memref<8x128xf32, #tpu.memory_space<hbm>>)
      %dma_wait3A_2435 = arith.constant 7 : i32
      %dma_wait3A_2436 = arith.constant 1 : i32
      %dma_wait3A_2437 = arith.constant 1 : i32
      %dma_wait3A_2438 = arith.constant 7 : i32
      %dma_wait3A_2439 = arith.constant 0 : i32
      %dma_wait3A_2440 = arith.constant 0 : i32
      %dma_wait3A_2441 = tpu.memref_slice %arg10[%dma_wait3A_2435, %dma_wait3A_2436, %dma_wait3A_2439, %dma_wait3A_2440] : memref<8x4x8x128xf32, #tpu.memory_space<vmem>> -> memref<1x1x8x128xf32, #tpu.memory_space<vmem>>
      %dma_wait3A_2442 = tpu.memref_squeeze %dma_wait3A_2441 : memref<1x1x8x128xf32, #tpu.memory_space<vmem>> -> memref<8x128xf32, #tpu.memory_space<vmem>>
      %dma_wait3A_2443 = arith.constant 0 : i32
      %dma_wait3A_2444 = arith.constant 0 : i32
      %dma_wait3A_2445 = tpu.memref_slice %arg6[%select_n3A_2409, %dma_wait3A_2437, %sub3A_2412, %dma_wait3A_2443, %dma_wait3A_2444] : memref<50x4x128x8x128xf32, #tpu.memory_space<hbm>> -> memref<1x1x1x8x128xf32, #tpu.memory_space<hbm>>
      %dma_wait3A_2446 = tpu.memref_squeeze %dma_wait3A_2445 : memref<1x1x1x8x128xf32, #tpu.memory_space<hbm>> -> memref<8x128xf32, #tpu.memory_space<hbm>>
      %dma_wait3A_2447 = tpu.memref_slice %arg11[%dma_wait3A_2438] : memref<8x!tpu.dma_semaphore, #tpu.memory_space<semaphore_mem>> -> memref<1x!tpu.dma_semaphore, #tpu.memory_space<semaphore_mem>>
      %dma_wait3A_2448 = tpu.memref_squeeze %dma_wait3A_2447 : memref<1x!tpu.dma_semaphore, #tpu.memory_space<semaphore_mem>> -> memref<!tpu.dma_semaphore, #tpu.memory_space<semaphore_mem>>
      %dma_wait3A_2449 = arith.constant 0 : i32
      %dma_wait3A_2450 = arith.constant 0 : i32
      %dma_wait3A_2451 = tpu.memref_slice %arg6[%select_n3A_2409, %dma_wait3A_2437, %sub3A_2412, %dma_wait3A_2449, %dma_wait3A_2450] : memref<50x4x128x8x128xf32, #tpu.memory_space<hbm>> -> memref<1x1x1x8x128xf32, #tpu.memory_space<hbm>>
      %dma_wait3A_2452 = tpu.memref_squeeze %dma_wait3A_2451 : memref<1x1x1x8x128xf32, #tpu.memory_space<hbm>> -> memref<8x128xf32, #tpu.memory_space<hbm>>
      %dma_wait3A_2453 = arith.constant 0 : i32
      %dma_wait3A_2454 = arith.constant 0 : i32
      %dma_wait3A_2455 = tpu.memref_slice %arg10[%dma_wait3A_2435, %dma_wait3A_2436, %dma_wait3A_2453, %dma_wait3A_2454] : memref<8x4x8x128xf32, #tpu.memory_space<vmem>> -> memref<1x1x8x128xf32, #tpu.memory_space<vmem>>
      %dma_wait3A_2456 = tpu.memref_squeeze %dma_wait3A_2455 : memref<1x1x8x128xf32, #tpu.memory_space<vmem>> -> memref<8x128xf32, #tpu.memory_space<vmem>>
      tpu.wait_dma2 semaphore(%dma_wait3A_2448 : memref<!tpu.dma_semaphore, #tpu.memory_space<semaphore_mem>>) src(%dma_wait3A_2456 : memref<8x128xf32, #tpu.memory_space<vmem>>) dst(%dma_wait3A_2452 : memref<8x128xf32, #tpu.memory_space<hbm>>)
      %dma_wait3A_2457 = arith.constant 7 : i32
      %dma_wait3A_2458 = arith.constant 2 : i32
      %dma_wait3A_2459 = arith.constant 2 : i32
      %dma_wait3A_2460 = arith.constant 7 : i32
      %dma_wait3A_2461 = arith.constant 0 : i32
      %dma_wait3A_2462 = arith.constant 0 : i32
      %dma_wait3A_2463 = tpu.memref_slice %arg10[%dma_wait3A_2457, %dma_wait3A_2458, %dma_wait3A_2461, %dma_wait3A_2462] : memref<8x4x8x128xf32, #tpu.memory_space<vmem>> -> memref<1x1x8x128xf32, #tpu.memory_space<vmem>>
      %dma_wait3A_2464 = tpu.memref_squeeze %dma_wait3A_2463 : memref<1x1x8x128xf32, #tpu.memory_space<vmem>> -> memref<8x128xf32, #tpu.memory_space<vmem>>
      %dma_wait3A_2465 = arith.constant 0 : i32
      %dma_wait3A_2466 = arith.constant 0 : i32
      %dma_wait3A_2467 = tpu.memref_slice %arg6[%select_n3A_2409, %dma_wait3A_2459, %sub3A_2412, %dma_wait3A_2465, %dma_wait3A_2466] : memref<50x4x128x8x128xf32, #tpu.memory_space<hbm>> -> memref<1x1x1x8x128xf32, #tpu.memory_space<hbm>>
      %dma_wait3A_2468 = tpu.memref_squeeze %dma_wait3A_2467 : memref<1x1x1x8x128xf32, #tpu.memory_space<hbm>> -> memref<8x128xf32, #tpu.memory_space<hbm>>
      %dma_wait3A_2469 = tpu.memref_slice %arg11[%dma_wait3A_2460] : memref<8x!tpu.dma_semaphore, #tpu.memory_space<semaphore_mem>> -> memref<1x!tpu.dma_semaphore, #tpu.memory_space<semaphore_mem>>
      %dma_wait3A_2470 = tpu.memref_squeeze %dma_wait3A_2469 : memref<1x!tpu.dma_semaphore, #tpu.memory_space<semaphore_mem>> -> memref<!tpu.dma_semaphore, #tpu.memory_space<semaphore_mem>>
      %dma_wait3A_2471 = arith.constant 0 : i32
      %dma_wait3A_2472 = arith.constant 0 : i32
      %dma_wait3A_2473 = tpu.memref_slice %arg6[%select_n3A_2409, %dma_wait3A_2459, %sub3A_2412, %dma_wait3A_2471, %dma_wait3A_2472] : memref<50x4x128x8x128xf32, #tpu.memory_space<hbm>> -> memref<1x1x1x8x128xf32, #tpu.memory_space<hbm>>
      %dma_wait3A_2474 = tpu.memref_squeeze %dma_wait3A_2473 : memref<1x1x1x8x128xf32, #tpu.memory_space<hbm>> -> memref<8x128xf32, #tpu.memory_space<hbm>>
      %dma_wait3A_2475 = arith.constant 0 : i32
      %dma_wait3A_2476 = arith.constant 0 : i32
      %dma_wait3A_2477 = tpu.memref_slice %arg10[%dma_wait3A_2457, %dma_wait3A_2458, %dma_wait3A_2475, %dma_wait3A_2476] : memref<8x4x8x128xf32, #tpu.memory_space<vmem>> -> memref<1x1x8x128xf32, #tpu.memory_space<vmem>>
      %dma_wait3A_2478 = tpu.memref_squeeze %dma_wait3A_2477 : memref<1x1x8x128xf32, #tpu.memory_space<vmem>> -> memref<8x128xf32, #tpu.memory_space<vmem>>
      tpu.wait_dma2 semaphore(%dma_wait3A_2470 : memref<!tpu.dma_semaphore, #tpu.memory_space<semaphore_mem>>) src(%dma_wait3A_2478 : memref<8x128xf32, #tpu.memory_space<vmem>>) dst(%dma_wait3A_2474 : memref<8x128xf32, #tpu.memory_space<hbm>>)
      %dma_wait3A_2479 = arith.constant 7 : i32
      %dma_wait3A_2480 = arith.constant 3 : i32
      %dma_wait3A_2481 = arith.constant 3 : i32
      %dma_wait3A_2482 = arith.constant 7 : i32
      %dma_wait3A_2483 = arith.constant 0 : i32
      %dma_wait3A_2484 = arith.constant 0 : i32
      %dma_wait3A_2485 = tpu.memref_slice %arg10[%dma_wait3A_2479, %dma_wait3A_2480, %dma_wait3A_2483, %dma_wait3A_2484] : memref<8x4x8x128xf32, #tpu.memory_space<vmem>> -> memref<1x1x8x128xf32, #tpu.memory_space<vmem>>
      %dma_wait3A_2486 = tpu.memref_squeeze %dma_wait3A_2485 : memref<1x1x8x128xf32, #tpu.memory_space<vmem>> -> memref<8x128xf32, #tpu.memory_space<vmem>>
      %dma_wait3A_2487 = arith.constant 0 : i32
      %dma_wait3A_2488 = arith.constant 0 : i32
      %dma_wait3A_2489 = tpu.memref_slice %arg6[%select_n3A_2409, %dma_wait3A_2481, %sub3A_2412, %dma_wait3A_2487, %dma_wait3A_2488] : memref<50x4x128x8x128xf32, #tpu.memory_space<hbm>> -> memref<1x1x1x8x128xf32, #tpu.memory_space<hbm>>
      %dma_wait3A_2490 = tpu.memref_squeeze %dma_wait3A_2489 : memref<1x1x1x8x128xf32, #tpu.memory_space<hbm>> -> memref<8x128xf32, #tpu.memory_space<hbm>>
      %dma_wait3A_2491 = tpu.memref_slice %arg11[%dma_wait3A_2482] : memref<8x!tpu.dma_semaphore, #tpu.memory_space<semaphore_mem>> -> memref<1x!tpu.dma_semaphore, #tpu.memory_space<semaphore_mem>>
      %dma_wait3A_2492 = tpu.memref_squeeze %dma_wait3A_2491 : memref<1x!tpu.dma_semaphore, #tpu.memory_space<semaphore_mem>> -> memref<!tpu.dma_semaphore, #tpu.memory_space<semaphore_mem>>
      %dma_wait3A_2493 = arith.constant 0 : i32
      %dma_wait3A_2494 = arith.constant 0 : i32
      %dma_wait3A_2495 = tpu.memref_slice %arg6[%select_n3A_2409, %dma_wait3A_2481, %sub3A_2412, %dma_wait3A_2493, %dma_wait3A_2494] : memref<50x4x128x8x128xf32, #tpu.memory_space<hbm>> -> memref<1x1x1x8x128xf32, #tpu.memory_space<hbm>>
      %dma_wait3A_2496 = tpu.memref_squeeze %dma_wait3A_2495 : memref<1x1x1x8x128xf32, #tpu.memory_space<hbm>> -> memref<8x128xf32, #tpu.memory_space<hbm>>
      %dma_wait3A_2497 = arith.constant 0 : i32
      %dma_wait3A_2498 = arith.constant 0 : i32
      %dma_wait3A_2499 = tpu.memref_slice %arg10[%dma_wait3A_2479, %dma_wait3A_2480, %dma_wait3A_2497, %dma_wait3A_2498] : memref<8x4x8x128xf32, #tpu.memory_space<vmem>> -> memref<1x1x8x128xf32, #tpu.memory_space<vmem>>
      %dma_wait3A_2500 = tpu.memref_squeeze %dma_wait3A_2499 : memref<1x1x8x128xf32, #tpu.memory_space<vmem>> -> memref<8x128xf32, #tpu.memory_space<vmem>>
      tpu.wait_dma2 semaphore(%dma_wait3A_2492 : memref<!tpu.dma_semaphore, #tpu.memory_space<semaphore_mem>>) src(%dma_wait3A_2500 : memref<8x128xf32, #tpu.memory_space<vmem>>) dst(%dma_wait3A_2496 : memref<8x128xf32, #tpu.memory_space<hbm>>)
      %add3A_2501 = arith.constant 1 : i32
      %add3A_2502 = arith.addi %scan3A_127, %add3A_2501 : i32
      %lt3A_2503 = arith.constant 25 : i32
      %lt3A_2504 = arith.cmpi slt, %add3A_2502, %lt3A_2503 : i32
      %convert_element_type3A_2505 = arith.extui %lt3A_2504 : i1 to i32
      %cond3A_2506 = arith.constant 0 : i32
      %cond3A_2507 = arith.cmpi ne, %convert_element_type3A_2505, %cond3A_2506 : i32
      scf.if %cond3A_2507 {
        %add3A_2508 = arith.constant 1 : i32
        %add3A_2509 = arith.addi %scan3A_127, %add3A_2508 : i32
        %mul3A_2510 = arith.constant 8 : i32
        %mul3A_2511 = arith.muli %add3A_2509, %mul3A_2510 : i32
        %add3A_2512 = arith.constant 7 : i32
        %add3A_2513 = arith.addi %mul3A_2511, %add3A_2512 : i32
        %dma_start3A_2514 = arith.constant 7 : i32
        %dma_start3A_2515 = arith.constant 7 : i32
        %dma_start3A_2516 = arith.constant 0 : i32
        %dma_start3A_2517 = arith.constant 0 : i32
        %dma_start3A_2518 = tpu.memref_slice %arg9[%dma_start3A_2514, %dma_start3A_2516, %dma_start3A_2517] : memref<8x128x32xf32, #tpu.memory_space<vmem>> -> memref<1x128x32xf32, #tpu.memory_space<vmem>>
        %dma_start3A_2519 = tpu.memref_squeeze %dma_start3A_2518 : memref<1x128x32xf32, #tpu.memory_space<vmem>> -> memref<128x32xf32, #tpu.memory_space<vmem>>
        %dma_start3A_2520 = arith.constant 0 : i32
        %dma_start3A_2521 = tpu.memref_slice %arg7[%add3A_2513, %dma_start3A_2520] : memref<200x128xi32, #tpu.memory_space<vmem>> -> memref<1x128xi32, #tpu.memory_space<vmem>>
        %dma_start3A_2522 = tpu.memref_squeeze %dma_start3A_2521 : memref<1x128xi32, #tpu.memory_space<vmem>> -> memref<128xi32, #tpu.memory_space<vmem>>
        %dma_start3A_2523 = arith.constant 0 : i32
        %dma_start3A_2524 = arith.constant 0 : i32
        %dma_start3A_2525 = tpu.memref_slice %arg4[%dma_start3A_2523, %dma_start3A_2524] : memref<1000000x32xf32, #tpu.memory_space<hbm>> -> memref<1000000x32xf32, #tpu.memory_space<hbm>>
        %dma_start3A_2526 = tpu.memref_slice %arg11[%dma_start3A_2515] : memref<8x!tpu.dma_semaphore, #tpu.memory_space<semaphore_mem>> -> memref<1x!tpu.dma_semaphore, #tpu.memory_space<semaphore_mem>>
        %dma_start3A_2527 = tpu.memref_squeeze %dma_start3A_2526 : memref<1x!tpu.dma_semaphore, #tpu.memory_space<semaphore_mem>> -> memref<!tpu.dma_semaphore, #tpu.memory_space<semaphore_mem>>
        tpu.enqueue_indirect_dma source(%dma_start3A_2525 : memref<1000000x32xf32, #tpu.memory_space<hbm>>) target(%dma_start3A_2519 : memref<128x32xf32, #tpu.memory_space<vmem>>) offsets(%dma_start3A_2522 : memref<128xi32, #tpu.memory_space<vmem>>) semaphore(%dma_start3A_2527 : memref<!tpu.dma_semaphore, #tpu.memory_space<semaphore_mem>>)
      } else {
      }
    }
    %scan3A_126 = arith.constant 25 : i32
    return
  }
}

</mosaic_0001>

<sc_bundles>
// kernel: _run.3.cloned.1.call-start
scs
__scs_entry_jumppad:
0x0: {  	(pc) =	sbr.rel $0x88, $3  }
0x1: {  	(tag) =	ssettag $0x0;
	lr =	simm.s32 $0x1  }
0x2: {  	[smem:$0x3F9D] =	sst lr;
	_ =	strace $0xD0000000  }
0x3: {  	_ = 	snop  }
0x4: {  	_ = 	snop  }
0x5: {  	_ = 	snop  }
0x6: {  	_ = 	snop  }
0x7: {  	_ = 	snop  }
__scs_overlays_trampoline_lowered:
0x8: {  	[smem:$0x3FAC] =	sst s0  }
0x9: {  	[smem:$0x3FAD] =	sst s1  }
0xa: {  	[smem:$0x3FAE] =	sst s2  }
0xb: {  	[smem:$0x3FAF] =	sst s3  }
0xc: {  	[smem:$0x3FB0] =	sst s4  }
0xd: {  	[smem:$0x3FB1] =	sst s5  }
0xe: {  	[smem:$0x3FB2] =	sst s6  }
0xf: {  	[smem:$0x3FB3] =	sst s7  }
0x10: {  	[smem:$0x3FB4] =	sst s8  }
0x11: {  	[smem:$0x3FB5] =	sst s9;
	s0 =	simm.s32 @!p0 $0x0  }
0x12: {  	s1 =	sld [smem:$0x3F9B];
	s0 =	simm.s32 @p0 $0x1  }
0x13: {  	[smem:$0x3FB6] =	sst s0;
	s0 =	simm.s32 @!p1 $0x0  }
0x14: {  	s2 =	sld [smem:$0x3F9A];
	s0 =	simm.s32 @p1 $0x1  }
0x15: {  	[smem:$0x3FB7] =	sst s0;
	s0 =	simm.s32 @!p2 $0x0  }
0x16: {  	s3 =	sld [smem:$0x3FDB];
	s0 =	simm.s32 @p2 $0x1  }
0x17: {  	s4 =	simm.s32 $0x1BF5;
	[smem:$0x3FB9] =	sst s0  }
0x18: {  	s0 =	sld [smem:$0x3F9C];
	_ =	swait.ge [sflag:s4], $0x0  }
0x19: {  	s7 =	sld [smem:$0x3F9D]  }
0x1a: {  	s8 =	sadd.s32 $0xFFFFE003, lr  }
0x1b: {  	s9 =	sadd.s32 $0xFFFFFEF7, lr;
	s5 =	simm.s32 $0xFFFFFFFF;
	p2 =	slt.u32 s8, $0xFFFFF086  }
0x1c: {  	p1 =	slt.u32 s9, $0xF7A;
	s5 =	simm.s32 @!p2 $0x0  }
0x1d: {  	s5 =	simm.s32 @p1 $0x1;
	p0 =	seq.s32 s7, s2  }
0x1e: {  	s7 =	smul.u32 @!p0 $0xF7A, s2;
	p2 =	seq.s32 @!p0 s5, $0x0  }
0x1f: {  	s9 =	smul.u32 $0xF7A, s1;
	s8 =	simm.s32 @!p0 $0x1BF5;
	p2 =	por !p2, p0  }
0x20: {  	[sflag:s8] =	ssyncset.s32 @!p0 $0xFFFFF086;
	s6 =	sadd.s32 @!p0 s3, s7;
	s7 =	simm.s32 @!p0 $0x108  }
0x21: {  	s3 =	sadd.s32 s3, s9;
	s6 =	sadd.s32 @!p0 $0x88, s6;
	s7 =	simm.s32 @p2 $0x1082  }
0x22: {  	[simem:s7], [sflag:s8] =	dma.local @!p0 [hbm:s6], $0xF7A  }
0x23: {  	s9 =	sor.u32 $0xD0000000, s2;
	s6 =	simm.s32 $0x108;
	_ =	swait.ge @!p0 [sflag:s8], $0x0  }
0x24: {  	s3 =	sadd.s32 $0x88, s3;
	s6 =	simm.s32 @!p1 $0x1082;
	[sflag:s4] =	ssyncset.s32 $0xFFFFF086  }
0x25: {  	[simem:s6], [sflag:s4] =	dma.local [hbm:s3], $0xF7A  }
0x26: {  	[smem:$0x3F9D] =	sst s1;
	(tag) =	ssettag s2;
	_ =	strace s9  }
0x27: {  	s1 =	sld [smem:$0x3FAD]  }
0x28: {  	s2 =	sld [smem:$0x3FAE]  }
0x29: {  	s4 =	sld [smem:$0x3FB0]  }
0x2a: {  	p0 =	seq.s32 s5, $0x0;
	s5 =	sld [smem:$0x3FB1]  }
0x2b: {  	s6 =	sld [smem:$0x3FB2]  }
0x2c: {  	s7 =	sld [smem:$0x3FB3]  }
0x2d: {  	s3 =	simm.s32 $0x108;
	s8 =	sld [smem:$0x3FB4]  }
0x2e: {  	s3 =	simm.s32 @!p0 $0x1082;
	s9 =	sld [smem:$0x3FB5]  }
0x2f: {  	lr =	sadd.s32 s0, s3;
	s0 =	sld [smem:$0x3FAC]  }
0x30: {  	s3 =	sld [smem:$0x3FAF]  }
0x31: {  	[smem:$0x3FB8] =	sst s10  }
0x32: {  	s10 =	sld [smem:$0x3FB6];
	_ =	sdelay $0x3  }
0x33: {  	p0 =	seq.s32 s10, $0x1;
	s10 =	sld [smem:$0x3FB8];
	_ =	sdelay $0x3  }
0x34: {  	[smem:$0x3FB8] =	sst s10  }
0x35: {  	s10 =	sld [smem:$0x3FB7];
	_ =	sdelay $0x3  }
0x36: {  	p1 =	seq.s32 s10, $0x1;
	s10 =	sld [smem:$0x3FB8];
	_ =	sdelay $0x3  }
0x37: {  	[smem:$0x3FB8] =	sst s10  }
0x38: {  	s10 =	sld [smem:$0x3FB9]  }
0x39: {  	_ = 	snop;
	(pc) =	sbr.ind lr, $3  }
0x3a: {  	_ = 	snop  }
0x3b: {  	_ = 	snop  }
0x3c: {  	p2 =	seq.s32 s10, $0x1;
	s10 =	sld [smem:$0x3FB8]  }
0x3d: {  	_ =	shalt  }
0x3e: {  	_ =	shalt  }
0x3f: {  	_ =	shalt  }
0x40: {  	_ =	shalt  }
0x41: {  	_ =	shalt  }
0x42: {  	_ =	shalt  }
0x43: {  	_ =	shalt  }
0x44: {  	_ =	shalt  }
0x45: {  	_ =	shalt  }
0x46: {  	_ =	shalt  }
0x47: {  	_ =	shalt  }
0x48: {  	_ =	shalt  }
0x49: {  	_ =	shalt  }
0x4a: {  	_ =	shalt  }
0x4b: {  	_ =	shalt  }
0x4c: {  	_ =	shalt  }
0x4d: {  	_ =	shalt  }
0x4e: {  	_ =	shalt  }
0x4f: {  	_ =	shalt  }
0x50: {  	_ =	shalt  }
0x51: {  	_ =	shalt  }
0x52: {  	_ =	shalt  }
0x53: {  	_ =	shalt  }
0x54: {  	_ =	shalt  }
0x55: {  	_ =	shalt  }
0x56: {  	_ =	shalt  }
0x57: {  	_ =	shalt  }
0x58: {  	_ =	shalt  }
0x59: {  	_ =	shalt  }
0x5a: {  	_ =	shalt  }
0x5b: {  	_ =	shalt  }
0x5c: {  	_ =	shalt  }
0x5d: {  	_ =	shalt  }
0x5e: {  	_ =	shalt  }
0x5f: {  	_ =	shalt  }
0x60: {  	_ =	shalt  }
0x61: {  	_ =	shalt  }
0x62: {  	_ =	shalt  }
0x63: {  	_ =	shalt  }
0x64: {  	_ =	shalt  }
0x65: {  	_ =	shalt  }
0x66: {  	_ =	shalt  }
0x67: {  	_ =	shalt  }
0x68: {  	_ =	shalt  }
0x69: {  	_ =	shalt  }
0x6a: {  	_ =	shalt  }
0x6b: {  	_ =	shalt  }
0x6c: {  	_ =	shalt  }
0x6d: {  	_ =	shalt  }
0x6e: {  	_ =	shalt  }
0x6f: {  	_ =	shalt  }
0x70: {  	_ =	shalt  }
0x71: {  	_ =	shalt  }
0x72: {  	_ =	shalt  }
0x73: {  	_ =	shalt  }
0x74: {  	_ =	shalt  }
0x75: {  	_ =	shalt  }
0x76: {  	_ =	shalt  }
0x77: {  	_ =	shalt  }
0x78: {  	_ =	shalt  }
0x79: {  	_ =	shalt  }
0x7a: {  	_ =	shalt  }
0x7b: {  	_ =	shalt  }
0x7c: {  	_ =	shalt  }
0x7d: {  	_ =	shalt  }
0x7e: {  	_ =	shalt  }
0x7f: {  	_ =	shalt  }
0x80: {  	_ =	shalt  }
0x81: {  	_ =	shalt  }
0x82: {  	_ =	shalt  }
0x83: {  	_ =	shalt  }
0x84: {  	_ =	shalt  }
0x85: {  	_ =	shalt  }
0x86: {  	_ =	shalt  }
0x87: {  	_ =	shalt  }
.Lfunc_end0:
.L_simem_size_0:
called_computation_lowered:
.L_overlay_start_0:
0x88: {  	s2 =	sld [smem:$0x3FD9]  }
0x89: {  	s3 =	sld [smem:$0x3FFE];
	_ =	sdelay $0x1  }
0x8a: {  	s1 =	srdreg.scid  }
0x8b: {  	s0 =	sand.u32 $0x1, s1  }
0x8c: {  	s17 =	sshll.u32 s0, $0xA;
	s2 =	sadd.s32 s3, s2  }
0x8d: {  	s2 =	sadd.s32 s2, s17  }
0x8e: {  	[smem:$0x3FC4] =	sst s2  }
0x8f: {  	_ = 	snop  }
0x90: {  	s2 =	sld [smem:$0x3FC9]  }
0x91: {  	s18 =	sld [smem:$0x3FC8]  }
0x92: {  	s4 =	sld [smem:$0x3FD0];
	(tm) =	ssettm $0x1  }
0x93: {  	s5 =	sld [smem:$0x3FFB];
	_ =	sdelay $0x3  }
0x94: {  	_ =	strace s5  }
0x95: {  	s5 =	sld [smem:$0x3FFC];
	_ =	sdelay $0x3  }
0x96: {  	_ =	strace s5  }
0x97: {  	s5 =	sld [smem:$0x3FFD];
	_ =	sdelay $0x3  }
0x98: {  	_ =	strace s5  }
0x99: {  	_ =	strace $0x8FFFFFFF  }
0x9a: {  	s19 =	sld [smem:$0x3FDB];
	_ =	sdelay $0x1  }
0x9b: {  	s6 =	simm.s32 $_scs_section_size  }
0x9c: {  	s7 =	simm.s32 $_size__tile_overlayer_lowered;
	s8 =	simm.s32 $_tile_overlayer_lowered  }
0x9d: {  	s22 =	simm.s32 $0x1BFF;
	s21 =	sshll.u32 s8, $0x1;
	s5 =	sadd.s32 s6, s19  }
0x9e: {  	s9 =	simm.s32 $0x0;
	s20 =	sshll.u32 s7, $0x1;
	s7 =	sadd.s32 s21, s5  }
0x9f: {  	[timem:s9], [sflag:s22] =	dma.local [hbm:s7], s20  }
0xa0: {  	_ =	swait.ge [sflag:s22], s20  }
0xa1: {  	s6 =	ssub.s32 $0x0, s20;
	[sflag:s22] =	ssyncset.done $0x0  }
0xa2: {  	[sflag:s22] =	ssyncadd.s32 s6;
	_ =	sdelay $0x1  }
0xa3: {  	s23 =	simm.s32 $0x1B8B  }
0xa4: {  	_ =	swait.ge [sflag:s23], $0x1  }
0xa5: {  	[sflag:s23] =	ssyncset.done $0x0  }
0xa6: {  	s25 =	simm.s32 $0x1B8E;
	s24 =	sld [smem:$0x3FFE];
	[sflag:s23] =	ssyncadd.s32 $0xFFFFFFFF  }
0xa7: {  	s26 =	simm.s32 $execute0_lowered;
	[smem:$0x3FD2] =	sst s25  }
0xa8: {  	s7 =	sshll.u32 s26, $0x1;
	_ =	strace $0x80000046;
	[dreg:$0x1] =	wrdreg $0xFFFFFFFF  }
0xa9: {  	s28 =	simm.s32 $_size_execute0_lowered;
	s5 =	sadd.s32 s5, s7;
	[dreg:$0x0] =	wrdreg $0x0  }
0xaa: {  	s7 =	sshll.u32 s28, $0x1;
	[dreg:$0x2] =	wrdreg s5  }
0xab: {  	[dreg:$0x3] =	wrdreg s7  }
0xac: {  	[dreg:$0x4] =	wrdreg $0xC0  }
0xad: {  	_ =	task [dreg:s9], $0x5FFFF  }
0xae: {  	[dreg:$0x1] =	wrdreg $0xFFFFFFFF  }
0xaf: {  	[dreg:$0x0] =	wrdreg $0x60  }
0xb0: {  	[dreg:$0x2] =	wrdreg s2  }
0xb1: {  	[dreg:$0x3] =	wrdreg s18  }
0xb2: {  	[dreg:$0x4] =	wrdreg s24  }
0xb3: {  	[dreg:$0x5] =	wrdreg s4  }
0xb4: {  	[dreg:$0x6] =	wrdreg $0x9  }
0xb5: {  	_ =	task.clear_ibuf [dreg:s9], $0x7FFFF;
	_ =	strace $0x90000046  }
0xb6: {  	s29 =	simm.s32 $0x9;
	_ =	strace $0x80000048  }
0xb7: {  	_ =	swait.ge [sflag:s29], $0x1  }
0xb8: {  	[sflag:s29] =	ssyncadd.s32 $0xFFFFFFFF  }
0xb9: {  	_ =	strace $0x90000048  }
0xba: {  	_ =	sfence  }
0xbb: {  	s30 =	sld [smem:$0x0];
	_ =	sdelay $0x2  }
0xbc: {  	s31 =	sshll.u32 s1, $0xD;
	s1 =	sshrl.u32 s1, $0x2  }
0xbd: {  	s3 =	sand.u32 $0x4000, s31;
	s1 =	sadd.s32 s1, s30  }
0xbe: {  	s0 =	sor.u32 s3, s0;
	s1 =	sshll.u32 s1, $0x11  }
0xbf: {  	s0 =	sor.u32 s1, s0  }
0xc0: {  	s0 =	sadd.s32 $0x8F2B, s0  }
0xc1: {  	[sflag:s0] =	ssyncadd.remote.s32 $0x1  }
0xc2: {  	_ =	sfence.sel $0xFFFF  }
0xc3: {  	[dreg:$0x0] =	wrdreg $0xFFFFFFFF;
	(pc) =	sbr.abs _section_cstart, $3  }
0xc4: {  	[dreg:$0x1] =	wrdreg $0xFFFFFFFF  }
0xc5: {  	_ =	task.clear_ibuf [dreg:s9], $0x2FFFF;
	_ =	strace $0x9FFFFFFF  }
0xc6: {  	(tm) =	ssettm $0x7FFFFFFF  }
0xc7: {  	_ =	shalt  }
tec
execute0_lowered:
.L_overlay_start_1:
0x0: {  	(tag) =	ssettag $0x1  }
0x1: {  	s0 =	rddreg [dreg:$0x0]  }
0x2: {  	s1 =	rddreg [dreg:$0x1]  }
0x3: {  	s3 =	rddreg [dreg:$0x2]  }
0x4: {  	s2 =	rddreg [dreg:$0x3]  }
0x5: {  	s4 =	srdreg.scid;
	s5 =	stileid.u32;
	s6 =	simm.s32 $0x0  }
0x6: {  	s12 =	simm.s32 $0x80;
	s13 =	simm.s32 $0xC800;
	s14 =	simm.s32 $0xD800  }
0x7: {  	s16 =	simm.s32 $0xE800;
	s18 =	simm.s32 $0xF800;
	s20 =	simm.s32 $0x10800  }
0x8: {  	s22 =	simm.s32 $0x11800;
	s28 =	simm.s32 $0x1;
	s29 =	simm.s32 $0x2  }
0x9: {  	s30 =	simm.s32 $0x3;
	s31 =	simm.s32 $0x4;
	s11 =	simm.s32 $0x7  }
0xa: {  	s4 =	sand.u32 $0x1, s4;
	s5 =	sshll.u32 s5, $0x1;
	[smem:$0x7FF] =	sst s6  }
0xb: {  	s15 =	simm.s32 $0x8;
	s23 =	sor.u32 s4, s5;
	_ =	strace $0x80000047  }
0xc: {  	v0 =	vlaneseq.u32;
	s7 =	ssub.s32 $0x2, s4;
	s4 =	sadd.s32 $0xF42800, s3;
	s8 =	smul.u32 $0xC80, s23  }
0xd: {  	v0 =	vmul.u32 $0x20, v0;
	s5 =	sadd.s32 $0x1313200, s3;
	s24 =	sshrl.u32 s7, $0x1;
	s6 =	smul.u32 $0xC8, s23  }
0xe: {  	s3 =	ssub.s32 s7, s24;
	s24 =	simm.s32 $0x12800;
	s0 =	sadd.s32 s0, s8  }
0xf: {  	v1 =	vor.u32 $0x200, v0;
	s7 =	simm.s32 $0x0;
	s25 =	sadd.s32 s1, s8;
	[dreg:$0x5] =	wrdreg s0  }
0x10: {  	v2 =	vor.u32 $0x400, v0;
	v3 =	vor.u32 $0x600, v0;
	v4 =	vor.u32 $0x800, v0;
	s26 =	smax.u32 s3, $0x1;
	s1 =	simm.s32 $0x6;
	[dreg:$0x6] =	wrdreg s25  }
0x11: {  	v5 =	vor.u32 $0xA00, v0;
	v6 =	vor.u32 $0xC00, v0;
	v7 =	vor.u32 $0xE00, v0;
	[dreg:$0x7] =	wrdreg s26;
	s26 =	simm.s32 $0x13800;
	s0 =	simm.s32 $0x5  }
.LBB2_1:
0x12: {  	[dreg:$0x8] =	wrdreg s7  }
0x13: {  	s3 =	simm.s32 $0x0;
	s23 =	rddreg [dreg:$0x5];
	s8 =	simm.s32 $0x9  }
0x14: {  	[tilespmem:s3], [sflag:$0x9] =	stream.linear.gather [hbm4b:s23+s3], $0x6400, $0x38;
	[tilespmem:$0x1C800] =	vst v63  }
0x15: {  	_ =	swait.ge [sflag:s8], $0x6400  }
0x16: {  	[sflag:s8] =	ssyncset.done $0x0  }
0x17: {  	s9 =	simm.s32 $0x6400;
	s25 =	rddreg [dreg:$0x6];
	[sflag:s8] =	ssyncadd.s32 $0xFFFF9C00  }
0x18: {  	[tilespmem:s9], [sflag:$0x9] =	stream.linear.gather [hbm4b:s25+s3], $0x6400, $0x38;
	[tilespmem:$0x1C800] =	vst v63  }
0x19: {  	_ =	swait.ge [sflag:s8], $0x6400  }
0x1a: {  	[sflag:s8] =	ssyncset.done $0x0  }
0x1b: {  	[sflag:s8] =	ssyncadd.s32 $0xFFFF9C00  }
0x1c: {  	[tilespmem:s13], [sflag:$0x1] =	stream.indirect.gather [hbm4b:s4+s12], $0x20, s3, s12, $0xb8;
	[tilespmem:$0x1C800] =	vst v63  }
0x1d: {  	_ = 	snop  }
0x1e: {  	[tilespmem:s14], [sflag:$0x2] =	stream.indirect.gather [hbm4b:s4+s12], $0x20, s12, s12, $0xb8;
	[tilespmem:$0x1C800] =	vst v63  }
0x1f: {  	s10 =	simm.s32 $0x100  }
0x20: {  	[tilespmem:s16], [sflag:$0x3] =	stream.indirect.gather [hbm4b:s4+s12], $0x20, s10, s12, $0xb8;
	[tilespmem:$0x1C800] =	vst v63  }
0x21: {  	s17 =	simm.s32 $0x180  }
0x22: {  	[tilespmem:s18], [sflag:$0x4] =	stream.indirect.gather [hbm4b:s4+s12], $0x20, s17, s12, $0xb8;
	[tilespmem:$0x1C800] =	vst v63  }
0x23: {  	s19 =	simm.s32 $0x200  }
0x24: {  	[tilespmem:s20], [sflag:$0x5] =	stream.indirect.gather [hbm4b:s4+s12], $0x20, s19, s12, $0xb8;
	[tilespmem:$0x1C800] =	vst v63  }
0x25: {  	s21 =	simm.s32 $0x280  }
0x26: {  	[tilespmem:s22], [sflag:$0x6] =	stream.indirect.gather [hbm4b:s4+s12], $0x20, s21, s12, $0xb8;
	[tilespmem:$0x1C800] =	vst v63  }
0x27: {  	s23 =	simm.s32 $0x300  }
0x28: {  	[tilespmem:s24], [sflag:$0x7] =	stream.indirect.gather [hbm4b:s4+s12], $0x20, s23, s12, $0xb8;
	[tilespmem:$0x1C800] =	vst v63  }
0x29: {  	s7 =	simm.s32 $0x0;
	s25 =	simm.s32 $0x380  }
0x2a: {  	[tilespmem:s26], [sflag:$0x8] =	stream.indirect.gather [hbm4b:s4+s12], $0x20, s25, s12, $0xb8;
	[tilespmem:$0x1C800] =	vst v63  }
.LBB2_2:
0x2b: {  	_ =	swait.ge [sflag:s28], $0x1000;
	s3 =	sshll.u32 s7, $0xA  }
0x2c: {  	s25 =	sshll.u32 s7, $0x3;
	[sflag:s28] =	ssyncset.done $0x0;
	s3 =	sand.u32 $0x3FFFFC00, s3  }
0x2d: {  	s23 =	sor.u32 $0x1, s25;
	[sflag:s28] =	ssyncadd.s32 $0xFFFFF000;
	s3 =	sadd.s32 $0x6400, s3  }
0x2e: {  	[tilespmem:s13], [sflag:$0x1] =	stream.indirect.gather.add.f32 [hbm:s5], $0x20, s3, s12, $0xb8;
	[tilespmem:$0x1C800] =	vst v63  }
0x2f: {  	s21 =	sshll.u32 s23, $0x7;
	_ =	swait.ge [sflag:s29], $0x1000  }
0x30: {  	s3 =	sand.u32 $0x3FFFFC80, s21;
	[sflag:s29] =	ssyncset.done $0x0  }
0x31: {  	s21 =	sor.u32 $0x2, s25;
	s3 =	sadd.s32 $0x6400, s3;
	[sflag:s29] =	ssyncadd.s32 $0xFFFFF000  }
0x32: {  	[tilespmem:s14], [sflag:$0x2] =	stream.indirect.gather.add.f32 [hbm:s5], $0x20, s3, s12, $0xb8;
	[tilespmem:$0x1C800] =	vst v63  }
0x33: {  	s8 =	sshll.u32 s21, $0x7;
	_ =	swait.ge [sflag:s30], $0x1000  }
0x34: {  	s3 =	sand.u32 $0x3FFFFD00, s8;
	[sflag:s30] =	ssyncset.done $0x0  }
0x35: {  	s19 =	sor.u32 $0x3, s25;
	s3 =	sadd.s32 $0x6400, s3;
	[sflag:s30] =	ssyncadd.s32 $0xFFFFF000  }
0x36: {  	[tilespmem:s16], [sflag:$0x3] =	stream.indirect.gather.add.f32 [hbm:s5], $0x20, s3, s12, $0xb8;
	[tilespmem:$0x1C800] =	vst v63  }
0x37: {  	s9 =	sshll.u32 s19, $0x7;
	_ =	swait.ge [sflag:s31], $0x1000  }
0x38: {  	s3 =	sand.u32 $0x3FFFFD80, s9;
	[sflag:s31] =	ssyncset.done $0x0  }
0x39: {  	s17 =	sor.u32 $0x4, s25;
	s3 =	sadd.s32 $0x6400, s3;
	[sflag:s31] =	ssyncadd.s32 $0xFFFFF000  }
0x3a: {  	[tilespmem:s18], [sflag:$0x4] =	stream.indirect.gather.add.f32 [hbm:s5], $0x20, s3, s12, $0xb8;
	[tilespmem:$0x1C800] =	vst v63  }
0x3b: {  	s10 =	sshll.u32 s17, $0x7;
	_ =	swait.ge [sflag:s0], $0x1000  }
0x3c: {  	s3 =	sand.u32 $0x3FFFFE00, s10;
	[sflag:s0] =	ssyncset.done $0x0  }
0x3d: {  	s10 =	sor.u32 $0x5, s25;
	s3 =	sadd.s32 $0x6400, s3;
	[sflag:s0] =	ssyncadd.s32 $0xFFFFF000  }
0x3e: {  	[tilespmem:s20], [sflag:$0x5] =	stream.indirect.gather.add.f32 [hbm:s5], $0x20, s3, s12, $0xb8;
	[tilespmem:$0x1C800] =	vst v63  }
0x3f: {  	s8 =	sshll.u32 s10, $0x7;
	_ =	swait.ge [sflag:s1], $0x1000  }
0x40: {  	s3 =	sand.u32 $0x3FFFFE80, s8;
	[sflag:s1] =	ssyncset.done $0x0  }
0x41: {  	s9 =	sor.u32 $0x6, s25;
	s3 =	sadd.s32 $0x6400, s3;
	[sflag:s1] =	ssyncadd.s32 $0xFFFFF000  }
0x42: {  	[tilespmem:s22], [sflag:$0x6] =	stream.indirect.gather.add.f32 [hbm:s5], $0x20, s3, s12, $0xb8;
	[tilespmem:$0x1C800] =	vst v63  }
0x43: {  	s8 =	simm.s32 $0x0;
	s3 =	sshll.u32 s9, $0x7;
	_ =	swait.ge [sflag:s11], $0x1000  }
0x44: {  	v8 =	vmov s8;
	s8 =	sshllo.u32 s7, $0x3;
	s3 =	sand.u32 $0x3FFFFF00, s3;
	[sflag:s11] =	ssyncset.done $0x0  }
0x45: {  	[dreg:$0xa] =	wrdreg s9;
	s3 =	sadd.s32 $0x6400, s3;
	[sflag:s11] =	ssyncadd.s32 $0xFFFFF000  }
0x46: {  	v8 =	vand.u32 $0x1F, v8;
	[tilespmem:s24], [sflag:$0x7] =	stream.indirect.gather.add.f32 [hbm:s5], $0x20, s3, s12, $0xb8;
	[tilespmem:$0x1C800] =	vst v63  }
0x47: {  	v8 =	vbroadcast v8, $0x0;
	s3 =	sshll.u32 s8, $0x7;
	_ =	swait.ge [sflag:s15], $0x1000  }
0x48: {  	s3 =	sand.u32 $0x3FFFFF80, s3;
	[sflag:s15] =	ssyncset.done $0x0  }
0x49: {  	v9 =	vor.u32 v0, v8;
	[dreg:$0x9] =	wrdreg s8;
	s3 =	sadd.s32 $0x6400, s3;
	[sflag:s15] =	ssyncadd.s32 $0xFFFFF000  }
0x4a: {  	[tilespmem:s26], [sflag:$0x8] =	stream.indirect.gather.add.f32 [hbm:s5], $0x20, s3, s12, $0xb8;
	[tilespmem:$0x1C800] =	vst v63  }
0x4b: {  	_ =	swait.ge [sflag:s28], $0x1000  }
0x4c: {  	[sflag:s28] =	ssyncset.done $0x0  }
0x4d: {  	[sflag:s28] =	ssyncadd.s32 $0xFFFFF000  }
0x4e: {  	v9 =	vld.idx.msk [tilespmem:v9+s13+$0x0], $0xffff  }
0x4f: {  	v10 =	vor.u32 v1, v8;
	_ =	sdelay $0x2  }
0x50: {  	s3 =	simm.s32 $0x14840  }
0x51: {  	[tilespmem:s3+$0xFFFFFFC0] =	vst v9  }
0x52: {  	v9 =	vld.idx.msk [tilespmem:v10+s13+$0x0], $0xffff  }
0x53: {  	v10 =	vor.u32 v2, v8;
	_ =	sdelay $0x3  }
0x54: {  	[tilespmem:s3+$0xFFFFFFD0] =	vst v9  }
0x55: {  	v9 =	vld.idx.msk [tilespmem:v10+s13+$0x0], $0xffff  }
0x56: {  	v10 =	vor.u32 v3, v8;
	_ =	sdelay $0x3  }
0x57: {  	[tilespmem:s3+$0xFFFFFFE0] =	vst v9  }
0x58: {  	v9 =	vld.idx.msk [tilespmem:v10+s13+$0x0], $0xffff  }
0x59: {  	v10 =	vor.u32 v4, v8;
	_ =	sdelay $0x3  }
0x5a: {  	[tilespmem:s3+$0xFFFFFFF0] =	vst v9  }
0x5b: {  	v9 =	vld.idx.msk [tilespmem:v10+s13+$0x0], $0xffff  }
0x5c: {  	v10 =	vor.u32 v5, v8;
	_ =	sdelay $0x3  }
0x5d: {  	[tilespmem:s3+$0x0] =	vst v9  }
0x5e: {  	v9 =	vld.idx.msk [tilespmem:v10+s13+$0x0], $0xffff  }
0x5f: {  	v10 =	vor.u32 v6, v8;
	_ =	sdelay $0x3  }
0x60: {  	[tilespmem:s3+$0x10] =	vst v9  }
0x61: {  	v9 =	vld.idx.msk [tilespmem:v10+s13+$0x0], $0xffff  }
0x62: {  	v8 =	vor.u32 v7, v8;
	_ =	sdelay $0x1  }
0x63: {  	s9 =	simm.s32 $0x1  }
0x64: {  	s8 =	simm.s32 $0x2;
	v10 =	vmov s9  }
.LBB2_3:
0x65: {  	p0 =	sne.s32 s8, $0x1F;
	v10 =	vand.u32 $0x1F, v10;
	[tilespmem:s3+$0x20] =	vst v9  }
0x66: {  	v10 =	vbroadcast v10, $0x0;
	v8 =	vld.idx.msk [tilespmem:v8+s13+$0x0], $0xffff;
	_ =	sdelay $0x1  }
0x67: {  	v9 =	vor.u32 v0, v10;
	_ =	sdelay $0x3  }
0x68: {  	[tilespmem:s3+$0x30] =	vst v8  }
0x69: {  	v8 =	vld.idx.msk [tilespmem:v9+s13+$0x0], $0xffff;
	_ =	sdelay $0x1  }
0x6a: {  	v9 =	vor.u32 v1, v10;
	_ =	sdelay $0x2  }
0x6b: {  	s3 =	sadd.s32 $0x80, s3  }
0x6c: {  	[tilespmem:s3+$0xFFFFFFC0] =	vst v8  }
0x6d: {  	v8 =	vld.idx.msk [tilespmem:v9+s13+$0x0], $0xffff;
	_ =	sdelay $0x1  }
0x6e: {  	v9 =	vor.u32 v2, v10;
	_ =	sdelay $0x3  }
0x6f: {  	[tilespmem:s3+$0xFFFFFFD0] =	vst v8  }
0x70: {  	v8 =	vld.idx.msk [tilespmem:v9+s13+$0x0], $0xffff;
	_ =	sdelay $0x1  }
0x71: {  	v9 =	vor.u32 v3, v10;
	_ =	sdelay $0x3  }
0x72: {  	[tilespmem:s3+$0xFFFFFFE0] =	vst v8  }
0x73: {  	v8 =	vld.idx.msk [tilespmem:v9+s13+$0x0], $0xffff;
	_ =	sdelay $0x1  }
0x74: {  	v9 =	vor.u32 v4, v10;
	_ =	sdelay $0x3  }
0x75: {  	[tilespmem:s3+$0xFFFFFFF0] =	vst v8  }
0x76: {  	v8 =	vld.idx.msk [tilespmem:v9+s13+$0x0], $0xffff;
	_ =	sdelay $0x1  }
0x77: {  	v9 =	vor.u32 v5, v10;
	_ =	sdelay $0x3  }
0x78: {  	[tilespmem:s3+$0x0] =	vst v8  }
0x79: {  	v8 =	vld.idx.msk [tilespmem:v9+s13+$0x0], $0xffff;
	_ =	sdelay $0x1  }
0x7a: {  	v9 =	vor.u32 v6, v10;
	_ =	sdelay $0x3  }
0x7b: {  	[tilespmem:s3+$0x10] =	vst v8  }
0x7c: {  	v9 =	vld.idx.msk [tilespmem:v9+s13+$0x0], $0xffff  }
.Ltmp0:
0x7d: {  	(pc) =	sbr.rel @p0 .LBB2_3-.Ltmp0, $2  }
0x7e: {  	v8 =	vor.u32 v7, v10;
	_ =	sdelay $0x2  }
0x7f: {  	v10 =	vmov s8;
	s8 =	sadd.s32 $0x1, s8  }
0x80: {  	_ =	sdelay $0x1  }
0x81: {  	v10 =	vand.u32 $0x1F, v10  }
0x82: {  	[tilespmem:s3+$0x20] =	vst v9;
	v9 =	vbroadcast v10, $0x0  }
0x83: {  	v8 =	vld.idx.msk [tilespmem:v8+s13+$0x0], $0xffff  }
0x84: {  	v10 =	vor.u32 v0, v9;
	_ =	sdelay $0x3  }
0x85: {  	[tilespmem:s3+$0x30] =	vst v8  }
0x86: {  	v8 =	vld.idx.msk [tilespmem:v10+s13+$0x0], $0xffff  }
0x87: {  	v10 =	vor.u32 v1, v9;
	_ =	sdelay $0x2  }
0x88: {  	s3 =	sadd.s32 $0x80, s3  }
0x89: {  	[tilespmem:s3+$0xFFFFFFC0] =	vst v8  }
0x8a: {  	v8 =	vld.idx.msk [tilespmem:v10+s13+$0x0], $0xffff  }
0x8b: {  	v10 =	vor.u32 v2, v9;
	_ =	sdelay $0x3  }
0x8c: {  	[tilespmem:s3+$0xFFFFFFD0] =	vst v8  }
0x8d: {  	v8 =	vld.idx.msk [tilespmem:v10+s13+$0x0], $0xffff  }
0x8e: {  	v10 =	vor.u32 v3, v9;
	_ =	sdelay $0x3  }
0x8f: {  	[tilespmem:s3+$0xFFFFFFE0] =	vst v8  }
0x90: {  	v8 =	vld.idx.msk [tilespmem:v10+s13+$0x0], $0xffff  }
0x91: {  	v10 =	vor.u32 v4, v9;
	_ =	sdelay $0x3  }
0x92: {  	[tilespmem:s3+$0xFFFFFFF0] =	vst v8  }
0x93: {  	v8 =	vld.idx.msk [tilespmem:v10+s13+$0x0], $0xffff  }
0x94: {  	v10 =	vor.u32 v5, v9;
	_ =	sdelay $0x3  }
0x95: {  	[tilespmem:s3+$0x0] =	vst v8  }
0x96: {  	v8 =	vld.idx.msk [tilespmem:v10+s13+$0x0], $0xffff  }
0x97: {  	v10 =	vor.u32 v6, v9;
	_ =	sdelay $0x3  }
0x98: {  	[tilespmem:s3+$0x10] =	vst v8  }
0x99: {  	v8 =	vld.idx.msk [tilespmem:v10+s13+$0x0], $0xffff  }
0x9a: {  	v9 =	vor.u32 v7, v9;
	_ =	sdelay $0x3  }
0x9b: {  	s8 =	sadd.s32 s6, s25;
	[tilespmem:s3+$0x20] =	vst v8  }
0x9c: {  	s25 =	sshrl.u32 s8, $0x7;
	v8 =	vld.idx.msk [tilespmem:v9+s13+$0x0], $0xffff  }
0x9d: {  	s8 =	sshll.u32 s8, $0xA;
	s9 =	sshll.u32 s25, $0x11  }
0x9e: {  	s25 =	sshll.u32 s25, $0x13;
	s8 =	ssub.s32 s8, s9  }
0x9f: {  	s8 =	sadd.s32 s25, s8  }
0xa0: {  	s9 =	sshrl.u32 s8, $0x3  }
0xa1: {  	s25 =	simm.s32 $0x0;
	[tilespmem:s3+$0x30] =	vst v8;
	s3 =	sadd.s32 s2, s9;
	s9 =	simm.s32 $0x14800  }
0xa2: {  	[hbm4b:s3+s25] =	stream.linear.scatter [tilespmem:s9], [sflag:$0x1], $0x400, $0x38;
	[tilespmem:$0x1C800] =	vst v63  }
0xa3: {  	s9 =	sadd.s32 $0x20000, s8  }
0xa4: {  	s3 =	sshrl.u32 s9, $0x3  }
0xa5: {  	s9 =	simm.s32 $0x14C00;
	s3 =	sadd.s32 s2, s3  }
0xa6: {  	[hbm4b:s3+s25] =	stream.linear.scatter [tilespmem:s9], [sflag:$0x1], $0x400, $0x38;
	[tilespmem:$0x1C800] =	vst v63  }
0xa7: {  	s9 =	sadd.s32 $0x40000, s8  }
0xa8: {  	v8 =	vmov s25;
	s3 =	sshrl.u32 s9, $0x3  }
0xa9: {  	v8 =	vand.u32 $0x1F, v8;
	s8 =	sadd.s32 $0x60000, s8;
	s9 =	simm.s32 $0x15000;
	s3 =	sadd.s32 s2, s3  }
0xaa: {  	v8 =	vbroadcast v8, $0x0;
	[hbm4b:s3+s25] =	stream.linear.scatter [tilespmem:s9], [sflag:$0x1], $0x400, $0x38;
	[tilespmem:$0x1C800] =	vst v63  }
0xab: {  	s3 =	sshrl.u32 s8, $0x3  }
0xac: {  	v9 =	vor.u32 v0, v8;
	s9 =	simm.s32 $0x15400;
	s3 =	sadd.s32 s2, s3  }
0xad: {  	[hbm4b:s3+s25] =	stream.linear.scatter [tilespmem:s9], [sflag:$0x1], $0x400, $0x38;
	[tilespmem:$0x1C800] =	vst v63  }
0xae: {  	_ =	swait.ge [sflag:s29], $0x1000  }
0xaf: {  	[sflag:s29] =	ssyncset.done $0x0  }
0xb0: {  	[sflag:s29] =	ssyncadd.s32 $0xFFFFF000  }
0xb1: {  	v9 =	vld.idx.msk [tilespmem:v9+s14+$0x0], $0xffff  }
0xb2: {  	v10 =	vor.u32 v1, v8;
	_ =	sdelay $0x2  }
0xb3: {  	s8 =	sand.u32 $0x7FFFFF80, s25  }
0xb4: {  	[tilespmem:s8+$0x15800] =	vst v9  }
0xb5: {  	v9 =	vld.idx.msk [tilespmem:v10+s14+$0x0], $0xffff  }
0xb6: {  	v10 =	vor.u32 v2, v8;
	_ =	sdelay $0x2  }
0xb7: {  	s3 =	sadd.s32 $0x15800, s8  }
0xb8: {  	[tilespmem:s3+$0x10] =	vst v9  }
0xb9: {  	v9 =	vld.idx.msk [tilespmem:v10+s14+$0x0], $0xffff  }
0xba: {  	v10 =	vor.u32 v3, v8;
	_ =	sdelay $0x3  }
0xbb: {  	[tilespmem:s3+$0x20] =	vst v9  }
0xbc: {  	v9 =	vld.idx.msk [tilespmem:v10+s14+$0x0], $0xffff  }
0xbd: {  	v10 =	vor.u32 v4, v8;
	_ =	sdelay $0x3  }
0xbe: {  	[tilespmem:s3+$0x30] =	vst v9  }
0xbf: {  	v9 =	vld.idx.msk [tilespmem:v10+s14+$0x0], $0xffff  }
0xc0: {  	v10 =	vor.u32 v5, v8;
	_ =	sdelay $0x3  }
0xc1: {  	[tilespmem:s3+$0x40] =	vst v9  }
0xc2: {  	v9 =	vld.idx.msk [tilespmem:v10+s14+$0x0], $0xffff  }
0xc3: {  	v10 =	vor.u32 v6, v8;
	_ =	sdelay $0x3  }
0xc4: {  	[tilespmem:s3+$0x50] =	vst v9  }
0xc5: {  	v9 =	vld.idx.msk [tilespmem:v10+s14+$0x0], $0xffff  }
0xc6: {  	v8 =	vor.u32 v7, v8;
	_ =	sdelay $0x1  }
0xc7: {  	s9 =	simm.s32 $0x1  }
0xc8: {  	s8 =	simm.s32 $0x2;
	v10 =	vmov s9  }
.LBB2_5:
0xc9: {  	p0 =	sne.s32 s8, $0x1F;
	v10 =	vand.u32 $0x1F, v10;
	[tilespmem:s3+$0x60] =	vst v9  }
0xca: {  	v10 =	vbroadcast v10, $0x0;
	v8 =	vld.idx.msk [tilespmem:v8+s14+$0x0], $0xffff;
	_ =	sdelay $0x1  }
0xcb: {  	v9 =	vor.u32 v0, v10;
	_ =	sdelay $0x3  }
0xcc: {  	[tilespmem:s3+$0x70] =	vst v8  }
0xcd: {  	v8 =	vld.idx.msk [tilespmem:v9+s14+$0x0], $0xffff;
	_ =	sdelay $0x1  }
0xce: {  	v9 =	vor.u32 v1, v10;
	_ =	sdelay $0x1  }
0xcf: {  	s25 =	sadd.s32 $0x80, s25  }
0xd0: {  	s3 =	sand.u32 $0x7FFFFF80, s25  }
0xd1: {  	[tilespmem:s3+$0x15800] =	vst v8  }
0xd2: {  	v8 =	vld.idx.msk [tilespmem:v9+s14+$0x0], $0xffff;
	_ =	sdelay $0x1  }
0xd3: {  	v9 =	vor.u32 v2, v10;
	_ =	sdelay $0x2  }
0xd4: {  	s3 =	sadd.s32 $0x15800, s3  }
0xd5: {  	[tilespmem:s3+$0x10] =	vst v8  }
0xd6: {  	v8 =	vld.idx.msk [tilespmem:v9+s14+$0x0], $0xffff;
	_ =	sdelay $0x1  }
0xd7: {  	v9 =	vor.u32 v3, v10;
	_ =	sdelay $0x3  }
0xd8: {  	[tilespmem:s3+$0x20] =	vst v8  }
0xd9: {  	v8 =	vld.idx.msk [tilespmem:v9+s14+$0x0], $0xffff;
	_ =	sdelay $0x1  }
0xda: {  	v9 =	vor.u32 v4, v10;
	_ =	sdelay $0x3  }
0xdb: {  	[tilespmem:s3+$0x30] =	vst v8  }
0xdc: {  	v8 =	vld.idx.msk [tilespmem:v9+s14+$0x0], $0xffff;
	_ =	sdelay $0x1  }
0xdd: {  	v9 =	vor.u32 v5, v10;
	_ =	sdelay $0x3  }
0xde: {  	[tilespmem:s3+$0x40] =	vst v8  }
0xdf: {  	v8 =	vld.idx.msk [tilespmem:v9+s14+$0x0], $0xffff;
	_ =	sdelay $0x1  }
0xe0: {  	v9 =	vor.u32 v6, v10;
	_ =	sdelay $0x3  }
0xe1: {  	[tilespmem:s3+$0x50] =	vst v8  }
0xe2: {  	v9 =	vld.idx.msk [tilespmem:v9+s14+$0x0], $0xffff  }
.Ltmp1:
0xe3: {  	(pc) =	sbr.rel @p0 .LBB2_5-.Ltmp1, $2  }
0xe4: {  	v8 =	vor.u32 v7, v10;
	_ =	sdelay $0x2  }
0xe5: {  	v10 =	vmov s8;
	s8 =	sadd.s32 $0x1, s8  }
0xe6: {  	_ =	sdelay $0x1  }
0xe7: {  	v10 =	vand.u32 $0x1F, v10  }
0xe8: {  	[tilespmem:s3+$0x60] =	vst v9;
	v9 =	vbroadcast v10, $0x0  }
0xe9: {  	v8 =	vld.idx.msk [tilespmem:v8+s14+$0x0], $0xffff  }
0xea: {  	v10 =	vor.u32 v0, v9;
	_ =	sdelay $0x3  }
0xeb: {  	[tilespmem:s3+$0x70] =	vst v8  }
0xec: {  	v8 =	vld.idx.msk [tilespmem:v10+s14+$0x0], $0xffff  }
0xed: {  	v10 =	vor.u32 v1, v9;
	_ =	sdelay $0x1  }
0xee: {  	s9 =	sadd.s32 $0x80, s25  }
0xef: {  	s3 =	sand.u32 $0x7FFFFF80, s9  }
0xf0: {  	[tilespmem:s3+$0x15800] =	vst v8  }
0xf1: {  	v8 =	vld.idx.msk [tilespmem:v10+s14+$0x0], $0xffff  }
0xf2: {  	v10 =	vor.u32 v2, v9;
	_ =	sdelay $0x2  }
0xf3: {  	s3 =	sadd.s32 $0x15800, s3  }
0xf4: {  	[tilespmem:s3+$0x10] =	vst v8  }
0xf5: {  	v8 =	vld.idx.msk [tilespmem:v10+s14+$0x0], $0xffff  }
0xf6: {  	v10 =	vor.u32 v3, v9;
	_ =	sdelay $0x3  }
0xf7: {  	[tilespmem:s3+$0x20] =	vst v8  }
0xf8: {  	v8 =	vld.idx.msk [tilespmem:v10+s14+$0x0], $0xffff  }
0xf9: {  	v10 =	vor.u32 v4, v9;
	_ =	sdelay $0x3  }
0xfa: {  	[tilespmem:s3+$0x30] =	vst v8  }
0xfb: {  	v8 =	vld.idx.msk [tilespmem:v10+s14+$0x0], $0xffff  }
0xfc: {  	v10 =	vor.u32 v5, v9;
	_ =	sdelay $0x3  }
0xfd: {  	[tilespmem:s3+$0x40] =	vst v8  }
0xfe: {  	v8 =	vld.idx.msk [tilespmem:v10+s14+$0x0], $0xffff  }
0xff: {  	v10 =	vor.u32 v6, v9;
	_ =	sdelay $0x3  }
0x100: {  	[tilespmem:s3+$0x50] =	vst v8  }
0x101: {  	v8 =	vld.idx.msk [tilespmem:v10+s14+$0x0], $0xffff  }
0x102: {  	v9 =	vor.u32 v7, v9;
	_ =	sdelay $0x3  }
0x103: {  	s8 =	sadd.s32 s6, s23;
	[tilespmem:s3+$0x60] =	vst v8  }
0x104: {  	s9 =	sshrl.u32 s8, $0x7;
	v8 =	vld.idx.msk [tilespmem:v9+s14+$0x0], $0xffff  }
0x105: {  	s8 =	sshll.u32 s8, $0xA;
	s25 =	sshll.u32 s9, $0x11  }
0x106: {  	s9 =	sshll.u32 s9, $0x13;
	s8 =	ssub.s32 s8, s25  }
0x107: {  	s8 =	sadd.s32 s9, s8  }
0x108: {  	s9 =	sshrl.u32 s8, $0x3  }
0x109: {  	s23 =	simm.s32 $0x0;
	s25 =	simm.s32 $0x15800;
	s9 =	sadd.s32 s2, s9;
	[tilespmem:s3+$0x70] =	vst v8  }
0x10a: {  	[hbm4b:s9+s23] =	stream.linear.scatter [tilespmem:s25], [sflag:$0x2], $0x400, $0x38;
	[tilespmem:$0x1C800] =	vst v63  }
0x10b: {  	s9 =	sadd.s32 $0x20000, s8  }
0x10c: {  	s3 =	sshrl.u32 s9, $0x3  }
0x10d: {  	s25 =	simm.s32 $0x15C00;
	s9 =	sadd.s32 $0x40000, s8;
	s3 =	sadd.s32 s2, s3  }
0x10e: {  	[hbm4b:s3+s23] =	stream.linear.scatter [tilespmem:s25], [sflag:$0x2], $0x400, $0x38;
	[tilespmem:$0x1C800] =	vst v63  }
0x10f: {  	v8 =	vmov s23;
	s3 =	sshrl.u32 s9, $0x3  }
0x110: {  	v8 =	vand.u32 $0x1F, v8;
	s25 =	simm.s32 $0x16000;
	s9 =	sadd.s32 $0x60000, s8;
	s3 =	sadd.s32 s2, s3  }
0x111: {  	v8 =	vbroadcast v8, $0x0;
	[hbm4b:s3+s23] =	stream.linear.scatter [tilespmem:s25], [sflag:$0x2], $0x400, $0x38;
	[tilespmem:$0x1C800] =	vst v63  }
0x112: {  	s3 =	sshrl.u32 s9, $0x3  }
0x113: {  	v9 =	vor.u32 v0, v8;
	s25 =	simm.s32 $0x16400;
	s3 =	sadd.s32 s2, s3  }
0x114: {  	[hbm4b:s3+s23] =	stream.linear.scatter [tilespmem:s25], [sflag:$0x2], $0x400, $0x38;
	[tilespmem:$0x1C800] =	vst v63  }
0x115: {  	_ =	swait.ge [sflag:s30], $0x1000  }
0x116: {  	[sflag:s30] =	ssyncset.done $0x0  }
0x117: {  	[sflag:s30] =	ssyncadd.s32 $0xFFFFF000  }
0x118: {  	v9 =	vld.idx.msk [tilespmem:v9+s16+$0x0], $0xffff  }
0x119: {  	v10 =	vor.u32 v1, v8;
	_ =	sdelay $0x2  }
0x11a: {  	s9 =	sand.u32 $0x7FFFFF80, s23  }
0x11b: {  	[tilespmem:s9+$0x16800] =	vst v9  }
0x11c: {  	v9 =	vld.idx.msk [tilespmem:v10+s16+$0x0], $0xffff  }
0x11d: {  	v10 =	vor.u32 v2, v8;
	_ =	sdelay $0x2  }
0x11e: {  	s3 =	sadd.s32 $0x16800, s9  }
0x11f: {  	[tilespmem:s3+$0x10] =	vst v9  }
0x120: {  	v9 =	vld.idx.msk [tilespmem:v10+s16+$0x0], $0xffff  }
0x121: {  	v10 =	vor.u32 v3, v8;
	_ =	sdelay $0x3  }
0x122: {  	[tilespmem:s3+$0x20] =	vst v9  }
0x123: {  	v9 =	vld.idx.msk [tilespmem:v10+s16+$0x0], $0xffff  }
0x124: {  	v10 =	vor.u32 v4, v8;
	_ =	sdelay $0x3  }
0x125: {  	[tilespmem:s3+$0x30] =	vst v9  }
0x126: {  	v9 =	vld.idx.msk [tilespmem:v10+s16+$0x0], $0xffff  }
0x127: {  	v10 =	vor.u32 v5, v8;
	_ =	sdelay $0x3  }
0x128: {  	[tilespmem:s3+$0x40] =	vst v9  }
0x129: {  	v9 =	vld.idx.msk [tilespmem:v10+s16+$0x0], $0xffff  }
0x12a: {  	v10 =	vor.u32 v6, v8;
	_ =	sdelay $0x3  }
0x12b: {  	[tilespmem:s3+$0x50] =	vst v9  }
0x12c: {  	v9 =	vld.idx.msk [tilespmem:v10+s16+$0x0], $0xffff  }
0x12d: {  	v8 =	vor.u32 v7, v8;
	_ =	sdelay $0x1  }
0x12e: {  	s25 =	simm.s32 $0x1  }
0x12f: {  	s8 =	simm.s32 $0x2;
	v10 =	vmov s25  }
.LBB2_7:
0x130: {  	p0 =	sne.s32 s8, $0x1F;
	v10 =	vand.u32 $0x1F, v10;
	[tilespmem:s3+$0x60] =	vst v9  }
0x131: {  	v10 =	vbroadcast v10, $0x0;
	v8 =	vld.idx.msk [tilespmem:v8+s16+$0x0], $0xffff;
	_ =	sdelay $0x1  }
0x132: {  	v9 =	vor.u32 v0, v10;
	_ =	sdelay $0x3  }
0x133: {  	[tilespmem:s3+$0x70] =	vst v8  }
0x134: {  	v8 =	vld.idx.msk [tilespmem:v9+s16+$0x0], $0xffff;
	_ =	sdelay $0x1  }
0x135: {  	v9 =	vor.u32 v1, v10;
	_ =	sdelay $0x1  }
0x136: {  	s23 =	sadd.s32 $0x80, s23  }
0x137: {  	s3 =	sand.u32 $0x7FFFFF80, s23  }
0x138: {  	[tilespmem:s3+$0x16800] =	vst v8  }
0x139: {  	v8 =	vld.idx.msk [tilespmem:v9+s16+$0x0], $0xffff;
	_ =	sdelay $0x1  }
0x13a: {  	v9 =	vor.u32 v2, v10;
	_ =	sdelay $0x2  }
0x13b: {  	s3 =	sadd.s32 $0x16800, s3  }
0x13c: {  	[tilespmem:s3+$0x10] =	vst v8  }
0x13d: {  	v8 =	vld.idx.msk [tilespmem:v9+s16+$0x0], $0xffff;
	_ =	sdelay $0x1  }
0x13e: {  	v9 =	vor.u32 v3, v10;
	_ =	sdelay $0x3  }
0x13f: {  	[tilespmem:s3+$0x20] =	vst v8  }
0x140: {  	v8 =	vld.idx.msk [tilespmem:v9+s16+$0x0], $0xffff;
	_ =	sdelay $0x1  }
0x141: {  	v9 =	vor.u32 v4, v10;
	_ =	sdelay $0x3  }
0x142: {  	[tilespmem:s3+$0x30] =	vst v8  }
0x143: {  	v8 =	vld.idx.msk [tilespmem:v9+s16+$0x0], $0xffff;
	_ =	sdelay $0x1  }
0x144: {  	v9 =	vor.u32 v5, v10;
	_ =	sdelay $0x3  }
0x145: {  	[tilespmem:s3+$0x40] =	vst v8  }
0x146: {  	v8 =	vld.idx.msk [tilespmem:v9+s16+$0x0], $0xffff;
	_ =	sdelay $0x1  }
0x147: {  	v9 =	vor.u32 v6, v10;
	_ =	sdelay $0x3  }
0x148: {  	[tilespmem:s3+$0x50] =	vst v8  }
0x149: {  	v9 =	vld.idx.msk [tilespmem:v9+s16+$0x0], $0xffff  }
.Ltmp2:
0x14a: {  	(pc) =	sbr.rel @p0 .LBB2_7-.Ltmp2, $2  }
0x14b: {  	v8 =	vor.u32 v7, v10;
	_ =	sdelay $0x2  }
0x14c: {  	v10 =	vmov s8;
	s8 =	sadd.s32 $0x1, s8  }
0x14d: {  	_ =	sdelay $0x1  }
0x14e: {  	v10 =	vand.u32 $0x1F, v10  }
0x14f: {  	[tilespmem:s3+$0x60] =	vst v9;
	v9 =	vbroadcast v10, $0x0  }
0x150: {  	v8 =	vld.idx.msk [tilespmem:v8+s16+$0x0], $0xffff  }
0x151: {  	v10 =	vor.u32 v0, v9;
	_ =	sdelay $0x3  }
0x152: {  	[tilespmem:s3+$0x70] =	vst v8  }
0x153: {  	v8 =	vld.idx.msk [tilespmem:v10+s16+$0x0], $0xffff  }
0x154: {  	v10 =	vor.u32 v1, v9;
	_ =	sdelay $0x1  }
0x155: {  	s23 =	sadd.s32 $0x80, s23  }
0x156: {  	s3 =	sand.u32 $0x7FFFFF80, s23  }
0x157: {  	[tilespmem:s3+$0x16800] =	vst v8  }
0x158: {  	v8 =	vld.idx.msk [tilespmem:v10+s16+$0x0], $0xffff  }
0x159: {  	v10 =	vor.u32 v2, v9;
	_ =	sdelay $0x2  }
0x15a: {  	s3 =	sadd.s32 $0x16800, s3  }
0x15b: {  	[tilespmem:s3+$0x10] =	vst v8  }
0x15c: {  	v8 =	vld.idx.msk [tilespmem:v10+s16+$0x0], $0xffff  }
0x15d: {  	v10 =	vor.u32 v3, v9;
	_ =	sdelay $0x3  }
0x15e: {  	[tilespmem:s3+$0x20] =	vst v8  }
0x15f: {  	v8 =	vld.idx.msk [tilespmem:v10+s16+$0x0], $0xffff  }
0x160: {  	v10 =	vor.u32 v4, v9;
	_ =	sdelay $0x3  }
0x161: {  	[tilespmem:s3+$0x30] =	vst v8  }
0x162: {  	v8 =	vld.idx.msk [tilespmem:v10+s16+$0x0], $0xffff  }
0x163: {  	v10 =	vor.u32 v5, v9;
	_ =	sdelay $0x3  }
0x164: {  	[tilespmem:s3+$0x40] =	vst v8  }
0x165: {  	v8 =	vld.idx.msk [tilespmem:v10+s16+$0x0], $0xffff  }
0x166: {  	v10 =	vor.u32 v6, v9;
	_ =	sdelay $0x3  }
0x167: {  	[tilespmem:s3+$0x50] =	vst v8  }
0x168: {  	v8 =	vld.idx.msk [tilespmem:v10+s16+$0x0], $0xffff  }
0x169: {  	v9 =	vor.u32 v7, v9;
	_ =	sdelay $0x3  }
0x16a: {  	s8 =	sadd.s32 s6, s21;
	[tilespmem:s3+$0x60] =	vst v8  }
0x16b: {  	s9 =	sshrl.u32 s8, $0x7;
	v8 =	vld.idx.msk [tilespmem:v9+s16+$0x0], $0xffff  }
0x16c: {  	s8 =	sshll.u32 s8, $0xA;
	s25 =	sshll.u32 s9, $0x11  }
0x16d: {  	s9 =	sshll.u32 s9, $0x13;
	s8 =	ssub.s32 s8, s25  }
0x16e: {  	s8 =	sadd.s32 s9, s8  }
0x16f: {  	s9 =	sshrl.u32 s8, $0x3  }
0x170: {  	s21 =	simm.s32 $0x0;
	s25 =	simm.s32 $0x16800;
	s23 =	sadd.s32 s2, s9;
	[tilespmem:s3+$0x70] =	vst v8  }
0x171: {  	[hbm4b:s23+s21] =	stream.linear.scatter [tilespmem:s25], [sflag:$0x3], $0x400, $0x38;
	[tilespmem:$0x1C800] =	vst v63  }
0x172: {  	s23 =	sadd.s32 $0x20000, s8  }
0x173: {  	s3 =	sshrl.u32 s23, $0x3  }
0x174: {  	s25 =	simm.s32 $0x16C00;
	s23 =	sadd.s32 $0x40000, s8;
	s3 =	sadd.s32 s2, s3  }
0x175: {  	[hbm4b:s3+s21] =	stream.linear.scatter [tilespmem:s25], [sflag:$0x3], $0x400, $0x38;
	[tilespmem:$0x1C800] =	vst v63  }
0x176: {  	v8 =	vmov s21;
	s3 =	sshrl.u32 s23, $0x3  }
0x177: {  	v8 =	vand.u32 $0x1F, v8;
	s8 =	sadd.s32 $0x60000, s8;
	s25 =	simm.s32 $0x17000;
	s3 =	sadd.s32 s2, s3  }
0x178: {  	v8 =	vbroadcast v8, $0x0;
	[hbm4b:s3+s21] =	stream.linear.scatter [tilespmem:s25], [sflag:$0x3], $0x400, $0x38;
	[tilespmem:$0x1C800] =	vst v63  }
0x179: {  	s3 =	sshrl.u32 s8, $0x3  }
0x17a: {  	s9 =	simm.s32 $0x17400;
	v9 =	vor.u32 v0, v8;
	s3 =	sadd.s32 s2, s3  }
0x17b: {  	[hbm4b:s3+s21] =	stream.linear.scatter [tilespmem:s9], [sflag:$0x3], $0x400, $0x38;
	[tilespmem:$0x1C800] =	vst v63  }
0x17c: {  	_ =	swait.ge [sflag:s31], $0x1000  }
0x17d: {  	[sflag:s31] =	ssyncset.done $0x0  }
0x17e: {  	[sflag:s31] =	ssyncadd.s32 $0xFFFFF000  }
0x17f: {  	v9 =	vld.idx.msk [tilespmem:v9+s18+$0x0], $0xffff  }
0x180: {  	v10 =	vor.u32 v1, v8;
	_ =	sdelay $0x2  }
0x181: {  	s23 =	sand.u32 $0x7FFFFF80, s21  }
0x182: {  	[tilespmem:s23+$0x17800] =	vst v9  }
0x183: {  	v9 =	vld.idx.msk [tilespmem:v10+s18+$0x0], $0xffff  }
0x184: {  	v10 =	vor.u32 v2, v8;
	_ =	sdelay $0x2  }
0x185: {  	s3 =	sadd.s32 $0x17800, s23  }
0x186: {  	[tilespmem:s3+$0x10] =	vst v9  }
0x187: {  	v9 =	vld.idx.msk [tilespmem:v10+s18+$0x0], $0xffff  }
0x188: {  	v10 =	vor.u32 v3, v8;
	_ =	sdelay $0x3  }
0x189: {  	[tilespmem:s3+$0x20] =	vst v9  }
0x18a: {  	v9 =	vld.idx.msk [tilespmem:v10+s18+$0x0], $0xffff  }
0x18b: {  	v10 =	vor.u32 v4, v8;
	_ =	sdelay $0x3  }
0x18c: {  	[tilespmem:s3+$0x30] =	vst v9  }
0x18d: {  	v9 =	vld.idx.msk [tilespmem:v10+s18+$0x0], $0xffff  }
0x18e: {  	v10 =	vor.u32 v5, v8;
	_ =	sdelay $0x3  }
0x18f: {  	[tilespmem:s3+$0x40] =	vst v9  }
0x190: {  	v9 =	vld.idx.msk [tilespmem:v10+s18+$0x0], $0xffff  }
0x191: {  	v10 =	vor.u32 v6, v8;
	_ =	sdelay $0x3  }
0x192: {  	[tilespmem:s3+$0x50] =	vst v9  }
0x193: {  	v9 =	vld.idx.msk [tilespmem:v10+s18+$0x0], $0xffff  }
0x194: {  	v8 =	vor.u32 v7, v8;
	_ =	sdelay $0x1  }
0x195: {  	s25 =	simm.s32 $0x1  }
0x196: {  	s8 =	simm.s32 $0x2;
	v10 =	vmov s25  }
.LBB2_9:
0x197: {  	p0 =	sne.s32 s8, $0x1F;
	v10 =	vand.u32 $0x1F, v10;
	[tilespmem:s3+$0x60] =	vst v9  }
0x198: {  	v10 =	vbroadcast v10, $0x0;
	v8 =	vld.idx.msk [tilespmem:v8+s18+$0x0], $0xffff;
	_ =	sdelay $0x1  }
0x199: {  	v9 =	vor.u32 v0, v10;
	_ =	sdelay $0x3  }
0x19a: {  	[tilespmem:s3+$0x70] =	vst v8  }
0x19b: {  	v8 =	vld.idx.msk [tilespmem:v9+s18+$0x0], $0xffff;
	_ =	sdelay $0x1  }
0x19c: {  	v9 =	vor.u32 v1, v10;
	_ =	sdelay $0x1  }
0x19d: {  	s21 =	sadd.s32 $0x80, s21  }
0x19e: {  	s3 =	sand.u32 $0x7FFFFF80, s21  }
0x19f: {  	[tilespmem:s3+$0x17800] =	vst v8  }
0x1a0: {  	v8 =	vld.idx.msk [tilespmem:v9+s18+$0x0], $0xffff;
	_ =	sdelay $0x1  }
0x1a1: {  	v9 =	vor.u32 v2, v10;
	_ =	sdelay $0x2  }
0x1a2: {  	s3 =	sadd.s32 $0x17800, s3  }
0x1a3: {  	[tilespmem:s3+$0x10] =	vst v8  }
0x1a4: {  	v8 =	vld.idx.msk [tilespmem:v9+s18+$0x0], $0xffff;
	_ =	sdelay $0x1  }
0x1a5: {  	v9 =	vor.u32 v3, v10;
	_ =	sdelay $0x3  }
0x1a6: {  	[tilespmem:s3+$0x20] =	vst v8  }
0x1a7: {  	v8 =	vld.idx.msk [tilespmem:v9+s18+$0x0], $0xffff;
	_ =	sdelay $0x1  }
0x1a8: {  	v9 =	vor.u32 v4, v10;
	_ =	sdelay $0x3  }
0x1a9: {  	[tilespmem:s3+$0x30] =	vst v8  }
0x1aa: {  	v8 =	vld.idx.msk [tilespmem:v9+s18+$0x0], $0xffff;
	_ =	sdelay $0x1  }
0x1ab: {  	v9 =	vor.u32 v5, v10;
	_ =	sdelay $0x3  }
0x1ac: {  	[tilespmem:s3+$0x40] =	vst v8  }
0x1ad: {  	v8 =	vld.idx.msk [tilespmem:v9+s18+$0x0], $0xffff;
	_ =	sdelay $0x1  }
0x1ae: {  	v9 =	vor.u32 v6, v10;
	_ =	sdelay $0x3  }
0x1af: {  	[tilespmem:s3+$0x50] =	vst v8  }
0x1b0: {  	v9 =	vld.idx.msk [tilespmem:v9+s18+$0x0], $0xffff  }
.Ltmp3:
0x1b1: {  	(pc) =	sbr.rel @p0 .LBB2_9-.Ltmp3, $2  }
0x1b2: {  	v8 =	vor.u32 v7, v10;
	_ =	sdelay $0x2  }
0x1b3: {  	v10 =	vmov s8;
	s8 =	sadd.s32 $0x1, s8  }
0x1b4: {  	_ =	sdelay $0x1  }
0x1b5: {  	v10 =	vand.u32 $0x1F, v10  }
0x1b6: {  	[tilespmem:s3+$0x60] =	vst v9;
	v9 =	vbroadcast v10, $0x0  }
0x1b7: {  	v8 =	vld.idx.msk [tilespmem:v8+s18+$0x0], $0xffff  }
0x1b8: {  	v10 =	vor.u32 v0, v9;
	_ =	sdelay $0x3  }
0x1b9: {  	[tilespmem:s3+$0x70] =	vst v8  }
0x1ba: {  	v8 =	vld.idx.msk [tilespmem:v10+s18+$0x0], $0xffff  }
0x1bb: {  	v10 =	vor.u32 v1, v9;
	_ =	sdelay $0x1  }
0x1bc: {  	s9 =	sadd.s32 $0x80, s21  }
0x1bd: {  	s3 =	sand.u32 $0x7FFFFF80, s9  }
0x1be: {  	[tilespmem:s3+$0x17800] =	vst v8  }
0x1bf: {  	v8 =	vld.idx.msk [tilespmem:v10+s18+$0x0], $0xffff  }
0x1c0: {  	v10 =	vor.u32 v2, v9;
	_ =	sdelay $0x2  }
0x1c1: {  	s3 =	sadd.s32 $0x17800, s3  }
0x1c2: {  	[tilespmem:s3+$0x10] =	vst v8  }
0x1c3: {  	v8 =	vld.idx.msk [tilespmem:v10+s18+$0x0], $0xffff  }
0x1c4: {  	v10 =	vor.u32 v3, v9;
	_ =	sdelay $0x3  }
0x1c5: {  	[tilespmem:s3+$0x20] =	vst v8  }
0x1c6: {  	v8 =	vld.idx.msk [tilespmem:v10+s18+$0x0], $0xffff  }
0x1c7: {  	v10 =	vor.u32 v4, v9;
	_ =	sdelay $0x3  }
0x1c8: {  	[tilespmem:s3+$0x30] =	vst v8  }
0x1c9: {  	v8 =	vld.idx.msk [tilespmem:v10+s18+$0x0], $0xffff  }
0x1ca: {  	v10 =	vor.u32 v5, v9;
	_ =	sdelay $0x3  }
0x1cb: {  	[tilespmem:s3+$0x40] =	vst v8  }
0x1cc: {  	v8 =	vld.idx.msk [tilespmem:v10+s18+$0x0], $0xffff  }
0x1cd: {  	v10 =	vor.u32 v6, v9;
	_ =	sdelay $0x3  }
0x1ce: {  	[tilespmem:s3+$0x50] =	vst v8  }
0x1cf: {  	v8 =	vld.idx.msk [tilespmem:v10+s18+$0x0], $0xffff  }
0x1d0: {  	v9 =	vor.u32 v7, v9;
	_ =	sdelay $0x2  }
0x1d1: {  	s8 =	sadd.s32 s6, s19  }
0x1d2: {  	s9 =	sshrl.u32 s8, $0x7;
	[tilespmem:s3+$0x60] =	vst v8  }
0x1d3: {  	s8 =	sshll.u32 s8, $0xA;
	s21 =	sshll.u32 s9, $0x11;
	v8 =	vld.idx.msk [tilespmem:v9+s18+$0x0], $0xffff  }
0x1d4: {  	s9 =	sshll.u32 s9, $0x13;
	s8 =	ssub.s32 s8, s21  }
0x1d5: {  	s8 =	sadd.s32 s9, s8  }
0x1d6: {  	s9 =	sshrl.u32 s8, $0x3  }
0x1d7: {  	s23 =	sadd.s32 s2, s9;
	s9 =	sadd.s32 $0x20000, s8  }
0x1d8: {  	s19 =	simm.s32 $0x0;
	s25 =	simm.s32 $0x17800;
	[tilespmem:s3+$0x70] =	vst v8;
	s3 =	sshrl.u32 s9, $0x3  }
0x1d9: {  	[hbm4b:s23+s19] =	stream.linear.scatter [tilespmem:s25], [sflag:$0x4], $0x400, $0x38;
	[tilespmem:$0x1C800] =	vst v63  }
0x1da: {  	s21 =	simm.s32 $0x17C00;
	s3 =	sadd.s32 s2, s3;
	s23 =	sadd.s32 $0x40000, s8  }
0x1db: {  	[hbm4b:s3+s19] =	stream.linear.scatter [tilespmem:s21], [sflag:$0x4], $0x400, $0x38;
	[tilespmem:$0x1C800] =	vst v63  }
0x1dc: {  	v8 =	vmov s19;
	s3 =	sshrl.u32 s23, $0x3  }
0x1dd: {  	s9 =	sadd.s32 $0x60000, s8;
	s25 =	simm.s32 $0x18000;
	v8 =	vand.u32 $0x1F, v8;
	s3 =	sadd.s32 s2, s3  }
0x1de: {  	v8 =	vbroadcast v8, $0x0;
	[hbm4b:s3+s19] =	stream.linear.scatter [tilespmem:s25], [sflag:$0x4], $0x400, $0x38;
	[tilespmem:$0x1C800] =	vst v63  }
0x1df: {  	s3 =	sshrl.u32 s9, $0x3  }
0x1e0: {  	s21 =	simm.s32 $0x18400;
	v9 =	vor.u32 v0, v8;
	s3 =	sadd.s32 s2, s3  }
0x1e1: {  	[hbm4b:s3+s19] =	stream.linear.scatter [tilespmem:s21], [sflag:$0x4], $0x400, $0x38;
	[tilespmem:$0x1C800] =	vst v63  }
0x1e2: {  	_ =	swait.ge [sflag:s0], $0x1000  }
0x1e3: {  	[sflag:s0] =	ssyncset.done $0x0  }
0x1e4: {  	[sflag:s0] =	ssyncadd.s32 $0xFFFFF000  }
0x1e5: {  	v9 =	vld.idx.msk [tilespmem:v9+s20+$0x0], $0xffff  }
0x1e6: {  	v10 =	vor.u32 v1, v8;
	_ =	sdelay $0x2  }
0x1e7: {  	s23 =	sand.u32 $0x7FFFFF80, s19  }
0x1e8: {  	[tilespmem:s23+$0x18800] =	vst v9  }
0x1e9: {  	v9 =	vld.idx.msk [tilespmem:v10+s20+$0x0], $0xffff  }
0x1ea: {  	v10 =	vor.u32 v2, v8;
	_ =	sdelay $0x2  }
0x1eb: {  	s3 =	sadd.s32 $0x18800, s23  }
0x1ec: {  	[tilespmem:s3+$0x10] =	vst v9  }
0x1ed: {  	v9 =	vld.idx.msk [tilespmem:v10+s20+$0x0], $0xffff  }
0x1ee: {  	v10 =	vor.u32 v3, v8;
	_ =	sdelay $0x3  }
0x1ef: {  	[tilespmem:s3+$0x20] =	vst v9  }
0x1f0: {  	v9 =	vld.idx.msk [tilespmem:v10+s20+$0x0], $0xffff  }
0x1f1: {  	v10 =	vor.u32 v4, v8;
	_ =	sdelay $0x3  }
0x1f2: {  	[tilespmem:s3+$0x30] =	vst v9  }
0x1f3: {  	v9 =	vld.idx.msk [tilespmem:v10+s20+$0x0], $0xffff  }
0x1f4: {  	v10 =	vor.u32 v5, v8;
	_ =	sdelay $0x3  }
0x1f5: {  	[tilespmem:s3+$0x40] =	vst v9  }
0x1f6: {  	v9 =	vld.idx.msk [tilespmem:v10+s20+$0x0], $0xffff  }
0x1f7: {  	v10 =	vor.u32 v6, v8;
	_ =	sdelay $0x3  }
0x1f8: {  	[tilespmem:s3+$0x50] =	vst v9  }
0x1f9: {  	v9 =	vld.idx.msk [tilespmem:v10+s20+$0x0], $0xffff  }
0x1fa: {  	v8 =	vor.u32 v7, v8;
	_ =	sdelay $0x1  }
0x1fb: {  	s25 =	simm.s32 $0x1  }
0x1fc: {  	s8 =	simm.s32 $0x2;
	v10 =	vmov s25  }
.LBB2_11:
0x1fd: {  	p0 =	sne.s32 s8, $0x1F;
	v10 =	vand.u32 $0x1F, v10;
	[tilespmem:s3+$0x60] =	vst v9  }
0x1fe: {  	v10 =	vbroadcast v10, $0x0;
	v8 =	vld.idx.msk [tilespmem:v8+s20+$0x0], $0xffff;
	_ =	sdelay $0x1  }
0x1ff: {  	v9 =	vor.u32 v0, v10;
	_ =	sdelay $0x3  }
0x200: {  	[tilespmem:s3+$0x70] =	vst v8  }
0x201: {  	v8 =	vld.idx.msk [tilespmem:v9+s20+$0x0], $0xffff;
	_ =	sdelay $0x1  }
0x202: {  	v9 =	vor.u32 v1, v10;
	_ =	sdelay $0x1  }
0x203: {  	s19 =	sadd.s32 $0x80, s19  }
0x204: {  	s3 =	sand.u32 $0x7FFFFF80, s19  }
0x205: {  	[tilespmem:s3+$0x18800] =	vst v8  }
0x206: {  	v8 =	vld.idx.msk [tilespmem:v9+s20+$0x0], $0xffff;
	_ =	sdelay $0x1  }
0x207: {  	v9 =	vor.u32 v2, v10;
	_ =	sdelay $0x2  }
0x208: {  	s3 =	sadd.s32 $0x18800, s3  }
0x209: {  	[tilespmem:s3+$0x10] =	vst v8  }
0x20a: {  	v8 =	vld.idx.msk [tilespmem:v9+s20+$0x0], $0xffff;
	_ =	sdelay $0x1  }
0x20b: {  	v9 =	vor.u32 v3, v10;
	_ =	sdelay $0x3  }
0x20c: {  	[tilespmem:s3+$0x20] =	vst v8  }
0x20d: {  	v8 =	vld.idx.msk [tilespmem:v9+s20+$0x0], $0xffff;
	_ =	sdelay $0x1  }
0x20e: {  	v9 =	vor.u32 v4, v10;
	_ =	sdelay $0x3  }
0x20f: {  	[tilespmem:s3+$0x30] =	vst v8  }
0x210: {  	v8 =	vld.idx.msk [tilespmem:v9+s20+$0x0], $0xffff;
	_ =	sdelay $0x1  }
0x211: {  	v9 =	vor.u32 v5, v10;
	_ =	sdelay $0x3  }
0x212: {  	[tilespmem:s3+$0x40] =	vst v8  }
0x213: {  	v8 =	vld.idx.msk [tilespmem:v9+s20+$0x0], $0xffff;
	_ =	sdelay $0x1  }
0x214: {  	v9 =	vor.u32 v6, v10;
	_ =	sdelay $0x3  }
0x215: {  	[tilespmem:s3+$0x50] =	vst v8  }
0x216: {  	v9 =	vld.idx.msk [tilespmem:v9+s20+$0x0], $0xffff  }
.Ltmp4:
0x217: {  	(pc) =	sbr.rel @p0 .LBB2_11-.Ltmp4, $2  }
0x218: {  	v8 =	vor.u32 v7, v10;
	_ =	sdelay $0x2  }
0x219: {  	v10 =	vmov s8;
	s8 =	sadd.s32 $0x1, s8  }
0x21a: {  	_ =	sdelay $0x1  }
0x21b: {  	v10 =	vand.u32 $0x1F, v10  }
0x21c: {  	[tilespmem:s3+$0x60] =	vst v9;
	v9 =	vbroadcast v10, $0x0  }
0x21d: {  	v8 =	vld.idx.msk [tilespmem:v8+s20+$0x0], $0xffff  }
0x21e: {  	v10 =	vor.u32 v0, v9;
	_ =	sdelay $0x3  }
0x21f: {  	[tilespmem:s3+$0x70] =	vst v8  }
0x220: {  	v8 =	vld.idx.msk [tilespmem:v10+s20+$0x0], $0xffff  }
0x221: {  	v10 =	vor.u32 v1, v9;
	_ =	sdelay $0x1  }
0x222: {  	s19 =	sadd.s32 $0x80, s19  }
0x223: {  	s3 =	sand.u32 $0x7FFFFF80, s19  }
0x224: {  	[tilespmem:s3+$0x18800] =	vst v8  }
0x225: {  	v8 =	vld.idx.msk [tilespmem:v10+s20+$0x0], $0xffff  }
0x226: {  	v10 =	vor.u32 v2, v9;
	_ =	sdelay $0x2  }
0x227: {  	s3 =	sadd.s32 $0x18800, s3  }
0x228: {  	[tilespmem:s3+$0x10] =	vst v8  }
0x229: {  	v8 =	vld.idx.msk [tilespmem:v10+s20+$0x0], $0xffff  }
0x22a: {  	v10 =	vor.u32 v3, v9;
	_ =	sdelay $0x3  }
0x22b: {  	[tilespmem:s3+$0x20] =	vst v8  }
0x22c: {  	v8 =	vld.idx.msk [tilespmem:v10+s20+$0x0], $0xffff  }
0x22d: {  	v10 =	vor.u32 v4, v9;
	_ =	sdelay $0x3  }
0x22e: {  	[tilespmem:s3+$0x30] =	vst v8  }
0x22f: {  	v8 =	vld.idx.msk [tilespmem:v10+s20+$0x0], $0xffff  }
0x230: {  	v10 =	vor.u32 v5, v9;
	_ =	sdelay $0x3  }
0x231: {  	[tilespmem:s3+$0x40] =	vst v8  }
0x232: {  	v8 =	vld.idx.msk [tilespmem:v10+s20+$0x0], $0xffff  }
0x233: {  	v10 =	vor.u32 v6, v9;
	_ =	sdelay $0x3  }
0x234: {  	[tilespmem:s3+$0x50] =	vst v8  }
0x235: {  	v8 =	vld.idx.msk [tilespmem:v10+s20+$0x0], $0xffff  }
0x236: {  	v9 =	vor.u32 v7, v9;
	_ =	sdelay $0x3  }
0x237: {  	s8 =	sadd.s32 s6, s17;
	[tilespmem:s3+$0x60] =	vst v8  }
0x238: {  	s9 =	sshrl.u32 s8, $0x7;
	v8 =	vld.idx.msk [tilespmem:v9+s20+$0x0], $0xffff  }
0x239: {  	s8 =	sshll.u32 s8, $0xA;
	s21 =	sshll.u32 s9, $0x11  }
0x23a: {  	s9 =	sshll.u32 s9, $0x13;
	s8 =	ssub.s32 s8, s21  }
0x23b: {  	s8 =	sadd.s32 s9, s8  }
0x23c: {  	s17 =	simm.s32 $0x0;
	s9 =	sshrl.u32 s8, $0x3;
	s19 =	sadd.s32 $0x20000, s8  }
0x23d: {  	s25 =	simm.s32 $0x18800;
	s23 =	sadd.s32 s2, s9;
	[tilespmem:s3+$0x70] =	vst v8;
	s3 =	sshrl.u32 s19, $0x3  }
0x23e: {  	[hbm4b:s23+s17] =	stream.linear.scatter [tilespmem:s25], [sflag:$0x5], $0x400, $0x38;
	[tilespmem:$0x1C800] =	vst v63  }
0x23f: {  	s21 =	simm.s32 $0x18C00;
	s3 =	sadd.s32 s2, s3;
	s23 =	sadd.s32 $0x40000, s8  }
0x240: {  	[hbm4b:s3+s17] =	stream.linear.scatter [tilespmem:s21], [sflag:$0x5], $0x400, $0x38;
	[tilespmem:$0x1C800] =	vst v63  }
0x241: {  	v8 =	vmov s17;
	s3 =	sshrl.u32 s23, $0x3  }
0x242: {  	s19 =	sadd.s32 $0x60000, s8;
	s25 =	simm.s32 $0x19000;
	v8 =	vand.u32 $0x1F, v8;
	s3 =	sadd.s32 s2, s3  }
0x243: {  	v8 =	vbroadcast v8, $0x0;
	[hbm4b:s3+s17] =	stream.linear.scatter [tilespmem:s25], [sflag:$0x5], $0x400, $0x38;
	[tilespmem:$0x1C800] =	vst v63  }
0x244: {  	s3 =	sshrl.u32 s19, $0x3  }
0x245: {  	s21 =	simm.s32 $0x19400;
	v9 =	vor.u32 v0, v8;
	s3 =	sadd.s32 s2, s3  }
0x246: {  	[hbm4b:s3+s17] =	stream.linear.scatter [tilespmem:s21], [sflag:$0x5], $0x400, $0x38;
	[tilespmem:$0x1C800] =	vst v63  }
0x247: {  	_ =	swait.ge [sflag:s1], $0x1000  }
0x248: {  	[sflag:s1] =	ssyncset.done $0x0  }
0x249: {  	[sflag:s1] =	ssyncadd.s32 $0xFFFFF000  }
0x24a: {  	v9 =	vld.idx.msk [tilespmem:v9+s22+$0x0], $0xffff  }
0x24b: {  	v10 =	vor.u32 v1, v8;
	_ =	sdelay $0x2  }
0x24c: {  	s23 =	sand.u32 $0x7FFFFF80, s17  }
0x24d: {  	[tilespmem:s23+$0x19800] =	vst v9  }
0x24e: {  	v9 =	vld.idx.msk [tilespmem:v10+s22+$0x0], $0xffff  }
0x24f: {  	v10 =	vor.u32 v2, v8;
	_ =	sdelay $0x2  }
0x250: {  	s3 =	sadd.s32 $0x19800, s23  }
0x251: {  	[tilespmem:s3+$0x10] =	vst v9  }
0x252: {  	v9 =	vld.idx.msk [tilespmem:v10+s22+$0x0], $0xffff  }
0x253: {  	v10 =	vor.u32 v3, v8;
	_ =	sdelay $0x3  }
0x254: {  	[tilespmem:s3+$0x20] =	vst v9  }
0x255: {  	v9 =	vld.idx.msk [tilespmem:v10+s22+$0x0], $0xffff  }
0x256: {  	v10 =	vor.u32 v4, v8;
	_ =	sdelay $0x3  }
0x257: {  	[tilespmem:s3+$0x30] =	vst v9  }
0x258: {  	v9 =	vld.idx.msk [tilespmem:v10+s22+$0x0], $0xffff  }
0x259: {  	v10 =	vor.u32 v5, v8;
	_ =	sdelay $0x3  }
0x25a: {  	[tilespmem:s3+$0x40] =	vst v9  }
0x25b: {  	v9 =	vld.idx.msk [tilespmem:v10+s22+$0x0], $0xffff  }
0x25c: {  	v10 =	vor.u32 v6, v8;
	_ =	sdelay $0x3  }
0x25d: {  	[tilespmem:s3+$0x50] =	vst v9  }
0x25e: {  	v9 =	vld.idx.msk [tilespmem:v10+s22+$0x0], $0xffff  }
0x25f: {  	v8 =	vor.u32 v7, v8;
	_ =	sdelay $0x1  }
0x260: {  	s25 =	simm.s32 $0x1  }
0x261: {  	s8 =	simm.s32 $0x2;
	v10 =	vmov s25  }
.LBB2_13:
0x262: {  	p0 =	sne.s32 s8, $0x1F;
	v10 =	vand.u32 $0x1F, v10;
	[tilespmem:s3+$0x60] =	vst v9  }
0x263: {  	v10 =	vbroadcast v10, $0x0;
	v8 =	vld.idx.msk [tilespmem:v8+s22+$0x0], $0xffff;
	_ =	sdelay $0x1  }
0x264: {  	v9 =	vor.u32 v0, v10;
	_ =	sdelay $0x3  }
0x265: {  	[tilespmem:s3+$0x70] =	vst v8  }
0x266: {  	v8 =	vld.idx.msk [tilespmem:v9+s22+$0x0], $0xffff;
	_ =	sdelay $0x1  }
0x267: {  	v9 =	vor.u32 v1, v10;
	_ =	sdelay $0x1  }
0x268: {  	s17 =	sadd.s32 $0x80, s17  }
0x269: {  	s3 =	sand.u32 $0x7FFFFF80, s17  }
0x26a: {  	[tilespmem:s3+$0x19800] =	vst v8  }
0x26b: {  	v8 =	vld.idx.msk [tilespmem:v9+s22+$0x0], $0xffff;
	_ =	sdelay $0x1  }
0x26c: {  	v9 =	vor.u32 v2, v10;
	_ =	sdelay $0x2  }
0x26d: {  	s3 =	sadd.s32 $0x19800, s3  }
0x26e: {  	[tilespmem:s3+$0x10] =	vst v8  }
0x26f: {  	v8 =	vld.idx.msk [tilespmem:v9+s22+$0x0], $0xffff;
	_ =	sdelay $0x1  }
0x270: {  	v9 =	vor.u32 v3, v10;
	_ =	sdelay $0x3  }
0x271: {  	[tilespmem:s3+$0x20] =	vst v8  }
0x272: {  	v8 =	vld.idx.msk [tilespmem:v9+s22+$0x0], $0xffff;
	_ =	sdelay $0x1  }
0x273: {  	v9 =	vor.u32 v4, v10;
	_ =	sdelay $0x3  }
0x274: {  	[tilespmem:s3+$0x30] =	vst v8  }
0x275: {  	v8 =	vld.idx.msk [tilespmem:v9+s22+$0x0], $0xffff;
	_ =	sdelay $0x1  }
0x276: {  	v9 =	vor.u32 v5, v10;
	_ =	sdelay $0x3  }
0x277: {  	[tilespmem:s3+$0x40] =	vst v8  }
0x278: {  	v8 =	vld.idx.msk [tilespmem:v9+s22+$0x0], $0xffff;
	_ =	sdelay $0x1  }
0x279: {  	v9 =	vor.u32 v6, v10;
	_ =	sdelay $0x3  }
0x27a: {  	[tilespmem:s3+$0x50] =	vst v8  }
0x27b: {  	v9 =	vld.idx.msk [tilespmem:v9+s22+$0x0], $0xffff  }
.Ltmp5:
0x27c: {  	(pc) =	sbr.rel @p0 .LBB2_13-.Ltmp5, $2  }
0x27d: {  	v8 =	vor.u32 v7, v10;
	_ =	sdelay $0x2  }
0x27e: {  	v10 =	vmov s8;
	s8 =	sadd.s32 $0x1, s8  }
0x27f: {  	_ =	sdelay $0x1  }
0x280: {  	v10 =	vand.u32 $0x1F, v10  }
0x281: {  	[tilespmem:s3+$0x60] =	vst v9;
	v9 =	vbroadcast v10, $0x0  }
0x282: {  	v8 =	vld.idx.msk [tilespmem:v8+s22+$0x0], $0xffff  }
0x283: {  	v10 =	vor.u32 v0, v9;
	_ =	sdelay $0x3  }
0x284: {  	[tilespmem:s3+$0x70] =	vst v8  }
0x285: {  	v8 =	vld.idx.msk [tilespmem:v10+s22+$0x0], $0xffff  }
0x286: {  	v10 =	vor.u32 v1, v9;
	_ =	sdelay $0x1  }
0x287: {  	s9 =	sadd.s32 $0x80, s17  }
0x288: {  	s3 =	sand.u32 $0x7FFFFF80, s9  }
0x289: {  	[tilespmem:s3+$0x19800] =	vst v8  }
0x28a: {  	v8 =	vld.idx.msk [tilespmem:v10+s22+$0x0], $0xffff  }
0x28b: {  	v10 =	vor.u32 v2, v9;
	_ =	sdelay $0x2  }
0x28c: {  	s3 =	sadd.s32 $0x19800, s3  }
0x28d: {  	[tilespmem:s3+$0x10] =	vst v8  }
0x28e: {  	v8 =	vld.idx.msk [tilespmem:v10+s22+$0x0], $0xffff  }
0x28f: {  	v10 =	vor.u32 v3, v9;
	_ =	sdelay $0x3  }
0x290: {  	[tilespmem:s3+$0x20] =	vst v8  }
0x291: {  	v8 =	vld.idx.msk [tilespmem:v10+s22+$0x0], $0xffff  }
0x292: {  	v10 =	vor.u32 v4, v9;
	_ =	sdelay $0x3  }
0x293: {  	[tilespmem:s3+$0x30] =	vst v8  }
0x294: {  	v8 =	vld.idx.msk [tilespmem:v10+s22+$0x0], $0xffff  }
0x295: {  	v10 =	vor.u32 v5, v9;
	_ =	sdelay $0x3  }
0x296: {  	[tilespmem:s3+$0x40] =	vst v8  }
0x297: {  	v8 =	vld.idx.msk [tilespmem:v10+s22+$0x0], $0xffff  }
0x298: {  	v10 =	vor.u32 v6, v9;
	_ =	sdelay $0x3  }
0x299: {  	[tilespmem:s3+$0x50] =	vst v8  }
0x29a: {  	v8 =	vld.idx.msk [tilespmem:v10+s22+$0x0], $0xffff  }
0x29b: {  	v9 =	vor.u32 v7, v9;
	_ =	sdelay $0x3  }
0x29c: {  	s8 =	sadd.s32 s6, s10;
	[tilespmem:s3+$0x60] =	vst v8  }
0x29d: {  	s9 =	sshrl.u32 s8, $0x7;
	v8 =	vld.idx.msk [tilespmem:v9+s22+$0x0], $0xffff  }
0x29e: {  	s8 =	sshll.u32 s8, $0xA;
	s17 =	sshll.u32 s9, $0x11  }
0x29f: {  	s9 =	sshll.u32 s9, $0x13;
	s8 =	ssub.s32 s8, s17  }
0x2a0: {  	s8 =	sadd.s32 s9, s8  }
0x2a1: {  	s10 =	simm.s32 $0x0;
	s9 =	sshrl.u32 s8, $0x3;
	s23 =	sadd.s32 $0x20000, s8  }
0x2a2: {  	s21 =	simm.s32 $0x19800;
	s19 =	sadd.s32 s2, s9;
	[tilespmem:s3+$0x70] =	vst v8;
	s3 =	sshrl.u32 s23, $0x3  }
0x2a3: {  	[hbm4b:s19+s10] =	stream.linear.scatter [tilespmem:s21], [sflag:$0x6], $0x400, $0x38;
	[tilespmem:$0x1C800] =	vst v63  }
0x2a4: {  	s25 =	simm.s32 $0x19C00;
	s9 =	sadd.s32 $0x40000, s8;
	s3 =	sadd.s32 s2, s3  }
0x2a5: {  	[hbm4b:s3+s10] =	stream.linear.scatter [tilespmem:s25], [sflag:$0x6], $0x400, $0x38;
	[tilespmem:$0x1C800] =	vst v63  }
0x2a6: {  	v8 =	vmov s10;
	s3 =	sshrl.u32 s9, $0x3  }
0x2a7: {  	s17 =	simm.s32 $0x1A000;
	v8 =	vand.u32 $0x1F, v8;
	s19 =	sadd.s32 $0x60000, s8;
	s3 =	sadd.s32 s2, s3  }
0x2a8: {  	v8 =	vbroadcast v8, $0x0;
	[hbm4b:s3+s10] =	stream.linear.scatter [tilespmem:s17], [sflag:$0x6], $0x400, $0x38;
	[tilespmem:$0x1C800] =	vst v63  }
0x2a9: {  	s3 =	sshrl.u32 s19, $0x3  }
0x2aa: {  	s21 =	simm.s32 $0x1A400;
	v9 =	vor.u32 v0, v8;
	s3 =	sadd.s32 s2, s3  }
0x2ab: {  	[hbm4b:s3+s10] =	stream.linear.scatter [tilespmem:s21], [sflag:$0x6], $0x400, $0x38;
	[tilespmem:$0x1C800] =	vst v63  }
0x2ac: {  	_ =	swait.ge [sflag:s11], $0x1000  }
0x2ad: {  	[sflag:s11] =	ssyncset.done $0x0  }
0x2ae: {  	[sflag:s11] =	ssyncadd.s32 $0xFFFFF000  }
0x2af: {  	v9 =	vld.idx.msk [tilespmem:v9+s24+$0x0], $0xffff  }
0x2b0: {  	v10 =	vor.u32 v1, v8;
	_ =	sdelay $0x2  }
0x2b1: {  	s23 =	sand.u32 $0x7FFFFF80, s10  }
0x2b2: {  	[tilespmem:s23+$0x1A800] =	vst v9  }
0x2b3: {  	v9 =	vld.idx.msk [tilespmem:v10+s24+$0x0], $0xffff  }
0x2b4: {  	v10 =	vor.u32 v2, v8;
	_ =	sdelay $0x2  }
0x2b5: {  	s3 =	sadd.s32 $0x1A800, s23  }
0x2b6: {  	[tilespmem:s3+$0x10] =	vst v9  }
0x2b7: {  	v9 =	vld.idx.msk [tilespmem:v10+s24+$0x0], $0xffff  }
0x2b8: {  	v10 =	vor.u32 v3, v8;
	_ =	sdelay $0x3  }
0x2b9: {  	[tilespmem:s3+$0x20] =	vst v9  }
0x2ba: {  	v9 =	vld.idx.msk [tilespmem:v10+s24+$0x0], $0xffff  }
0x2bb: {  	v10 =	vor.u32 v4, v8;
	_ =	sdelay $0x3  }
0x2bc: {  	[tilespmem:s3+$0x30] =	vst v9  }
0x2bd: {  	v9 =	vld.idx.msk [tilespmem:v10+s24+$0x0], $0xffff  }
0x2be: {  	v10 =	vor.u32 v5, v8;
	_ =	sdelay $0x3  }
0x2bf: {  	[tilespmem:s3+$0x40] =	vst v9  }
0x2c0: {  	v9 =	vld.idx.msk [tilespmem:v10+s24+$0x0], $0xffff  }
0x2c1: {  	v10 =	vor.u32 v6, v8;
	_ =	sdelay $0x3  }
0x2c2: {  	[tilespmem:s3+$0x50] =	vst v9  }
0x2c3: {  	v9 =	vld.idx.msk [tilespmem:v10+s24+$0x0], $0xffff  }
0x2c4: {  	v8 =	vor.u32 v7, v8;
	_ =	sdelay $0x1  }
0x2c5: {  	s25 =	simm.s32 $0x1  }
0x2c6: {  	s8 =	simm.s32 $0x2;
	v10 =	vmov s25  }
.LBB2_15:
0x2c7: {  	p0 =	sne.s32 s8, $0x1F;
	v10 =	vand.u32 $0x1F, v10;
	[tilespmem:s3+$0x60] =	vst v9  }
0x2c8: {  	v10 =	vbroadcast v10, $0x0;
	v8 =	vld.idx.msk [tilespmem:v8+s24+$0x0], $0xffff;
	_ =	sdelay $0x1  }
0x2c9: {  	v9 =	vor.u32 v0, v10;
	_ =	sdelay $0x3  }
0x2ca: {  	[tilespmem:s3+$0x70] =	vst v8  }
0x2cb: {  	v8 =	vld.idx.msk [tilespmem:v9+s24+$0x0], $0xffff;
	_ =	sdelay $0x1  }
0x2cc: {  	v9 =	vor.u32 v1, v10;
	_ =	sdelay $0x1  }
0x2cd: {  	s10 =	sadd.s32 $0x80, s10  }
0x2ce: {  	s3 =	sand.u32 $0x7FFFFF80, s10  }
0x2cf: {  	[tilespmem:s3+$0x1A800] =	vst v8  }
0x2d0: {  	v8 =	vld.idx.msk [tilespmem:v9+s24+$0x0], $0xffff;
	_ =	sdelay $0x1  }
0x2d1: {  	v9 =	vor.u32 v2, v10;
	_ =	sdelay $0x2  }
0x2d2: {  	s3 =	sadd.s32 $0x1A800, s3  }
0x2d3: {  	[tilespmem:s3+$0x10] =	vst v8  }
0x2d4: {  	v8 =	vld.idx.msk [tilespmem:v9+s24+$0x0], $0xffff;
	_ =	sdelay $0x1  }
0x2d5: {  	v9 =	vor.u32 v3, v10;
	_ =	sdelay $0x3  }
0x2d6: {  	[tilespmem:s3+$0x20] =	vst v8  }
0x2d7: {  	v8 =	vld.idx.msk [tilespmem:v9+s24+$0x0], $0xffff;
	_ =	sdelay $0x1  }
0x2d8: {  	v9 =	vor.u32 v4, v10;
	_ =	sdelay $0x3  }
0x2d9: {  	[tilespmem:s3+$0x30] =	vst v8  }
0x2da: {  	v8 =	vld.idx.msk [tilespmem:v9+s24+$0x0], $0xffff;
	_ =	sdelay $0x1  }
0x2db: {  	v9 =	vor.u32 v5, v10;
	_ =	sdelay $0x3  }
0x2dc: {  	[tilespmem:s3+$0x40] =	vst v8  }
0x2dd: {  	v8 =	vld.idx.msk [tilespmem:v9+s24+$0x0], $0xffff;
	_ =	sdelay $0x1  }
0x2de: {  	v9 =	vor.u32 v6, v10;
	_ =	sdelay $0x3  }
0x2df: {  	[tilespmem:s3+$0x50] =	vst v8  }
0x2e0: {  	v9 =	vld.idx.msk [tilespmem:v9+s24+$0x0], $0xffff  }
.Ltmp6:
0x2e1: {  	(pc) =	sbr.rel @p0 .LBB2_15-.Ltmp6, $2  }
0x2e2: {  	v8 =	vor.u32 v7, v10;
	_ =	sdelay $0x2  }
0x2e3: {  	v10 =	vmov s8;
	s8 =	sadd.s32 $0x1, s8  }
0x2e4: {  	_ =	sdelay $0x1  }
0x2e5: {  	v10 =	vand.u32 $0x1F, v10  }
0x2e6: {  	[tilespmem:s3+$0x60] =	vst v9;
	v9 =	vbroadcast v10, $0x0  }
0x2e7: {  	v8 =	vld.idx.msk [tilespmem:v8+s24+$0x0], $0xffff  }
0x2e8: {  	v10 =	vor.u32 v0, v9;
	_ =	sdelay $0x3  }
0x2e9: {  	[tilespmem:s3+$0x70] =	vst v8  }
0x2ea: {  	v8 =	vld.idx.msk [tilespmem:v10+s24+$0x0], $0xffff  }
0x2eb: {  	v10 =	vor.u32 v1, v9;
	_ =	sdelay $0x1  }
0x2ec: {  	s10 =	sadd.s32 $0x80, s10  }
0x2ed: {  	s3 =	sand.u32 $0x7FFFFF80, s10  }
0x2ee: {  	[tilespmem:s3+$0x1A800] =	vst v8  }
0x2ef: {  	v8 =	vld.idx.msk [tilespmem:v10+s24+$0x0], $0xffff  }
0x2f0: {  	v10 =	vor.u32 v2, v9;
	_ =	sdelay $0x2  }
0x2f1: {  	s3 =	sadd.s32 $0x1A800, s3  }
0x2f2: {  	[tilespmem:s3+$0x10] =	vst v8  }
0x2f3: {  	v8 =	vld.idx.msk [tilespmem:v10+s24+$0x0], $0xffff  }
0x2f4: {  	v10 =	vor.u32 v3, v9;
	_ =	sdelay $0x3  }
0x2f5: {  	[tilespmem:s3+$0x20] =	vst v8  }
0x2f6: {  	v8 =	vld.idx.msk [tilespmem:v10+s24+$0x0], $0xffff  }
0x2f7: {  	v10 =	vor.u32 v4, v9;
	_ =	sdelay $0x3  }
0x2f8: {  	[tilespmem:s3+$0x30] =	vst v8  }
0x2f9: {  	v8 =	vld.idx.msk [tilespmem:v10+s24+$0x0], $0xffff  }
0x2fa: {  	v10 =	vor.u32 v5, v9;
	_ =	sdelay $0x3  }
0x2fb: {  	[tilespmem:s3+$0x40] =	vst v8  }
0x2fc: {  	v8 =	vld.idx.msk [tilespmem:v10+s24+$0x0], $0xffff  }
0x2fd: {  	v10 =	vor.u32 v6, v9;
	_ =	sdelay $0x3  }
0x2fe: {  	[tilespmem:s3+$0x50] =	vst v8  }
0x2ff: {  	v8 =	vld.idx.msk [tilespmem:v10+s24+$0x0], $0xffff  }
0x300: {  	v9 =	vor.u32 v7, v9;
	_ =	sdelay $0x2  }
0x301: {  	s8 =	rddreg [dreg:$0xa]  }
0x302: {  	s8 =	sadd.s32 s6, s8;
	[tilespmem:s3+$0x60] =	vst v8  }
0x303: {  	s9 =	sshrl.u32 s8, $0x7;
	v8 =	vld.idx.msk [tilespmem:v9+s24+$0x0], $0xffff  }
0x304: {  	s8 =	sshll.u32 s8, $0xA;
	s17 =	sshll.u32 s9, $0x11  }
0x305: {  	s9 =	sshll.u32 s9, $0x13;
	s8 =	ssub.s32 s8, s17  }
0x306: {  	s8 =	sadd.s32 s9, s8  }
0x307: {  	s21 =	simm.s32 $0x1A800;
	s9 =	sshrl.u32 s8, $0x3;
	s23 =	sadd.s32 $0x20000, s8  }
0x308: {  	s19 =	sadd.s32 s2, s9;
	s9 =	simm.s32 $0x0;
	[tilespmem:s3+$0x70] =	vst v8;
	s3 =	sshrl.u32 s23, $0x3  }
0x309: {  	[hbm4b:s19+s9] =	stream.linear.scatter [tilespmem:s21], [sflag:$0x7], $0x400, $0x38;
	[tilespmem:$0x1C800] =	vst v63  }
0x30a: {  	s25 =	simm.s32 $0x1AC00;
	s10 =	sadd.s32 $0x40000, s8;
	s3 =	sadd.s32 s2, s3  }
0x30b: {  	[hbm4b:s3+s9] =	stream.linear.scatter [tilespmem:s25], [sflag:$0x7], $0x400, $0x38;
	[tilespmem:$0x1C800] =	vst v63  }
0x30c: {  	v8 =	vmov s9;
	s3 =	sshrl.u32 s10, $0x3  }
0x30d: {  	s17 =	simm.s32 $0x1B000;
	v8 =	vand.u32 $0x1F, v8;
	s19 =	sadd.s32 $0x60000, s8;
	s3 =	sadd.s32 s2, s3  }
0x30e: {  	v8 =	vbroadcast v8, $0x0;
	[hbm4b:s3+s9] =	stream.linear.scatter [tilespmem:s17], [sflag:$0x7], $0x400, $0x38;
	[tilespmem:$0x1C800] =	vst v63  }
0x30f: {  	s3 =	sshrl.u32 s19, $0x3  }
0x310: {  	s21 =	simm.s32 $0x1B400;
	v9 =	vor.u32 v0, v8;
	s3 =	sadd.s32 s2, s3  }
0x311: {  	[hbm4b:s3+s9] =	stream.linear.scatter [tilespmem:s21], [sflag:$0x7], $0x400, $0x38;
	[tilespmem:$0x1C800] =	vst v63  }
0x312: {  	_ =	swait.ge [sflag:s15], $0x1000  }
0x313: {  	[sflag:s15] =	ssyncset.done $0x0  }
0x314: {  	[sflag:s15] =	ssyncadd.s32 $0xFFFFF000  }
0x315: {  	v9 =	vld.idx.msk [tilespmem:v9+s26+$0x0], $0xffff  }
0x316: {  	v10 =	vor.u32 v1, v8;
	_ =	sdelay $0x2  }
0x317: {  	s23 =	sand.u32 $0x7FFFFF80, s9  }
0x318: {  	[tilespmem:s23+$0x1B800] =	vst v9  }
0x319: {  	v9 =	vld.idx.msk [tilespmem:v10+s26+$0x0], $0xffff  }
0x31a: {  	v10 =	vor.u32 v2, v8;
	_ =	sdelay $0x2  }
0x31b: {  	s3 =	sadd.s32 $0x1B800, s23  }
0x31c: {  	[tilespmem:s3+$0x10] =	vst v9  }
0x31d: {  	v9 =	vld.idx.msk [tilespmem:v10+s26+$0x0], $0xffff  }
0x31e: {  	v10 =	vor.u32 v3, v8;
	_ =	sdelay $0x3  }
0x31f: {  	[tilespmem:s3+$0x20] =	vst v9  }
0x320: {  	v9 =	vld.idx.msk [tilespmem:v10+s26+$0x0], $0xffff  }
0x321: {  	v10 =	vor.u32 v4, v8;
	_ =	sdelay $0x3  }
0x322: {  	[tilespmem:s3+$0x30] =	vst v9  }
0x323: {  	v9 =	vld.idx.msk [tilespmem:v10+s26+$0x0], $0xffff  }
0x324: {  	v10 =	vor.u32 v5, v8;
	_ =	sdelay $0x3  }
0x325: {  	[tilespmem:s3+$0x40] =	vst v9  }
0x326: {  	v9 =	vld.idx.msk [tilespmem:v10+s26+$0x0], $0xffff  }
0x327: {  	v10 =	vor.u32 v6, v8;
	_ =	sdelay $0x3  }
0x328: {  	[tilespmem:s3+$0x50] =	vst v9  }
0x329: {  	v9 =	vld.idx.msk [tilespmem:v10+s26+$0x0], $0xffff  }
0x32a: {  	v8 =	vor.u32 v7, v8;
	_ =	sdelay $0x1  }
0x32b: {  	s25 =	simm.s32 $0x1  }
0x32c: {  	s8 =	simm.s32 $0x2;
	v10 =	vmov s25  }
.LBB2_17:
0x32d: {  	p0 =	sne.s32 s8, $0x1F;
	v10 =	vand.u32 $0x1F, v10;
	[tilespmem:s3+$0x60] =	vst v9  }
0x32e: {  	v10 =	vbroadcast v10, $0x0;
	v8 =	vld.idx.msk [tilespmem:v8+s26+$0x0], $0xffff;
	_ =	sdelay $0x1  }
0x32f: {  	v9 =	vor.u32 v0, v10;
	_ =	sdelay $0x3  }
0x330: {  	[tilespmem:s3+$0x70] =	vst v8  }
0x331: {  	v8 =	vld.idx.msk [tilespmem:v9+s26+$0x0], $0xffff;
	_ =	sdelay $0x1  }
0x332: {  	v9 =	vor.u32 v1, v10;
	_ =	sdelay $0x1  }
0x333: {  	s9 =	sadd.s32 $0x80, s9  }
0x334: {  	s3 =	sand.u32 $0x7FFFFF80, s9  }
0x335: {  	[tilespmem:s3+$0x1B800] =	vst v8  }
0x336: {  	v8 =	vld.idx.msk [tilespmem:v9+s26+$0x0], $0xffff;
	_ =	sdelay $0x1  }
0x337: {  	v9 =	vor.u32 v2, v10;
	_ =	sdelay $0x2  }
0x338: {  	s3 =	sadd.s32 $0x1B800, s3  }
0x339: {  	[tilespmem:s3+$0x10] =	vst v8  }
0x33a: {  	v8 =	vld.idx.msk [tilespmem:v9+s26+$0x0], $0xffff;
	_ =	sdelay $0x1  }
0x33b: {  	v9 =	vor.u32 v3, v10;
	_ =	sdelay $0x3  }
0x33c: {  	[tilespmem:s3+$0x20] =	vst v8  }
0x33d: {  	v8 =	vld.idx.msk [tilespmem:v9+s26+$0x0], $0xffff;
	_ =	sdelay $0x1  }
0x33e: {  	v9 =	vor.u32 v4, v10;
	_ =	sdelay $0x3  }
0x33f: {  	[tilespmem:s3+$0x30] =	vst v8  }
0x340: {  	v8 =	vld.idx.msk [tilespmem:v9+s26+$0x0], $0xffff;
	_ =	sdelay $0x1  }
0x341: {  	v9 =	vor.u32 v5, v10;
	_ =	sdelay $0x3  }
0x342: {  	[tilespmem:s3+$0x40] =	vst v8  }
0x343: {  	v8 =	vld.idx.msk [tilespmem:v9+s26+$0x0], $0xffff;
	_ =	sdelay $0x1  }
0x344: {  	v9 =	vor.u32 v6, v10;
	_ =	sdelay $0x3  }
0x345: {  	[tilespmem:s3+$0x50] =	vst v8  }
0x346: {  	v9 =	vld.idx.msk [tilespmem:v9+s26+$0x0], $0xffff  }
.Ltmp7:
0x347: {  	(pc) =	sbr.rel @p0 .LBB2_17-.Ltmp7, $2  }
0x348: {  	v8 =	vor.u32 v7, v10;
	_ =	sdelay $0x2  }
0x349: {  	v10 =	vmov s8;
	s8 =	sadd.s32 $0x1, s8  }
0x34a: {  	_ =	sdelay $0x1  }
0x34b: {  	v10 =	vand.u32 $0x1F, v10  }
0x34c: {  	[tilespmem:s3+$0x60] =	vst v9;
	v57 =	vbroadcast v10, $0x0  }
0x34d: {  	v8 =	vld.idx.msk [tilespmem:v8+s26+$0x0], $0xffff  }
0x34e: {  	v10 =	vor.u32 v0, v57;
	_ =	sdelay $0x3  }
0x34f: {  	[tilespmem:s3+$0x70] =	vst v8  }
0x350: {  	v8 =	vld.idx.msk [tilespmem:v10+s26+$0x0], $0xffff  }
0x351: {  	v58 =	vor.u32 v1, v57;
	_ =	sdelay $0x1  }
0x352: {  	s19 =	sadd.s32 $0x80, s9  }
0x353: {  	s3 =	sand.u32 $0x7FFFFF80, s19  }
0x354: {  	[tilespmem:s3+$0x1B800] =	vst v8  }
0x355: {  	v8 =	vld.idx.msk [tilespmem:v58+s26+$0x0], $0xffff  }
0x356: {  	v59 =	vor.u32 v2, v57;
	_ =	sdelay $0x2  }
0x357: {  	s3 =	sadd.s32 $0x1B800, s3  }
0x358: {  	[tilespmem:s3+$0x10] =	vst v8  }
0x359: {  	v8 =	vld.idx.msk [tilespmem:v59+s26+$0x0], $0xffff  }
0x35a: {  	v60 =	vor.u32 v3, v57;
	_ =	sdelay $0x3  }
0x35b: {  	[tilespmem:s3+$0x20] =	vst v8  }
0x35c: {  	v8 =	vld.idx.msk [tilespmem:v60+s26+$0x0], $0xffff  }
0x35d: {  	v61 =	vor.u32 v4, v57;
	_ =	sdelay $0x3  }
0x35e: {  	[tilespmem:s3+$0x30] =	vst v8  }
0x35f: {  	v8 =	vld.idx.msk [tilespmem:v61+s26+$0x0], $0xffff  }
0x360: {  	v62 =	vor.u32 v5, v57;
	_ =	sdelay $0x3  }
0x361: {  	[tilespmem:s3+$0x40] =	vst v8  }
0x362: {  	v8 =	vld.idx.msk [tilespmem:v62+s26+$0x0], $0xffff  }
0x363: {  	v63 =	vor.u32 v6, v57;
	_ =	sdelay $0x3  }
0x364: {  	[tilespmem:s3+$0x50] =	vst v8  }
0x365: {  	v8 =	vld.idx.msk [tilespmem:v63+s26+$0x0], $0xffff  }
0x366: {  	v9 =	vor.u32 v7, v57;
	_ =	sdelay $0x2  }
0x367: {  	s8 =	rddreg [dreg:$0x9]  }
0x368: {  	s8 =	sadd.s32 s6, s8;
	[tilespmem:s3+$0x60] =	vst v8  }
0x369: {  	s21 =	sshrl.u32 s8, $0x7;
	v8 =	vld.idx.msk [tilespmem:v9+s26+$0x0], $0xffff  }
0x36a: {  	s8 =	sshll.u32 s8, $0xA;
	s10 =	sshll.u32 s21, $0x11  }
0x36b: {  	s9 =	sshll.u32 s21, $0x13;
	s8 =	ssub.s32 s8, s10  }
0x36c: {  	s8 =	sadd.s32 s9, s8  }
0x36d: {  	s25 =	simm.s32 $0x1B800;
	s9 =	sshrl.u32 s8, $0x3;
	s10 =	sadd.s32 $0x20000, s8  }
0x36e: {  	s23 =	sadd.s32 s2, s9;
	s9 =	simm.s32 $0x0;
	[tilespmem:s3+$0x70] =	vst v8;
	s3 =	sshrl.u32 s10, $0x3  }
0x36f: {  	[hbm4b:s23+s9] =	stream.linear.scatter [tilespmem:s25], [sflag:$0x8], $0x400, $0x38;
	[tilespmem:$0x1C800] =	vst v63  }
0x370: {  	s17 =	simm.s32 $0x1BC00;
	s19 =	sadd.s32 $0x40000, s8;
	s3 =	sadd.s32 s2, s3  }
0x371: {  	[hbm4b:s3+s9] =	stream.linear.scatter [tilespmem:s17], [sflag:$0x8], $0x400, $0x38;
	[tilespmem:$0x1C800] =	vst v63  }
0x372: {  	s3 =	sshrl.u32 s19, $0x3  }
0x373: {  	s21 =	simm.s32 $0x1C000;
	s23 =	sadd.s32 $0x60000, s8;
	s3 =	sadd.s32 s2, s3  }
0x374: {  	[hbm4b:s3+s9] =	stream.linear.scatter [tilespmem:s21], [sflag:$0x8], $0x400, $0x38;
	[tilespmem:$0x1C800] =	vst v63  }
0x375: {  	s3 =	sshrl.u32 s23, $0x3  }
0x376: {  	s25 =	simm.s32 $0x1C400;
	s3 =	sadd.s32 s2, s3  }
0x377: {  	[hbm4b:s3+s9] =	stream.linear.scatter [tilespmem:s25], [sflag:$0x8], $0x400, $0x38;
	[tilespmem:$0x1C800] =	vst v63  }
0x378: {  	_ =	swait.ge [sflag:s28], $0x400  }
0x379: {  	[sflag:s28] =	ssyncset.done $0x0  }
0x37a: {  	[sflag:s28] =	ssyncadd.s32 $0xFFFFFC00  }
0x37b: {  	_ =	swait.ge [sflag:s28], $0x400  }
0x37c: {  	[sflag:s28] =	ssyncset.done $0x0  }
0x37d: {  	[sflag:s28] =	ssyncadd.s32 $0xFFFFFC00  }
0x37e: {  	_ =	swait.ge [sflag:s28], $0x400  }
0x37f: {  	[sflag:s28] =	ssyncset.done $0x0  }
0x380: {  	[sflag:s28] =	ssyncadd.s32 $0xFFFFFC00  }
0x381: {  	p0 =	seq.s32 s7, $0x18;
	s3 =	sadd.s32 $0x1, s7;
	_ =	swait.ge [sflag:s28], $0x400  }
0x382: {  	s9 =	simm.s32 @!p0 $0xC800;
	s7 =	sshll.u32 @!p0 s3, $0xA;
	[sflag:s28] =	ssyncset.done $0x0  }
0x383: {  	s8 =	sand.u32 @!p0 $0x3FFFFC00, s7;
	s7 =	simm.s32 @!p0 $0x80;
	[sflag:s28] =	ssyncadd.s32 $0xFFFFFC00  }
0x384: {  	[tilespmem:s9], [sflag:$0x1] =	stream.indirect.gather @!p0 [hbm4b:s4+s7], $0x20, s8, s7, $0xb8;
	[tilespmem:$0x1C800] =	vst v63  }
0x385: {  	_ =	swait.ge [sflag:s29], $0x400  }
0x386: {  	[sflag:s29] =	ssyncset.done $0x0  }
0x387: {  	[sflag:s29] =	ssyncadd.s32 $0xFFFFFC00  }
0x388: {  	_ =	swait.ge [sflag:s29], $0x400  }
0x389: {  	[sflag:s29] =	ssyncset.done $0x0  }
0x38a: {  	[sflag:s29] =	ssyncadd.s32 $0xFFFFFC00  }
0x38b: {  	_ =	swait.ge [sflag:s29], $0x400  }
0x38c: {  	[sflag:s29] =	ssyncset.done $0x0  }
0x38d: {  	[sflag:s29] =	ssyncadd.s32 $0xFFFFFC00  }
0x38e: {  	_ =	swait.ge [sflag:s29], $0x400  }
0x38f: {  	[sflag:s29] =	ssyncset.done $0x0  }
0x390: {  	s10 =	simm.s32 @!p0 $0xD800;
	s9 =	sor.u32 @!p0 $0x80, s8;
	[sflag:s29] =	ssyncadd.s32 $0xFFFFFC00  }
0x391: {  	[tilespmem:s10], [sflag:$0x2] =	stream.indirect.gather @!p0 [hbm4b:s4+s7], $0x20, s9, s7, $0xb8;
	[tilespmem:$0x1C800] =	vst v63  }
0x392: {  	_ =	swait.ge [sflag:s30], $0x400  }
0x393: {  	[sflag:s30] =	ssyncset.done $0x0  }
0x394: {  	[sflag:s30] =	ssyncadd.s32 $0xFFFFFC00  }
0x395: {  	_ =	swait.ge [sflag:s30], $0x400  }
0x396: {  	[sflag:s30] =	ssyncset.done $0x0  }
0x397: {  	[sflag:s30] =	ssyncadd.s32 $0xFFFFFC00  }
0x398: {  	_ =	swait.ge [sflag:s30], $0x400  }
0x399: {  	[sflag:s30] =	ssyncset.done $0x0  }
0x39a: {  	[sflag:s30] =	ssyncadd.s32 $0xFFFFFC00  }
0x39b: {  	_ =	swait.ge [sflag:s30], $0x400  }
0x39c: {  	[sflag:s30] =	ssyncset.done $0x0  }
0x39d: {  	s9 =	sor.u32 @!p0 $0x100, s8;
	s10 =	simm.s32 @!p0 $0xE800;
	[sflag:s30] =	ssyncadd.s32 $0xFFFFFC00  }
0x39e: {  	[tilespmem:s10], [sflag:$0x3] =	stream.indirect.gather @!p0 [hbm4b:s4+s7], $0x20, s9, s7, $0xb8;
	[tilespmem:$0x1C800] =	vst v63  }
0x39f: {  	_ =	swait.ge [sflag:s31], $0x400  }
0x3a0: {  	[sflag:s31] =	ssyncset.done $0x0  }
0x3a1: {  	[sflag:s31] =	ssyncadd.s32 $0xFFFFFC00  }
0x3a2: {  	_ =	swait.ge [sflag:s31], $0x400  }
0x3a3: {  	[sflag:s31] =	ssyncset.done $0x0  }
0x3a4: {  	[sflag:s31] =	ssyncadd.s32 $0xFFFFFC00  }
0x3a5: {  	_ =	swait.ge [sflag:s31], $0x400  }
0x3a6: {  	[sflag:s31] =	ssyncset.done $0x0  }
0x3a7: {  	[sflag:s31] =	ssyncadd.s32 $0xFFFFFC00  }
0x3a8: {  	_ =	swait.ge [sflag:s31], $0x400  }
0x3a9: {  	[sflag:s31] =	ssyncset.done $0x0  }
0x3aa: {  	s9 =	sor.u32 @!p0 $0x180, s8;
	s10 =	simm.s32 @!p0 $0xF800;
	[sflag:s31] =	ssyncadd.s32 $0xFFFFFC00  }
0x3ab: {  	[tilespmem:s10], [sflag:$0x4] =	stream.indirect.gather @!p0 [hbm4b:s4+s7], $0x20, s9, s7, $0xb8;
	[tilespmem:$0x1C800] =	vst v63  }
0x3ac: {  	_ =	swait.ge [sflag:s0], $0x400  }
0x3ad: {  	[sflag:s0] =	ssyncset.done $0x0  }
0x3ae: {  	[sflag:s0] =	ssyncadd.s32 $0xFFFFFC00  }
0x3af: {  	_ =	swait.ge [sflag:s0], $0x400  }
0x3b0: {  	[sflag:s0] =	ssyncset.done $0x0  }
0x3b1: {  	[sflag:s0] =	ssyncadd.s32 $0xFFFFFC00  }
0x3b2: {  	_ =	swait.ge [sflag:s0], $0x400  }
0x3b3: {  	[sflag:s0] =	ssyncset.done $0x0  }
0x3b4: {  	[sflag:s0] =	ssyncadd.s32 $0xFFFFFC00  }
0x3b5: {  	_ =	swait.ge [sflag:s0], $0x400  }
0x3b6: {  	[sflag:s0] =	ssyncset.done $0x0  }
0x3b7: {  	s9 =	sor.u32 @!p0 $0x200, s8;
	s10 =	simm.s32 @!p0 $0x10800;
	[sflag:s0] =	ssyncadd.s32 $0xFFFFFC00  }
0x3b8: {  	[tilespmem:s10], [sflag:$0x5] =	stream.indirect.gather @!p0 [hbm4b:s4+s7], $0x20, s9, s7, $0xb8;
	[tilespmem:$0x1C800] =	vst v63  }
0x3b9: {  	_ =	swait.ge [sflag:s1], $0x400  }
0x3ba: {  	[sflag:s1] =	ssyncset.done $0x0  }
0x3bb: {  	[sflag:s1] =	ssyncadd.s32 $0xFFFFFC00  }
0x3bc: {  	_ =	swait.ge [sflag:s1], $0x400  }
0x3bd: {  	[sflag:s1] =	ssyncset.done $0x0  }
0x3be: {  	[sflag:s1] =	ssyncadd.s32 $0xFFFFFC00  }
0x3bf: {  	_ =	swait.ge [sflag:s1], $0x400  }
0x3c0: {  	[sflag:s1] =	ssyncset.done $0x0  }
0x3c1: {  	[sflag:s1] =	ssyncadd.s32 $0xFFFFFC00  }
0x3c2: {  	_ =	swait.ge [sflag:s1], $0x400  }
0x3c3: {  	[sflag:s1] =	ssyncset.done $0x0  }
0x3c4: {  	s9 =	sor.u32 @!p0 $0x280, s8;
	s10 =	simm.s32 @!p0 $0x11800;
	[sflag:s1] =	ssyncadd.s32 $0xFFFFFC00  }
0x3c5: {  	[tilespmem:s10], [sflag:$0x6] =	stream.indirect.gather @!p0 [hbm4b:s4+s7], $0x20, s9, s7, $0xb8;
	[tilespmem:$0x1C800] =	vst v63  }
0x3c6: {  	_ =	swait.ge [sflag:s11], $0x400  }
0x3c7: {  	[sflag:s11] =	ssyncset.done $0x0  }
0x3c8: {  	[sflag:s11] =	ssyncadd.s32 $0xFFFFFC00  }
0x3c9: {  	_ =	swait.ge [sflag:s11], $0x400  }
0x3ca: {  	[sflag:s11] =	ssyncset.done $0x0  }
0x3cb: {  	[sflag:s11] =	ssyncadd.s32 $0xFFFFFC00  }
0x3cc: {  	_ =	swait.ge [sflag:s11], $0x400  }
0x3cd: {  	[sflag:s11] =	ssyncset.done $0x0  }
0x3ce: {  	[sflag:s11] =	ssyncadd.s32 $0xFFFFFC00  }
0x3cf: {  	_ =	swait.ge [sflag:s11], $0x400  }
0x3d0: {  	[sflag:s11] =	ssyncset.done $0x0  }
0x3d1: {  	s9 =	sor.u32 @!p0 $0x300, s8;
	s10 =	simm.s32 @!p0 $0x12800;
	[sflag:s11] =	ssyncadd.s32 $0xFFFFFC00  }
0x3d2: {  	[tilespmem:s10], [sflag:$0x7] =	stream.indirect.gather @!p0 [hbm4b:s4+s7], $0x20, s9, s7, $0xb8;
	[tilespmem:$0x1C800] =	vst v63  }
0x3d3: {  	_ =	swait.ge [sflag:s15], $0x400  }
0x3d4: {  	[sflag:s15] =	ssyncset.done $0x0  }
0x3d5: {  	[sflag:s15] =	ssyncadd.s32 $0xFFFFFC00  }
0x3d6: {  	_ =	swait.ge [sflag:s15], $0x400  }
0x3d7: {  	[sflag:s15] =	ssyncset.done $0x0  }
0x3d8: {  	[sflag:s15] =	ssyncadd.s32 $0xFFFFFC00  }
0x3d9: {  	_ =	swait.ge [sflag:s15], $0x400  }
0x3da: {  	[sflag:s15] =	ssyncset.done $0x0  }
0x3db: {  	[sflag:s15] =	ssyncadd.s32 $0xFFFFFC00  }
0x3dc: {  	_ =	swait.ge [sflag:s15], $0x400  }
0x3dd: {  	p1 =	sne.s32 @!p0 s3, $0x19;
	[sflag:s15] =	ssyncset.done $0x0  }
0x3de: {  	s8 =	sor.u32 @!p0 $0x380, s8;
	s9 =	simm.s32 @!p0 $0x13800;
	[sflag:s15] =	ssyncadd.s32 $0xFFFFFC00  }
0x3df: {  	[tilespmem:s9], [sflag:$0x8] =	stream.indirect.gather @!p0 [hbm4b:s4+s7], $0x20, s8, s7, $0xb8;
	[tilespmem:$0x1C800] =	vst v63  }
0x3e0: {  	p0 =	por p0, !p1  }
.Ltmp8:
0x3e1: {  	_ = 	snop;
	(pc) =	sbr.rel @!p0 .LBB2_2-.Ltmp8, $2  }
0x3e2: {  	_ =	sdelay $0x2  }
0x3e3: {  	s7 =	smov.u32 s3  }
0x3e4: {  	s7 =	rddreg [dreg:$0x8]  }
0x3e5: {  	s3 =	rddreg [dreg:$0x7];
	s7 =	sadd.s32 $0x1, s7  }
0x3e6: {  	p0 =	sne.s32 s7, s3  }
.Ltmp9:
0x3e7: {  	_ = 	snop;
	(pc) =	sbr.rel @p0 .LBB2_1-.Ltmp9, $1  }
0x3e8: {  	_ =	sdelay $0x3  }
0x3e9: {  	_ =	sfence.sel $0x180000  }
0x3ea: {  	[bflag:$0x0] =	sbarrier.arrive $0xFFFF  }
0x3eb: {  	_ =	strace $0x90000047  }
0x3ec: {  	s0 =	stileid.u32;
	[bflag:$0x2] =	sbarrier.arrive $0xFFFF  }
0x3ed: {  	p0 =	sne.s32 s0, $0x0;
	s0 =	rddreg [dreg:$0x4]  }
0x3ee: {  	s0 =	sadd.s32 @!p0 $0x100000, s0  }
0x3ef: {  	[sflag:s0] =	ssyncadd.tile.s32 @!p0 $0x1;
	_ =	shalt  }
.Lfunc_end2:
_tile_overlayer_lowered:
.L_overlay_start_2:
0x3f0: {  	(tag) =	ssettag $0x2  }
0x3f1: {  	s0 =	rddreg [dreg:$0x0];
	s2 =	stileid.u32  }
0x3f2: {  	s1 =	rddreg [dreg:$0x1];
	p0 =	sne.s32 s2, $0x0  }
0x3f3: {  	s3 =	rddreg [dreg:$0x2];
	[bflag:$0x3] =	sbarrier.arrive $0xFFFF;
	s2 =	simm.s32 @!p0 $0x1C09  }
0x3f4: {  	[timem:s3], [sflag:s2] =	dma.local @!p0 [hbm:s0], s1  }
0x3f5: {  	s0 =	simm.s32 @!p0 $0x9  }
0x3f6: {  	_ =	swait.ge @!p0 [sflag:s0], s1  }
0x3f7: {  	s1 =	ssub.s32 @!p0 $0x0, s1;
	[sflag:s0] =	ssyncset.done @!p0 $0x0  }
0x3f8: {  	[sflag:s0] =	ssyncadd.s32 @!p0 s1  }
0x3f9: {  	[bflag:$0x3] =	sbarrier.arrive $0xFFFF  }
0x3fa: {  	_ =	shalt  }

</sc_bundles>
